<compile_context>
chip_gen: v7x
topology: tpu7x:2x2x1
jax: 0.10.2.dev20260603
libtpu: 0.0.44.dev20260713+nightly
codegen_flags: <defaults>
</compile_context>

<pallas_src>
import jax
import jax.numpy as jnp
from jax import lax
from jax.experimental import pallas as pl
from jax.experimental.pallas import tpu as pltpu
from jax.experimental.pallas import tpu_sc as plsc

D = 32
T = 50
R = 16384
NC, NS = 2, 16
NW = NC * NS
RPW = R // NW
RT = RPW // 128
NSTEPS = T * RT
K = 4
NROUNDS = NSTEPS // K
BT = 129


def _emb_body(idx_hbm, table_hbm, out_hbm, idx_v, *scr):
    rows = [[scr[g * K + t] for t in range(K)] for g in range(2)]
    rowsT = [[scr[2 * K + g * K + t] for t in range(K)] for g in range(2)]
    gsem = [scr[4 * K], scr[4 * K + 1]]
    wsem = [scr[4 * K + 2], scr[4 * K + 3]]

    wid = lax.axis_index("s") * NC + lax.axis_index("c")
    base = wid * RPW
    pltpu.sync_copy(idx_hbm.at[:, pl.ds(base, RPW)], idx_v)

    lane = lax.iota(jnp.int32, 16)

    def g_copy(g, k, r):
        step = r * K + k
        t, rtl = step // RT, step % RT
        return pltpu.make_async_copy(
            table_hbm.at[idx_v.at[t, pl.ds(rtl * 128, 128)]],
            rows[g][k], gsem[g])

    def w_copies(g, k, r):
        step = r * K + k
        t, rtl = step // RT, step % RT
        rtg = wid * RT + rtl
        return [
            pltpu.make_async_copy(
                rowsT[g][k].at[pl.ds(dt * 8, 8), pl.ds(0, 128)],
                out_hbm.at[t, dt, rtg], wsem[g])
            for dt in range(4)
        ]

    def fire_g(g, r):
        for k in range(K):
            g_copy(g, k, r).start()

    def drain_w(g, r):
        for k in range(K):
            for c in w_copies(g, k, r):
                c.wait()

    def transpose(g, k):
        src, dst = rows[g][k], rowsT[g][k]

        def body(i, carry):
            for u in range(4):
                rl = i * 4 + u
                rsplat = jnp.full((16,), rl, jnp.int32)
                for d0 in (0, 16):
                    v = src[rl, pl.ds(d0, 16)]
                    plsc.store_scatter(dst, [lane + d0, rsplat], v)
            return carry

        lax.fori_loop(0, 32, body, 0)

    fire_g(0, 0)

    def process(g, r):
        @pl.when(r >= 1)
        def _():
            drain_w(1 - g, r - 1)

        @pl.when(r + 1 < NROUNDS)
        def _():
            fire_g(1 - g, r + 1)

        for k in range(K):
            g_copy(g, k, r).wait()
            transpose(g, k)
            for c in w_copies(g, k, r):
                c.start()

    def body(i, carry):
        process(0, 2 * i)
        process(1, 2 * i + 1)
        return carry

    lax.fori_loop(0, NROUNDS // 2, body, 0)
    drain_w((NROUNDS - 1) % 2, NROUNDS - 1)


def kernel(token_ids, embedding_matrix):
    call = pl.kernel(
        _emb_body,
        out_type=jax.ShapeDtypeStruct((T, 4, R // 128, 8, 128), jnp.float32),
        mesh=plsc.VectorSubcoreMesh(core_axis_name="c", subcore_axis_name="s"),
        compiler_params=pltpu.CompilerParams(
            use_tc_tiling_on_sc=False, needs_layout_passes=False),
        scratch_types=(
            [pltpu.VMEM((T, RPW), jnp.int32)]
            + [pltpu.VMEM((128, D), jnp.float32) for _ in range(2 * K)]
            + [pltpu.VMEM((D, BT), jnp.float32) for _ in range(2 * K)]
            + [pltpu.SemaphoreType.DMA] * 4
        ),
    )
    raw = call(token_ids.astype(jnp.int32).T, embedding_matrix)
    return raw.transpose(2, 4, 0, 1, 3).reshape(R, T, D)

# --- scband reference (transcript-rebuilt; emitter-appended) ---
"""Pipeline reference for scband-generate-embeddings-63161789055549 (READ-ONLY COPY).

The authoritative reference and input builder live on the scoring server;
editing this copy changes nothing except your own understanding.
"""

import jax, jax.numpy as jnp
import numpy as np

NUM_EMBEDDINGS = 1000000
EMBEDDING_DIM = 32

def setup_inputs(seed: int = 0) -> dict:
    key = jax.random.key(seed)
    k_idx, k_tab = jax.random.split(key)
    token_ids = jax.random.randint(k_idx, (16384, 50), 0, NUM_EMBEDDINGS, dtype=jnp.int64 if jax.config.jax_enable_x64 else jnp.int32)
    # truncated normal init with std=0.02 (matches nn.init.trunc_normal_ default [-2std, 2std])
    embedding_matrix = jax.random.truncated_normal(k_tab, -2.0, 2.0, (NUM_EMBEDDINGS, EMBEDDING_DIM), dtype=jnp.float32) * 0.02
    return {"token_ids": token_ids, "embedding_matrix": embedding_matrix}

def reference(token_ids, embedding_matrix):
    # Faithful translation of: self.embedding_matrix[token_ids]
    return jnp.take(embedding_matrix, token_ids, axis=0)

if __name__ == "__main__":
    import jax
    _d = setup_inputs()
    print(jax.jit(kernel)(*tuple(_d.values())))

</pallas_src>

<mosaic_0001>
#map = affine_map<(d0, d1) -> (0, 0)>
#map1 = affine_map<(d0, d1) -> (0, 0, 0, 0, 0)>
module attributes {stable_mosaic.version = 14 : i64} {
  func.func @_emb_body(%arg0: i32, %arg1: i32, %arg2: memref<50x16384xi32, #tpu.memory_space<hbm>>, %arg3: memref<1000000x32xf32, #tpu.memory_space<hbm>>, %arg4: memref<50x4x128x8x128xf32, #tpu.memory_space<hbm>>, %arg5: memref<50x512xi32, #tpu.memory_space<vmem>>, %arg6: memref<128x32xf32, #tpu.memory_space<vmem>>, %arg7: memref<128x32xf32, #tpu.memory_space<vmem>>, %arg8: memref<128x32xf32, #tpu.memory_space<vmem>>, %arg9: memref<128x32xf32, #tpu.memory_space<vmem>>, %arg10: memref<128x32xf32, #tpu.memory_space<vmem>>, %arg11: memref<128x32xf32, #tpu.memory_space<vmem>>, %arg12: memref<128x32xf32, #tpu.memory_space<vmem>>, %arg13: memref<128x32xf32, #tpu.memory_space<vmem>>, %arg14: memref<32x129xf32, #tpu.memory_space<vmem>>, %arg15: memref<32x129xf32, #tpu.memory_space<vmem>>, %arg16: memref<32x129xf32, #tpu.memory_space<vmem>>, %arg17: memref<32x129xf32, #tpu.memory_space<vmem>>, %arg18: memref<32x129xf32, #tpu.memory_space<vmem>>, %arg19: memref<32x129xf32, #tpu.memory_space<vmem>>, %arg20: memref<32x129xf32, #tpu.memory_space<vmem>>, %arg21: memref<32x129xf32, #tpu.memory_space<vmem>>, %arg22: memref<!tpu.dma_semaphore, #tpu.memory_space<semaphore_mem>>, %arg23: memref<!tpu.dma_semaphore, #tpu.memory_space<semaphore_mem>>, %arg24: memref<!tpu.dma_semaphore, #tpu.memory_space<semaphore_mem>>, %arg25: memref<!tpu.dma_semaphore, #tpu.memory_space<semaphore_mem>>) attributes {dimension_semantics = [#tpu.dimension_semantics<core_parallel>, #tpu.dimension_semantics<subcore_parallel>], iteration_bounds = array<i64: 2, 16>, scalar_prefetch = 0 : i64, scratch_operands = 21 : i64, tpu.core_type = #tpu.core_type<sc_vector_subcore>, window_params = [{transform_indices = #map}, {transform_indices = #map}, {transform_indices = #map1}]} {
    %mul3A = arith.constant 2 : i32
    %mul3A_0 = arith.muli %arg1, %mul3A : i32
    %add3A = arith.addi %mul3A_0, %arg0 : i32
    %mul3A_1 = arith.constant 512 : i32
    %mul3A_2 = arith.muli %add3A, %mul3A_1 : i32
    "tpu.region"() ({
      %run_scoped3A = tpu.sem_alloc : memref<!tpu.dma_semaphore, #tpu.memory_space<semaphore_mem>>
      %dma_start3A_306 = arith.constant 0 : i32
      %dma_start3A_307 = tpu.memref_slice %arg2[%dma_start3A_306, %mul3A_2] : memref<50x16384xi32, #tpu.memory_space<hbm>> -> memref<50x512xi32, #tpu.memory_space<hbm>>
      %dma_start3A_308 = arith.constant 0 : i32
      %dma_start3A_309 = tpu.memref_slice %arg2[%dma_start3A_308, %mul3A_2] : memref<50x16384xi32, #tpu.memory_space<hbm>> -> memref<50x512xi32, #tpu.memory_space<hbm>>
      tpu.enqueue_dma source(%dma_start3A_309 : memref<50x512xi32, #tpu.memory_space<hbm>>) target(%arg5 : memref<50x512xi32, #tpu.memory_space<vmem>>) target_semaphore(%run_scoped3A : memref<!tpu.dma_semaphore, #tpu.memory_space<semaphore_mem>>)
      %dma_wait3A_310 = arith.constant 0 : i32
      %dma_wait3A_311 = tpu.memref_slice %arg2[%dma_wait3A_310, %mul3A_2] : memref<50x16384xi32, #tpu.memory_space<hbm>> -> memref<50x512xi32, #tpu.memory_space<hbm>>
      %dma_wait3A_312 = arith.constant 0 : i32
      %dma_wait3A_313 = tpu.memref_slice %arg2[%dma_wait3A_312, %mul3A_2] : memref<50x16384xi32, #tpu.memory_space<hbm>> -> memref<50x512xi32, #tpu.memory_space<hbm>>
      tpu.wait_dma2 semaphore(%run_scoped3A : memref<!tpu.dma_semaphore, #tpu.memory_space<semaphore_mem>>) src(%dma_wait3A_313 : memref<50x512xi32, #tpu.memory_space<hbm>>) dst(%arg5 : memref<50x512xi32, #tpu.memory_space<vmem>>)
      tpu.yield
    }) : () -> ()
    %iota3A = tpu.iota {dimensions = array<i32: 0>} : vector<16xi32>
    %dma_start3A = arith.constant 0 : i32
    %dma_start3A_3 = arith.constant 0 : i32
    %dma_start3A_4 = tpu.memref_slice %arg5[%dma_start3A, %dma_start3A_3] : memref<50x512xi32, #tpu.memory_space<vmem>> -> memref<1x128xi32, #tpu.memory_space<vmem>>
    %dma_start3A_5 = tpu.memref_squeeze %dma_start3A_4 : memref<1x128xi32, #tpu.memory_space<vmem>> -> memref<128xi32, #tpu.memory_space<vmem>>
    %dma_start3A_6 = arith.constant 0 : i32
    %dma_start3A_7 = arith.constant 0 : i32
    %dma_start3A_8 = tpu.memref_slice %arg3[%dma_start3A_6, %dma_start3A_7] : memref<1000000x32xf32, #tpu.memory_space<hbm>> -> memref<1000000x32xf32, #tpu.memory_space<hbm>>
    tpu.enqueue_indirect_dma source(%dma_start3A_8 : memref<1000000x32xf32, #tpu.memory_space<hbm>>) target(%arg6 : memref<128x32xf32, #tpu.memory_space<vmem>>) offsets(%dma_start3A_5 : memref<128xi32, #tpu.memory_space<vmem>>) semaphore(%arg22 : memref<!tpu.dma_semaphore, #tpu.memory_space<semaphore_mem>>)
    %dma_start3A_9 = arith.constant 0 : i32
    %dma_start3A_10 = arith.constant 128 : i32
    %dma_start3A_11 = tpu.memref_slice %arg5[%dma_start3A_9, %dma_start3A_10] : memref<50x512xi32, #tpu.memory_space<vmem>> -> memref<1x128xi32, #tpu.memory_space<vmem>>
    %dma_start3A_12 = tpu.memref_squeeze %dma_start3A_11 : memref<1x128xi32, #tpu.memory_space<vmem>> -> memref<128xi32, #tpu.memory_space<vmem>>
    %dma_start3A_13 = arith.constant 0 : i32
    %dma_start3A_14 = arith.constant 0 : i32
    %dma_start3A_15 = tpu.memref_slice %arg3[%dma_start3A_13, %dma_start3A_14] : memref<1000000x32xf32, #tpu.memory_space<hbm>> -> memref<1000000x32xf32, #tpu.memory_space<hbm>>
    tpu.enqueue_indirect_dma source(%dma_start3A_15 : memref<1000000x32xf32, #tpu.memory_space<hbm>>) target(%arg7 : memref<128x32xf32, #tpu.memory_space<vmem>>) offsets(%dma_start3A_12 : memref<128xi32, #tpu.memory_space<vmem>>) semaphore(%arg22 : memref<!tpu.dma_semaphore, #tpu.memory_space<semaphore_mem>>)
    %dma_start3A_16 = arith.constant 0 : i32
    %dma_start3A_17 = arith.constant 256 : i32
    %dma_start3A_18 = tpu.memref_slice %arg5[%dma_start3A_16, %dma_start3A_17] : memref<50x512xi32, #tpu.memory_space<vmem>> -> memref<1x128xi32, #tpu.memory_space<vmem>>
    %dma_start3A_19 = tpu.memref_squeeze %dma_start3A_18 : memref<1x128xi32, #tpu.memory_space<vmem>> -> memref<128xi32, #tpu.memory_space<vmem>>
    %dma_start3A_20 = arith.constant 0 : i32
    %dma_start3A_21 = arith.constant 0 : i32
    %dma_start3A_22 = tpu.memref_slice %arg3[%dma_start3A_20, %dma_start3A_21] : memref<1000000x32xf32, #tpu.memory_space<hbm>> -> memref<1000000x32xf32, #tpu.memory_space<hbm>>
    tpu.enqueue_indirect_dma source(%dma_start3A_22 : memref<1000000x32xf32, #tpu.memory_space<hbm>>) target(%arg8 : memref<128x32xf32, #tpu.memory_space<vmem>>) offsets(%dma_start3A_19 : memref<128xi32, #tpu.memory_space<vmem>>) semaphore(%arg22 : memref<!tpu.dma_semaphore, #tpu.memory_space<semaphore_mem>>)
    %dma_start3A_23 = arith.constant 0 : i32
    %dma_start3A_24 = arith.constant 384 : i32
    %dma_start3A_25 = tpu.memref_slice %arg5[%dma_start3A_23, %dma_start3A_24] : memref<50x512xi32, #tpu.memory_space<vmem>> -> memref<1x128xi32, #tpu.memory_space<vmem>>
    %dma_start3A_26 = tpu.memref_squeeze %dma_start3A_25 : memref<1x128xi32, #tpu.memory_space<vmem>> -> memref<128xi32, #tpu.memory_space<vmem>>
    %dma_start3A_27 = arith.constant 0 : i32
    %dma_start3A_28 = arith.constant 0 : i32
    %dma_start3A_29 = tpu.memref_slice %arg3[%dma_start3A_27, %dma_start3A_28] : memref<1000000x32xf32, #tpu.memory_space<hbm>> -> memref<1000000x32xf32, #tpu.memory_space<hbm>>
    tpu.enqueue_indirect_dma source(%dma_start3A_29 : memref<1000000x32xf32, #tpu.memory_space<hbm>>) target(%arg9 : memref<128x32xf32, #tpu.memory_space<vmem>>) offsets(%dma_start3A_26 : memref<128xi32, #tpu.memory_space<vmem>>) semaphore(%arg22 : memref<!tpu.dma_semaphore, #tpu.memory_space<semaphore_mem>>)
    %scan3A = arith.constant 0 : i32
    %scan3A_30 = arith.constant 0 : i32
    %scan3A_31 = arith.constant 25 : i32
    %scan3A_32 = arith.addi %scan3A_30, %scan3A_31 : i32
    %scan3A_33 = arith.constant 1 : i32
    scf.for %scan3A_306 = %scan3A_30 to %scan3A_32 step %scan3A_33  : i32 {
      %mul3A_307 = arith.constant 2 : i32
      %mul3A_308 = arith.muli %mul3A_307, %scan3A_306 : i32
      %ge3A = arith.constant 1 : i32
      %ge3A_309 = arith.cmpi sge, %mul3A_308, %ge3A : i32
      %convert_element_type3A = arith.extui %ge3A_309 : i1 to i32
      %cond3A = arith.constant 0 : i32
      %cond3A_310 = arith.cmpi ne, %convert_element_type3A, %cond3A : i32
      scf.if %cond3A_310 {
        %sub3A_1636 = arith.constant 1 : i32
        %sub3A_1637 = arith.subi %mul3A_308, %sub3A_1636 : i32
        %mul3A_1638 = arith.constant 4 : i32
        %mul3A_1639 = arith.muli %sub3A_1637, %mul3A_1638 : i32
        %add3A_1640 = arith.constant 0 : i32
        %add3A_1641 = arith.addi %mul3A_1639, %add3A_1640 : i32
        %jit3A_1642 = arith.constant 4 : i32
        %div3A_1643 = arith.divsi %add3A_1641, %jit3A_1642 : i32
        %sign3A_1644 = arith.constant 0 : i32
        %sign3A_1645 = arith.cmpi sgt, %add3A_1641, %sign3A_1644 : i32
        %sign3A_1646 = arith.extui %sign3A_1645 : i1 to i32
        %sign3A_1647 = arith.constant 0 : i32
        %sign3A_1648 = arith.cmpi slt, %add3A_1641, %sign3A_1647 : i32
        %sign3A_1649 = arith.extui %sign3A_1648 : i1 to i32
        %sign3A_1650 = arith.subi %sign3A_1646, %sign3A_1649 : i32
        %sign3A_1651 = arith.constant 0 : i32
        %sign3A_1652 = arith.cmpi sgt, %jit3A_1642, %sign3A_1651 : i32
        %sign3A_1653 = arith.extui %sign3A_1652 : i1 to i32
        %sign3A_1654 = arith.constant 0 : i32
        %sign3A_1655 = arith.cmpi slt, %jit3A_1642, %sign3A_1654 : i32
        %sign3A_1656 = arith.extui %sign3A_1655 : i1 to i32
        %sign3A_1657 = arith.subi %sign3A_1653, %sign3A_1656 : i32
        %ne3A_1658 = arith.cmpi ne, %sign3A_1650, %sign3A_1657 : i32
        %rem3A_1659 = arith.remsi %add3A_1641, %jit3A_1642 : i32
        %ne3A_1660 = arith.constant 0 : i32
        %ne3A_1661 = arith.cmpi ne, %rem3A_1659, %ne3A_1660 : i32
        %and3A_1662 = arith.andi %ne3A_1658, %ne3A_1661 : i1
        %sub3A_1663 = arith.constant 1 : i32
        %sub3A_1664 = arith.subi %div3A_1643, %sub3A_1663 : i32
        %select_n3A_1665 = arith.select %and3A_1662, %sub3A_1664, %div3A_1643 : i32
        %jit3A_1666 = arith.constant 4 : i32
        %eq3A_1667 = arith.constant 0 : i32
        %eq3A_1668 = arith.cmpi eq, %jit3A_1666, %eq3A_1667 : i32
        %jit3A_1669 = arith.constant 1 : i32
        %select_n3A_1670 = arith.select %eq3A_1668, %jit3A_1669, %jit3A_1666 : i32
        %rem3A_1671 = arith.remsi %add3A_1641, %select_n3A_1670 : i32
        %ne3A_1672 = arith.constant 0 : i32
        %ne3A_1673 = arith.cmpi ne, %rem3A_1671, %ne3A_1672 : i32
        %lt3A_1674 = arith.constant 0 : i32
        %lt3A_1675 = arith.cmpi slt, %rem3A_1671, %lt3A_1674 : i32
        %lt3A_1676 = arith.constant 0 : i32
        %lt3A_1677 = arith.cmpi slt, %select_n3A_1670, %lt3A_1676 : i32
        %ne3A_1678 = arith.xori %lt3A_1675, %lt3A_1677 : i1
        %and3A_1679 = arith.andi %ne3A_1678, %ne3A_1673 : i1
        %add3A_1680 = arith.addi %rem3A_1671, %select_n3A_1670 : i32
        %select_n3A_1681 = arith.select %and3A_1679, %add3A_1680, %rem3A_1671 : i32
        %mul3A_1682 = arith.constant 4 : i32
        %mul3A_1683 = arith.muli %add3A, %mul3A_1682 : i32
        %add3A_1684 = arith.addi %mul3A_1683, %select_n3A_1681 : i32
        %dma_wait3A_1685 = arith.constant 0 : i32
        %dma_wait3A_1686 = arith.constant 0 : i32
        %dma_wait3A_1687 = arith.constant 0 : i32
        %dma_wait3A_1688 = tpu.memref_slice %arg18[%dma_wait3A_1686, %dma_wait3A_1687] : memref<32x129xf32, #tpu.memory_space<vmem>> -> memref<8x128xf32, #tpu.memory_space<vmem>>
        %dma_wait3A_1689 = arith.constant 0 : i32
        %dma_wait3A_1690 = arith.constant 0 : i32
        %dma_wait3A_1691 = tpu.memref_slice %arg4[%select_n3A_1665, %dma_wait3A_1685, %add3A_1684, %dma_wait3A_1689, %dma_wait3A_1690] : memref<50x4x128x8x128xf32, #tpu.memory_space<hbm>> -> memref<1x1x1x8x128xf32, #tpu.memory_space<hbm>>
        %dma_wait3A_1692 = tpu.memref_squeeze %dma_wait3A_1691 : memref<1x1x1x8x128xf32, #tpu.memory_space<hbm>> -> memref<8x128xf32, #tpu.memory_space<hbm>>
        %dma_wait3A_1693 = arith.constant 0 : i32
        %dma_wait3A_1694 = arith.constant 0 : i32
        %dma_wait3A_1695 = tpu.memref_slice %arg4[%select_n3A_1665, %dma_wait3A_1685, %add3A_1684, %dma_wait3A_1693, %dma_wait3A_1694] : memref<50x4x128x8x128xf32, #tpu.memory_space<hbm>> -> memref<1x1x1x8x128xf32, #tpu.memory_space<hbm>>
        %dma_wait3A_1696 = tpu.memref_squeeze %dma_wait3A_1695 : memref<1x1x1x8x128xf32, #tpu.memory_space<hbm>> -> memref<8x128xf32, #tpu.memory_space<hbm>>
        %dma_wait3A_1697 = arith.constant 0 : i32
        %dma_wait3A_1698 = arith.constant 0 : i32
        %dma_wait3A_1699 = tpu.memref_slice %arg18[%dma_wait3A_1697, %dma_wait3A_1698] : memref<32x129xf32, #tpu.memory_space<vmem>> -> memref<8x128xf32, #tpu.memory_space<vmem>>
        tpu.wait_dma2 semaphore(%arg25 : memref<!tpu.dma_semaphore, #tpu.memory_space<semaphore_mem>>) src(%dma_wait3A_1699 : memref<8x128xf32, #tpu.memory_space<vmem>>) dst(%dma_wait3A_1696 : memref<8x128xf32, #tpu.memory_space<hbm>>)
        %dma_wait3A_1700 = arith.constant 1 : i32
        %dma_wait3A_1701 = arith.constant 8 : i32
        %dma_wait3A_1702 = arith.constant 0 : i32
        %dma_wait3A_1703 = tpu.memref_slice %arg18[%dma_wait3A_1701, %dma_wait3A_1702] : memref<32x129xf32, #tpu.memory_space<vmem>> -> memref<8x128xf32, #tpu.memory_space<vmem>>
        %dma_wait3A_1704 = arith.constant 0 : i32
        %dma_wait3A_1705 = arith.constant 0 : i32
        %dma_wait3A_1706 = tpu.memref_slice %arg4[%select_n3A_1665, %dma_wait3A_1700, %add3A_1684, %dma_wait3A_1704, %dma_wait3A_1705] : memref<50x4x128x8x128xf32, #tpu.memory_space<hbm>> -> memref<1x1x1x8x128xf32, #tpu.memory_space<hbm>>
        %dma_wait3A_1707 = tpu.memref_squeeze %dma_wait3A_1706 : memref<1x1x1x8x128xf32, #tpu.memory_space<hbm>> -> memref<8x128xf32, #tpu.memory_space<hbm>>
        %dma_wait3A_1708 = arith.constant 0 : i32
        %dma_wait3A_1709 = arith.constant 0 : i32
        %dma_wait3A_1710 = tpu.memref_slice %arg4[%select_n3A_1665, %dma_wait3A_1700, %add3A_1684, %dma_wait3A_1708, %dma_wait3A_1709] : memref<50x4x128x8x128xf32, #tpu.memory_space<hbm>> -> memref<1x1x1x8x128xf32, #tpu.memory_space<hbm>>
        %dma_wait3A_1711 = tpu.memref_squeeze %dma_wait3A_1710 : memref<1x1x1x8x128xf32, #tpu.memory_space<hbm>> -> memref<8x128xf32, #tpu.memory_space<hbm>>
        %dma_wait3A_1712 = arith.constant 8 : i32
        %dma_wait3A_1713 = arith.constant 0 : i32
        %dma_wait3A_1714 = tpu.memref_slice %arg18[%dma_wait3A_1712, %dma_wait3A_1713] : memref<32x129xf32, #tpu.memory_space<vmem>> -> memref<8x128xf32, #tpu.memory_space<vmem>>
        tpu.wait_dma2 semaphore(%arg25 : memref<!tpu.dma_semaphore, #tpu.memory_space<semaphore_mem>>) src(%dma_wait3A_1714 : memref<8x128xf32, #tpu.memory_space<vmem>>) dst(%dma_wait3A_1711 : memref<8x128xf32, #tpu.memory_space<hbm>>)
        %dma_wait3A_1715 = arith.constant 2 : i32
        %dma_wait3A_1716 = arith.constant 16 : i32
        %dma_wait3A_1717 = arith.constant 0 : i32
        %dma_wait3A_1718 = tpu.memref_slice %arg18[%dma_wait3A_1716, %dma_wait3A_1717] : memref<32x129xf32, #tpu.memory_space<vmem>> -> memref<8x128xf32, #tpu.memory_space<vmem>>
        %dma_wait3A_1719 = arith.constant 0 : i32
        %dma_wait3A_1720 = arith.constant 0 : i32
        %dma_wait3A_1721 = tpu.memref_slice %arg4[%select_n3A_1665, %dma_wait3A_1715, %add3A_1684, %dma_wait3A_1719, %dma_wait3A_1720] : memref<50x4x128x8x128xf32, #tpu.memory_space<hbm>> -> memref<1x1x1x8x128xf32, #tpu.memory_space<hbm>>
        %dma_wait3A_1722 = tpu.memref_squeeze %dma_wait3A_1721 : memref<1x1x1x8x128xf32, #tpu.memory_space<hbm>> -> memref<8x128xf32, #tpu.memory_space<hbm>>
        %dma_wait3A_1723 = arith.constant 0 : i32
        %dma_wait3A_1724 = arith.constant 0 : i32
        %dma_wait3A_1725 = tpu.memref_slice %arg4[%select_n3A_1665, %dma_wait3A_1715, %add3A_1684, %dma_wait3A_1723, %dma_wait3A_1724] : memref<50x4x128x8x128xf32, #tpu.memory_space<hbm>> -> memref<1x1x1x8x128xf32, #tpu.memory_space<hbm>>
        %dma_wait3A_1726 = tpu.memref_squeeze %dma_wait3A_1725 : memref<1x1x1x8x128xf32, #tpu.memory_space<hbm>> -> memref<8x128xf32, #tpu.memory_space<hbm>>
        %dma_wait3A_1727 = arith.constant 16 : i32
        %dma_wait3A_1728 = arith.constant 0 : i32
        %dma_wait3A_1729 = tpu.memref_slice %arg18[%dma_wait3A_1727, %dma_wait3A_1728] : memref<32x129xf32, #tpu.memory_space<vmem>> -> memref<8x128xf32, #tpu.memory_space<vmem>>
        tpu.wait_dma2 semaphore(%arg25 : memref<!tpu.dma_semaphore, #tpu.memory_space<semaphore_mem>>) src(%dma_wait3A_1729 : memref<8x128xf32, #tpu.memory_space<vmem>>) dst(%dma_wait3A_1726 : memref<8x128xf32, #tpu.memory_space<hbm>>)
        %dma_wait3A_1730 = arith.constant 3 : i32
        %dma_wait3A_1731 = arith.constant 24 : i32
        %dma_wait3A_1732 = arith.constant 0 : i32
        %dma_wait3A_1733 = tpu.memref_slice %arg18[%dma_wait3A_1731, %dma_wait3A_1732] : memref<32x129xf32, #tpu.memory_space<vmem>> -> memref<8x128xf32, #tpu.memory_space<vmem>>
        %dma_wait3A_1734 = arith.constant 0 : i32
        %dma_wait3A_1735 = arith.constant 0 : i32
        %dma_wait3A_1736 = tpu.memref_slice %arg4[%select_n3A_1665, %dma_wait3A_1730, %add3A_1684, %dma_wait3A_1734, %dma_wait3A_1735] : memref<50x4x128x8x128xf32, #tpu.memory_space<hbm>> -> memref<1x1x1x8x128xf32, #tpu.memory_space<hbm>>
        %dma_wait3A_1737 = tpu.memref_squeeze %dma_wait3A_1736 : memref<1x1x1x8x128xf32, #tpu.memory_space<hbm>> -> memref<8x128xf32, #tpu.memory_space<hbm>>
        %dma_wait3A_1738 = arith.constant 0 : i32
        %dma_wait3A_1739 = arith.constant 0 : i32
        %dma_wait3A_1740 = tpu.memref_slice %arg4[%select_n3A_1665, %dma_wait3A_1730, %add3A_1684, %dma_wait3A_1738, %dma_wait3A_1739] : memref<50x4x128x8x128xf32, #tpu.memory_space<hbm>> -> memref<1x1x1x8x128xf32, #tpu.memory_space<hbm>>
        %dma_wait3A_1741 = tpu.memref_squeeze %dma_wait3A_1740 : memref<1x1x1x8x128xf32, #tpu.memory_space<hbm>> -> memref<8x128xf32, #tpu.memory_space<hbm>>
        %dma_wait3A_1742 = arith.constant 24 : i32
        %dma_wait3A_1743 = arith.constant 0 : i32
        %dma_wait3A_1744 = tpu.memref_slice %arg18[%dma_wait3A_1742, %dma_wait3A_1743] : memref<32x129xf32, #tpu.memory_space<vmem>> -> memref<8x128xf32, #tpu.memory_space<vmem>>
        tpu.wait_dma2 semaphore(%arg25 : memref<!tpu.dma_semaphore, #tpu.memory_space<semaphore_mem>>) src(%dma_wait3A_1744 : memref<8x128xf32, #tpu.memory_space<vmem>>) dst(%dma_wait3A_1741 : memref<8x128xf32, #tpu.memory_space<hbm>>)
        %mul3A_1745 = arith.constant 4 : i32
        %mul3A_1746 = arith.muli %sub3A_1637, %mul3A_1745 : i32
        %add3A_1747 = arith.constant 1 : i32
        %add3A_1748 = arith.addi %mul3A_1746, %add3A_1747 : i32
        %jit3A_1749 = arith.constant 4 : i32
        %div3A_1750 = arith.divsi %add3A_1748, %jit3A_1749 : i32
        %sign3A_1751 = arith.constant 0 : i32
        %sign3A_1752 = arith.cmpi sgt, %add3A_1748, %sign3A_1751 : i32
        %sign3A_1753 = arith.extui %sign3A_1752 : i1 to i32
        %sign3A_1754 = arith.constant 0 : i32
        %sign3A_1755 = arith.cmpi slt, %add3A_1748, %sign3A_1754 : i32
        %sign3A_1756 = arith.extui %sign3A_1755 : i1 to i32
        %sign3A_1757 = arith.subi %sign3A_1753, %sign3A_1756 : i32
        %sign3A_1758 = arith.constant 0 : i32
        %sign3A_1759 = arith.cmpi sgt, %jit3A_1749, %sign3A_1758 : i32
        %sign3A_1760 = arith.extui %sign3A_1759 : i1 to i32
        %sign3A_1761 = arith.constant 0 : i32
        %sign3A_1762 = arith.cmpi slt, %jit3A_1749, %sign3A_1761 : i32
        %sign3A_1763 = arith.extui %sign3A_1762 : i1 to i32
        %sign3A_1764 = arith.subi %sign3A_1760, %sign3A_1763 : i32
        %ne3A_1765 = arith.cmpi ne, %sign3A_1757, %sign3A_1764 : i32
        %rem3A_1766 = arith.remsi %add3A_1748, %jit3A_1749 : i32
        %ne3A_1767 = arith.constant 0 : i32
        %ne3A_1768 = arith.cmpi ne, %rem3A_1766, %ne3A_1767 : i32
        %and3A_1769 = arith.andi %ne3A_1765, %ne3A_1768 : i1
        %sub3A_1770 = arith.constant 1 : i32
        %sub3A_1771 = arith.subi %div3A_1750, %sub3A_1770 : i32
        %select_n3A_1772 = arith.select %and3A_1769, %sub3A_1771, %div3A_1750 : i32
        %jit3A_1773 = arith.constant 4 : i32
        %eq3A_1774 = arith.constant 0 : i32
        %eq3A_1775 = arith.cmpi eq, %jit3A_1773, %eq3A_1774 : i32
        %jit3A_1776 = arith.constant 1 : i32
        %select_n3A_1777 = arith.select %eq3A_1775, %jit3A_1776, %jit3A_1773 : i32
        %rem3A_1778 = arith.remsi %add3A_1748, %select_n3A_1777 : i32
        %ne3A_1779 = arith.constant 0 : i32
        %ne3A_1780 = arith.cmpi ne, %rem3A_1778, %ne3A_1779 : i32
        %lt3A_1781 = arith.constant 0 : i32
        %lt3A_1782 = arith.cmpi slt, %rem3A_1778, %lt3A_1781 : i32
        %lt3A_1783 = arith.constant 0 : i32
        %lt3A_1784 = arith.cmpi slt, %select_n3A_1777, %lt3A_1783 : i32
        %ne3A_1785 = arith.xori %lt3A_1782, %lt3A_1784 : i1
        %and3A_1786 = arith.andi %ne3A_1785, %ne3A_1780 : i1
        %add3A_1787 = arith.addi %rem3A_1778, %select_n3A_1777 : i32
        %select_n3A_1788 = arith.select %and3A_1786, %add3A_1787, %rem3A_1778 : i32
        %mul3A_1789 = arith.constant 4 : i32
        %mul3A_1790 = arith.muli %add3A, %mul3A_1789 : i32
        %add3A_1791 = arith.addi %mul3A_1790, %select_n3A_1788 : i32
        %dma_wait3A_1792 = arith.constant 0 : i32
        %dma_wait3A_1793 = arith.constant 0 : i32
        %dma_wait3A_1794 = arith.constant 0 : i32
        %dma_wait3A_1795 = tpu.memref_slice %arg19[%dma_wait3A_1793, %dma_wait3A_1794] : memref<32x129xf32, #tpu.memory_space<vmem>> -> memref<8x128xf32, #tpu.memory_space<vmem>>
        %dma_wait3A_1796 = arith.constant 0 : i32
        %dma_wait3A_1797 = arith.constant 0 : i32
        %dma_wait3A_1798 = tpu.memref_slice %arg4[%select_n3A_1772, %dma_wait3A_1792, %add3A_1791, %dma_wait3A_1796, %dma_wait3A_1797] : memref<50x4x128x8x128xf32, #tpu.memory_space<hbm>> -> memref<1x1x1x8x128xf32, #tpu.memory_space<hbm>>
        %dma_wait3A_1799 = tpu.memref_squeeze %dma_wait3A_1798 : memref<1x1x1x8x128xf32, #tpu.memory_space<hbm>> -> memref<8x128xf32, #tpu.memory_space<hbm>>
        %dma_wait3A_1800 = arith.constant 0 : i32
        %dma_wait3A_1801 = arith.constant 0 : i32
        %dma_wait3A_1802 = tpu.memref_slice %arg4[%select_n3A_1772, %dma_wait3A_1792, %add3A_1791, %dma_wait3A_1800, %dma_wait3A_1801] : memref<50x4x128x8x128xf32, #tpu.memory_space<hbm>> -> memref<1x1x1x8x128xf32, #tpu.memory_space<hbm>>
        %dma_wait3A_1803 = tpu.memref_squeeze %dma_wait3A_1802 : memref<1x1x1x8x128xf32, #tpu.memory_space<hbm>> -> memref<8x128xf32, #tpu.memory_space<hbm>>
        %dma_wait3A_1804 = arith.constant 0 : i32
        %dma_wait3A_1805 = arith.constant 0 : i32
        %dma_wait3A_1806 = tpu.memref_slice %arg19[%dma_wait3A_1804, %dma_wait3A_1805] : memref<32x129xf32, #tpu.memory_space<vmem>> -> memref<8x128xf32, #tpu.memory_space<vmem>>
        tpu.wait_dma2 semaphore(%arg25 : memref<!tpu.dma_semaphore, #tpu.memory_space<semaphore_mem>>) src(%dma_wait3A_1806 : memref<8x128xf32, #tpu.memory_space<vmem>>) dst(%dma_wait3A_1803 : memref<8x128xf32, #tpu.memory_space<hbm>>)
        %dma_wait3A_1807 = arith.constant 1 : i32
        %dma_wait3A_1808 = arith.constant 8 : i32
        %dma_wait3A_1809 = arith.constant 0 : i32
        %dma_wait3A_1810 = tpu.memref_slice %arg19[%dma_wait3A_1808, %dma_wait3A_1809] : memref<32x129xf32, #tpu.memory_space<vmem>> -> memref<8x128xf32, #tpu.memory_space<vmem>>
        %dma_wait3A_1811 = arith.constant 0 : i32
        %dma_wait3A_1812 = arith.constant 0 : i32
        %dma_wait3A_1813 = tpu.memref_slice %arg4[%select_n3A_1772, %dma_wait3A_1807, %add3A_1791, %dma_wait3A_1811, %dma_wait3A_1812] : memref<50x4x128x8x128xf32, #tpu.memory_space<hbm>> -> memref<1x1x1x8x128xf32, #tpu.memory_space<hbm>>
        %dma_wait3A_1814 = tpu.memref_squeeze %dma_wait3A_1813 : memref<1x1x1x8x128xf32, #tpu.memory_space<hbm>> -> memref<8x128xf32, #tpu.memory_space<hbm>>
        %dma_wait3A_1815 = arith.constant 0 : i32
        %dma_wait3A_1816 = arith.constant 0 : i32
        %dma_wait3A_1817 = tpu.memref_slice %arg4[%select_n3A_1772, %dma_wait3A_1807, %add3A_1791, %dma_wait3A_1815, %dma_wait3A_1816] : memref<50x4x128x8x128xf32, #tpu.memory_space<hbm>> -> memref<1x1x1x8x128xf32, #tpu.memory_space<hbm>>
        %dma_wait3A_1818 = tpu.memref_squeeze %dma_wait3A_1817 : memref<1x1x1x8x128xf32, #tpu.memory_space<hbm>> -> memref<8x128xf32, #tpu.memory_space<hbm>>
        %dma_wait3A_1819 = arith.constant 8 : i32
        %dma_wait3A_1820 = arith.constant 0 : i32
        %dma_wait3A_1821 = tpu.memref_slice %arg19[%dma_wait3A_1819, %dma_wait3A_1820] : memref<32x129xf32, #tpu.memory_space<vmem>> -> memref<8x128xf32, #tpu.memory_space<vmem>>
        tpu.wait_dma2 semaphore(%arg25 : memref<!tpu.dma_semaphore, #tpu.memory_space<semaphore_mem>>) src(%dma_wait3A_1821 : memref<8x128xf32, #tpu.memory_space<vmem>>) dst(%dma_wait3A_1818 : memref<8x128xf32, #tpu.memory_space<hbm>>)
        %dma_wait3A_1822 = arith.constant 2 : i32
        %dma_wait3A_1823 = arith.constant 16 : i32
        %dma_wait3A_1824 = arith.constant 0 : i32
        %dma_wait3A_1825 = tpu.memref_slice %arg19[%dma_wait3A_1823, %dma_wait3A_1824] : memref<32x129xf32, #tpu.memory_space<vmem>> -> memref<8x128xf32, #tpu.memory_space<vmem>>
        %dma_wait3A_1826 = arith.constant 0 : i32
        %dma_wait3A_1827 = arith.constant 0 : i32
        %dma_wait3A_1828 = tpu.memref_slice %arg4[%select_n3A_1772, %dma_wait3A_1822, %add3A_1791, %dma_wait3A_1826, %dma_wait3A_1827] : memref<50x4x128x8x128xf32, #tpu.memory_space<hbm>> -> memref<1x1x1x8x128xf32, #tpu.memory_space<hbm>>
        %dma_wait3A_1829 = tpu.memref_squeeze %dma_wait3A_1828 : memref<1x1x1x8x128xf32, #tpu.memory_space<hbm>> -> memref<8x128xf32, #tpu.memory_space<hbm>>
        %dma_wait3A_1830 = arith.constant 0 : i32
        %dma_wait3A_1831 = arith.constant 0 : i32
        %dma_wait3A_1832 = tpu.memref_slice %arg4[%select_n3A_1772, %dma_wait3A_1822, %add3A_1791, %dma_wait3A_1830, %dma_wait3A_1831] : memref<50x4x128x8x128xf32, #tpu.memory_space<hbm>> -> memref<1x1x1x8x128xf32, #tpu.memory_space<hbm>>
        %dma_wait3A_1833 = tpu.memref_squeeze %dma_wait3A_1832 : memref<1x1x1x8x128xf32, #tpu.memory_space<hbm>> -> memref<8x128xf32, #tpu.memory_space<hbm>>
        %dma_wait3A_1834 = arith.constant 16 : i32
        %dma_wait3A_1835 = arith.constant 0 : i32
        %dma_wait3A_1836 = tpu.memref_slice %arg19[%dma_wait3A_1834, %dma_wait3A_1835] : memref<32x129xf32, #tpu.memory_space<vmem>> -> memref<8x128xf32, #tpu.memory_space<vmem>>
        tpu.wait_dma2 semaphore(%arg25 : memref<!tpu.dma_semaphore, #tpu.memory_space<semaphore_mem>>) src(%dma_wait3A_1836 : memref<8x128xf32, #tpu.memory_space<vmem>>) dst(%dma_wait3A_1833 : memref<8x128xf32, #tpu.memory_space<hbm>>)
        %dma_wait3A_1837 = arith.constant 3 : i32
        %dma_wait3A_1838 = arith.constant 24 : i32
        %dma_wait3A_1839 = arith.constant 0 : i32
        %dma_wait3A_1840 = tpu.memref_slice %arg19[%dma_wait3A_1838, %dma_wait3A_1839] : memref<32x129xf32, #tpu.memory_space<vmem>> -> memref<8x128xf32, #tpu.memory_space<vmem>>
        %dma_wait3A_1841 = arith.constant 0 : i32
        %dma_wait3A_1842 = arith.constant 0 : i32
        %dma_wait3A_1843 = tpu.memref_slice %arg4[%select_n3A_1772, %dma_wait3A_1837, %add3A_1791, %dma_wait3A_1841, %dma_wait3A_1842] : memref<50x4x128x8x128xf32, #tpu.memory_space<hbm>> -> memref<1x1x1x8x128xf32, #tpu.memory_space<hbm>>
        %dma_wait3A_1844 = tpu.memref_squeeze %dma_wait3A_1843 : memref<1x1x1x8x128xf32, #tpu.memory_space<hbm>> -> memref<8x128xf32, #tpu.memory_space<hbm>>
        %dma_wait3A_1845 = arith.constant 0 : i32
        %dma_wait3A_1846 = arith.constant 0 : i32
        %dma_wait3A_1847 = tpu.memref_slice %arg4[%select_n3A_1772, %dma_wait3A_1837, %add3A_1791, %dma_wait3A_1845, %dma_wait3A_1846] : memref<50x4x128x8x128xf32, #tpu.memory_space<hbm>> -> memref<1x1x1x8x128xf32, #tpu.memory_space<hbm>>
        %dma_wait3A_1848 = tpu.memref_squeeze %dma_wait3A_1847 : memref<1x1x1x8x128xf32, #tpu.memory_space<hbm>> -> memref<8x128xf32, #tpu.memory_space<hbm>>
        %dma_wait3A_1849 = arith.constant 24 : i32
        %dma_wait3A_1850 = arith.constant 0 : i32
        %dma_wait3A_1851 = tpu.memref_slice %arg19[%dma_wait3A_1849, %dma_wait3A_1850] : memref<32x129xf32, #tpu.memory_space<vmem>> -> memref<8x128xf32, #tpu.memory_space<vmem>>
        tpu.wait_dma2 semaphore(%arg25 : memref<!tpu.dma_semaphore, #tpu.memory_space<semaphore_mem>>) src(%dma_wait3A_1851 : memref<8x128xf32, #tpu.memory_space<vmem>>) dst(%dma_wait3A_1848 : memref<8x128xf32, #tpu.memory_space<hbm>>)
        %mul3A_1852 = arith.constant 4 : i32
        %mul3A_1853 = arith.muli %sub3A_1637, %mul3A_1852 : i32
        %add3A_1854 = arith.constant 2 : i32
        %add3A_1855 = arith.addi %mul3A_1853, %add3A_1854 : i32
        %jit3A_1856 = arith.constant 4 : i32
        %div3A_1857 = arith.divsi %add3A_1855, %jit3A_1856 : i32
        %sign3A_1858 = arith.constant 0 : i32
        %sign3A_1859 = arith.cmpi sgt, %add3A_1855, %sign3A_1858 : i32
        %sign3A_1860 = arith.extui %sign3A_1859 : i1 to i32
        %sign3A_1861 = arith.constant 0 : i32
        %sign3A_1862 = arith.cmpi slt, %add3A_1855, %sign3A_1861 : i32
        %sign3A_1863 = arith.extui %sign3A_1862 : i1 to i32
        %sign3A_1864 = arith.subi %sign3A_1860, %sign3A_1863 : i32
        %sign3A_1865 = arith.constant 0 : i32
        %sign3A_1866 = arith.cmpi sgt, %jit3A_1856, %sign3A_1865 : i32
        %sign3A_1867 = arith.extui %sign3A_1866 : i1 to i32
        %sign3A_1868 = arith.constant 0 : i32
        %sign3A_1869 = arith.cmpi slt, %jit3A_1856, %sign3A_1868 : i32
        %sign3A_1870 = arith.extui %sign3A_1869 : i1 to i32
        %sign3A_1871 = arith.subi %sign3A_1867, %sign3A_1870 : i32
        %ne3A_1872 = arith.cmpi ne, %sign3A_1864, %sign3A_1871 : i32
        %rem3A_1873 = arith.remsi %add3A_1855, %jit3A_1856 : i32
        %ne3A_1874 = arith.constant 0 : i32
        %ne3A_1875 = arith.cmpi ne, %rem3A_1873, %ne3A_1874 : i32
        %and3A_1876 = arith.andi %ne3A_1872, %ne3A_1875 : i1
        %sub3A_1877 = arith.constant 1 : i32
        %sub3A_1878 = arith.subi %div3A_1857, %sub3A_1877 : i32
        %select_n3A_1879 = arith.select %and3A_1876, %sub3A_1878, %div3A_1857 : i32
        %jit3A_1880 = arith.constant 4 : i32
        %eq3A_1881 = arith.constant 0 : i32
        %eq3A_1882 = arith.cmpi eq, %jit3A_1880, %eq3A_1881 : i32
        %jit3A_1883 = arith.constant 1 : i32
        %select_n3A_1884 = arith.select %eq3A_1882, %jit3A_1883, %jit3A_1880 : i32
        %rem3A_1885 = arith.remsi %add3A_1855, %select_n3A_1884 : i32
        %ne3A_1886 = arith.constant 0 : i32
        %ne3A_1887 = arith.cmpi ne, %rem3A_1885, %ne3A_1886 : i32
        %lt3A_1888 = arith.constant 0 : i32
        %lt3A_1889 = arith.cmpi slt, %rem3A_1885, %lt3A_1888 : i32
        %lt3A_1890 = arith.constant 0 : i32
        %lt3A_1891 = arith.cmpi slt, %select_n3A_1884, %lt3A_1890 : i32
        %ne3A_1892 = arith.xori %lt3A_1889, %lt3A_1891 : i1
        %and3A_1893 = arith.andi %ne3A_1892, %ne3A_1887 : i1
        %add3A_1894 = arith.addi %rem3A_1885, %select_n3A_1884 : i32
        %select_n3A_1895 = arith.select %and3A_1893, %add3A_1894, %rem3A_1885 : i32
        %mul3A_1896 = arith.constant 4 : i32
        %mul3A_1897 = arith.muli %add3A, %mul3A_1896 : i32
        %add3A_1898 = arith.addi %mul3A_1897, %select_n3A_1895 : i32
        %dma_wait3A_1899 = arith.constant 0 : i32
        %dma_wait3A_1900 = arith.constant 0 : i32
        %dma_wait3A_1901 = arith.constant 0 : i32
        %dma_wait3A_1902 = tpu.memref_slice %arg20[%dma_wait3A_1900, %dma_wait3A_1901] : memref<32x129xf32, #tpu.memory_space<vmem>> -> memref<8x128xf32, #tpu.memory_space<vmem>>
        %dma_wait3A_1903 = arith.constant 0 : i32
        %dma_wait3A_1904 = arith.constant 0 : i32
        %dma_wait3A_1905 = tpu.memref_slice %arg4[%select_n3A_1879, %dma_wait3A_1899, %add3A_1898, %dma_wait3A_1903, %dma_wait3A_1904] : memref<50x4x128x8x128xf32, #tpu.memory_space<hbm>> -> memref<1x1x1x8x128xf32, #tpu.memory_space<hbm>>
        %dma_wait3A_1906 = tpu.memref_squeeze %dma_wait3A_1905 : memref<1x1x1x8x128xf32, #tpu.memory_space<hbm>> -> memref<8x128xf32, #tpu.memory_space<hbm>>
        %dma_wait3A_1907 = arith.constant 0 : i32
        %dma_wait3A_1908 = arith.constant 0 : i32
        %dma_wait3A_1909 = tpu.memref_slice %arg4[%select_n3A_1879, %dma_wait3A_1899, %add3A_1898, %dma_wait3A_1907, %dma_wait3A_1908] : memref<50x4x128x8x128xf32, #tpu.memory_space<hbm>> -> memref<1x1x1x8x128xf32, #tpu.memory_space<hbm>>
        %dma_wait3A_1910 = tpu.memref_squeeze %dma_wait3A_1909 : memref<1x1x1x8x128xf32, #tpu.memory_space<hbm>> -> memref<8x128xf32, #tpu.memory_space<hbm>>
        %dma_wait3A_1911 = arith.constant 0 : i32
        %dma_wait3A_1912 = arith.constant 0 : i32
        %dma_wait3A_1913 = tpu.memref_slice %arg20[%dma_wait3A_1911, %dma_wait3A_1912] : memref<32x129xf32, #tpu.memory_space<vmem>> -> memref<8x128xf32, #tpu.memory_space<vmem>>
        tpu.wait_dma2 semaphore(%arg25 : memref<!tpu.dma_semaphore, #tpu.memory_space<semaphore_mem>>) src(%dma_wait3A_1913 : memref<8x128xf32, #tpu.memory_space<vmem>>) dst(%dma_wait3A_1910 : memref<8x128xf32, #tpu.memory_space<hbm>>)
        %dma_wait3A_1914 = arith.constant 1 : i32
        %dma_wait3A_1915 = arith.constant 8 : i32
        %dma_wait3A_1916 = arith.constant 0 : i32
        %dma_wait3A_1917 = tpu.memref_slice %arg20[%dma_wait3A_1915, %dma_wait3A_1916] : memref<32x129xf32, #tpu.memory_space<vmem>> -> memref<8x128xf32, #tpu.memory_space<vmem>>
        %dma_wait3A_1918 = arith.constant 0 : i32
        %dma_wait3A_1919 = arith.constant 0 : i32
        %dma_wait3A_1920 = tpu.memref_slice %arg4[%select_n3A_1879, %dma_wait3A_1914, %add3A_1898, %dma_wait3A_1918, %dma_wait3A_1919] : memref<50x4x128x8x128xf32, #tpu.memory_space<hbm>> -> memref<1x1x1x8x128xf32, #tpu.memory_space<hbm>>
        %dma_wait3A_1921 = tpu.memref_squeeze %dma_wait3A_1920 : memref<1x1x1x8x128xf32, #tpu.memory_space<hbm>> -> memref<8x128xf32, #tpu.memory_space<hbm>>
        %dma_wait3A_1922 = arith.constant 0 : i32
        %dma_wait3A_1923 = arith.constant 0 : i32
        %dma_wait3A_1924 = tpu.memref_slice %arg4[%select_n3A_1879, %dma_wait3A_1914, %add3A_1898, %dma_wait3A_1922, %dma_wait3A_1923] : memref<50x4x128x8x128xf32, #tpu.memory_space<hbm>> -> memref<1x1x1x8x128xf32, #tpu.memory_space<hbm>>
        %dma_wait3A_1925 = tpu.memref_squeeze %dma_wait3A_1924 : memref<1x1x1x8x128xf32, #tpu.memory_space<hbm>> -> memref<8x128xf32, #tpu.memory_space<hbm>>
        %dma_wait3A_1926 = arith.constant 8 : i32
        %dma_wait3A_1927 = arith.constant 0 : i32
        %dma_wait3A_1928 = tpu.memref_slice %arg20[%dma_wait3A_1926, %dma_wait3A_1927] : memref<32x129xf32, #tpu.memory_space<vmem>> -> memref<8x128xf32, #tpu.memory_space<vmem>>
        tpu.wait_dma2 semaphore(%arg25 : memref<!tpu.dma_semaphore, #tpu.memory_space<semaphore_mem>>) src(%dma_wait3A_1928 : memref<8x128xf32, #tpu.memory_space<vmem>>) dst(%dma_wait3A_1925 : memref<8x128xf32, #tpu.memory_space<hbm>>)
        %dma_wait3A_1929 = arith.constant 2 : i32
        %dma_wait3A_1930 = arith.constant 16 : i32
        %dma_wait3A_1931 = arith.constant 0 : i32
        %dma_wait3A_1932 = tpu.memref_slice %arg20[%dma_wait3A_1930, %dma_wait3A_1931] : memref<32x129xf32, #tpu.memory_space<vmem>> -> memref<8x128xf32, #tpu.memory_space<vmem>>
        %dma_wait3A_1933 = arith.constant 0 : i32
        %dma_wait3A_1934 = arith.constant 0 : i32
        %dma_wait3A_1935 = tpu.memref_slice %arg4[%select_n3A_1879, %dma_wait3A_1929, %add3A_1898, %dma_wait3A_1933, %dma_wait3A_1934] : memref<50x4x128x8x128xf32, #tpu.memory_space<hbm>> -> memref<1x1x1x8x128xf32, #tpu.memory_space<hbm>>
        %dma_wait3A_1936 = tpu.memref_squeeze %dma_wait3A_1935 : memref<1x1x1x8x128xf32, #tpu.memory_space<hbm>> -> memref<8x128xf32, #tpu.memory_space<hbm>>
        %dma_wait3A_1937 = arith.constant 0 : i32
        %dma_wait3A_1938 = arith.constant 0 : i32
        %dma_wait3A_1939 = tpu.memref_slice %arg4[%select_n3A_1879, %dma_wait3A_1929, %add3A_1898, %dma_wait3A_1937, %dma_wait3A_1938] : memref<50x4x128x8x128xf32, #tpu.memory_space<hbm>> -> memref<1x1x1x8x128xf32, #tpu.memory_space<hbm>>
        %dma_wait3A_1940 = tpu.memref_squeeze %dma_wait3A_1939 : memref<1x1x1x8x128xf32, #tpu.memory_space<hbm>> -> memref<8x128xf32, #tpu.memory_space<hbm>>
        %dma_wait3A_1941 = arith.constant 16 : i32
        %dma_wait3A_1942 = arith.constant 0 : i32
        %dma_wait3A_1943 = tpu.memref_slice %arg20[%dma_wait3A_1941, %dma_wait3A_1942] : memref<32x129xf32, #tpu.memory_space<vmem>> -> memref<8x128xf32, #tpu.memory_space<vmem>>
        tpu.wait_dma2 semaphore(%arg25 : memref<!tpu.dma_semaphore, #tpu.memory_space<semaphore_mem>>) src(%dma_wait3A_1943 : memref<8x128xf32, #tpu.memory_space<vmem>>) dst(%dma_wait3A_1940 : memref<8x128xf32, #tpu.memory_space<hbm>>)
        %dma_wait3A_1944 = arith.constant 3 : i32
        %dma_wait3A_1945 = arith.constant 24 : i32
        %dma_wait3A_1946 = arith.constant 0 : i32
        %dma_wait3A_1947 = tpu.memref_slice %arg20[%dma_wait3A_1945, %dma_wait3A_1946] : memref<32x129xf32, #tpu.memory_space<vmem>> -> memref<8x128xf32, #tpu.memory_space<vmem>>
        %dma_wait3A_1948 = arith.constant 0 : i32
        %dma_wait3A_1949 = arith.constant 0 : i32
        %dma_wait3A_1950 = tpu.memref_slice %arg4[%select_n3A_1879, %dma_wait3A_1944, %add3A_1898, %dma_wait3A_1948, %dma_wait3A_1949] : memref<50x4x128x8x128xf32, #tpu.memory_space<hbm>> -> memref<1x1x1x8x128xf32, #tpu.memory_space<hbm>>
        %dma_wait3A_1951 = tpu.memref_squeeze %dma_wait3A_1950 : memref<1x1x1x8x128xf32, #tpu.memory_space<hbm>> -> memref<8x128xf32, #tpu.memory_space<hbm>>
        %dma_wait3A_1952 = arith.constant 0 : i32
        %dma_wait3A_1953 = arith.constant 0 : i32
        %dma_wait3A_1954 = tpu.memref_slice %arg4[%select_n3A_1879, %dma_wait3A_1944, %add3A_1898, %dma_wait3A_1952, %dma_wait3A_1953] : memref<50x4x128x8x128xf32, #tpu.memory_space<hbm>> -> memref<1x1x1x8x128xf32, #tpu.memory_space<hbm>>
        %dma_wait3A_1955 = tpu.memref_squeeze %dma_wait3A_1954 : memref<1x1x1x8x128xf32, #tpu.memory_space<hbm>> -> memref<8x128xf32, #tpu.memory_space<hbm>>
        %dma_wait3A_1956 = arith.constant 24 : i32
        %dma_wait3A_1957 = arith.constant 0 : i32
        %dma_wait3A_1958 = tpu.memref_slice %arg20[%dma_wait3A_1956, %dma_wait3A_1957] : memref<32x129xf32, #tpu.memory_space<vmem>> -> memref<8x128xf32, #tpu.memory_space<vmem>>
        tpu.wait_dma2 semaphore(%arg25 : memref<!tpu.dma_semaphore, #tpu.memory_space<semaphore_mem>>) src(%dma_wait3A_1958 : memref<8x128xf32, #tpu.memory_space<vmem>>) dst(%dma_wait3A_1955 : memref<8x128xf32, #tpu.memory_space<hbm>>)
        %mul3A_1959 = arith.constant 4 : i32
        %mul3A_1960 = arith.muli %sub3A_1637, %mul3A_1959 : i32
        %add3A_1961 = arith.constant 3 : i32
        %add3A_1962 = arith.addi %mul3A_1960, %add3A_1961 : i32
        %jit3A_1963 = arith.constant 4 : i32
        %div3A_1964 = arith.divsi %add3A_1962, %jit3A_1963 : i32
        %sign3A_1965 = arith.constant 0 : i32
        %sign3A_1966 = arith.cmpi sgt, %add3A_1962, %sign3A_1965 : i32
        %sign3A_1967 = arith.extui %sign3A_1966 : i1 to i32
        %sign3A_1968 = arith.constant 0 : i32
        %sign3A_1969 = arith.cmpi slt, %add3A_1962, %sign3A_1968 : i32
        %sign3A_1970 = arith.extui %sign3A_1969 : i1 to i32
        %sign3A_1971 = arith.subi %sign3A_1967, %sign3A_1970 : i32
        %sign3A_1972 = arith.constant 0 : i32
        %sign3A_1973 = arith.cmpi sgt, %jit3A_1963, %sign3A_1972 : i32
        %sign3A_1974 = arith.extui %sign3A_1973 : i1 to i32
        %sign3A_1975 = arith.constant 0 : i32
        %sign3A_1976 = arith.cmpi slt, %jit3A_1963, %sign3A_1975 : i32
        %sign3A_1977 = arith.extui %sign3A_1976 : i1 to i32
        %sign3A_1978 = arith.subi %sign3A_1974, %sign3A_1977 : i32
        %ne3A_1979 = arith.cmpi ne, %sign3A_1971, %sign3A_1978 : i32
        %rem3A_1980 = arith.remsi %add3A_1962, %jit3A_1963 : i32
        %ne3A_1981 = arith.constant 0 : i32
        %ne3A_1982 = arith.cmpi ne, %rem3A_1980, %ne3A_1981 : i32
        %and3A_1983 = arith.andi %ne3A_1979, %ne3A_1982 : i1
        %sub3A_1984 = arith.constant 1 : i32
        %sub3A_1985 = arith.subi %div3A_1964, %sub3A_1984 : i32
        %select_n3A_1986 = arith.select %and3A_1983, %sub3A_1985, %div3A_1964 : i32
        %jit3A_1987 = arith.constant 4 : i32
        %eq3A_1988 = arith.constant 0 : i32
        %eq3A_1989 = arith.cmpi eq, %jit3A_1987, %eq3A_1988 : i32
        %jit3A_1990 = arith.constant 1 : i32
        %select_n3A_1991 = arith.select %eq3A_1989, %jit3A_1990, %jit3A_1987 : i32
        %rem3A_1992 = arith.remsi %add3A_1962, %select_n3A_1991 : i32
        %ne3A_1993 = arith.constant 0 : i32
        %ne3A_1994 = arith.cmpi ne, %rem3A_1992, %ne3A_1993 : i32
        %lt3A_1995 = arith.constant 0 : i32
        %lt3A_1996 = arith.cmpi slt, %rem3A_1992, %lt3A_1995 : i32
        %lt3A_1997 = arith.constant 0 : i32
        %lt3A_1998 = arith.cmpi slt, %select_n3A_1991, %lt3A_1997 : i32
        %ne3A_1999 = arith.xori %lt3A_1996, %lt3A_1998 : i1
        %and3A_2000 = arith.andi %ne3A_1999, %ne3A_1994 : i1
        %add3A_2001 = arith.addi %rem3A_1992, %select_n3A_1991 : i32
        %select_n3A_2002 = arith.select %and3A_2000, %add3A_2001, %rem3A_1992 : i32
        %mul3A_2003 = arith.constant 4 : i32
        %mul3A_2004 = arith.muli %add3A, %mul3A_2003 : i32
        %add3A_2005 = arith.addi %mul3A_2004, %select_n3A_2002 : i32
        %dma_wait3A_2006 = arith.constant 0 : i32
        %dma_wait3A_2007 = arith.constant 0 : i32
        %dma_wait3A_2008 = arith.constant 0 : i32
        %dma_wait3A_2009 = tpu.memref_slice %arg21[%dma_wait3A_2007, %dma_wait3A_2008] : memref<32x129xf32, #tpu.memory_space<vmem>> -> memref<8x128xf32, #tpu.memory_space<vmem>>
        %dma_wait3A_2010 = arith.constant 0 : i32
        %dma_wait3A_2011 = arith.constant 0 : i32
        %dma_wait3A_2012 = tpu.memref_slice %arg4[%select_n3A_1986, %dma_wait3A_2006, %add3A_2005, %dma_wait3A_2010, %dma_wait3A_2011] : memref<50x4x128x8x128xf32, #tpu.memory_space<hbm>> -> memref<1x1x1x8x128xf32, #tpu.memory_space<hbm>>
        %dma_wait3A_2013 = tpu.memref_squeeze %dma_wait3A_2012 : memref<1x1x1x8x128xf32, #tpu.memory_space<hbm>> -> memref<8x128xf32, #tpu.memory_space<hbm>>
        %dma_wait3A_2014 = arith.constant 0 : i32
        %dma_wait3A_2015 = arith.constant 0 : i32
        %dma_wait3A_2016 = tpu.memref_slice %arg4[%select_n3A_1986, %dma_wait3A_2006, %add3A_2005, %dma_wait3A_2014, %dma_wait3A_2015] : memref<50x4x128x8x128xf32, #tpu.memory_space<hbm>> -> memref<1x1x1x8x128xf32, #tpu.memory_space<hbm>>
        %dma_wait3A_2017 = tpu.memref_squeeze %dma_wait3A_2016 : memref<1x1x1x8x128xf32, #tpu.memory_space<hbm>> -> memref<8x128xf32, #tpu.memory_space<hbm>>
        %dma_wait3A_2018 = arith.constant 0 : i32
        %dma_wait3A_2019 = arith.constant 0 : i32
        %dma_wait3A_2020 = tpu.memref_slice %arg21[%dma_wait3A_2018, %dma_wait3A_2019] : memref<32x129xf32, #tpu.memory_space<vmem>> -> memref<8x128xf32, #tpu.memory_space<vmem>>
        tpu.wait_dma2 semaphore(%arg25 : memref<!tpu.dma_semaphore, #tpu.memory_space<semaphore_mem>>) src(%dma_wait3A_2020 : memref<8x128xf32, #tpu.memory_space<vmem>>) dst(%dma_wait3A_2017 : memref<8x128xf32, #tpu.memory_space<hbm>>)
        %dma_wait3A_2021 = arith.constant 1 : i32
        %dma_wait3A_2022 = arith.constant 8 : i32
        %dma_wait3A_2023 = arith.constant 0 : i32
        %dma_wait3A_2024 = tpu.memref_slice %arg21[%dma_wait3A_2022, %dma_wait3A_2023] : memref<32x129xf32, #tpu.memory_space<vmem>> -> memref<8x128xf32, #tpu.memory_space<vmem>>
        %dma_wait3A_2025 = arith.constant 0 : i32
        %dma_wait3A_2026 = arith.constant 0 : i32
        %dma_wait3A_2027 = tpu.memref_slice %arg4[%select_n3A_1986, %dma_wait3A_2021, %add3A_2005, %dma_wait3A_2025, %dma_wait3A_2026] : memref<50x4x128x8x128xf32, #tpu.memory_space<hbm>> -> memref<1x1x1x8x128xf32, #tpu.memory_space<hbm>>
        %dma_wait3A_2028 = tpu.memref_squeeze %dma_wait3A_2027 : memref<1x1x1x8x128xf32, #tpu.memory_space<hbm>> -> memref<8x128xf32, #tpu.memory_space<hbm>>
        %dma_wait3A_2029 = arith.constant 0 : i32
        %dma_wait3A_2030 = arith.constant 0 : i32
        %dma_wait3A_2031 = tpu.memref_slice %arg4[%select_n3A_1986, %dma_wait3A_2021, %add3A_2005, %dma_wait3A_2029, %dma_wait3A_2030] : memref<50x4x128x8x128xf32, #tpu.memory_space<hbm>> -> memref<1x1x1x8x128xf32, #tpu.memory_space<hbm>>
        %dma_wait3A_2032 = tpu.memref_squeeze %dma_wait3A_2031 : memref<1x1x1x8x128xf32, #tpu.memory_space<hbm>> -> memref<8x128xf32, #tpu.memory_space<hbm>>
        %dma_wait3A_2033 = arith.constant 8 : i32
        %dma_wait3A_2034 = arith.constant 0 : i32
        %dma_wait3A_2035 = tpu.memref_slice %arg21[%dma_wait3A_2033, %dma_wait3A_2034] : memref<32x129xf32, #tpu.memory_space<vmem>> -> memref<8x128xf32, #tpu.memory_space<vmem>>
        tpu.wait_dma2 semaphore(%arg25 : memref<!tpu.dma_semaphore, #tpu.memory_space<semaphore_mem>>) src(%dma_wait3A_2035 : memref<8x128xf32, #tpu.memory_space<vmem>>) dst(%dma_wait3A_2032 : memref<8x128xf32, #tpu.memory_space<hbm>>)
        %dma_wait3A_2036 = arith.constant 2 : i32
        %dma_wait3A_2037 = arith.constant 16 : i32
        %dma_wait3A_2038 = arith.constant 0 : i32
        %dma_wait3A_2039 = tpu.memref_slice %arg21[%dma_wait3A_2037, %dma_wait3A_2038] : memref<32x129xf32, #tpu.memory_space<vmem>> -> memref<8x128xf32, #tpu.memory_space<vmem>>
        %dma_wait3A_2040 = arith.constant 0 : i32
        %dma_wait3A_2041 = arith.constant 0 : i32
        %dma_wait3A_2042 = tpu.memref_slice %arg4[%select_n3A_1986, %dma_wait3A_2036, %add3A_2005, %dma_wait3A_2040, %dma_wait3A_2041] : memref<50x4x128x8x128xf32, #tpu.memory_space<hbm>> -> memref<1x1x1x8x128xf32, #tpu.memory_space<hbm>>
        %dma_wait3A_2043 = tpu.memref_squeeze %dma_wait3A_2042 : memref<1x1x1x8x128xf32, #tpu.memory_space<hbm>> -> memref<8x128xf32, #tpu.memory_space<hbm>>
        %dma_wait3A_2044 = arith.constant 0 : i32
        %dma_wait3A_2045 = arith.constant 0 : i32
        %dma_wait3A_2046 = tpu.memref_slice %arg4[%select_n3A_1986, %dma_wait3A_2036, %add3A_2005, %dma_wait3A_2044, %dma_wait3A_2045] : memref<50x4x128x8x128xf32, #tpu.memory_space<hbm>> -> memref<1x1x1x8x128xf32, #tpu.memory_space<hbm>>
        %dma_wait3A_2047 = tpu.memref_squeeze %dma_wait3A_2046 : memref<1x1x1x8x128xf32, #tpu.memory_space<hbm>> -> memref<8x128xf32, #tpu.memory_space<hbm>>
        %dma_wait3A_2048 = arith.constant 16 : i32
        %dma_wait3A_2049 = arith.constant 0 : i32
        %dma_wait3A_2050 = tpu.memref_slice %arg21[%dma_wait3A_2048, %dma_wait3A_2049] : memref<32x129xf32, #tpu.memory_space<vmem>> -> memref<8x128xf32, #tpu.memory_space<vmem>>
        tpu.wait_dma2 semaphore(%arg25 : memref<!tpu.dma_semaphore, #tpu.memory_space<semaphore_mem>>) src(%dma_wait3A_2050 : memref<8x128xf32, #tpu.memory_space<vmem>>) dst(%dma_wait3A_2047 : memref<8x128xf32, #tpu.memory_space<hbm>>)
        %dma_wait3A_2051 = arith.constant 3 : i32
        %dma_wait3A_2052 = arith.constant 24 : i32
        %dma_wait3A_2053 = arith.constant 0 : i32
        %dma_wait3A_2054 = tpu.memref_slice %arg21[%dma_wait3A_2052, %dma_wait3A_2053] : memref<32x129xf32, #tpu.memory_space<vmem>> -> memref<8x128xf32, #tpu.memory_space<vmem>>
        %dma_wait3A_2055 = arith.constant 0 : i32
        %dma_wait3A_2056 = arith.constant 0 : i32
        %dma_wait3A_2057 = tpu.memref_slice %arg4[%select_n3A_1986, %dma_wait3A_2051, %add3A_2005, %dma_wait3A_2055, %dma_wait3A_2056] : memref<50x4x128x8x128xf32, #tpu.memory_space<hbm>> -> memref<1x1x1x8x128xf32, #tpu.memory_space<hbm>>
        %dma_wait3A_2058 = tpu.memref_squeeze %dma_wait3A_2057 : memref<1x1x1x8x128xf32, #tpu.memory_space<hbm>> -> memref<8x128xf32, #tpu.memory_space<hbm>>
        %dma_wait3A_2059 = arith.constant 0 : i32
        %dma_wait3A_2060 = arith.constant 0 : i32
        %dma_wait3A_2061 = tpu.memref_slice %arg4[%select_n3A_1986, %dma_wait3A_2051, %add3A_2005, %dma_wait3A_2059, %dma_wait3A_2060] : memref<50x4x128x8x128xf32, #tpu.memory_space<hbm>> -> memref<1x1x1x8x128xf32, #tpu.memory_space<hbm>>
        %dma_wait3A_2062 = tpu.memref_squeeze %dma_wait3A_2061 : memref<1x1x1x8x128xf32, #tpu.memory_space<hbm>> -> memref<8x128xf32, #tpu.memory_space<hbm>>
        %dma_wait3A_2063 = arith.constant 24 : i32
        %dma_wait3A_2064 = arith.constant 0 : i32
        %dma_wait3A_2065 = tpu.memref_slice %arg21[%dma_wait3A_2063, %dma_wait3A_2064] : memref<32x129xf32, #tpu.memory_space<vmem>> -> memref<8x128xf32, #tpu.memory_space<vmem>>
        tpu.wait_dma2 semaphore(%arg25 : memref<!tpu.dma_semaphore, #tpu.memory_space<semaphore_mem>>) src(%dma_wait3A_2065 : memref<8x128xf32, #tpu.memory_space<vmem>>) dst(%dma_wait3A_2062 : memref<8x128xf32, #tpu.memory_space<hbm>>)
      } else {
      }
      %add3A_311 = arith.constant 1 : i32
      %add3A_312 = arith.addi %mul3A_308, %add3A_311 : i32
      %lt3A = arith.constant 50 : i32
      %lt3A_313 = arith.cmpi slt, %add3A_312, %lt3A : i32
      %convert_element_type3A_314 = arith.extui %lt3A_313 : i1 to i32
      %cond3A_315 = arith.constant 0 : i32
      %cond3A_316 = arith.cmpi ne, %convert_element_type3A_314, %cond3A_315 : i32
      scf.if %cond3A_316 {
        %add3A_1636 = arith.constant 1 : i32
        %add3A_1637 = arith.addi %mul3A_308, %add3A_1636 : i32
        %mul3A_1638 = arith.constant 4 : i32
        %mul3A_1639 = arith.muli %add3A_1637, %mul3A_1638 : i32
        %add3A_1640 = arith.constant 0 : i32
        %add3A_1641 = arith.addi %mul3A_1639, %add3A_1640 : i32
        %jit3A_1642 = arith.constant 4 : i32
        %div3A_1643 = arith.divsi %add3A_1641, %jit3A_1642 : i32
        %sign3A_1644 = arith.constant 0 : i32
        %sign3A_1645 = arith.cmpi sgt, %add3A_1641, %sign3A_1644 : i32
        %sign3A_1646 = arith.extui %sign3A_1645 : i1 to i32
        %sign3A_1647 = arith.constant 0 : i32
        %sign3A_1648 = arith.cmpi slt, %add3A_1641, %sign3A_1647 : i32
        %sign3A_1649 = arith.extui %sign3A_1648 : i1 to i32
        %sign3A_1650 = arith.subi %sign3A_1646, %sign3A_1649 : i32
        %sign3A_1651 = arith.constant 0 : i32
        %sign3A_1652 = arith.cmpi sgt, %jit3A_1642, %sign3A_1651 : i32
        %sign3A_1653 = arith.extui %sign3A_1652 : i1 to i32
        %sign3A_1654 = arith.constant 0 : i32
        %sign3A_1655 = arith.cmpi slt, %jit3A_1642, %sign3A_1654 : i32
        %sign3A_1656 = arith.extui %sign3A_1655 : i1 to i32
        %sign3A_1657 = arith.subi %sign3A_1653, %sign3A_1656 : i32
        %ne3A_1658 = arith.cmpi ne, %sign3A_1650, %sign3A_1657 : i32
        %rem3A_1659 = arith.remsi %add3A_1641, %jit3A_1642 : i32
        %ne3A_1660 = arith.constant 0 : i32
        %ne3A_1661 = arith.cmpi ne, %rem3A_1659, %ne3A_1660 : i32
        %and3A_1662 = arith.andi %ne3A_1658, %ne3A_1661 : i1
        %sub3A_1663 = arith.constant 1 : i32
        %sub3A_1664 = arith.subi %div3A_1643, %sub3A_1663 : i32
        %select_n3A_1665 = arith.select %and3A_1662, %sub3A_1664, %div3A_1643 : i32
        %jit3A_1666 = arith.constant 4 : i32
        %eq3A_1667 = arith.constant 0 : i32
        %eq3A_1668 = arith.cmpi eq, %jit3A_1666, %eq3A_1667 : i32
        %jit3A_1669 = arith.constant 1 : i32
        %select_n3A_1670 = arith.select %eq3A_1668, %jit3A_1669, %jit3A_1666 : i32
        %rem3A_1671 = arith.remsi %add3A_1641, %select_n3A_1670 : i32
        %ne3A_1672 = arith.constant 0 : i32
        %ne3A_1673 = arith.cmpi ne, %rem3A_1671, %ne3A_1672 : i32
        %lt3A_1674 = arith.constant 0 : i32
        %lt3A_1675 = arith.cmpi slt, %rem3A_1671, %lt3A_1674 : i32
        %lt3A_1676 = arith.constant 0 : i32
        %lt3A_1677 = arith.cmpi slt, %select_n3A_1670, %lt3A_1676 : i32
        %ne3A_1678 = arith.xori %lt3A_1675, %lt3A_1677 : i1
        %and3A_1679 = arith.andi %ne3A_1678, %ne3A_1673 : i1
        %add3A_1680 = arith.addi %rem3A_1671, %select_n3A_1670 : i32
        %select_n3A_1681 = arith.select %and3A_1679, %add3A_1680, %rem3A_1671 : i32
        %mul3A_1682 = arith.constant 128 : i32
        %mul3A_1683 = arith.muli %select_n3A_1681, %mul3A_1682 : i32
        %dma_start3A_1684 = tpu.memref_slice %arg5[%select_n3A_1665, %mul3A_1683] : memref<50x512xi32, #tpu.memory_space<vmem>> -> memref<1x128xi32, #tpu.memory_space<vmem>>
        %dma_start3A_1685 = tpu.memref_squeeze %dma_start3A_1684 : memref<1x128xi32, #tpu.memory_space<vmem>> -> memref<128xi32, #tpu.memory_space<vmem>>
        %dma_start3A_1686 = arith.constant 0 : i32
        %dma_start3A_1687 = arith.constant 0 : i32
        %dma_start3A_1688 = tpu.memref_slice %arg3[%dma_start3A_1686, %dma_start3A_1687] : memref<1000000x32xf32, #tpu.memory_space<hbm>> -> memref<1000000x32xf32, #tpu.memory_space<hbm>>
        tpu.enqueue_indirect_dma source(%dma_start3A_1688 : memref<1000000x32xf32, #tpu.memory_space<hbm>>) target(%arg10 : memref<128x32xf32, #tpu.memory_space<vmem>>) offsets(%dma_start3A_1685 : memref<128xi32, #tpu.memory_space<vmem>>) semaphore(%arg23 : memref<!tpu.dma_semaphore, #tpu.memory_space<semaphore_mem>>)
        %mul3A_1689 = arith.constant 4 : i32
        %mul3A_1690 = arith.muli %add3A_1637, %mul3A_1689 : i32
        %add3A_1691 = arith.constant 1 : i32
        %add3A_1692 = arith.addi %mul3A_1690, %add3A_1691 : i32
        %jit3A_1693 = arith.constant 4 : i32
        %div3A_1694 = arith.divsi %add3A_1692, %jit3A_1693 : i32
        %sign3A_1695 = arith.constant 0 : i32
        %sign3A_1696 = arith.cmpi sgt, %add3A_1692, %sign3A_1695 : i32
        %sign3A_1697 = arith.extui %sign3A_1696 : i1 to i32
        %sign3A_1698 = arith.constant 0 : i32
        %sign3A_1699 = arith.cmpi slt, %add3A_1692, %sign3A_1698 : i32
        %sign3A_1700 = arith.extui %sign3A_1699 : i1 to i32
        %sign3A_1701 = arith.subi %sign3A_1697, %sign3A_1700 : i32
        %sign3A_1702 = arith.constant 0 : i32
        %sign3A_1703 = arith.cmpi sgt, %jit3A_1693, %sign3A_1702 : i32
        %sign3A_1704 = arith.extui %sign3A_1703 : i1 to i32
        %sign3A_1705 = arith.constant 0 : i32
        %sign3A_1706 = arith.cmpi slt, %jit3A_1693, %sign3A_1705 : i32
        %sign3A_1707 = arith.extui %sign3A_1706 : i1 to i32
        %sign3A_1708 = arith.subi %sign3A_1704, %sign3A_1707 : i32
        %ne3A_1709 = arith.cmpi ne, %sign3A_1701, %sign3A_1708 : i32
        %rem3A_1710 = arith.remsi %add3A_1692, %jit3A_1693 : i32
        %ne3A_1711 = arith.constant 0 : i32
        %ne3A_1712 = arith.cmpi ne, %rem3A_1710, %ne3A_1711 : i32
        %and3A_1713 = arith.andi %ne3A_1709, %ne3A_1712 : i1
        %sub3A_1714 = arith.constant 1 : i32
        %sub3A_1715 = arith.subi %div3A_1694, %sub3A_1714 : i32
        %select_n3A_1716 = arith.select %and3A_1713, %sub3A_1715, %div3A_1694 : i32
        %jit3A_1717 = arith.constant 4 : i32
        %eq3A_1718 = arith.constant 0 : i32
        %eq3A_1719 = arith.cmpi eq, %jit3A_1717, %eq3A_1718 : i32
        %jit3A_1720 = arith.constant 1 : i32
        %select_n3A_1721 = arith.select %eq3A_1719, %jit3A_1720, %jit3A_1717 : i32
        %rem3A_1722 = arith.remsi %add3A_1692, %select_n3A_1721 : i32
        %ne3A_1723 = arith.constant 0 : i32
        %ne3A_1724 = arith.cmpi ne, %rem3A_1722, %ne3A_1723 : i32
        %lt3A_1725 = arith.constant 0 : i32
        %lt3A_1726 = arith.cmpi slt, %rem3A_1722, %lt3A_1725 : i32
        %lt3A_1727 = arith.constant 0 : i32
        %lt3A_1728 = arith.cmpi slt, %select_n3A_1721, %lt3A_1727 : i32
        %ne3A_1729 = arith.xori %lt3A_1726, %lt3A_1728 : i1
        %and3A_1730 = arith.andi %ne3A_1729, %ne3A_1724 : i1
        %add3A_1731 = arith.addi %rem3A_1722, %select_n3A_1721 : i32
        %select_n3A_1732 = arith.select %and3A_1730, %add3A_1731, %rem3A_1722 : i32
        %mul3A_1733 = arith.constant 128 : i32
        %mul3A_1734 = arith.muli %select_n3A_1732, %mul3A_1733 : i32
        %dma_start3A_1735 = tpu.memref_slice %arg5[%select_n3A_1716, %mul3A_1734] : memref<50x512xi32, #tpu.memory_space<vmem>> -> memref<1x128xi32, #tpu.memory_space<vmem>>
        %dma_start3A_1736 = tpu.memref_squeeze %dma_start3A_1735 : memref<1x128xi32, #tpu.memory_space<vmem>> -> memref<128xi32, #tpu.memory_space<vmem>>
        %dma_start3A_1737 = arith.constant 0 : i32
        %dma_start3A_1738 = arith.constant 0 : i32
        %dma_start3A_1739 = tpu.memref_slice %arg3[%dma_start3A_1737, %dma_start3A_1738] : memref<1000000x32xf32, #tpu.memory_space<hbm>> -> memref<1000000x32xf32, #tpu.memory_space<hbm>>
        tpu.enqueue_indirect_dma source(%dma_start3A_1739 : memref<1000000x32xf32, #tpu.memory_space<hbm>>) target(%arg11 : memref<128x32xf32, #tpu.memory_space<vmem>>) offsets(%dma_start3A_1736 : memref<128xi32, #tpu.memory_space<vmem>>) semaphore(%arg23 : memref<!tpu.dma_semaphore, #tpu.memory_space<semaphore_mem>>)
        %mul3A_1740 = arith.constant 4 : i32
        %mul3A_1741 = arith.muli %add3A_1637, %mul3A_1740 : i32
        %add3A_1742 = arith.constant 2 : i32
        %add3A_1743 = arith.addi %mul3A_1741, %add3A_1742 : i32
        %jit3A_1744 = arith.constant 4 : i32
        %div3A_1745 = arith.divsi %add3A_1743, %jit3A_1744 : i32
        %sign3A_1746 = arith.constant 0 : i32
        %sign3A_1747 = arith.cmpi sgt, %add3A_1743, %sign3A_1746 : i32
        %sign3A_1748 = arith.extui %sign3A_1747 : i1 to i32
        %sign3A_1749 = arith.constant 0 : i32
        %sign3A_1750 = arith.cmpi slt, %add3A_1743, %sign3A_1749 : i32
        %sign3A_1751 = arith.extui %sign3A_1750 : i1 to i32
        %sign3A_1752 = arith.subi %sign3A_1748, %sign3A_1751 : i32
        %sign3A_1753 = arith.constant 0 : i32
        %sign3A_1754 = arith.cmpi sgt, %jit3A_1744, %sign3A_1753 : i32
        %sign3A_1755 = arith.extui %sign3A_1754 : i1 to i32
        %sign3A_1756 = arith.constant 0 : i32
        %sign3A_1757 = arith.cmpi slt, %jit3A_1744, %sign3A_1756 : i32
        %sign3A_1758 = arith.extui %sign3A_1757 : i1 to i32
        %sign3A_1759 = arith.subi %sign3A_1755, %sign3A_1758 : i32
        %ne3A_1760 = arith.cmpi ne, %sign3A_1752, %sign3A_1759 : i32
        %rem3A_1761 = arith.remsi %add3A_1743, %jit3A_1744 : i32
        %ne3A_1762 = arith.constant 0 : i32
        %ne3A_1763 = arith.cmpi ne, %rem3A_1761, %ne3A_1762 : i32
        %and3A_1764 = arith.andi %ne3A_1760, %ne3A_1763 : i1
        %sub3A_1765 = arith.constant 1 : i32
        %sub3A_1766 = arith.subi %div3A_1745, %sub3A_1765 : i32
        %select_n3A_1767 = arith.select %and3A_1764, %sub3A_1766, %div3A_1745 : i32
        %jit3A_1768 = arith.constant 4 : i32
        %eq3A_1769 = arith.constant 0 : i32
        %eq3A_1770 = arith.cmpi eq, %jit3A_1768, %eq3A_1769 : i32
        %jit3A_1771 = arith.constant 1 : i32
        %select_n3A_1772 = arith.select %eq3A_1770, %jit3A_1771, %jit3A_1768 : i32
        %rem3A_1773 = arith.remsi %add3A_1743, %select_n3A_1772 : i32
        %ne3A_1774 = arith.constant 0 : i32
        %ne3A_1775 = arith.cmpi ne, %rem3A_1773, %ne3A_1774 : i32
        %lt3A_1776 = arith.constant 0 : i32
        %lt3A_1777 = arith.cmpi slt, %rem3A_1773, %lt3A_1776 : i32
        %lt3A_1778 = arith.constant 0 : i32
        %lt3A_1779 = arith.cmpi slt, %select_n3A_1772, %lt3A_1778 : i32
        %ne3A_1780 = arith.xori %lt3A_1777, %lt3A_1779 : i1
        %and3A_1781 = arith.andi %ne3A_1780, %ne3A_1775 : i1
        %add3A_1782 = arith.addi %rem3A_1773, %select_n3A_1772 : i32
        %select_n3A_1783 = arith.select %and3A_1781, %add3A_1782, %rem3A_1773 : i32
        %mul3A_1784 = arith.constant 128 : i32
        %mul3A_1785 = arith.muli %select_n3A_1783, %mul3A_1784 : i32
        %dma_start3A_1786 = tpu.memref_slice %arg5[%select_n3A_1767, %mul3A_1785] : memref<50x512xi32, #tpu.memory_space<vmem>> -> memref<1x128xi32, #tpu.memory_space<vmem>>
        %dma_start3A_1787 = tpu.memref_squeeze %dma_start3A_1786 : memref<1x128xi32, #tpu.memory_space<vmem>> -> memref<128xi32, #tpu.memory_space<vmem>>
        %dma_start3A_1788 = arith.constant 0 : i32
        %dma_start3A_1789 = arith.constant 0 : i32
        %dma_start3A_1790 = tpu.memref_slice %arg3[%dma_start3A_1788, %dma_start3A_1789] : memref<1000000x32xf32, #tpu.memory_space<hbm>> -> memref<1000000x32xf32, #tpu.memory_space<hbm>>
        tpu.enqueue_indirect_dma source(%dma_start3A_1790 : memref<1000000x32xf32, #tpu.memory_space<hbm>>) target(%arg12 : memref<128x32xf32, #tpu.memory_space<vmem>>) offsets(%dma_start3A_1787 : memref<128xi32, #tpu.memory_space<vmem>>) semaphore(%arg23 : memref<!tpu.dma_semaphore, #tpu.memory_space<semaphore_mem>>)
        %mul3A_1791 = arith.constant 4 : i32
        %mul3A_1792 = arith.muli %add3A_1637, %mul3A_1791 : i32
        %add3A_1793 = arith.constant 3 : i32
        %add3A_1794 = arith.addi %mul3A_1792, %add3A_1793 : i32
        %jit3A_1795 = arith.constant 4 : i32
        %div3A_1796 = arith.divsi %add3A_1794, %jit3A_1795 : i32
        %sign3A_1797 = arith.constant 0 : i32
        %sign3A_1798 = arith.cmpi sgt, %add3A_1794, %sign3A_1797 : i32
        %sign3A_1799 = arith.extui %sign3A_1798 : i1 to i32
        %sign3A_1800 = arith.constant 0 : i32
        %sign3A_1801 = arith.cmpi slt, %add3A_1794, %sign3A_1800 : i32
        %sign3A_1802 = arith.extui %sign3A_1801 : i1 to i32
        %sign3A_1803 = arith.subi %sign3A_1799, %sign3A_1802 : i32
        %sign3A_1804 = arith.constant 0 : i32
        %sign3A_1805 = arith.cmpi sgt, %jit3A_1795, %sign3A_1804 : i32
        %sign3A_1806 = arith.extui %sign3A_1805 : i1 to i32
        %sign3A_1807 = arith.constant 0 : i32
        %sign3A_1808 = arith.cmpi slt, %jit3A_1795, %sign3A_1807 : i32
        %sign3A_1809 = arith.extui %sign3A_1808 : i1 to i32
        %sign3A_1810 = arith.subi %sign3A_1806, %sign3A_1809 : i32
        %ne3A_1811 = arith.cmpi ne, %sign3A_1803, %sign3A_1810 : i32
        %rem3A_1812 = arith.remsi %add3A_1794, %jit3A_1795 : i32
        %ne3A_1813 = arith.constant 0 : i32
        %ne3A_1814 = arith.cmpi ne, %rem3A_1812, %ne3A_1813 : i32
        %and3A_1815 = arith.andi %ne3A_1811, %ne3A_1814 : i1
        %sub3A_1816 = arith.constant 1 : i32
        %sub3A_1817 = arith.subi %div3A_1796, %sub3A_1816 : i32
        %select_n3A_1818 = arith.select %and3A_1815, %sub3A_1817, %div3A_1796 : i32
        %jit3A_1819 = arith.constant 4 : i32
        %eq3A_1820 = arith.constant 0 : i32
        %eq3A_1821 = arith.cmpi eq, %jit3A_1819, %eq3A_1820 : i32
        %jit3A_1822 = arith.constant 1 : i32
        %select_n3A_1823 = arith.select %eq3A_1821, %jit3A_1822, %jit3A_1819 : i32
        %rem3A_1824 = arith.remsi %add3A_1794, %select_n3A_1823 : i32
        %ne3A_1825 = arith.constant 0 : i32
        %ne3A_1826 = arith.cmpi ne, %rem3A_1824, %ne3A_1825 : i32
        %lt3A_1827 = arith.constant 0 : i32
        %lt3A_1828 = arith.cmpi slt, %rem3A_1824, %lt3A_1827 : i32
        %lt3A_1829 = arith.constant 0 : i32
        %lt3A_1830 = arith.cmpi slt, %select_n3A_1823, %lt3A_1829 : i32
        %ne3A_1831 = arith.xori %lt3A_1828, %lt3A_1830 : i1
        %and3A_1832 = arith.andi %ne3A_1831, %ne3A_1826 : i1
        %add3A_1833 = arith.addi %rem3A_1824, %select_n3A_1823 : i32
        %select_n3A_1834 = arith.select %and3A_1832, %add3A_1833, %rem3A_1824 : i32
        %mul3A_1835 = arith.constant 128 : i32
        %mul3A_1836 = arith.muli %select_n3A_1834, %mul3A_1835 : i32
        %dma_start3A_1837 = tpu.memref_slice %arg5[%select_n3A_1818, %mul3A_1836] : memref<50x512xi32, #tpu.memory_space<vmem>> -> memref<1x128xi32, #tpu.memory_space<vmem>>
        %dma_start3A_1838 = tpu.memref_squeeze %dma_start3A_1837 : memref<1x128xi32, #tpu.memory_space<vmem>> -> memref<128xi32, #tpu.memory_space<vmem>>
        %dma_start3A_1839 = arith.constant 0 : i32
        %dma_start3A_1840 = arith.constant 0 : i32
        %dma_start3A_1841 = tpu.memref_slice %arg3[%dma_start3A_1839, %dma_start3A_1840] : memref<1000000x32xf32, #tpu.memory_space<hbm>> -> memref<1000000x32xf32, #tpu.memory_space<hbm>>
        tpu.enqueue_indirect_dma source(%dma_start3A_1841 : memref<1000000x32xf32, #tpu.memory_space<hbm>>) target(%arg13 : memref<128x32xf32, #tpu.memory_space<vmem>>) offsets(%dma_start3A_1838 : memref<128xi32, #tpu.memory_space<vmem>>) semaphore(%arg23 : memref<!tpu.dma_semaphore, #tpu.memory_space<semaphore_mem>>)
      } else {
      }
      %mul3A_317 = arith.constant 4 : i32
      %mul3A_318 = arith.muli %mul3A_308, %mul3A_317 : i32
      %add3A_319 = arith.constant 0 : i32
      %add3A_320 = arith.addi %mul3A_318, %add3A_319 : i32
      %jit3A = arith.constant 4 : i32
      %div3A = arith.divsi %add3A_320, %jit3A : i32
      %sign3A = arith.constant 0 : i32
      %sign3A_321 = arith.cmpi sgt, %add3A_320, %sign3A : i32
      %sign3A_322 = arith.extui %sign3A_321 : i1 to i32
      %sign3A_323 = arith.constant 0 : i32
      %sign3A_324 = arith.cmpi slt, %add3A_320, %sign3A_323 : i32
      %sign3A_325 = arith.extui %sign3A_324 : i1 to i32
      %sign3A_326 = arith.subi %sign3A_322, %sign3A_325 : i32
      %sign3A_327 = arith.constant 0 : i32
      %sign3A_328 = arith.cmpi sgt, %jit3A, %sign3A_327 : i32
      %sign3A_329 = arith.extui %sign3A_328 : i1 to i32
      %sign3A_330 = arith.constant 0 : i32
      %sign3A_331 = arith.cmpi slt, %jit3A, %sign3A_330 : i32
      %sign3A_332 = arith.extui %sign3A_331 : i1 to i32
      %sign3A_333 = arith.subi %sign3A_329, %sign3A_332 : i32
      %ne3A = arith.cmpi ne, %sign3A_326, %sign3A_333 : i32
      %rem3A = arith.remsi %add3A_320, %jit3A : i32
      %ne3A_334 = arith.constant 0 : i32
      %ne3A_335 = arith.cmpi ne, %rem3A, %ne3A_334 : i32
      %and3A = arith.andi %ne3A, %ne3A_335 : i1
      %sub3A = arith.constant 1 : i32
      %sub3A_336 = arith.subi %div3A, %sub3A : i32
      %select_n3A = arith.select %and3A, %sub3A_336, %div3A : i32
      %jit3A_337 = arith.constant 4 : i32
      %eq3A = arith.constant 0 : i32
      %eq3A_338 = arith.cmpi eq, %jit3A_337, %eq3A : i32
      %jit3A_339 = arith.constant 1 : i32
      %select_n3A_340 = arith.select %eq3A_338, %jit3A_339, %jit3A_337 : i32
      %rem3A_341 = arith.remsi %add3A_320, %select_n3A_340 : i32
      %ne3A_342 = arith.constant 0 : i32
      %ne3A_343 = arith.cmpi ne, %rem3A_341, %ne3A_342 : i32
      %lt3A_344 = arith.constant 0 : i32
      %lt3A_345 = arith.cmpi slt, %rem3A_341, %lt3A_344 : i32
      %lt3A_346 = arith.constant 0 : i32
      %lt3A_347 = arith.cmpi slt, %select_n3A_340, %lt3A_346 : i32
      %ne3A_348 = arith.xori %lt3A_345, %lt3A_347 : i1
      %and3A_349 = arith.andi %ne3A_348, %ne3A_343 : i1
      %add3A_350 = arith.addi %rem3A_341, %select_n3A_340 : i32
      %select_n3A_351 = arith.select %and3A_349, %add3A_350, %rem3A_341 : i32
      %mul3A_352 = arith.constant 128 : i32
      %mul3A_353 = arith.muli %select_n3A_351, %mul3A_352 : i32
      %dma_wait3A_354 = tpu.memref_slice %arg5[%select_n3A, %mul3A_353] : memref<50x512xi32, #tpu.memory_space<vmem>> -> memref<1x128xi32, #tpu.memory_space<vmem>>
      %dma_wait3A_355 = tpu.memref_squeeze %dma_wait3A_354 : memref<1x128xi32, #tpu.memory_space<vmem>> -> memref<128xi32, #tpu.memory_space<vmem>>
      %dma_wait3A_356 = arith.constant 0 : i32
      %dma_wait3A_357 = arith.constant 0 : i32
      %dma_wait3A_358 = tpu.memref_slice %arg3[%dma_wait3A_356, %dma_wait3A_357] : memref<1000000x32xf32, #tpu.memory_space<hbm>> -> memref<1000000x32xf32, #tpu.memory_space<hbm>>
      tpu.wait_indirect_dma semaphore(%arg22 : memref<!tpu.dma_semaphore, #tpu.memory_space<semaphore_mem>>) src(%dma_wait3A_358 : memref<1000000x32xf32, #tpu.memory_space<hbm>>) dst(%arg6 : memref<128x32xf32, #tpu.memory_space<vmem>>)
      %scan3A_359 = arith.constant 0 : i32
      %scan3A_360 = arith.constant 0 : i32
      %scan3A_361 = arith.constant 32 : i32
      %scan3A_362 = arith.addi %scan3A_360, %scan3A_361 : i32
      %scan3A_363 = arith.constant 1 : i32
      scf.for %scan3A_1636 = %scan3A_360 to %scan3A_362 step %scan3A_363  : i32 {
        %mul3A_1637 = arith.constant 4 : i32
        %mul3A_1638 = arith.muli %scan3A_1636, %mul3A_1637 : i32
        %add3A_1639 = arith.constant 0 : i32
        %add3A_1640 = arith.addi %mul3A_1638, %add3A_1639 : i32
        %broadcast_in_dim3A = vector.broadcast %add3A_1640 : i32 to vector<16xi32>
        %get3A = arith.index_cast %add3A_1640 : i32 to index
        %get3A_1641 = arith.constant 0 : index
        %get3A_1642 = tpu.vector_load %arg6[%get3A, %get3A_1641] {strides = array<i32>} : memref<128x32xf32, #tpu.memory_space<vmem>>, vector<16xf32>,
        %add3A_1643 = arith.constant 0 : i32
        %add3A_1644 = vector.broadcast %add3A_1643 : i32 to vector<16xi32>
        %add3A_1645 = arith.addi %iota3A, %add3A_1644 : vector<16xi32>
        tpu.vector_store_idx %arg14[%add3A_1645, %broadcast_in_dim3A], %get3A_1642 : memref<32x129xf32, #tpu.memory_space<vmem>>[vector<16xi32>, vector<16xi32>], vector<16xf32>,
        %get3A_1646 = arith.index_cast %add3A_1640 : i32 to index
        %get3A_1647 = arith.constant 16 : index
        %get3A_1648 = tpu.vector_load %arg6[%get3A_1646, %get3A_1647] {strides = array<i32>} : memref<128x32xf32, #tpu.memory_space<vmem>>, vector<16xf32>,
        %add3A_1649 = arith.constant 16 : i32
        %add3A_1650 = vector.broadcast %add3A_1649 : i32 to vector<16xi32>
        %add3A_1651 = arith.addi %iota3A, %add3A_1650 : vector<16xi32>
        tpu.vector_store_idx %arg14[%add3A_1651, %broadcast_in_dim3A], %get3A_1648 : memref<32x129xf32, #tpu.memory_space<vmem>>[vector<16xi32>, vector<16xi32>], vector<16xf32>,
        %mul3A_1652 = arith.constant 4 : i32
        %mul3A_1653 = arith.muli %scan3A_1636, %mul3A_1652 : i32
        %add3A_1654 = arith.constant 1 : i32
        %add3A_1655 = arith.addi %mul3A_1653, %add3A_1654 : i32
        %broadcast_in_dim3A_1656 = vector.broadcast %add3A_1655 : i32 to vector<16xi32>
        %get3A_1657 = arith.index_cast %add3A_1655 : i32 to index
        %get3A_1658 = arith.constant 0 : index
        %get3A_1659 = tpu.vector_load %arg6[%get3A_1657, %get3A_1658] {strides = array<i32>} : memref<128x32xf32, #tpu.memory_space<vmem>>, vector<16xf32>,
        %add3A_1660 = arith.constant 0 : i32
        %add3A_1661 = vector.broadcast %add3A_1660 : i32 to vector<16xi32>
        %add3A_1662 = arith.addi %iota3A, %add3A_1661 : vector<16xi32>
        tpu.vector_store_idx %arg14[%add3A_1662, %broadcast_in_dim3A_1656], %get3A_1659 : memref<32x129xf32, #tpu.memory_space<vmem>>[vector<16xi32>, vector<16xi32>], vector<16xf32>,
        %get3A_1663 = arith.index_cast %add3A_1655 : i32 to index
        %get3A_1664 = arith.constant 16 : index
        %get3A_1665 = tpu.vector_load %arg6[%get3A_1663, %get3A_1664] {strides = array<i32>} : memref<128x32xf32, #tpu.memory_space<vmem>>, vector<16xf32>,
        %add3A_1666 = arith.constant 16 : i32
        %add3A_1667 = vector.broadcast %add3A_1666 : i32 to vector<16xi32>
        %add3A_1668 = arith.addi %iota3A, %add3A_1667 : vector<16xi32>
        tpu.vector_store_idx %arg14[%add3A_1668, %broadcast_in_dim3A_1656], %get3A_1665 : memref<32x129xf32, #tpu.memory_space<vmem>>[vector<16xi32>, vector<16xi32>], vector<16xf32>,
        %mul3A_1669 = arith.constant 4 : i32
        %mul3A_1670 = arith.muli %scan3A_1636, %mul3A_1669 : i32
        %add3A_1671 = arith.constant 2 : i32
        %add3A_1672 = arith.addi %mul3A_1670, %add3A_1671 : i32
        %broadcast_in_dim3A_1673 = vector.broadcast %add3A_1672 : i32 to vector<16xi32>
        %get3A_1674 = arith.index_cast %add3A_1672 : i32 to index
        %get3A_1675 = arith.constant 0 : index
        %get3A_1676 = tpu.vector_load %arg6[%get3A_1674, %get3A_1675] {strides = array<i32>} : memref<128x32xf32, #tpu.memory_space<vmem>>, vector<16xf32>,
        %add3A_1677 = arith.constant 0 : i32
        %add3A_1678 = vector.broadcast %add3A_1677 : i32 to vector<16xi32>
        %add3A_1679 = arith.addi %iota3A, %add3A_1678 : vector<16xi32>
        tpu.vector_store_idx %arg14[%add3A_1679, %broadcast_in_dim3A_1673], %get3A_1676 : memref<32x129xf32, #tpu.memory_space<vmem>>[vector<16xi32>, vector<16xi32>], vector<16xf32>,
        %get3A_1680 = arith.index_cast %add3A_1672 : i32 to index
        %get3A_1681 = arith.constant 16 : index
        %get3A_1682 = tpu.vector_load %arg6[%get3A_1680, %get3A_1681] {strides = array<i32>} : memref<128x32xf32, #tpu.memory_space<vmem>>, vector<16xf32>,
        %add3A_1683 = arith.constant 16 : i32
        %add3A_1684 = vector.broadcast %add3A_1683 : i32 to vector<16xi32>
        %add3A_1685 = arith.addi %iota3A, %add3A_1684 : vector<16xi32>
        tpu.vector_store_idx %arg14[%add3A_1685, %broadcast_in_dim3A_1673], %get3A_1682 : memref<32x129xf32, #tpu.memory_space<vmem>>[vector<16xi32>, vector<16xi32>], vector<16xf32>,
        %mul3A_1686 = arith.constant 4 : i32
        %mul3A_1687 = arith.muli %scan3A_1636, %mul3A_1686 : i32
        %add3A_1688 = arith.constant 3 : i32
        %add3A_1689 = arith.addi %mul3A_1687, %add3A_1688 : i32
        %broadcast_in_dim3A_1690 = vector.broadcast %add3A_1689 : i32 to vector<16xi32>
        %get3A_1691 = arith.index_cast %add3A_1689 : i32 to index
        %get3A_1692 = arith.constant 0 : index
        %get3A_1693 = tpu.vector_load %arg6[%get3A_1691, %get3A_1692] {strides = array<i32>} : memref<128x32xf32, #tpu.memory_space<vmem>>, vector<16xf32>,
        %add3A_1694 = arith.constant 0 : i32
        %add3A_1695 = vector.broadcast %add3A_1694 : i32 to vector<16xi32>
        %add3A_1696 = arith.addi %iota3A, %add3A_1695 : vector<16xi32>
        tpu.vector_store_idx %arg14[%add3A_1696, %broadcast_in_dim3A_1690], %get3A_1693 : memref<32x129xf32, #tpu.memory_space<vmem>>[vector<16xi32>, vector<16xi32>], vector<16xf32>,
        %get3A_1697 = arith.index_cast %add3A_1689 : i32 to index
        %get3A_1698 = arith.constant 16 : index
        %get3A_1699 = tpu.vector_load %arg6[%get3A_1697, %get3A_1698] {strides = array<i32>} : memref<128x32xf32, #tpu.memory_space<vmem>>, vector<16xf32>,
        %add3A_1700 = arith.constant 16 : i32
        %add3A_1701 = vector.broadcast %add3A_1700 : i32 to vector<16xi32>
        %add3A_1702 = arith.addi %iota3A, %add3A_1701 : vector<16xi32>
        tpu.vector_store_idx %arg14[%add3A_1702, %broadcast_in_dim3A_1690], %get3A_1699 : memref<32x129xf32, #tpu.memory_space<vmem>>[vector<16xi32>, vector<16xi32>], vector<16xf32>,
      }
      %scan3A_364 = arith.constant 32 : i32
      %mul3A_365 = arith.constant 4 : i32
      %mul3A_366 = arith.muli %mul3A_308, %mul3A_365 : i32
      %add3A_367 = arith.constant 0 : i32
      %add3A_368 = arith.addi %mul3A_366, %add3A_367 : i32
      %jit3A_369 = arith.constant 4 : i32
      %div3A_370 = arith.divsi %add3A_368, %jit3A_369 : i32
      %sign3A_371 = arith.constant 0 : i32
      %sign3A_372 = arith.cmpi sgt, %add3A_368, %sign3A_371 : i32
      %sign3A_373 = arith.extui %sign3A_372 : i1 to i32
      %sign3A_374 = arith.constant 0 : i32
      %sign3A_375 = arith.cmpi slt, %add3A_368, %sign3A_374 : i32
      %sign3A_376 = arith.extui %sign3A_375 : i1 to i32
      %sign3A_377 = arith.subi %sign3A_373, %sign3A_376 : i32
      %sign3A_378 = arith.constant 0 : i32
      %sign3A_379 = arith.cmpi sgt, %jit3A_369, %sign3A_378 : i32
      %sign3A_380 = arith.extui %sign3A_379 : i1 to i32
      %sign3A_381 = arith.constant 0 : i32
      %sign3A_382 = arith.cmpi slt, %jit3A_369, %sign3A_381 : i32
      %sign3A_383 = arith.extui %sign3A_382 : i1 to i32
      %sign3A_384 = arith.subi %sign3A_380, %sign3A_383 : i32
      %ne3A_385 = arith.cmpi ne, %sign3A_377, %sign3A_384 : i32
      %rem3A_386 = arith.remsi %add3A_368, %jit3A_369 : i32
      %ne3A_387 = arith.constant 0 : i32
      %ne3A_388 = arith.cmpi ne, %rem3A_386, %ne3A_387 : i32
      %and3A_389 = arith.andi %ne3A_385, %ne3A_388 : i1
      %sub3A_390 = arith.constant 1 : i32
      %sub3A_391 = arith.subi %div3A_370, %sub3A_390 : i32
      %select_n3A_392 = arith.select %and3A_389, %sub3A_391, %div3A_370 : i32
      %jit3A_393 = arith.constant 4 : i32
      %eq3A_394 = arith.constant 0 : i32
      %eq3A_395 = arith.cmpi eq, %jit3A_393, %eq3A_394 : i32
      %jit3A_396 = arith.constant 1 : i32
      %select_n3A_397 = arith.select %eq3A_395, %jit3A_396, %jit3A_393 : i32
      %rem3A_398 = arith.remsi %add3A_368, %select_n3A_397 : i32
      %ne3A_399 = arith.constant 0 : i32
      %ne3A_400 = arith.cmpi ne, %rem3A_398, %ne3A_399 : i32
      %lt3A_401 = arith.constant 0 : i32
      %lt3A_402 = arith.cmpi slt, %rem3A_398, %lt3A_401 : i32
      %lt3A_403 = arith.constant 0 : i32
      %lt3A_404 = arith.cmpi slt, %select_n3A_397, %lt3A_403 : i32
      %ne3A_405 = arith.xori %lt3A_402, %lt3A_404 : i1
      %and3A_406 = arith.andi %ne3A_405, %ne3A_400 : i1
      %add3A_407 = arith.addi %rem3A_398, %select_n3A_397 : i32
      %select_n3A_408 = arith.select %and3A_406, %add3A_407, %rem3A_398 : i32
      %mul3A_409 = arith.constant 4 : i32
      %mul3A_410 = arith.muli %add3A, %mul3A_409 : i32
      %add3A_411 = arith.addi %mul3A_410, %select_n3A_408 : i32
      %dma_start3A_412 = arith.constant 0 : i32
      %dma_start3A_413 = arith.constant 0 : i32
      %dma_start3A_414 = arith.constant 0 : i32
      %dma_start3A_415 = tpu.memref_slice %arg14[%dma_start3A_413, %dma_start3A_414] : memref<32x129xf32, #tpu.memory_space<vmem>> -> memref<8x128xf32, #tpu.memory_space<vmem>>
      %dma_start3A_416 = arith.constant 0 : i32
      %dma_start3A_417 = arith.constant 0 : i32
      %dma_start3A_418 = tpu.memref_slice %arg4[%select_n3A_392, %dma_start3A_412, %add3A_411, %dma_start3A_416, %dma_start3A_417] : memref<50x4x128x8x128xf32, #tpu.memory_space<hbm>> -> memref<1x1x1x8x128xf32, #tpu.memory_space<hbm>>
      %dma_start3A_419 = tpu.memref_squeeze %dma_start3A_418 : memref<1x1x1x8x128xf32, #tpu.memory_space<hbm>> -> memref<8x128xf32, #tpu.memory_space<hbm>>
      %dma_start3A_420 = arith.constant 0 : i32
      %dma_start3A_421 = arith.constant 0 : i32
      %dma_start3A_422 = tpu.memref_slice %arg4[%select_n3A_392, %dma_start3A_412, %add3A_411, %dma_start3A_420, %dma_start3A_421] : memref<50x4x128x8x128xf32, #tpu.memory_space<hbm>> -> memref<1x1x1x8x128xf32, #tpu.memory_space<hbm>>
      %dma_start3A_423 = tpu.memref_squeeze %dma_start3A_422 : memref<1x1x1x8x128xf32, #tpu.memory_space<hbm>> -> memref<8x128xf32, #tpu.memory_space<hbm>>
      %dma_start3A_424 = arith.constant 0 : i32
      %dma_start3A_425 = arith.constant 0 : i32
      %dma_start3A_426 = tpu.memref_slice %arg14[%dma_start3A_424, %dma_start3A_425] : memref<32x129xf32, #tpu.memory_space<vmem>> -> memref<8x128xf32, #tpu.memory_space<vmem>>
      tpu.enqueue_dma source(%dma_start3A_426 : memref<8x128xf32, #tpu.memory_space<vmem>>) target(%dma_start3A_423 : memref<8x128xf32, #tpu.memory_space<hbm>>) target_semaphore(%arg24 : memref<!tpu.dma_semaphore, #tpu.memory_space<semaphore_mem>>)
      %dma_start3A_427 = arith.constant 1 : i32
      %dma_start3A_428 = arith.constant 8 : i32
      %dma_start3A_429 = arith.constant 0 : i32
      %dma_start3A_430 = tpu.memref_slice %arg14[%dma_start3A_428, %dma_start3A_429] : memref<32x129xf32, #tpu.memory_space<vmem>> -> memref<8x128xf32, #tpu.memory_space<vmem>>
      %dma_start3A_431 = arith.constant 0 : i32
      %dma_start3A_432 = arith.constant 0 : i32
      %dma_start3A_433 = tpu.memref_slice %arg4[%select_n3A_392, %dma_start3A_427, %add3A_411, %dma_start3A_431, %dma_start3A_432] : memref<50x4x128x8x128xf32, #tpu.memory_space<hbm>> -> memref<1x1x1x8x128xf32, #tpu.memory_space<hbm>>
      %dma_start3A_434 = tpu.memref_squeeze %dma_start3A_433 : memref<1x1x1x8x128xf32, #tpu.memory_space<hbm>> -> memref<8x128xf32, #tpu.memory_space<hbm>>
      %dma_start3A_435 = arith.constant 0 : i32
      %dma_start3A_436 = arith.constant 0 : i32
      %dma_start3A_437 = tpu.memref_slice %arg4[%select_n3A_392, %dma_start3A_427, %add3A_411, %dma_start3A_435, %dma_start3A_436] : memref<50x4x128x8x128xf32, #tpu.memory_space<hbm>> -> memref<1x1x1x8x128xf32, #tpu.memory_space<hbm>>
      %dma_start3A_438 = tpu.memref_squeeze %dma_start3A_437 : memref<1x1x1x8x128xf32, #tpu.memory_space<hbm>> -> memref<8x128xf32, #tpu.memory_space<hbm>>
      %dma_start3A_439 = arith.constant 8 : i32
      %dma_start3A_440 = arith.constant 0 : i32
      %dma_start3A_441 = tpu.memref_slice %arg14[%dma_start3A_439, %dma_start3A_440] : memref<32x129xf32, #tpu.memory_space<vmem>> -> memref<8x128xf32, #tpu.memory_space<vmem>>
      tpu.enqueue_dma source(%dma_start3A_441 : memref<8x128xf32, #tpu.memory_space<vmem>>) target(%dma_start3A_438 : memref<8x128xf32, #tpu.memory_space<hbm>>) target_semaphore(%arg24 : memref<!tpu.dma_semaphore, #tpu.memory_space<semaphore_mem>>)
      %dma_start3A_442 = arith.constant 2 : i32
      %dma_start3A_443 = arith.constant 16 : i32
      %dma_start3A_444 = arith.constant 0 : i32
      %dma_start3A_445 = tpu.memref_slice %arg14[%dma_start3A_443, %dma_start3A_444] : memref<32x129xf32, #tpu.memory_space<vmem>> -> memref<8x128xf32, #tpu.memory_space<vmem>>
      %dma_start3A_446 = arith.constant 0 : i32
      %dma_start3A_447 = arith.constant 0 : i32
      %dma_start3A_448 = tpu.memref_slice %arg4[%select_n3A_392, %dma_start3A_442, %add3A_411, %dma_start3A_446, %dma_start3A_447] : memref<50x4x128x8x128xf32, #tpu.memory_space<hbm>> -> memref<1x1x1x8x128xf32, #tpu.memory_space<hbm>>
      %dma_start3A_449 = tpu.memref_squeeze %dma_start3A_448 : memref<1x1x1x8x128xf32, #tpu.memory_space<hbm>> -> memref<8x128xf32, #tpu.memory_space<hbm>>
      %dma_start3A_450 = arith.constant 0 : i32
      %dma_start3A_451 = arith.constant 0 : i32
      %dma_start3A_452 = tpu.memref_slice %arg4[%select_n3A_392, %dma_start3A_442, %add3A_411, %dma_start3A_450, %dma_start3A_451] : memref<50x4x128x8x128xf32, #tpu.memory_space<hbm>> -> memref<1x1x1x8x128xf32, #tpu.memory_space<hbm>>
      %dma_start3A_453 = tpu.memref_squeeze %dma_start3A_452 : memref<1x1x1x8x128xf32, #tpu.memory_space<hbm>> -> memref<8x128xf32, #tpu.memory_space<hbm>>
      %dma_start3A_454 = arith.constant 16 : i32
      %dma_start3A_455 = arith.constant 0 : i32
      %dma_start3A_456 = tpu.memref_slice %arg14[%dma_start3A_454, %dma_start3A_455] : memref<32x129xf32, #tpu.memory_space<vmem>> -> memref<8x128xf32, #tpu.memory_space<vmem>>
      tpu.enqueue_dma source(%dma_start3A_456 : memref<8x128xf32, #tpu.memory_space<vmem>>) target(%dma_start3A_453 : memref<8x128xf32, #tpu.memory_space<hbm>>) target_semaphore(%arg24 : memref<!tpu.dma_semaphore, #tpu.memory_space<semaphore_mem>>)
      %dma_start3A_457 = arith.constant 3 : i32
      %dma_start3A_458 = arith.constant 24 : i32
      %dma_start3A_459 = arith.constant 0 : i32
      %dma_start3A_460 = tpu.memref_slice %arg14[%dma_start3A_458, %dma_start3A_459] : memref<32x129xf32, #tpu.memory_space<vmem>> -> memref<8x128xf32, #tpu.memory_space<vmem>>
      %dma_start3A_461 = arith.constant 0 : i32
      %dma_start3A_462 = arith.constant 0 : i32
      %dma_start3A_463 = tpu.memref_slice %arg4[%select_n3A_392, %dma_start3A_457, %add3A_411, %dma_start3A_461, %dma_start3A_462] : memref<50x4x128x8x128xf32, #tpu.memory_space<hbm>> -> memref<1x1x1x8x128xf32, #tpu.memory_space<hbm>>
      %dma_start3A_464 = tpu.memref_squeeze %dma_start3A_463 : memref<1x1x1x8x128xf32, #tpu.memory_space<hbm>> -> memref<8x128xf32, #tpu.memory_space<hbm>>
      %dma_start3A_465 = arith.constant 0 : i32
      %dma_start3A_466 = arith.constant 0 : i32
      %dma_start3A_467 = tpu.memref_slice %arg4[%select_n3A_392, %dma_start3A_457, %add3A_411, %dma_start3A_465, %dma_start3A_466] : memref<50x4x128x8x128xf32, #tpu.memory_space<hbm>> -> memref<1x1x1x8x128xf32, #tpu.memory_space<hbm>>
      %dma_start3A_468 = tpu.memref_squeeze %dma_start3A_467 : memref<1x1x1x8x128xf32, #tpu.memory_space<hbm>> -> memref<8x128xf32, #tpu.memory_space<hbm>>
      %dma_start3A_469 = arith.constant 24 : i32
      %dma_start3A_470 = arith.constant 0 : i32
      %dma_start3A_471 = tpu.memref_slice %arg14[%dma_start3A_469, %dma_start3A_470] : memref<32x129xf32, #tpu.memory_space<vmem>> -> memref<8x128xf32, #tpu.memory_space<vmem>>
      tpu.enqueue_dma source(%dma_start3A_471 : memref<8x128xf32, #tpu.memory_space<vmem>>) target(%dma_start3A_468 : memref<8x128xf32, #tpu.memory_space<hbm>>) target_semaphore(%arg24 : memref<!tpu.dma_semaphore, #tpu.memory_space<semaphore_mem>>)
      %mul3A_472 = arith.constant 4 : i32
      %mul3A_473 = arith.muli %mul3A_308, %mul3A_472 : i32
      %add3A_474 = arith.constant 1 : i32
      %add3A_475 = arith.addi %mul3A_473, %add3A_474 : i32
      %jit3A_476 = arith.constant 4 : i32
      %div3A_477 = arith.divsi %add3A_475, %jit3A_476 : i32
      %sign3A_478 = arith.constant 0 : i32
      %sign3A_479 = arith.cmpi sgt, %add3A_475, %sign3A_478 : i32
      %sign3A_480 = arith.extui %sign3A_479 : i1 to i32
      %sign3A_481 = arith.constant 0 : i32
      %sign3A_482 = arith.cmpi slt, %add3A_475, %sign3A_481 : i32
      %sign3A_483 = arith.extui %sign3A_482 : i1 to i32
      %sign3A_484 = arith.subi %sign3A_480, %sign3A_483 : i32
      %sign3A_485 = arith.constant 0 : i32
      %sign3A_486 = arith.cmpi sgt, %jit3A_476, %sign3A_485 : i32
      %sign3A_487 = arith.extui %sign3A_486 : i1 to i32
      %sign3A_488 = arith.constant 0 : i32
      %sign3A_489 = arith.cmpi slt, %jit3A_476, %sign3A_488 : i32
      %sign3A_490 = arith.extui %sign3A_489 : i1 to i32
      %sign3A_491 = arith.subi %sign3A_487, %sign3A_490 : i32
      %ne3A_492 = arith.cmpi ne, %sign3A_484, %sign3A_491 : i32
      %rem3A_493 = arith.remsi %add3A_475, %jit3A_476 : i32
      %ne3A_494 = arith.constant 0 : i32
      %ne3A_495 = arith.cmpi ne, %rem3A_493, %ne3A_494 : i32
      %and3A_496 = arith.andi %ne3A_492, %ne3A_495 : i1
      %sub3A_497 = arith.constant 1 : i32
      %sub3A_498 = arith.subi %div3A_477, %sub3A_497 : i32
      %select_n3A_499 = arith.select %and3A_496, %sub3A_498, %div3A_477 : i32
      %jit3A_500 = arith.constant 4 : i32
      %eq3A_501 = arith.constant 0 : i32
      %eq3A_502 = arith.cmpi eq, %jit3A_500, %eq3A_501 : i32
      %jit3A_503 = arith.constant 1 : i32
      %select_n3A_504 = arith.select %eq3A_502, %jit3A_503, %jit3A_500 : i32
      %rem3A_505 = arith.remsi %add3A_475, %select_n3A_504 : i32
      %ne3A_506 = arith.constant 0 : i32
      %ne3A_507 = arith.cmpi ne, %rem3A_505, %ne3A_506 : i32
      %lt3A_508 = arith.constant 0 : i32
      %lt3A_509 = arith.cmpi slt, %rem3A_505, %lt3A_508 : i32
      %lt3A_510 = arith.constant 0 : i32
      %lt3A_511 = arith.cmpi slt, %select_n3A_504, %lt3A_510 : i32
      %ne3A_512 = arith.xori %lt3A_509, %lt3A_511 : i1
      %and3A_513 = arith.andi %ne3A_512, %ne3A_507 : i1
      %add3A_514 = arith.addi %rem3A_505, %select_n3A_504 : i32
      %select_n3A_515 = arith.select %and3A_513, %add3A_514, %rem3A_505 : i32
      %mul3A_516 = arith.constant 128 : i32
      %mul3A_517 = arith.muli %select_n3A_515, %mul3A_516 : i32
      %dma_wait3A_518 = tpu.memref_slice %arg5[%select_n3A_499, %mul3A_517] : memref<50x512xi32, #tpu.memory_space<vmem>> -> memref<1x128xi32, #tpu.memory_space<vmem>>
      %dma_wait3A_519 = tpu.memref_squeeze %dma_wait3A_518 : memref<1x128xi32, #tpu.memory_space<vmem>> -> memref<128xi32, #tpu.memory_space<vmem>>
      %dma_wait3A_520 = arith.constant 0 : i32
      %dma_wait3A_521 = arith.constant 0 : i32
      %dma_wait3A_522 = tpu.memref_slice %arg3[%dma_wait3A_520, %dma_wait3A_521] : memref<1000000x32xf32, #tpu.memory_space<hbm>> -> memref<1000000x32xf32, #tpu.memory_space<hbm>>
      tpu.wait_indirect_dma semaphore(%arg22 : memref<!tpu.dma_semaphore, #tpu.memory_space<semaphore_mem>>) src(%dma_wait3A_522 : memref<1000000x32xf32, #tpu.memory_space<hbm>>) dst(%arg7 : memref<128x32xf32, #tpu.memory_space<vmem>>)
      %scan3A_523 = arith.constant 0 : i32
      %scan3A_524 = arith.constant 0 : i32
      %scan3A_525 = arith.constant 32 : i32
      %scan3A_526 = arith.addi %scan3A_524, %scan3A_525 : i32
      %scan3A_527 = arith.constant 1 : i32
      scf.for %scan3A_1636 = %scan3A_524 to %scan3A_526 step %scan3A_527  : i32 {
        %mul3A_1637 = arith.constant 4 : i32
        %mul3A_1638 = arith.muli %scan3A_1636, %mul3A_1637 : i32
        %add3A_1639 = arith.constant 0 : i32
        %add3A_1640 = arith.addi %mul3A_1638, %add3A_1639 : i32
        %broadcast_in_dim3A = vector.broadcast %add3A_1640 : i32 to vector<16xi32>
        %get3A = arith.index_cast %add3A_1640 : i32 to index
        %get3A_1641 = arith.constant 0 : index
        %get3A_1642 = tpu.vector_load %arg7[%get3A, %get3A_1641] {strides = array<i32>} : memref<128x32xf32, #tpu.memory_space<vmem>>, vector<16xf32>,
        %add3A_1643 = arith.constant 0 : i32
        %add3A_1644 = vector.broadcast %add3A_1643 : i32 to vector<16xi32>
        %add3A_1645 = arith.addi %iota3A, %add3A_1644 : vector<16xi32>
        tpu.vector_store_idx %arg15[%add3A_1645, %broadcast_in_dim3A], %get3A_1642 : memref<32x129xf32, #tpu.memory_space<vmem>>[vector<16xi32>, vector<16xi32>], vector<16xf32>,
        %get3A_1646 = arith.index_cast %add3A_1640 : i32 to index
        %get3A_1647 = arith.constant 16 : index
        %get3A_1648 = tpu.vector_load %arg7[%get3A_1646, %get3A_1647] {strides = array<i32>} : memref<128x32xf32, #tpu.memory_space<vmem>>, vector<16xf32>,
        %add3A_1649 = arith.constant 16 : i32
        %add3A_1650 = vector.broadcast %add3A_1649 : i32 to vector<16xi32>
        %add3A_1651 = arith.addi %iota3A, %add3A_1650 : vector<16xi32>
        tpu.vector_store_idx %arg15[%add3A_1651, %broadcast_in_dim3A], %get3A_1648 : memref<32x129xf32, #tpu.memory_space<vmem>>[vector<16xi32>, vector<16xi32>], vector<16xf32>,
        %mul3A_1652 = arith.constant 4 : i32
        %mul3A_1653 = arith.muli %scan3A_1636, %mul3A_1652 : i32
        %add3A_1654 = arith.constant 1 : i32
        %add3A_1655 = arith.addi %mul3A_1653, %add3A_1654 : i32
        %broadcast_in_dim3A_1656 = vector.broadcast %add3A_1655 : i32 to vector<16xi32>
        %get3A_1657 = arith.index_cast %add3A_1655 : i32 to index
        %get3A_1658 = arith.constant 0 : index
        %get3A_1659 = tpu.vector_load %arg7[%get3A_1657, %get3A_1658] {strides = array<i32>} : memref<128x32xf32, #tpu.memory_space<vmem>>, vector<16xf32>,
        %add3A_1660 = arith.constant 0 : i32
        %add3A_1661 = vector.broadcast %add3A_1660 : i32 to vector<16xi32>
        %add3A_1662 = arith.addi %iota3A, %add3A_1661 : vector<16xi32>
        tpu.vector_store_idx %arg15[%add3A_1662, %broadcast_in_dim3A_1656], %get3A_1659 : memref<32x129xf32, #tpu.memory_space<vmem>>[vector<16xi32>, vector<16xi32>], vector<16xf32>,
        %get3A_1663 = arith.index_cast %add3A_1655 : i32 to index
        %get3A_1664 = arith.constant 16 : index
        %get3A_1665 = tpu.vector_load %arg7[%get3A_1663, %get3A_1664] {strides = array<i32>} : memref<128x32xf32, #tpu.memory_space<vmem>>, vector<16xf32>,
        %add3A_1666 = arith.constant 16 : i32
        %add3A_1667 = vector.broadcast %add3A_1666 : i32 to vector<16xi32>
        %add3A_1668 = arith.addi %iota3A, %add3A_1667 : vector<16xi32>
        tpu.vector_store_idx %arg15[%add3A_1668, %broadcast_in_dim3A_1656], %get3A_1665 : memref<32x129xf32, #tpu.memory_space<vmem>>[vector<16xi32>, vector<16xi32>], vector<16xf32>,
        %mul3A_1669 = arith.constant 4 : i32
        %mul3A_1670 = arith.muli %scan3A_1636, %mul3A_1669 : i32
        %add3A_1671 = arith.constant 2 : i32
        %add3A_1672 = arith.addi %mul3A_1670, %add3A_1671 : i32
        %broadcast_in_dim3A_1673 = vector.broadcast %add3A_1672 : i32 to vector<16xi32>
        %get3A_1674 = arith.index_cast %add3A_1672 : i32 to index
        %get3A_1675 = arith.constant 0 : index
        %get3A_1676 = tpu.vector_load %arg7[%get3A_1674, %get3A_1675] {strides = array<i32>} : memref<128x32xf32, #tpu.memory_space<vmem>>, vector<16xf32>,
        %add3A_1677 = arith.constant 0 : i32
        %add3A_1678 = vector.broadcast %add3A_1677 : i32 to vector<16xi32>
        %add3A_1679 = arith.addi %iota3A, %add3A_1678 : vector<16xi32>
        tpu.vector_store_idx %arg15[%add3A_1679, %broadcast_in_dim3A_1673], %get3A_1676 : memref<32x129xf32, #tpu.memory_space<vmem>>[vector<16xi32>, vector<16xi32>], vector<16xf32>,
        %get3A_1680 = arith.index_cast %add3A_1672 : i32 to index
        %get3A_1681 = arith.constant 16 : index
        %get3A_1682 = tpu.vector_load %arg7[%get3A_1680, %get3A_1681] {strides = array<i32>} : memref<128x32xf32, #tpu.memory_space<vmem>>, vector<16xf32>,
        %add3A_1683 = arith.constant 16 : i32
        %add3A_1684 = vector.broadcast %add3A_1683 : i32 to vector<16xi32>
        %add3A_1685 = arith.addi %iota3A, %add3A_1684 : vector<16xi32>
        tpu.vector_store_idx %arg15[%add3A_1685, %broadcast_in_dim3A_1673], %get3A_1682 : memref<32x129xf32, #tpu.memory_space<vmem>>[vector<16xi32>, vector<16xi32>], vector<16xf32>,
        %mul3A_1686 = arith.constant 4 : i32
        %mul3A_1687 = arith.muli %scan3A_1636, %mul3A_1686 : i32
        %add3A_1688 = arith.constant 3 : i32
        %add3A_1689 = arith.addi %mul3A_1687, %add3A_1688 : i32
        %broadcast_in_dim3A_1690 = vector.broadcast %add3A_1689 : i32 to vector<16xi32>
        %get3A_1691 = arith.index_cast %add3A_1689 : i32 to index
        %get3A_1692 = arith.constant 0 : index
        %get3A_1693 = tpu.vector_load %arg7[%get3A_1691, %get3A_1692] {strides = array<i32>} : memref<128x32xf32, #tpu.memory_space<vmem>>, vector<16xf32>,
        %add3A_1694 = arith.constant 0 : i32
        %add3A_1695 = vector.broadcast %add3A_1694 : i32 to vector<16xi32>
        %add3A_1696 = arith.addi %iota3A, %add3A_1695 : vector<16xi32>
        tpu.vector_store_idx %arg15[%add3A_1696, %broadcast_in_dim3A_1690], %get3A_1693 : memref<32x129xf32, #tpu.memory_space<vmem>>[vector<16xi32>, vector<16xi32>], vector<16xf32>,
        %get3A_1697 = arith.index_cast %add3A_1689 : i32 to index
        %get3A_1698 = arith.constant 16 : index
        %get3A_1699 = tpu.vector_load %arg7[%get3A_1697, %get3A_1698] {strides = array<i32>} : memref<128x32xf32, #tpu.memory_space<vmem>>, vector<16xf32>,
        %add3A_1700 = arith.constant 16 : i32
        %add3A_1701 = vector.broadcast %add3A_1700 : i32 to vector<16xi32>
        %add3A_1702 = arith.addi %iota3A, %add3A_1701 : vector<16xi32>
        tpu.vector_store_idx %arg15[%add3A_1702, %broadcast_in_dim3A_1690], %get3A_1699 : memref<32x129xf32, #tpu.memory_space<vmem>>[vector<16xi32>, vector<16xi32>], vector<16xf32>,
      }
      %scan3A_528 = arith.constant 32 : i32
      %mul3A_529 = arith.constant 4 : i32
      %mul3A_530 = arith.muli %mul3A_308, %mul3A_529 : i32
      %add3A_531 = arith.constant 1 : i32
      %add3A_532 = arith.addi %mul3A_530, %add3A_531 : i32
      %jit3A_533 = arith.constant 4 : i32
      %div3A_534 = arith.divsi %add3A_532, %jit3A_533 : i32
      %sign3A_535 = arith.constant 0 : i32
      %sign3A_536 = arith.cmpi sgt, %add3A_532, %sign3A_535 : i32
      %sign3A_537 = arith.extui %sign3A_536 : i1 to i32
      %sign3A_538 = arith.constant 0 : i32
      %sign3A_539 = arith.cmpi slt, %add3A_532, %sign3A_538 : i32
      %sign3A_540 = arith.extui %sign3A_539 : i1 to i32
      %sign3A_541 = arith.subi %sign3A_537, %sign3A_540 : i32
      %sign3A_542 = arith.constant 0 : i32
      %sign3A_543 = arith.cmpi sgt, %jit3A_533, %sign3A_542 : i32
      %sign3A_544 = arith.extui %sign3A_543 : i1 to i32
      %sign3A_545 = arith.constant 0 : i32
      %sign3A_546 = arith.cmpi slt, %jit3A_533, %sign3A_545 : i32
      %sign3A_547 = arith.extui %sign3A_546 : i1 to i32
      %sign3A_548 = arith.subi %sign3A_544, %sign3A_547 : i32
      %ne3A_549 = arith.cmpi ne, %sign3A_541, %sign3A_548 : i32
      %rem3A_550 = arith.remsi %add3A_532, %jit3A_533 : i32
      %ne3A_551 = arith.constant 0 : i32
      %ne3A_552 = arith.cmpi ne, %rem3A_550, %ne3A_551 : i32
      %and3A_553 = arith.andi %ne3A_549, %ne3A_552 : i1
      %sub3A_554 = arith.constant 1 : i32
      %sub3A_555 = arith.subi %div3A_534, %sub3A_554 : i32
      %select_n3A_556 = arith.select %and3A_553, %sub3A_555, %div3A_534 : i32
      %jit3A_557 = arith.constant 4 : i32
      %eq3A_558 = arith.constant 0 : i32
      %eq3A_559 = arith.cmpi eq, %jit3A_557, %eq3A_558 : i32
      %jit3A_560 = arith.constant 1 : i32
      %select_n3A_561 = arith.select %eq3A_559, %jit3A_560, %jit3A_557 : i32
      %rem3A_562 = arith.remsi %add3A_532, %select_n3A_561 : i32
      %ne3A_563 = arith.constant 0 : i32
      %ne3A_564 = arith.cmpi ne, %rem3A_562, %ne3A_563 : i32
      %lt3A_565 = arith.constant 0 : i32
      %lt3A_566 = arith.cmpi slt, %rem3A_562, %lt3A_565 : i32
      %lt3A_567 = arith.constant 0 : i32
      %lt3A_568 = arith.cmpi slt, %select_n3A_561, %lt3A_567 : i32
      %ne3A_569 = arith.xori %lt3A_566, %lt3A_568 : i1
      %and3A_570 = arith.andi %ne3A_569, %ne3A_564 : i1
      %add3A_571 = arith.addi %rem3A_562, %select_n3A_561 : i32
      %select_n3A_572 = arith.select %and3A_570, %add3A_571, %rem3A_562 : i32
      %mul3A_573 = arith.constant 4 : i32
      %mul3A_574 = arith.muli %add3A, %mul3A_573 : i32
      %add3A_575 = arith.addi %mul3A_574, %select_n3A_572 : i32
      %dma_start3A_576 = arith.constant 0 : i32
      %dma_start3A_577 = arith.constant 0 : i32
      %dma_start3A_578 = arith.constant 0 : i32
      %dma_start3A_579 = tpu.memref_slice %arg15[%dma_start3A_577, %dma_start3A_578] : memref<32x129xf32, #tpu.memory_space<vmem>> -> memref<8x128xf32, #tpu.memory_space<vmem>>
      %dma_start3A_580 = arith.constant 0 : i32
      %dma_start3A_581 = arith.constant 0 : i32
      %dma_start3A_582 = tpu.memref_slice %arg4[%select_n3A_556, %dma_start3A_576, %add3A_575, %dma_start3A_580, %dma_start3A_581] : memref<50x4x128x8x128xf32, #tpu.memory_space<hbm>> -> memref<1x1x1x8x128xf32, #tpu.memory_space<hbm>>
      %dma_start3A_583 = tpu.memref_squeeze %dma_start3A_582 : memref<1x1x1x8x128xf32, #tpu.memory_space<hbm>> -> memref<8x128xf32, #tpu.memory_space<hbm>>
      %dma_start3A_584 = arith.constant 0 : i32
      %dma_start3A_585 = arith.constant 0 : i32
      %dma_start3A_586 = tpu.memref_slice %arg4[%select_n3A_556, %dma_start3A_576, %add3A_575, %dma_start3A_584, %dma_start3A_585] : memref<50x4x128x8x128xf32, #tpu.memory_space<hbm>> -> memref<1x1x1x8x128xf32, #tpu.memory_space<hbm>>
      %dma_start3A_587 = tpu.memref_squeeze %dma_start3A_586 : memref<1x1x1x8x128xf32, #tpu.memory_space<hbm>> -> memref<8x128xf32, #tpu.memory_space<hbm>>
      %dma_start3A_588 = arith.constant 0 : i32
      %dma_start3A_589 = arith.constant 0 : i32
      %dma_start3A_590 = tpu.memref_slice %arg15[%dma_start3A_588, %dma_start3A_589] : memref<32x129xf32, #tpu.memory_space<vmem>> -> memref<8x128xf32, #tpu.memory_space<vmem>>
      tpu.enqueue_dma source(%dma_start3A_590 : memref<8x128xf32, #tpu.memory_space<vmem>>) target(%dma_start3A_587 : memref<8x128xf32, #tpu.memory_space<hbm>>) target_semaphore(%arg24 : memref<!tpu.dma_semaphore, #tpu.memory_space<semaphore_mem>>)
      %dma_start3A_591 = arith.constant 1 : i32
      %dma_start3A_592 = arith.constant 8 : i32
      %dma_start3A_593 = arith.constant 0 : i32
      %dma_start3A_594 = tpu.memref_slice %arg15[%dma_start3A_592, %dma_start3A_593] : memref<32x129xf32, #tpu.memory_space<vmem>> -> memref<8x128xf32, #tpu.memory_space<vmem>>
      %dma_start3A_595 = arith.constant 0 : i32
      %dma_start3A_596 = arith.constant 0 : i32
      %dma_start3A_597 = tpu.memref_slice %arg4[%select_n3A_556, %dma_start3A_591, %add3A_575, %dma_start3A_595, %dma_start3A_596] : memref<50x4x128x8x128xf32, #tpu.memory_space<hbm>> -> memref<1x1x1x8x128xf32, #tpu.memory_space<hbm>>
      %dma_start3A_598 = tpu.memref_squeeze %dma_start3A_597 : memref<1x1x1x8x128xf32, #tpu.memory_space<hbm>> -> memref<8x128xf32, #tpu.memory_space<hbm>>
      %dma_start3A_599 = arith.constant 0 : i32
      %dma_start3A_600 = arith.constant 0 : i32
      %dma_start3A_601 = tpu.memref_slice %arg4[%select_n3A_556, %dma_start3A_591, %add3A_575, %dma_start3A_599, %dma_start3A_600] : memref<50x4x128x8x128xf32, #tpu.memory_space<hbm>> -> memref<1x1x1x8x128xf32, #tpu.memory_space<hbm>>
      %dma_start3A_602 = tpu.memref_squeeze %dma_start3A_601 : memref<1x1x1x8x128xf32, #tpu.memory_space<hbm>> -> memref<8x128xf32, #tpu.memory_space<hbm>>
      %dma_start3A_603 = arith.constant 8 : i32
      %dma_start3A_604 = arith.constant 0 : i32
      %dma_start3A_605 = tpu.memref_slice %arg15[%dma_start3A_603, %dma_start3A_604] : memref<32x129xf32, #tpu.memory_space<vmem>> -> memref<8x128xf32, #tpu.memory_space<vmem>>
      tpu.enqueue_dma source(%dma_start3A_605 : memref<8x128xf32, #tpu.memory_space<vmem>>) target(%dma_start3A_602 : memref<8x128xf32, #tpu.memory_space<hbm>>) target_semaphore(%arg24 : memref<!tpu.dma_semaphore, #tpu.memory_space<semaphore_mem>>)
      %dma_start3A_606 = arith.constant 2 : i32
      %dma_start3A_607 = arith.constant 16 : i32
      %dma_start3A_608 = arith.constant 0 : i32
      %dma_start3A_609 = tpu.memref_slice %arg15[%dma_start3A_607, %dma_start3A_608] : memref<32x129xf32, #tpu.memory_space<vmem>> -> memref<8x128xf32, #tpu.memory_space<vmem>>
      %dma_start3A_610 = arith.constant 0 : i32
      %dma_start3A_611 = arith.constant 0 : i32
      %dma_start3A_612 = tpu.memref_slice %arg4[%select_n3A_556, %dma_start3A_606, %add3A_575, %dma_start3A_610, %dma_start3A_611] : memref<50x4x128x8x128xf32, #tpu.memory_space<hbm>> -> memref<1x1x1x8x128xf32, #tpu.memory_space<hbm>>
      %dma_start3A_613 = tpu.memref_squeeze %dma_start3A_612 : memref<1x1x1x8x128xf32, #tpu.memory_space<hbm>> -> memref<8x128xf32, #tpu.memory_space<hbm>>
      %dma_start3A_614 = arith.constant 0 : i32
      %dma_start3A_615 = arith.constant 0 : i32
      %dma_start3A_616 = tpu.memref_slice %arg4[%select_n3A_556, %dma_start3A_606, %add3A_575, %dma_start3A_614, %dma_start3A_615] : memref<50x4x128x8x128xf32, #tpu.memory_space<hbm>> -> memref<1x1x1x8x128xf32, #tpu.memory_space<hbm>>
      %dma_start3A_617 = tpu.memref_squeeze %dma_start3A_616 : memref<1x1x1x8x128xf32, #tpu.memory_space<hbm>> -> memref<8x128xf32, #tpu.memory_space<hbm>>
      %dma_start3A_618 = arith.constant 16 : i32
      %dma_start3A_619 = arith.constant 0 : i32
      %dma_start3A_620 = tpu.memref_slice %arg15[%dma_start3A_618, %dma_start3A_619] : memref<32x129xf32, #tpu.memory_space<vmem>> -> memref<8x128xf32, #tpu.memory_space<vmem>>
      tpu.enqueue_dma source(%dma_start3A_620 : memref<8x128xf32, #tpu.memory_space<vmem>>) target(%dma_start3A_617 : memref<8x128xf32, #tpu.memory_space<hbm>>) target_semaphore(%arg24 : memref<!tpu.dma_semaphore, #tpu.memory_space<semaphore_mem>>)
      %dma_start3A_621 = arith.constant 3 : i32
      %dma_start3A_622 = arith.constant 24 : i32
      %dma_start3A_623 = arith.constant 0 : i32
      %dma_start3A_624 = tpu.memref_slice %arg15[%dma_start3A_622, %dma_start3A_623] : memref<32x129xf32, #tpu.memory_space<vmem>> -> memref<8x128xf32, #tpu.memory_space<vmem>>
      %dma_start3A_625 = arith.constant 0 : i32
      %dma_start3A_626 = arith.constant 0 : i32
      %dma_start3A_627 = tpu.memref_slice %arg4[%select_n3A_556, %dma_start3A_621, %add3A_575, %dma_start3A_625, %dma_start3A_626] : memref<50x4x128x8x128xf32, #tpu.memory_space<hbm>> -> memref<1x1x1x8x128xf32, #tpu.memory_space<hbm>>
      %dma_start3A_628 = tpu.memref_squeeze %dma_start3A_627 : memref<1x1x1x8x128xf32, #tpu.memory_space<hbm>> -> memref<8x128xf32, #tpu.memory_space<hbm>>
      %dma_start3A_629 = arith.constant 0 : i32
      %dma_start3A_630 = arith.constant 0 : i32
      %dma_start3A_631 = tpu.memref_slice %arg4[%select_n3A_556, %dma_start3A_621, %add3A_575, %dma_start3A_629, %dma_start3A_630] : memref<50x4x128x8x128xf32, #tpu.memory_space<hbm>> -> memref<1x1x1x8x128xf32, #tpu.memory_space<hbm>>
      %dma_start3A_632 = tpu.memref_squeeze %dma_start3A_631 : memref<1x1x1x8x128xf32, #tpu.memory_space<hbm>> -> memref<8x128xf32, #tpu.memory_space<hbm>>
      %dma_start3A_633 = arith.constant 24 : i32
      %dma_start3A_634 = arith.constant 0 : i32
      %dma_start3A_635 = tpu.memref_slice %arg15[%dma_start3A_633, %dma_start3A_634] : memref<32x129xf32, #tpu.memory_space<vmem>> -> memref<8x128xf32, #tpu.memory_space<vmem>>
      tpu.enqueue_dma source(%dma_start3A_635 : memref<8x128xf32, #tpu.memory_space<vmem>>) target(%dma_start3A_632 : memref<8x128xf32, #tpu.memory_space<hbm>>) target_semaphore(%arg24 : memref<!tpu.dma_semaphore, #tpu.memory_space<semaphore_mem>>)
      %mul3A_636 = arith.constant 4 : i32
      %mul3A_637 = arith.muli %mul3A_308, %mul3A_636 : i32
      %add3A_638 = arith.constant 2 : i32
      %add3A_639 = arith.addi %mul3A_637, %add3A_638 : i32
      %jit3A_640 = arith.constant 4 : i32
      %div3A_641 = arith.divsi %add3A_639, %jit3A_640 : i32
      %sign3A_642 = arith.constant 0 : i32
      %sign3A_643 = arith.cmpi sgt, %add3A_639, %sign3A_642 : i32
      %sign3A_644 = arith.extui %sign3A_643 : i1 to i32
      %sign3A_645 = arith.constant 0 : i32
      %sign3A_646 = arith.cmpi slt, %add3A_639, %sign3A_645 : i32
      %sign3A_647 = arith.extui %sign3A_646 : i1 to i32
      %sign3A_648 = arith.subi %sign3A_644, %sign3A_647 : i32
      %sign3A_649 = arith.constant 0 : i32
      %sign3A_650 = arith.cmpi sgt, %jit3A_640, %sign3A_649 : i32
      %sign3A_651 = arith.extui %sign3A_650 : i1 to i32
      %sign3A_652 = arith.constant 0 : i32
      %sign3A_653 = arith.cmpi slt, %jit3A_640, %sign3A_652 : i32
      %sign3A_654 = arith.extui %sign3A_653 : i1 to i32
      %sign3A_655 = arith.subi %sign3A_651, %sign3A_654 : i32
      %ne3A_656 = arith.cmpi ne, %sign3A_648, %sign3A_655 : i32
      %rem3A_657 = arith.remsi %add3A_639, %jit3A_640 : i32
      %ne3A_658 = arith.constant 0 : i32
      %ne3A_659 = arith.cmpi ne, %rem3A_657, %ne3A_658 : i32
      %and3A_660 = arith.andi %ne3A_656, %ne3A_659 : i1
      %sub3A_661 = arith.constant 1 : i32
      %sub3A_662 = arith.subi %div3A_641, %sub3A_661 : i32
      %select_n3A_663 = arith.select %and3A_660, %sub3A_662, %div3A_641 : i32
      %jit3A_664 = arith.constant 4 : i32
      %eq3A_665 = arith.constant 0 : i32
      %eq3A_666 = arith.cmpi eq, %jit3A_664, %eq3A_665 : i32
      %jit3A_667 = arith.constant 1 : i32
      %select_n3A_668 = arith.select %eq3A_666, %jit3A_667, %jit3A_664 : i32
      %rem3A_669 = arith.remsi %add3A_639, %select_n3A_668 : i32
      %ne3A_670 = arith.constant 0 : i32
      %ne3A_671 = arith.cmpi ne, %rem3A_669, %ne3A_670 : i32
      %lt3A_672 = arith.constant 0 : i32
      %lt3A_673 = arith.cmpi slt, %rem3A_669, %lt3A_672 : i32
      %lt3A_674 = arith.constant 0 : i32
      %lt3A_675 = arith.cmpi slt, %select_n3A_668, %lt3A_674 : i32
      %ne3A_676 = arith.xori %lt3A_673, %lt3A_675 : i1
      %and3A_677 = arith.andi %ne3A_676, %ne3A_671 : i1
      %add3A_678 = arith.addi %rem3A_669, %select_n3A_668 : i32
      %select_n3A_679 = arith.select %and3A_677, %add3A_678, %rem3A_669 : i32
      %mul3A_680 = arith.constant 128 : i32
      %mul3A_681 = arith.muli %select_n3A_679, %mul3A_680 : i32
      %dma_wait3A_682 = tpu.memref_slice %arg5[%select_n3A_663, %mul3A_681] : memref<50x512xi32, #tpu.memory_space<vmem>> -> memref<1x128xi32, #tpu.memory_space<vmem>>
      %dma_wait3A_683 = tpu.memref_squeeze %dma_wait3A_682 : memref<1x128xi32, #tpu.memory_space<vmem>> -> memref<128xi32, #tpu.memory_space<vmem>>
      %dma_wait3A_684 = arith.constant 0 : i32
      %dma_wait3A_685 = arith.constant 0 : i32
      %dma_wait3A_686 = tpu.memref_slice %arg3[%dma_wait3A_684, %dma_wait3A_685] : memref<1000000x32xf32, #tpu.memory_space<hbm>> -> memref<1000000x32xf32, #tpu.memory_space<hbm>>
      tpu.wait_indirect_dma semaphore(%arg22 : memref<!tpu.dma_semaphore, #tpu.memory_space<semaphore_mem>>) src(%dma_wait3A_686 : memref<1000000x32xf32, #tpu.memory_space<hbm>>) dst(%arg8 : memref<128x32xf32, #tpu.memory_space<vmem>>)
      %scan3A_687 = arith.constant 0 : i32
      %scan3A_688 = arith.constant 0 : i32
      %scan3A_689 = arith.constant 32 : i32
      %scan3A_690 = arith.addi %scan3A_688, %scan3A_689 : i32
      %scan3A_691 = arith.constant 1 : i32
      scf.for %scan3A_1636 = %scan3A_688 to %scan3A_690 step %scan3A_691  : i32 {
        %mul3A_1637 = arith.constant 4 : i32
        %mul3A_1638 = arith.muli %scan3A_1636, %mul3A_1637 : i32
        %add3A_1639 = arith.constant 0 : i32
        %add3A_1640 = arith.addi %mul3A_1638, %add3A_1639 : i32
        %broadcast_in_dim3A = vector.broadcast %add3A_1640 : i32 to vector<16xi32>
        %get3A = arith.index_cast %add3A_1640 : i32 to index
        %get3A_1641 = arith.constant 0 : index
        %get3A_1642 = tpu.vector_load %arg8[%get3A, %get3A_1641] {strides = array<i32>} : memref<128x32xf32, #tpu.memory_space<vmem>>, vector<16xf32>,
        %add3A_1643 = arith.constant 0 : i32
        %add3A_1644 = vector.broadcast %add3A_1643 : i32 to vector<16xi32>
        %add3A_1645 = arith.addi %iota3A, %add3A_1644 : vector<16xi32>
        tpu.vector_store_idx %arg16[%add3A_1645, %broadcast_in_dim3A], %get3A_1642 : memref<32x129xf32, #tpu.memory_space<vmem>>[vector<16xi32>, vector<16xi32>], vector<16xf32>,
        %get3A_1646 = arith.index_cast %add3A_1640 : i32 to index
        %get3A_1647 = arith.constant 16 : index
        %get3A_1648 = tpu.vector_load %arg8[%get3A_1646, %get3A_1647] {strides = array<i32>} : memref<128x32xf32, #tpu.memory_space<vmem>>, vector<16xf32>,
        %add3A_1649 = arith.constant 16 : i32
        %add3A_1650 = vector.broadcast %add3A_1649 : i32 to vector<16xi32>
        %add3A_1651 = arith.addi %iota3A, %add3A_1650 : vector<16xi32>
        tpu.vector_store_idx %arg16[%add3A_1651, %broadcast_in_dim3A], %get3A_1648 : memref<32x129xf32, #tpu.memory_space<vmem>>[vector<16xi32>, vector<16xi32>], vector<16xf32>,
        %mul3A_1652 = arith.constant 4 : i32
        %mul3A_1653 = arith.muli %scan3A_1636, %mul3A_1652 : i32
        %add3A_1654 = arith.constant 1 : i32
        %add3A_1655 = arith.addi %mul3A_1653, %add3A_1654 : i32
        %broadcast_in_dim3A_1656 = vector.broadcast %add3A_1655 : i32 to vector<16xi32>
        %get3A_1657 = arith.index_cast %add3A_1655 : i32 to index
        %get3A_1658 = arith.constant 0 : index
        %get3A_1659 = tpu.vector_load %arg8[%get3A_1657, %get3A_1658] {strides = array<i32>} : memref<128x32xf32, #tpu.memory_space<vmem>>, vector<16xf32>,
        %add3A_1660 = arith.constant 0 : i32
        %add3A_1661 = vector.broadcast %add3A_1660 : i32 to vector<16xi32>
        %add3A_1662 = arith.addi %iota3A, %add3A_1661 : vector<16xi32>
        tpu.vector_store_idx %arg16[%add3A_1662, %broadcast_in_dim3A_1656], %get3A_1659 : memref<32x129xf32, #tpu.memory_space<vmem>>[vector<16xi32>, vector<16xi32>], vector<16xf32>,
        %get3A_1663 = arith.index_cast %add3A_1655 : i32 to index
        %get3A_1664 = arith.constant 16 : index
        %get3A_1665 = tpu.vector_load %arg8[%get3A_1663, %get3A_1664] {strides = array<i32>} : memref<128x32xf32, #tpu.memory_space<vmem>>, vector<16xf32>,
        %add3A_1666 = arith.constant 16 : i32
        %add3A_1667 = vector.broadcast %add3A_1666 : i32 to vector<16xi32>
        %add3A_1668 = arith.addi %iota3A, %add3A_1667 : vector<16xi32>
        tpu.vector_store_idx %arg16[%add3A_1668, %broadcast_in_dim3A_1656], %get3A_1665 : memref<32x129xf32, #tpu.memory_space<vmem>>[vector<16xi32>, vector<16xi32>], vector<16xf32>,
        %mul3A_1669 = arith.constant 4 : i32
        %mul3A_1670 = arith.muli %scan3A_1636, %mul3A_1669 : i32
        %add3A_1671 = arith.constant 2 : i32
        %add3A_1672 = arith.addi %mul3A_1670, %add3A_1671 : i32
        %broadcast_in_dim3A_1673 = vector.broadcast %add3A_1672 : i32 to vector<16xi32>
        %get3A_1674 = arith.index_cast %add3A_1672 : i32 to index
        %get3A_1675 = arith.constant 0 : index
        %get3A_1676 = tpu.vector_load %arg8[%get3A_1674, %get3A_1675] {strides = array<i32>} : memref<128x32xf32, #tpu.memory_space<vmem>>, vector<16xf32>,
        %add3A_1677 = arith.constant 0 : i32
        %add3A_1678 = vector.broadcast %add3A_1677 : i32 to vector<16xi32>
        %add3A_1679 = arith.addi %iota3A, %add3A_1678 : vector<16xi32>
        tpu.vector_store_idx %arg16[%add3A_1679, %broadcast_in_dim3A_1673], %get3A_1676 : memref<32x129xf32, #tpu.memory_space<vmem>>[vector<16xi32>, vector<16xi32>], vector<16xf32>,
        %get3A_1680 = arith.index_cast %add3A_1672 : i32 to index
        %get3A_1681 = arith.constant 16 : index
        %get3A_1682 = tpu.vector_load %arg8[%get3A_1680, %get3A_1681] {strides = array<i32>} : memref<128x32xf32, #tpu.memory_space<vmem>>, vector<16xf32>,
        %add3A_1683 = arith.constant 16 : i32
        %add3A_1684 = vector.broadcast %add3A_1683 : i32 to vector<16xi32>
        %add3A_1685 = arith.addi %iota3A, %add3A_1684 : vector<16xi32>
        tpu.vector_store_idx %arg16[%add3A_1685, %broadcast_in_dim3A_1673], %get3A_1682 : memref<32x129xf32, #tpu.memory_space<vmem>>[vector<16xi32>, vector<16xi32>], vector<16xf32>,
        %mul3A_1686 = arith.constant 4 : i32
        %mul3A_1687 = arith.muli %scan3A_1636, %mul3A_1686 : i32
        %add3A_1688 = arith.constant 3 : i32
        %add3A_1689 = arith.addi %mul3A_1687, %add3A_1688 : i32
        %broadcast_in_dim3A_1690 = vector.broadcast %add3A_1689 : i32 to vector<16xi32>
        %get3A_1691 = arith.index_cast %add3A_1689 : i32 to index
        %get3A_1692 = arith.constant 0 : index
        %get3A_1693 = tpu.vector_load %arg8[%get3A_1691, %get3A_1692] {strides = array<i32>} : memref<128x32xf32, #tpu.memory_space<vmem>>, vector<16xf32>,
        %add3A_1694 = arith.constant 0 : i32
        %add3A_1695 = vector.broadcast %add3A_1694 : i32 to vector<16xi32>
        %add3A_1696 = arith.addi %iota3A, %add3A_1695 : vector<16xi32>
        tpu.vector_store_idx %arg16[%add3A_1696, %broadcast_in_dim3A_1690], %get3A_1693 : memref<32x129xf32, #tpu.memory_space<vmem>>[vector<16xi32>, vector<16xi32>], vector<16xf32>,
        %get3A_1697 = arith.index_cast %add3A_1689 : i32 to index
        %get3A_1698 = arith.constant 16 : index
        %get3A_1699 = tpu.vector_load %arg8[%get3A_1697, %get3A_1698] {strides = array<i32>} : memref<128x32xf32, #tpu.memory_space<vmem>>, vector<16xf32>,
        %add3A_1700 = arith.constant 16 : i32
        %add3A_1701 = vector.broadcast %add3A_1700 : i32 to vector<16xi32>
        %add3A_1702 = arith.addi %iota3A, %add3A_1701 : vector<16xi32>
        tpu.vector_store_idx %arg16[%add3A_1702, %broadcast_in_dim3A_1690], %get3A_1699 : memref<32x129xf32, #tpu.memory_space<vmem>>[vector<16xi32>, vector<16xi32>], vector<16xf32>,
      }
      %scan3A_692 = arith.constant 32 : i32
      %mul3A_693 = arith.constant 4 : i32
      %mul3A_694 = arith.muli %mul3A_308, %mul3A_693 : i32
      %add3A_695 = arith.constant 2 : i32
      %add3A_696 = arith.addi %mul3A_694, %add3A_695 : i32
      %jit3A_697 = arith.constant 4 : i32
      %div3A_698 = arith.divsi %add3A_696, %jit3A_697 : i32
      %sign3A_699 = arith.constant 0 : i32
      %sign3A_700 = arith.cmpi sgt, %add3A_696, %sign3A_699 : i32
      %sign3A_701 = arith.extui %sign3A_700 : i1 to i32
      %sign3A_702 = arith.constant 0 : i32
      %sign3A_703 = arith.cmpi slt, %add3A_696, %sign3A_702 : i32
      %sign3A_704 = arith.extui %sign3A_703 : i1 to i32
      %sign3A_705 = arith.subi %sign3A_701, %sign3A_704 : i32
      %sign3A_706 = arith.constant 0 : i32
      %sign3A_707 = arith.cmpi sgt, %jit3A_697, %sign3A_706 : i32
      %sign3A_708 = arith.extui %sign3A_707 : i1 to i32
      %sign3A_709 = arith.constant 0 : i32
      %sign3A_710 = arith.cmpi slt, %jit3A_697, %sign3A_709 : i32
      %sign3A_711 = arith.extui %sign3A_710 : i1 to i32
      %sign3A_712 = arith.subi %sign3A_708, %sign3A_711 : i32
      %ne3A_713 = arith.cmpi ne, %sign3A_705, %sign3A_712 : i32
      %rem3A_714 = arith.remsi %add3A_696, %jit3A_697 : i32
      %ne3A_715 = arith.constant 0 : i32
      %ne3A_716 = arith.cmpi ne, %rem3A_714, %ne3A_715 : i32
      %and3A_717 = arith.andi %ne3A_713, %ne3A_716 : i1
      %sub3A_718 = arith.constant 1 : i32
      %sub3A_719 = arith.subi %div3A_698, %sub3A_718 : i32
      %select_n3A_720 = arith.select %and3A_717, %sub3A_719, %div3A_698 : i32
      %jit3A_721 = arith.constant 4 : i32
      %eq3A_722 = arith.constant 0 : i32
      %eq3A_723 = arith.cmpi eq, %jit3A_721, %eq3A_722 : i32
      %jit3A_724 = arith.constant 1 : i32
      %select_n3A_725 = arith.select %eq3A_723, %jit3A_724, %jit3A_721 : i32
      %rem3A_726 = arith.remsi %add3A_696, %select_n3A_725 : i32
      %ne3A_727 = arith.constant 0 : i32
      %ne3A_728 = arith.cmpi ne, %rem3A_726, %ne3A_727 : i32
      %lt3A_729 = arith.constant 0 : i32
      %lt3A_730 = arith.cmpi slt, %rem3A_726, %lt3A_729 : i32
      %lt3A_731 = arith.constant 0 : i32
      %lt3A_732 = arith.cmpi slt, %select_n3A_725, %lt3A_731 : i32
      %ne3A_733 = arith.xori %lt3A_730, %lt3A_732 : i1
      %and3A_734 = arith.andi %ne3A_733, %ne3A_728 : i1
      %add3A_735 = arith.addi %rem3A_726, %select_n3A_725 : i32
      %select_n3A_736 = arith.select %and3A_734, %add3A_735, %rem3A_726 : i32
      %mul3A_737 = arith.constant 4 : i32
      %mul3A_738 = arith.muli %add3A, %mul3A_737 : i32
      %add3A_739 = arith.addi %mul3A_738, %select_n3A_736 : i32
      %dma_start3A_740 = arith.constant 0 : i32
      %dma_start3A_741 = arith.constant 0 : i32
      %dma_start3A_742 = arith.constant 0 : i32
      %dma_start3A_743 = tpu.memref_slice %arg16[%dma_start3A_741, %dma_start3A_742] : memref<32x129xf32, #tpu.memory_space<vmem>> -> memref<8x128xf32, #tpu.memory_space<vmem>>
      %dma_start3A_744 = arith.constant 0 : i32
      %dma_start3A_745 = arith.constant 0 : i32
      %dma_start3A_746 = tpu.memref_slice %arg4[%select_n3A_720, %dma_start3A_740, %add3A_739, %dma_start3A_744, %dma_start3A_745] : memref<50x4x128x8x128xf32, #tpu.memory_space<hbm>> -> memref<1x1x1x8x128xf32, #tpu.memory_space<hbm>>
      %dma_start3A_747 = tpu.memref_squeeze %dma_start3A_746 : memref<1x1x1x8x128xf32, #tpu.memory_space<hbm>> -> memref<8x128xf32, #tpu.memory_space<hbm>>
      %dma_start3A_748 = arith.constant 0 : i32
      %dma_start3A_749 = arith.constant 0 : i32
      %dma_start3A_750 = tpu.memref_slice %arg4[%select_n3A_720, %dma_start3A_740, %add3A_739, %dma_start3A_748, %dma_start3A_749] : memref<50x4x128x8x128xf32, #tpu.memory_space<hbm>> -> memref<1x1x1x8x128xf32, #tpu.memory_space<hbm>>
      %dma_start3A_751 = tpu.memref_squeeze %dma_start3A_750 : memref<1x1x1x8x128xf32, #tpu.memory_space<hbm>> -> memref<8x128xf32, #tpu.memory_space<hbm>>
      %dma_start3A_752 = arith.constant 0 : i32
      %dma_start3A_753 = arith.constant 0 : i32
      %dma_start3A_754 = tpu.memref_slice %arg16[%dma_start3A_752, %dma_start3A_753] : memref<32x129xf32, #tpu.memory_space<vmem>> -> memref<8x128xf32, #tpu.memory_space<vmem>>
      tpu.enqueue_dma source(%dma_start3A_754 : memref<8x128xf32, #tpu.memory_space<vmem>>) target(%dma_start3A_751 : memref<8x128xf32, #tpu.memory_space<hbm>>) target_semaphore(%arg24 : memref<!tpu.dma_semaphore, #tpu.memory_space<semaphore_mem>>)
      %dma_start3A_755 = arith.constant 1 : i32
      %dma_start3A_756 = arith.constant 8 : i32
      %dma_start3A_757 = arith.constant 0 : i32
      %dma_start3A_758 = tpu.memref_slice %arg16[%dma_start3A_756, %dma_start3A_757] : memref<32x129xf32, #tpu.memory_space<vmem>> -> memref<8x128xf32, #tpu.memory_space<vmem>>
      %dma_start3A_759 = arith.constant 0 : i32
      %dma_start3A_760 = arith.constant 0 : i32
      %dma_start3A_761 = tpu.memref_slice %arg4[%select_n3A_720, %dma_start3A_755, %add3A_739, %dma_start3A_759, %dma_start3A_760] : memref<50x4x128x8x128xf32, #tpu.memory_space<hbm>> -> memref<1x1x1x8x128xf32, #tpu.memory_space<hbm>>
      %dma_start3A_762 = tpu.memref_squeeze %dma_start3A_761 : memref<1x1x1x8x128xf32, #tpu.memory_space<hbm>> -> memref<8x128xf32, #tpu.memory_space<hbm>>
      %dma_start3A_763 = arith.constant 0 : i32
      %dma_start3A_764 = arith.constant 0 : i32
      %dma_start3A_765 = tpu.memref_slice %arg4[%select_n3A_720, %dma_start3A_755, %add3A_739, %dma_start3A_763, %dma_start3A_764] : memref<50x4x128x8x128xf32, #tpu.memory_space<hbm>> -> memref<1x1x1x8x128xf32, #tpu.memory_space<hbm>>
      %dma_start3A_766 = tpu.memref_squeeze %dma_start3A_765 : memref<1x1x1x8x128xf32, #tpu.memory_space<hbm>> -> memref<8x128xf32, #tpu.memory_space<hbm>>
      %dma_start3A_767 = arith.constant 8 : i32
      %dma_start3A_768 = arith.constant 0 : i32
      %dma_start3A_769 = tpu.memref_slice %arg16[%dma_start3A_767, %dma_start3A_768] : memref<32x129xf32, #tpu.memory_space<vmem>> -> memref<8x128xf32, #tpu.memory_space<vmem>>
      tpu.enqueue_dma source(%dma_start3A_769 : memref<8x128xf32, #tpu.memory_space<vmem>>) target(%dma_start3A_766 : memref<8x128xf32, #tpu.memory_space<hbm>>) target_semaphore(%arg24 : memref<!tpu.dma_semaphore, #tpu.memory_space<semaphore_mem>>)
      %dma_start3A_770 = arith.constant 2 : i32
      %dma_start3A_771 = arith.constant 16 : i32
      %dma_start3A_772 = arith.constant 0 : i32
      %dma_start3A_773 = tpu.memref_slice %arg16[%dma_start3A_771, %dma_start3A_772] : memref<32x129xf32, #tpu.memory_space<vmem>> -> memref<8x128xf32, #tpu.memory_space<vmem>>
      %dma_start3A_774 = arith.constant 0 : i32
      %dma_start3A_775 = arith.constant 0 : i32
      %dma_start3A_776 = tpu.memref_slice %arg4[%select_n3A_720, %dma_start3A_770, %add3A_739, %dma_start3A_774, %dma_start3A_775] : memref<50x4x128x8x128xf32, #tpu.memory_space<hbm>> -> memref<1x1x1x8x128xf32, #tpu.memory_space<hbm>>
      %dma_start3A_777 = tpu.memref_squeeze %dma_start3A_776 : memref<1x1x1x8x128xf32, #tpu.memory_space<hbm>> -> memref<8x128xf32, #tpu.memory_space<hbm>>
      %dma_start3A_778 = arith.constant 0 : i32
      %dma_start3A_779 = arith.constant 0 : i32
      %dma_start3A_780 = tpu.memref_slice %arg4[%select_n3A_720, %dma_start3A_770, %add3A_739, %dma_start3A_778, %dma_start3A_779] : memref<50x4x128x8x128xf32, #tpu.memory_space<hbm>> -> memref<1x1x1x8x128xf32, #tpu.memory_space<hbm>>
      %dma_start3A_781 = tpu.memref_squeeze %dma_start3A_780 : memref<1x1x1x8x128xf32, #tpu.memory_space<hbm>> -> memref<8x128xf32, #tpu.memory_space<hbm>>
      %dma_start3A_782 = arith.constant 16 : i32
      %dma_start3A_783 = arith.constant 0 : i32
      %dma_start3A_784 = tpu.memref_slice %arg16[%dma_start3A_782, %dma_start3A_783] : memref<32x129xf32, #tpu.memory_space<vmem>> -> memref<8x128xf32, #tpu.memory_space<vmem>>
      tpu.enqueue_dma source(%dma_start3A_784 : memref<8x128xf32, #tpu.memory_space<vmem>>) target(%dma_start3A_781 : memref<8x128xf32, #tpu.memory_space<hbm>>) target_semaphore(%arg24 : memref<!tpu.dma_semaphore, #tpu.memory_space<semaphore_mem>>)
      %dma_start3A_785 = arith.constant 3 : i32
      %dma_start3A_786 = arith.constant 24 : i32
      %dma_start3A_787 = arith.constant 0 : i32
      %dma_start3A_788 = tpu.memref_slice %arg16[%dma_start3A_786, %dma_start3A_787] : memref<32x129xf32, #tpu.memory_space<vmem>> -> memref<8x128xf32, #tpu.memory_space<vmem>>
      %dma_start3A_789 = arith.constant 0 : i32
      %dma_start3A_790 = arith.constant 0 : i32
      %dma_start3A_791 = tpu.memref_slice %arg4[%select_n3A_720, %dma_start3A_785, %add3A_739, %dma_start3A_789, %dma_start3A_790] : memref<50x4x128x8x128xf32, #tpu.memory_space<hbm>> -> memref<1x1x1x8x128xf32, #tpu.memory_space<hbm>>
      %dma_start3A_792 = tpu.memref_squeeze %dma_start3A_791 : memref<1x1x1x8x128xf32, #tpu.memory_space<hbm>> -> memref<8x128xf32, #tpu.memory_space<hbm>>
      %dma_start3A_793 = arith.constant 0 : i32
      %dma_start3A_794 = arith.constant 0 : i32
      %dma_start3A_795 = tpu.memref_slice %arg4[%select_n3A_720, %dma_start3A_785, %add3A_739, %dma_start3A_793, %dma_start3A_794] : memref<50x4x128x8x128xf32, #tpu.memory_space<hbm>> -> memref<1x1x1x8x128xf32, #tpu.memory_space<hbm>>
      %dma_start3A_796 = tpu.memref_squeeze %dma_start3A_795 : memref<1x1x1x8x128xf32, #tpu.memory_space<hbm>> -> memref<8x128xf32, #tpu.memory_space<hbm>>
      %dma_start3A_797 = arith.constant 24 : i32
      %dma_start3A_798 = arith.constant 0 : i32
      %dma_start3A_799 = tpu.memref_slice %arg16[%dma_start3A_797, %dma_start3A_798] : memref<32x129xf32, #tpu.memory_space<vmem>> -> memref<8x128xf32, #tpu.memory_space<vmem>>
      tpu.enqueue_dma source(%dma_start3A_799 : memref<8x128xf32, #tpu.memory_space<vmem>>) target(%dma_start3A_796 : memref<8x128xf32, #tpu.memory_space<hbm>>) target_semaphore(%arg24 : memref<!tpu.dma_semaphore, #tpu.memory_space<semaphore_mem>>)
      %mul3A_800 = arith.constant 4 : i32
      %mul3A_801 = arith.muli %mul3A_308, %mul3A_800 : i32
      %add3A_802 = arith.constant 3 : i32
      %add3A_803 = arith.addi %mul3A_801, %add3A_802 : i32
      %jit3A_804 = arith.constant 4 : i32
      %div3A_805 = arith.divsi %add3A_803, %jit3A_804 : i32
      %sign3A_806 = arith.constant 0 : i32
      %sign3A_807 = arith.cmpi sgt, %add3A_803, %sign3A_806 : i32
      %sign3A_808 = arith.extui %sign3A_807 : i1 to i32
      %sign3A_809 = arith.constant 0 : i32
      %sign3A_810 = arith.cmpi slt, %add3A_803, %sign3A_809 : i32
      %sign3A_811 = arith.extui %sign3A_810 : i1 to i32
      %sign3A_812 = arith.subi %sign3A_808, %sign3A_811 : i32
      %sign3A_813 = arith.constant 0 : i32
      %sign3A_814 = arith.cmpi sgt, %jit3A_804, %sign3A_813 : i32
      %sign3A_815 = arith.extui %sign3A_814 : i1 to i32
      %sign3A_816 = arith.constant 0 : i32
      %sign3A_817 = arith.cmpi slt, %jit3A_804, %sign3A_816 : i32
      %sign3A_818 = arith.extui %sign3A_817 : i1 to i32
      %sign3A_819 = arith.subi %sign3A_815, %sign3A_818 : i32
      %ne3A_820 = arith.cmpi ne, %sign3A_812, %sign3A_819 : i32
      %rem3A_821 = arith.remsi %add3A_803, %jit3A_804 : i32
      %ne3A_822 = arith.constant 0 : i32
      %ne3A_823 = arith.cmpi ne, %rem3A_821, %ne3A_822 : i32
      %and3A_824 = arith.andi %ne3A_820, %ne3A_823 : i1
      %sub3A_825 = arith.constant 1 : i32
      %sub3A_826 = arith.subi %div3A_805, %sub3A_825 : i32
      %select_n3A_827 = arith.select %and3A_824, %sub3A_826, %div3A_805 : i32
      %jit3A_828 = arith.constant 4 : i32
      %eq3A_829 = arith.constant 0 : i32
      %eq3A_830 = arith.cmpi eq, %jit3A_828, %eq3A_829 : i32
      %jit3A_831 = arith.constant 1 : i32
      %select_n3A_832 = arith.select %eq3A_830, %jit3A_831, %jit3A_828 : i32
      %rem3A_833 = arith.remsi %add3A_803, %select_n3A_832 : i32
      %ne3A_834 = arith.constant 0 : i32
      %ne3A_835 = arith.cmpi ne, %rem3A_833, %ne3A_834 : i32
      %lt3A_836 = arith.constant 0 : i32
      %lt3A_837 = arith.cmpi slt, %rem3A_833, %lt3A_836 : i32
      %lt3A_838 = arith.constant 0 : i32
      %lt3A_839 = arith.cmpi slt, %select_n3A_832, %lt3A_838 : i32
      %ne3A_840 = arith.xori %lt3A_837, %lt3A_839 : i1
      %and3A_841 = arith.andi %ne3A_840, %ne3A_835 : i1
      %add3A_842 = arith.addi %rem3A_833, %select_n3A_832 : i32
      %select_n3A_843 = arith.select %and3A_841, %add3A_842, %rem3A_833 : i32
      %mul3A_844 = arith.constant 128 : i32
      %mul3A_845 = arith.muli %select_n3A_843, %mul3A_844 : i32
      %dma_wait3A_846 = tpu.memref_slice %arg5[%select_n3A_827, %mul3A_845] : memref<50x512xi32, #tpu.memory_space<vmem>> -> memref<1x128xi32, #tpu.memory_space<vmem>>
      %dma_wait3A_847 = tpu.memref_squeeze %dma_wait3A_846 : memref<1x128xi32, #tpu.memory_space<vmem>> -> memref<128xi32, #tpu.memory_space<vmem>>
      %dma_wait3A_848 = arith.constant 0 : i32
      %dma_wait3A_849 = arith.constant 0 : i32
      %dma_wait3A_850 = tpu.memref_slice %arg3[%dma_wait3A_848, %dma_wait3A_849] : memref<1000000x32xf32, #tpu.memory_space<hbm>> -> memref<1000000x32xf32, #tpu.memory_space<hbm>>
      tpu.wait_indirect_dma semaphore(%arg22 : memref<!tpu.dma_semaphore, #tpu.memory_space<semaphore_mem>>) src(%dma_wait3A_850 : memref<1000000x32xf32, #tpu.memory_space<hbm>>) dst(%arg9 : memref<128x32xf32, #tpu.memory_space<vmem>>)
      %scan3A_851 = arith.constant 0 : i32
      %scan3A_852 = arith.constant 0 : i32
      %scan3A_853 = arith.constant 32 : i32
      %scan3A_854 = arith.addi %scan3A_852, %scan3A_853 : i32
      %scan3A_855 = arith.constant 1 : i32
      scf.for %scan3A_1636 = %scan3A_852 to %scan3A_854 step %scan3A_855  : i32 {
        %mul3A_1637 = arith.constant 4 : i32
        %mul3A_1638 = arith.muli %scan3A_1636, %mul3A_1637 : i32
        %add3A_1639 = arith.constant 0 : i32
        %add3A_1640 = arith.addi %mul3A_1638, %add3A_1639 : i32
        %broadcast_in_dim3A = vector.broadcast %add3A_1640 : i32 to vector<16xi32>
        %get3A = arith.index_cast %add3A_1640 : i32 to index
        %get3A_1641 = arith.constant 0 : index
        %get3A_1642 = tpu.vector_load %arg9[%get3A, %get3A_1641] {strides = array<i32>} : memref<128x32xf32, #tpu.memory_space<vmem>>, vector<16xf32>,
        %add3A_1643 = arith.constant 0 : i32
        %add3A_1644 = vector.broadcast %add3A_1643 : i32 to vector<16xi32>
        %add3A_1645 = arith.addi %iota3A, %add3A_1644 : vector<16xi32>
        tpu.vector_store_idx %arg17[%add3A_1645, %broadcast_in_dim3A], %get3A_1642 : memref<32x129xf32, #tpu.memory_space<vmem>>[vector<16xi32>, vector<16xi32>], vector<16xf32>,
        %get3A_1646 = arith.index_cast %add3A_1640 : i32 to index
        %get3A_1647 = arith.constant 16 : index
        %get3A_1648 = tpu.vector_load %arg9[%get3A_1646, %get3A_1647] {strides = array<i32>} : memref<128x32xf32, #tpu.memory_space<vmem>>, vector<16xf32>,
        %add3A_1649 = arith.constant 16 : i32
        %add3A_1650 = vector.broadcast %add3A_1649 : i32 to vector<16xi32>
        %add3A_1651 = arith.addi %iota3A, %add3A_1650 : vector<16xi32>
        tpu.vector_store_idx %arg17[%add3A_1651, %broadcast_in_dim3A], %get3A_1648 : memref<32x129xf32, #tpu.memory_space<vmem>>[vector<16xi32>, vector<16xi32>], vector<16xf32>,
        %mul3A_1652 = arith.constant 4 : i32
        %mul3A_1653 = arith.muli %scan3A_1636, %mul3A_1652 : i32
        %add3A_1654 = arith.constant 1 : i32
        %add3A_1655 = arith.addi %mul3A_1653, %add3A_1654 : i32
        %broadcast_in_dim3A_1656 = vector.broadcast %add3A_1655 : i32 to vector<16xi32>
        %get3A_1657 = arith.index_cast %add3A_1655 : i32 to index
        %get3A_1658 = arith.constant 0 : index
        %get3A_1659 = tpu.vector_load %arg9[%get3A_1657, %get3A_1658] {strides = array<i32>} : memref<128x32xf32, #tpu.memory_space<vmem>>, vector<16xf32>,
        %add3A_1660 = arith.constant 0 : i32
        %add3A_1661 = vector.broadcast %add3A_1660 : i32 to vector<16xi32>
        %add3A_1662 = arith.addi %iota3A, %add3A_1661 : vector<16xi32>
        tpu.vector_store_idx %arg17[%add3A_1662, %broadcast_in_dim3A_1656], %get3A_1659 : memref<32x129xf32, #tpu.memory_space<vmem>>[vector<16xi32>, vector<16xi32>], vector<16xf32>,
        %get3A_1663 = arith.index_cast %add3A_1655 : i32 to index
        %get3A_1664 = arith.constant 16 : index
        %get3A_1665 = tpu.vector_load %arg9[%get3A_1663, %get3A_1664] {strides = array<i32>} : memref<128x32xf32, #tpu.memory_space<vmem>>, vector<16xf32>,
        %add3A_1666 = arith.constant 16 : i32
        %add3A_1667 = vector.broadcast %add3A_1666 : i32 to vector<16xi32>
        %add3A_1668 = arith.addi %iota3A, %add3A_1667 : vector<16xi32>
        tpu.vector_store_idx %arg17[%add3A_1668, %broadcast_in_dim3A_1656], %get3A_1665 : memref<32x129xf32, #tpu.memory_space<vmem>>[vector<16xi32>, vector<16xi32>], vector<16xf32>,
        %mul3A_1669 = arith.constant 4 : i32
        %mul3A_1670 = arith.muli %scan3A_1636, %mul3A_1669 : i32
        %add3A_1671 = arith.constant 2 : i32
        %add3A_1672 = arith.addi %mul3A_1670, %add3A_1671 : i32
        %broadcast_in_dim3A_1673 = vector.broadcast %add3A_1672 : i32 to vector<16xi32>
        %get3A_1674 = arith.index_cast %add3A_1672 : i32 to index
        %get3A_1675 = arith.constant 0 : index
        %get3A_1676 = tpu.vector_load %arg9[%get3A_1674, %get3A_1675] {strides = array<i32>} : memref<128x32xf32, #tpu.memory_space<vmem>>, vector<16xf32>,
        %add3A_1677 = arith.constant 0 : i32
        %add3A_1678 = vector.broadcast %add3A_1677 : i32 to vector<16xi32>
        %add3A_1679 = arith.addi %iota3A, %add3A_1678 : vector<16xi32>
        tpu.vector_store_idx %arg17[%add3A_1679, %broadcast_in_dim3A_1673], %get3A_1676 : memref<32x129xf32, #tpu.memory_space<vmem>>[vector<16xi32>, vector<16xi32>], vector<16xf32>,
        %get3A_1680 = arith.index_cast %add3A_1672 : i32 to index
        %get3A_1681 = arith.constant 16 : index
        %get3A_1682 = tpu.vector_load %arg9[%get3A_1680, %get3A_1681] {strides = array<i32>} : memref<128x32xf32, #tpu.memory_space<vmem>>, vector<16xf32>,
        %add3A_1683 = arith.constant 16 : i32
        %add3A_1684 = vector.broadcast %add3A_1683 : i32 to vector<16xi32>
        %add3A_1685 = arith.addi %iota3A, %add3A_1684 : vector<16xi32>
        tpu.vector_store_idx %arg17[%add3A_1685, %broadcast_in_dim3A_1673], %get3A_1682 : memref<32x129xf32, #tpu.memory_space<vmem>>[vector<16xi32>, vector<16xi32>], vector<16xf32>,
        %mul3A_1686 = arith.constant 4 : i32
        %mul3A_1687 = arith.muli %scan3A_1636, %mul3A_1686 : i32
        %add3A_1688 = arith.constant 3 : i32
        %add3A_1689 = arith.addi %mul3A_1687, %add3A_1688 : i32
        %broadcast_in_dim3A_1690 = vector.broadcast %add3A_1689 : i32 to vector<16xi32>
        %get3A_1691 = arith.index_cast %add3A_1689 : i32 to index
        %get3A_1692 = arith.constant 0 : index
        %get3A_1693 = tpu.vector_load %arg9[%get3A_1691, %get3A_1692] {strides = array<i32>} : memref<128x32xf32, #tpu.memory_space<vmem>>, vector<16xf32>,
        %add3A_1694 = arith.constant 0 : i32
        %add3A_1695 = vector.broadcast %add3A_1694 : i32 to vector<16xi32>
        %add3A_1696 = arith.addi %iota3A, %add3A_1695 : vector<16xi32>
        tpu.vector_store_idx %arg17[%add3A_1696, %broadcast_in_dim3A_1690], %get3A_1693 : memref<32x129xf32, #tpu.memory_space<vmem>>[vector<16xi32>, vector<16xi32>], vector<16xf32>,
        %get3A_1697 = arith.index_cast %add3A_1689 : i32 to index
        %get3A_1698 = arith.constant 16 : index
        %get3A_1699 = tpu.vector_load %arg9[%get3A_1697, %get3A_1698] {strides = array<i32>} : memref<128x32xf32, #tpu.memory_space<vmem>>, vector<16xf32>,
        %add3A_1700 = arith.constant 16 : i32
        %add3A_1701 = vector.broadcast %add3A_1700 : i32 to vector<16xi32>
        %add3A_1702 = arith.addi %iota3A, %add3A_1701 : vector<16xi32>
        tpu.vector_store_idx %arg17[%add3A_1702, %broadcast_in_dim3A_1690], %get3A_1699 : memref<32x129xf32, #tpu.memory_space<vmem>>[vector<16xi32>, vector<16xi32>], vector<16xf32>,
      }
      %scan3A_856 = arith.constant 32 : i32
      %mul3A_857 = arith.constant 4 : i32
      %mul3A_858 = arith.muli %mul3A_308, %mul3A_857 : i32
      %add3A_859 = arith.constant 3 : i32
      %add3A_860 = arith.addi %mul3A_858, %add3A_859 : i32
      %jit3A_861 = arith.constant 4 : i32
      %div3A_862 = arith.divsi %add3A_860, %jit3A_861 : i32
      %sign3A_863 = arith.constant 0 : i32
      %sign3A_864 = arith.cmpi sgt, %add3A_860, %sign3A_863 : i32
      %sign3A_865 = arith.extui %sign3A_864 : i1 to i32
      %sign3A_866 = arith.constant 0 : i32
      %sign3A_867 = arith.cmpi slt, %add3A_860, %sign3A_866 : i32
      %sign3A_868 = arith.extui %sign3A_867 : i1 to i32
      %sign3A_869 = arith.subi %sign3A_865, %sign3A_868 : i32
      %sign3A_870 = arith.constant 0 : i32
      %sign3A_871 = arith.cmpi sgt, %jit3A_861, %sign3A_870 : i32
      %sign3A_872 = arith.extui %sign3A_871 : i1 to i32
      %sign3A_873 = arith.constant 0 : i32
      %sign3A_874 = arith.cmpi slt, %jit3A_861, %sign3A_873 : i32
      %sign3A_875 = arith.extui %sign3A_874 : i1 to i32
      %sign3A_876 = arith.subi %sign3A_872, %sign3A_875 : i32
      %ne3A_877 = arith.cmpi ne, %sign3A_869, %sign3A_876 : i32
      %rem3A_878 = arith.remsi %add3A_860, %jit3A_861 : i32
      %ne3A_879 = arith.constant 0 : i32
      %ne3A_880 = arith.cmpi ne, %rem3A_878, %ne3A_879 : i32
      %and3A_881 = arith.andi %ne3A_877, %ne3A_880 : i1
      %sub3A_882 = arith.constant 1 : i32
      %sub3A_883 = arith.subi %div3A_862, %sub3A_882 : i32
      %select_n3A_884 = arith.select %and3A_881, %sub3A_883, %div3A_862 : i32
      %jit3A_885 = arith.constant 4 : i32
      %eq3A_886 = arith.constant 0 : i32
      %eq3A_887 = arith.cmpi eq, %jit3A_885, %eq3A_886 : i32
      %jit3A_888 = arith.constant 1 : i32
      %select_n3A_889 = arith.select %eq3A_887, %jit3A_888, %jit3A_885 : i32
      %rem3A_890 = arith.remsi %add3A_860, %select_n3A_889 : i32
      %ne3A_891 = arith.constant 0 : i32
      %ne3A_892 = arith.cmpi ne, %rem3A_890, %ne3A_891 : i32
      %lt3A_893 = arith.constant 0 : i32
      %lt3A_894 = arith.cmpi slt, %rem3A_890, %lt3A_893 : i32
      %lt3A_895 = arith.constant 0 : i32
      %lt3A_896 = arith.cmpi slt, %select_n3A_889, %lt3A_895 : i32
      %ne3A_897 = arith.xori %lt3A_894, %lt3A_896 : i1
      %and3A_898 = arith.andi %ne3A_897, %ne3A_892 : i1
      %add3A_899 = arith.addi %rem3A_890, %select_n3A_889 : i32
      %select_n3A_900 = arith.select %and3A_898, %add3A_899, %rem3A_890 : i32
      %mul3A_901 = arith.constant 4 : i32
      %mul3A_902 = arith.muli %add3A, %mul3A_901 : i32
      %add3A_903 = arith.addi %mul3A_902, %select_n3A_900 : i32
      %dma_start3A_904 = arith.constant 0 : i32
      %dma_start3A_905 = arith.constant 0 : i32
      %dma_start3A_906 = arith.constant 0 : i32
      %dma_start3A_907 = tpu.memref_slice %arg17[%dma_start3A_905, %dma_start3A_906] : memref<32x129xf32, #tpu.memory_space<vmem>> -> memref<8x128xf32, #tpu.memory_space<vmem>>
      %dma_start3A_908 = arith.constant 0 : i32
      %dma_start3A_909 = arith.constant 0 : i32
      %dma_start3A_910 = tpu.memref_slice %arg4[%select_n3A_884, %dma_start3A_904, %add3A_903, %dma_start3A_908, %dma_start3A_909] : memref<50x4x128x8x128xf32, #tpu.memory_space<hbm>> -> memref<1x1x1x8x128xf32, #tpu.memory_space<hbm>>
      %dma_start3A_911 = tpu.memref_squeeze %dma_start3A_910 : memref<1x1x1x8x128xf32, #tpu.memory_space<hbm>> -> memref<8x128xf32, #tpu.memory_space<hbm>>
      %dma_start3A_912 = arith.constant 0 : i32
      %dma_start3A_913 = arith.constant 0 : i32
      %dma_start3A_914 = tpu.memref_slice %arg4[%select_n3A_884, %dma_start3A_904, %add3A_903, %dma_start3A_912, %dma_start3A_913] : memref<50x4x128x8x128xf32, #tpu.memory_space<hbm>> -> memref<1x1x1x8x128xf32, #tpu.memory_space<hbm>>
      %dma_start3A_915 = tpu.memref_squeeze %dma_start3A_914 : memref<1x1x1x8x128xf32, #tpu.memory_space<hbm>> -> memref<8x128xf32, #tpu.memory_space<hbm>>
      %dma_start3A_916 = arith.constant 0 : i32
      %dma_start3A_917 = arith.constant 0 : i32
      %dma_start3A_918 = tpu.memref_slice %arg17[%dma_start3A_916, %dma_start3A_917] : memref<32x129xf32, #tpu.memory_space<vmem>> -> memref<8x128xf32, #tpu.memory_space<vmem>>
      tpu.enqueue_dma source(%dma_start3A_918 : memref<8x128xf32, #tpu.memory_space<vmem>>) target(%dma_start3A_915 : memref<8x128xf32, #tpu.memory_space<hbm>>) target_semaphore(%arg24 : memref<!tpu.dma_semaphore, #tpu.memory_space<semaphore_mem>>)
      %dma_start3A_919 = arith.constant 1 : i32
      %dma_start3A_920 = arith.constant 8 : i32
      %dma_start3A_921 = arith.constant 0 : i32
      %dma_start3A_922 = tpu.memref_slice %arg17[%dma_start3A_920, %dma_start3A_921] : memref<32x129xf32, #tpu.memory_space<vmem>> -> memref<8x128xf32, #tpu.memory_space<vmem>>
      %dma_start3A_923 = arith.constant 0 : i32
      %dma_start3A_924 = arith.constant 0 : i32
      %dma_start3A_925 = tpu.memref_slice %arg4[%select_n3A_884, %dma_start3A_919, %add3A_903, %dma_start3A_923, %dma_start3A_924] : memref<50x4x128x8x128xf32, #tpu.memory_space<hbm>> -> memref<1x1x1x8x128xf32, #tpu.memory_space<hbm>>
      %dma_start3A_926 = tpu.memref_squeeze %dma_start3A_925 : memref<1x1x1x8x128xf32, #tpu.memory_space<hbm>> -> memref<8x128xf32, #tpu.memory_space<hbm>>
      %dma_start3A_927 = arith.constant 0 : i32
      %dma_start3A_928 = arith.constant 0 : i32
      %dma_start3A_929 = tpu.memref_slice %arg4[%select_n3A_884, %dma_start3A_919, %add3A_903, %dma_start3A_927, %dma_start3A_928] : memref<50x4x128x8x128xf32, #tpu.memory_space<hbm>> -> memref<1x1x1x8x128xf32, #tpu.memory_space<hbm>>
      %dma_start3A_930 = tpu.memref_squeeze %dma_start3A_929 : memref<1x1x1x8x128xf32, #tpu.memory_space<hbm>> -> memref<8x128xf32, #tpu.memory_space<hbm>>
      %dma_start3A_931 = arith.constant 8 : i32
      %dma_start3A_932 = arith.constant 0 : i32
      %dma_start3A_933 = tpu.memref_slice %arg17[%dma_start3A_931, %dma_start3A_932] : memref<32x129xf32, #tpu.memory_space<vmem>> -> memref<8x128xf32, #tpu.memory_space<vmem>>
      tpu.enqueue_dma source(%dma_start3A_933 : memref<8x128xf32, #tpu.memory_space<vmem>>) target(%dma_start3A_930 : memref<8x128xf32, #tpu.memory_space<hbm>>) target_semaphore(%arg24 : memref<!tpu.dma_semaphore, #tpu.memory_space<semaphore_mem>>)
      %dma_start3A_934 = arith.constant 2 : i32
      %dma_start3A_935 = arith.constant 16 : i32
      %dma_start3A_936 = arith.constant 0 : i32
      %dma_start3A_937 = tpu.memref_slice %arg17[%dma_start3A_935, %dma_start3A_936] : memref<32x129xf32, #tpu.memory_space<vmem>> -> memref<8x128xf32, #tpu.memory_space<vmem>>
      %dma_start3A_938 = arith.constant 0 : i32
      %dma_start3A_939 = arith.constant 0 : i32
      %dma_start3A_940 = tpu.memref_slice %arg4[%select_n3A_884, %dma_start3A_934, %add3A_903, %dma_start3A_938, %dma_start3A_939] : memref<50x4x128x8x128xf32, #tpu.memory_space<hbm>> -> memref<1x1x1x8x128xf32, #tpu.memory_space<hbm>>
      %dma_start3A_941 = tpu.memref_squeeze %dma_start3A_940 : memref<1x1x1x8x128xf32, #tpu.memory_space<hbm>> -> memref<8x128xf32, #tpu.memory_space<hbm>>
      %dma_start3A_942 = arith.constant 0 : i32
      %dma_start3A_943 = arith.constant 0 : i32
      %dma_start3A_944 = tpu.memref_slice %arg4[%select_n3A_884, %dma_start3A_934, %add3A_903, %dma_start3A_942, %dma_start3A_943] : memref<50x4x128x8x128xf32, #tpu.memory_space<hbm>> -> memref<1x1x1x8x128xf32, #tpu.memory_space<hbm>>
      %dma_start3A_945 = tpu.memref_squeeze %dma_start3A_944 : memref<1x1x1x8x128xf32, #tpu.memory_space<hbm>> -> memref<8x128xf32, #tpu.memory_space<hbm>>
      %dma_start3A_946 = arith.constant 16 : i32
      %dma_start3A_947 = arith.constant 0 : i32
      %dma_start3A_948 = tpu.memref_slice %arg17[%dma_start3A_946, %dma_start3A_947] : memref<32x129xf32, #tpu.memory_space<vmem>> -> memref<8x128xf32, #tpu.memory_space<vmem>>
      tpu.enqueue_dma source(%dma_start3A_948 : memref<8x128xf32, #tpu.memory_space<vmem>>) target(%dma_start3A_945 : memref<8x128xf32, #tpu.memory_space<hbm>>) target_semaphore(%arg24 : memref<!tpu.dma_semaphore, #tpu.memory_space<semaphore_mem>>)
      %dma_start3A_949 = arith.constant 3 : i32
      %dma_start3A_950 = arith.constant 24 : i32
      %dma_start3A_951 = arith.constant 0 : i32
      %dma_start3A_952 = tpu.memref_slice %arg17[%dma_start3A_950, %dma_start3A_951] : memref<32x129xf32, #tpu.memory_space<vmem>> -> memref<8x128xf32, #tpu.memory_space<vmem>>
      %dma_start3A_953 = arith.constant 0 : i32
      %dma_start3A_954 = arith.constant 0 : i32
      %dma_start3A_955 = tpu.memref_slice %arg4[%select_n3A_884, %dma_start3A_949, %add3A_903, %dma_start3A_953, %dma_start3A_954] : memref<50x4x128x8x128xf32, #tpu.memory_space<hbm>> -> memref<1x1x1x8x128xf32, #tpu.memory_space<hbm>>
      %dma_start3A_956 = tpu.memref_squeeze %dma_start3A_955 : memref<1x1x1x8x128xf32, #tpu.memory_space<hbm>> -> memref<8x128xf32, #tpu.memory_space<hbm>>
      %dma_start3A_957 = arith.constant 0 : i32
      %dma_start3A_958 = arith.constant 0 : i32
      %dma_start3A_959 = tpu.memref_slice %arg4[%select_n3A_884, %dma_start3A_949, %add3A_903, %dma_start3A_957, %dma_start3A_958] : memref<50x4x128x8x128xf32, #tpu.memory_space<hbm>> -> memref<1x1x1x8x128xf32, #tpu.memory_space<hbm>>
      %dma_start3A_960 = tpu.memref_squeeze %dma_start3A_959 : memref<1x1x1x8x128xf32, #tpu.memory_space<hbm>> -> memref<8x128xf32, #tpu.memory_space<hbm>>
      %dma_start3A_961 = arith.constant 24 : i32
      %dma_start3A_962 = arith.constant 0 : i32
      %dma_start3A_963 = tpu.memref_slice %arg17[%dma_start3A_961, %dma_start3A_962] : memref<32x129xf32, #tpu.memory_space<vmem>> -> memref<8x128xf32, #tpu.memory_space<vmem>>
      tpu.enqueue_dma source(%dma_start3A_963 : memref<8x128xf32, #tpu.memory_space<vmem>>) target(%dma_start3A_960 : memref<8x128xf32, #tpu.memory_space<hbm>>) target_semaphore(%arg24 : memref<!tpu.dma_semaphore, #tpu.memory_space<semaphore_mem>>)
      %mul3A_964 = arith.constant 2 : i32
      %mul3A_965 = arith.muli %mul3A_964, %scan3A_306 : i32
      %add3A_966 = arith.constant 1 : i32
      %add3A_967 = arith.addi %mul3A_965, %add3A_966 : i32
      %ge3A_968 = arith.constant 1 : i32
      %ge3A_969 = arith.cmpi sge, %add3A_967, %ge3A_968 : i32
      %convert_element_type3A_970 = arith.extui %ge3A_969 : i1 to i32
      %cond3A_971 = arith.constant 0 : i32
      %cond3A_972 = arith.cmpi ne, %convert_element_type3A_970, %cond3A_971 : i32
      scf.if %cond3A_972 {
        %sub3A_1636 = arith.constant 1 : i32
        %sub3A_1637 = arith.subi %add3A_967, %sub3A_1636 : i32
        %mul3A_1638 = arith.constant 4 : i32
        %mul3A_1639 = arith.muli %sub3A_1637, %mul3A_1638 : i32
        %add3A_1640 = arith.constant 0 : i32
        %add3A_1641 = arith.addi %mul3A_1639, %add3A_1640 : i32
        %jit3A_1642 = arith.constant 4 : i32
        %div3A_1643 = arith.divsi %add3A_1641, %jit3A_1642 : i32
        %sign3A_1644 = arith.constant 0 : i32
        %sign3A_1645 = arith.cmpi sgt, %add3A_1641, %sign3A_1644 : i32
        %sign3A_1646 = arith.extui %sign3A_1645 : i1 to i32
        %sign3A_1647 = arith.constant 0 : i32
        %sign3A_1648 = arith.cmpi slt, %add3A_1641, %sign3A_1647 : i32
        %sign3A_1649 = arith.extui %sign3A_1648 : i1 to i32
        %sign3A_1650 = arith.subi %sign3A_1646, %sign3A_1649 : i32
        %sign3A_1651 = arith.constant 0 : i32
        %sign3A_1652 = arith.cmpi sgt, %jit3A_1642, %sign3A_1651 : i32
        %sign3A_1653 = arith.extui %sign3A_1652 : i1 to i32
        %sign3A_1654 = arith.constant 0 : i32
        %sign3A_1655 = arith.cmpi slt, %jit3A_1642, %sign3A_1654 : i32
        %sign3A_1656 = arith.extui %sign3A_1655 : i1 to i32
        %sign3A_1657 = arith.subi %sign3A_1653, %sign3A_1656 : i32
        %ne3A_1658 = arith.cmpi ne, %sign3A_1650, %sign3A_1657 : i32
        %rem3A_1659 = arith.remsi %add3A_1641, %jit3A_1642 : i32
        %ne3A_1660 = arith.constant 0 : i32
        %ne3A_1661 = arith.cmpi ne, %rem3A_1659, %ne3A_1660 : i32
        %and3A_1662 = arith.andi %ne3A_1658, %ne3A_1661 : i1
        %sub3A_1663 = arith.constant 1 : i32
        %sub3A_1664 = arith.subi %div3A_1643, %sub3A_1663 : i32
        %select_n3A_1665 = arith.select %and3A_1662, %sub3A_1664, %div3A_1643 : i32
        %jit3A_1666 = arith.constant 4 : i32
        %eq3A_1667 = arith.constant 0 : i32
        %eq3A_1668 = arith.cmpi eq, %jit3A_1666, %eq3A_1667 : i32
        %jit3A_1669 = arith.constant 1 : i32
        %select_n3A_1670 = arith.select %eq3A_1668, %jit3A_1669, %jit3A_1666 : i32
        %rem3A_1671 = arith.remsi %add3A_1641, %select_n3A_1670 : i32
        %ne3A_1672 = arith.constant 0 : i32
        %ne3A_1673 = arith.cmpi ne, %rem3A_1671, %ne3A_1672 : i32
        %lt3A_1674 = arith.constant 0 : i32
        %lt3A_1675 = arith.cmpi slt, %rem3A_1671, %lt3A_1674 : i32
        %lt3A_1676 = arith.constant 0 : i32
        %lt3A_1677 = arith.cmpi slt, %select_n3A_1670, %lt3A_1676 : i32
        %ne3A_1678 = arith.xori %lt3A_1675, %lt3A_1677 : i1
        %and3A_1679 = arith.andi %ne3A_1678, %ne3A_1673 : i1
        %add3A_1680 = arith.addi %rem3A_1671, %select_n3A_1670 : i32
        %select_n3A_1681 = arith.select %and3A_1679, %add3A_1680, %rem3A_1671 : i32
        %mul3A_1682 = arith.constant 4 : i32
        %mul3A_1683 = arith.muli %add3A, %mul3A_1682 : i32
        %add3A_1684 = arith.addi %mul3A_1683, %select_n3A_1681 : i32
        %dma_wait3A_1685 = arith.constant 0 : i32
        %dma_wait3A_1686 = arith.constant 0 : i32
        %dma_wait3A_1687 = arith.constant 0 : i32
        %dma_wait3A_1688 = tpu.memref_slice %arg14[%dma_wait3A_1686, %dma_wait3A_1687] : memref<32x129xf32, #tpu.memory_space<vmem>> -> memref<8x128xf32, #tpu.memory_space<vmem>>
        %dma_wait3A_1689 = arith.constant 0 : i32
        %dma_wait3A_1690 = arith.constant 0 : i32
        %dma_wait3A_1691 = tpu.memref_slice %arg4[%select_n3A_1665, %dma_wait3A_1685, %add3A_1684, %dma_wait3A_1689, %dma_wait3A_1690] : memref<50x4x128x8x128xf32, #tpu.memory_space<hbm>> -> memref<1x1x1x8x128xf32, #tpu.memory_space<hbm>>
        %dma_wait3A_1692 = tpu.memref_squeeze %dma_wait3A_1691 : memref<1x1x1x8x128xf32, #tpu.memory_space<hbm>> -> memref<8x128xf32, #tpu.memory_space<hbm>>
        %dma_wait3A_1693 = arith.constant 0 : i32
        %dma_wait3A_1694 = arith.constant 0 : i32
        %dma_wait3A_1695 = tpu.memref_slice %arg4[%select_n3A_1665, %dma_wait3A_1685, %add3A_1684, %dma_wait3A_1693, %dma_wait3A_1694] : memref<50x4x128x8x128xf32, #tpu.memory_space<hbm>> -> memref<1x1x1x8x128xf32, #tpu.memory_space<hbm>>
        %dma_wait3A_1696 = tpu.memref_squeeze %dma_wait3A_1695 : memref<1x1x1x8x128xf32, #tpu.memory_space<hbm>> -> memref<8x128xf32, #tpu.memory_space<hbm>>
        %dma_wait3A_1697 = arith.constant 0 : i32
        %dma_wait3A_1698 = arith.constant 0 : i32
        %dma_wait3A_1699 = tpu.memref_slice %arg14[%dma_wait3A_1697, %dma_wait3A_1698] : memref<32x129xf32, #tpu.memory_space<vmem>> -> memref<8x128xf32, #tpu.memory_space<vmem>>
        tpu.wait_dma2 semaphore(%arg24 : memref<!tpu.dma_semaphore, #tpu.memory_space<semaphore_mem>>) src(%dma_wait3A_1699 : memref<8x128xf32, #tpu.memory_space<vmem>>) dst(%dma_wait3A_1696 : memref<8x128xf32, #tpu.memory_space<hbm>>)
        %dma_wait3A_1700 = arith.constant 1 : i32
        %dma_wait3A_1701 = arith.constant 8 : i32
        %dma_wait3A_1702 = arith.constant 0 : i32
        %dma_wait3A_1703 = tpu.memref_slice %arg14[%dma_wait3A_1701, %dma_wait3A_1702] : memref<32x129xf32, #tpu.memory_space<vmem>> -> memref<8x128xf32, #tpu.memory_space<vmem>>
        %dma_wait3A_1704 = arith.constant 0 : i32
        %dma_wait3A_1705 = arith.constant 0 : i32
        %dma_wait3A_1706 = tpu.memref_slice %arg4[%select_n3A_1665, %dma_wait3A_1700, %add3A_1684, %dma_wait3A_1704, %dma_wait3A_1705] : memref<50x4x128x8x128xf32, #tpu.memory_space<hbm>> -> memref<1x1x1x8x128xf32, #tpu.memory_space<hbm>>
        %dma_wait3A_1707 = tpu.memref_squeeze %dma_wait3A_1706 : memref<1x1x1x8x128xf32, #tpu.memory_space<hbm>> -> memref<8x128xf32, #tpu.memory_space<hbm>>
        %dma_wait3A_1708 = arith.constant 0 : i32
        %dma_wait3A_1709 = arith.constant 0 : i32
        %dma_wait3A_1710 = tpu.memref_slice %arg4[%select_n3A_1665, %dma_wait3A_1700, %add3A_1684, %dma_wait3A_1708, %dma_wait3A_1709] : memref<50x4x128x8x128xf32, #tpu.memory_space<hbm>> -> memref<1x1x1x8x128xf32, #tpu.memory_space<hbm>>
        %dma_wait3A_1711 = tpu.memref_squeeze %dma_wait3A_1710 : memref<1x1x1x8x128xf32, #tpu.memory_space<hbm>> -> memref<8x128xf32, #tpu.memory_space<hbm>>
        %dma_wait3A_1712 = arith.constant 8 : i32
        %dma_wait3A_1713 = arith.constant 0 : i32
        %dma_wait3A_1714 = tpu.memref_slice %arg14[%dma_wait3A_1712, %dma_wait3A_1713] : memref<32x129xf32, #tpu.memory_space<vmem>> -> memref<8x128xf32, #tpu.memory_space<vmem>>
        tpu.wait_dma2 semaphore(%arg24 : memref<!tpu.dma_semaphore, #tpu.memory_space<semaphore_mem>>) src(%dma_wait3A_1714 : memref<8x128xf32, #tpu.memory_space<vmem>>) dst(%dma_wait3A_1711 : memref<8x128xf32, #tpu.memory_space<hbm>>)
        %dma_wait3A_1715 = arith.constant 2 : i32
        %dma_wait3A_1716 = arith.constant 16 : i32
        %dma_wait3A_1717 = arith.constant 0 : i32
        %dma_wait3A_1718 = tpu.memref_slice %arg14[%dma_wait3A_1716, %dma_wait3A_1717] : memref<32x129xf32, #tpu.memory_space<vmem>> -> memref<8x128xf32, #tpu.memory_space<vmem>>
        %dma_wait3A_1719 = arith.constant 0 : i32
        %dma_wait3A_1720 = arith.constant 0 : i32
        %dma_wait3A_1721 = tpu.memref_slice %arg4[%select_n3A_1665, %dma_wait3A_1715, %add3A_1684, %dma_wait3A_1719, %dma_wait3A_1720] : memref<50x4x128x8x128xf32, #tpu.memory_space<hbm>> -> memref<1x1x1x8x128xf32, #tpu.memory_space<hbm>>
        %dma_wait3A_1722 = tpu.memref_squeeze %dma_wait3A_1721 : memref<1x1x1x8x128xf32, #tpu.memory_space<hbm>> -> memref<8x128xf32, #tpu.memory_space<hbm>>
        %dma_wait3A_1723 = arith.constant 0 : i32
        %dma_wait3A_1724 = arith.constant 0 : i32
        %dma_wait3A_1725 = tpu.memref_slice %arg4[%select_n3A_1665, %dma_wait3A_1715, %add3A_1684, %dma_wait3A_1723, %dma_wait3A_1724] : memref<50x4x128x8x128xf32, #tpu.memory_space<hbm>> -> memref<1x1x1x8x128xf32, #tpu.memory_space<hbm>>
        %dma_wait3A_1726 = tpu.memref_squeeze %dma_wait3A_1725 : memref<1x1x1x8x128xf32, #tpu.memory_space<hbm>> -> memref<8x128xf32, #tpu.memory_space<hbm>>
        %dma_wait3A_1727 = arith.constant 16 : i32
        %dma_wait3A_1728 = arith.constant 0 : i32
        %dma_wait3A_1729 = tpu.memref_slice %arg14[%dma_wait3A_1727, %dma_wait3A_1728] : memref<32x129xf32, #tpu.memory_space<vmem>> -> memref<8x128xf32, #tpu.memory_space<vmem>>
        tpu.wait_dma2 semaphore(%arg24 : memref<!tpu.dma_semaphore, #tpu.memory_space<semaphore_mem>>) src(%dma_wait3A_1729 : memref<8x128xf32, #tpu.memory_space<vmem>>) dst(%dma_wait3A_1726 : memref<8x128xf32, #tpu.memory_space<hbm>>)
        %dma_wait3A_1730 = arith.constant 3 : i32
        %dma_wait3A_1731 = arith.constant 24 : i32
        %dma_wait3A_1732 = arith.constant 0 : i32
        %dma_wait3A_1733 = tpu.memref_slice %arg14[%dma_wait3A_1731, %dma_wait3A_1732] : memref<32x129xf32, #tpu.memory_space<vmem>> -> memref<8x128xf32, #tpu.memory_space<vmem>>
        %dma_wait3A_1734 = arith.constant 0 : i32
        %dma_wait3A_1735 = arith.constant 0 : i32
        %dma_wait3A_1736 = tpu.memref_slice %arg4[%select_n3A_1665, %dma_wait3A_1730, %add3A_1684, %dma_wait3A_1734, %dma_wait3A_1735] : memref<50x4x128x8x128xf32, #tpu.memory_space<hbm>> -> memref<1x1x1x8x128xf32, #tpu.memory_space<hbm>>
        %dma_wait3A_1737 = tpu.memref_squeeze %dma_wait3A_1736 : memref<1x1x1x8x128xf32, #tpu.memory_space<hbm>> -> memref<8x128xf32, #tpu.memory_space<hbm>>
        %dma_wait3A_1738 = arith.constant 0 : i32
        %dma_wait3A_1739 = arith.constant 0 : i32
        %dma_wait3A_1740 = tpu.memref_slice %arg4[%select_n3A_1665, %dma_wait3A_1730, %add3A_1684, %dma_wait3A_1738, %dma_wait3A_1739] : memref<50x4x128x8x128xf32, #tpu.memory_space<hbm>> -> memref<1x1x1x8x128xf32, #tpu.memory_space<hbm>>
        %dma_wait3A_1741 = tpu.memref_squeeze %dma_wait3A_1740 : memref<1x1x1x8x128xf32, #tpu.memory_space<hbm>> -> memref<8x128xf32, #tpu.memory_space<hbm>>
        %dma_wait3A_1742 = arith.constant 24 : i32
        %dma_wait3A_1743 = arith.constant 0 : i32
        %dma_wait3A_1744 = tpu.memref_slice %arg14[%dma_wait3A_1742, %dma_wait3A_1743] : memref<32x129xf32, #tpu.memory_space<vmem>> -> memref<8x128xf32, #tpu.memory_space<vmem>>
        tpu.wait_dma2 semaphore(%arg24 : memref<!tpu.dma_semaphore, #tpu.memory_space<semaphore_mem>>) src(%dma_wait3A_1744 : memref<8x128xf32, #tpu.memory_space<vmem>>) dst(%dma_wait3A_1741 : memref<8x128xf32, #tpu.memory_space<hbm>>)
        %mul3A_1745 = arith.constant 4 : i32
        %mul3A_1746 = arith.muli %sub3A_1637, %mul3A_1745 : i32
        %add3A_1747 = arith.constant 1 : i32
        %add3A_1748 = arith.addi %mul3A_1746, %add3A_1747 : i32
        %jit3A_1749 = arith.constant 4 : i32
        %div3A_1750 = arith.divsi %add3A_1748, %jit3A_1749 : i32
        %sign3A_1751 = arith.constant 0 : i32
        %sign3A_1752 = arith.cmpi sgt, %add3A_1748, %sign3A_1751 : i32
        %sign3A_1753 = arith.extui %sign3A_1752 : i1 to i32
        %sign3A_1754 = arith.constant 0 : i32
        %sign3A_1755 = arith.cmpi slt, %add3A_1748, %sign3A_1754 : i32
        %sign3A_1756 = arith.extui %sign3A_1755 : i1 to i32
        %sign3A_1757 = arith.subi %sign3A_1753, %sign3A_1756 : i32
        %sign3A_1758 = arith.constant 0 : i32
        %sign3A_1759 = arith.cmpi sgt, %jit3A_1749, %sign3A_1758 : i32
        %sign3A_1760 = arith.extui %sign3A_1759 : i1 to i32
        %sign3A_1761 = arith.constant 0 : i32
        %sign3A_1762 = arith.cmpi slt, %jit3A_1749, %sign3A_1761 : i32
        %sign3A_1763 = arith.extui %sign3A_1762 : i1 to i32
        %sign3A_1764 = arith.subi %sign3A_1760, %sign3A_1763 : i32
        %ne3A_1765 = arith.cmpi ne, %sign3A_1757, %sign3A_1764 : i32
        %rem3A_1766 = arith.remsi %add3A_1748, %jit3A_1749 : i32
        %ne3A_1767 = arith.constant 0 : i32
        %ne3A_1768 = arith.cmpi ne, %rem3A_1766, %ne3A_1767 : i32
        %and3A_1769 = arith.andi %ne3A_1765, %ne3A_1768 : i1
        %sub3A_1770 = arith.constant 1 : i32
        %sub3A_1771 = arith.subi %div3A_1750, %sub3A_1770 : i32
        %select_n3A_1772 = arith.select %and3A_1769, %sub3A_1771, %div3A_1750 : i32
        %jit3A_1773 = arith.constant 4 : i32
        %eq3A_1774 = arith.constant 0 : i32
        %eq3A_1775 = arith.cmpi eq, %jit3A_1773, %eq3A_1774 : i32
        %jit3A_1776 = arith.constant 1 : i32
        %select_n3A_1777 = arith.select %eq3A_1775, %jit3A_1776, %jit3A_1773 : i32
        %rem3A_1778 = arith.remsi %add3A_1748, %select_n3A_1777 : i32
        %ne3A_1779 = arith.constant 0 : i32
        %ne3A_1780 = arith.cmpi ne, %rem3A_1778, %ne3A_1779 : i32
        %lt3A_1781 = arith.constant 0 : i32
        %lt3A_1782 = arith.cmpi slt, %rem3A_1778, %lt3A_1781 : i32
        %lt3A_1783 = arith.constant 0 : i32
        %lt3A_1784 = arith.cmpi slt, %select_n3A_1777, %lt3A_1783 : i32
        %ne3A_1785 = arith.xori %lt3A_1782, %lt3A_1784 : i1
        %and3A_1786 = arith.andi %ne3A_1785, %ne3A_1780 : i1
        %add3A_1787 = arith.addi %rem3A_1778, %select_n3A_1777 : i32
        %select_n3A_1788 = arith.select %and3A_1786, %add3A_1787, %rem3A_1778 : i32
        %mul3A_1789 = arith.constant 4 : i32
        %mul3A_1790 = arith.muli %add3A, %mul3A_1789 : i32
        %add3A_1791 = arith.addi %mul3A_1790, %select_n3A_1788 : i32
        %dma_wait3A_1792 = arith.constant 0 : i32
        %dma_wait3A_1793 = arith.constant 0 : i32
        %dma_wait3A_1794 = arith.constant 0 : i32
        %dma_wait3A_1795 = tpu.memref_slice %arg15[%dma_wait3A_1793, %dma_wait3A_1794] : memref<32x129xf32, #tpu.memory_space<vmem>> -> memref<8x128xf32, #tpu.memory_space<vmem>>
        %dma_wait3A_1796 = arith.constant 0 : i32
        %dma_wait3A_1797 = arith.constant 0 : i32
        %dma_wait3A_1798 = tpu.memref_slice %arg4[%select_n3A_1772, %dma_wait3A_1792, %add3A_1791, %dma_wait3A_1796, %dma_wait3A_1797] : memref<50x4x128x8x128xf32, #tpu.memory_space<hbm>> -> memref<1x1x1x8x128xf32, #tpu.memory_space<hbm>>
        %dma_wait3A_1799 = tpu.memref_squeeze %dma_wait3A_1798 : memref<1x1x1x8x128xf32, #tpu.memory_space<hbm>> -> memref<8x128xf32, #tpu.memory_space<hbm>>
        %dma_wait3A_1800 = arith.constant 0 : i32
        %dma_wait3A_1801 = arith.constant 0 : i32
        %dma_wait3A_1802 = tpu.memref_slice %arg4[%select_n3A_1772, %dma_wait3A_1792, %add3A_1791, %dma_wait3A_1800, %dma_wait3A_1801] : memref<50x4x128x8x128xf32, #tpu.memory_space<hbm>> -> memref<1x1x1x8x128xf32, #tpu.memory_space<hbm>>
        %dma_wait3A_1803 = tpu.memref_squeeze %dma_wait3A_1802 : memref<1x1x1x8x128xf32, #tpu.memory_space<hbm>> -> memref<8x128xf32, #tpu.memory_space<hbm>>
        %dma_wait3A_1804 = arith.constant 0 : i32
        %dma_wait3A_1805 = arith.constant 0 : i32
        %dma_wait3A_1806 = tpu.memref_slice %arg15[%dma_wait3A_1804, %dma_wait3A_1805] : memref<32x129xf32, #tpu.memory_space<vmem>> -> memref<8x128xf32, #tpu.memory_space<vmem>>
        tpu.wait_dma2 semaphore(%arg24 : memref<!tpu.dma_semaphore, #tpu.memory_space<semaphore_mem>>) src(%dma_wait3A_1806 : memref<8x128xf32, #tpu.memory_space<vmem>>) dst(%dma_wait3A_1803 : memref<8x128xf32, #tpu.memory_space<hbm>>)
        %dma_wait3A_1807 = arith.constant 1 : i32
        %dma_wait3A_1808 = arith.constant 8 : i32
        %dma_wait3A_1809 = arith.constant 0 : i32
        %dma_wait3A_1810 = tpu.memref_slice %arg15[%dma_wait3A_1808, %dma_wait3A_1809] : memref<32x129xf32, #tpu.memory_space<vmem>> -> memref<8x128xf32, #tpu.memory_space<vmem>>
        %dma_wait3A_1811 = arith.constant 0 : i32
        %dma_wait3A_1812 = arith.constant 0 : i32
        %dma_wait3A_1813 = tpu.memref_slice %arg4[%select_n3A_1772, %dma_wait3A_1807, %add3A_1791, %dma_wait3A_1811, %dma_wait3A_1812] : memref<50x4x128x8x128xf32, #tpu.memory_space<hbm>> -> memref<1x1x1x8x128xf32, #tpu.memory_space<hbm>>
        %dma_wait3A_1814 = tpu.memref_squeeze %dma_wait3A_1813 : memref<1x1x1x8x128xf32, #tpu.memory_space<hbm>> -> memref<8x128xf32, #tpu.memory_space<hbm>>
        %dma_wait3A_1815 = arith.constant 0 : i32
        %dma_wait3A_1816 = arith.constant 0 : i32
        %dma_wait3A_1817 = tpu.memref_slice %arg4[%select_n3A_1772, %dma_wait3A_1807, %add3A_1791, %dma_wait3A_1815, %dma_wait3A_1816] : memref<50x4x128x8x128xf32, #tpu.memory_space<hbm>> -> memref<1x1x1x8x128xf32, #tpu.memory_space<hbm>>
        %dma_wait3A_1818 = tpu.memref_squeeze %dma_wait3A_1817 : memref<1x1x1x8x128xf32, #tpu.memory_space<hbm>> -> memref<8x128xf32, #tpu.memory_space<hbm>>
        %dma_wait3A_1819 = arith.constant 8 : i32
        %dma_wait3A_1820 = arith.constant 0 : i32
        %dma_wait3A_1821 = tpu.memref_slice %arg15[%dma_wait3A_1819, %dma_wait3A_1820] : memref<32x129xf32, #tpu.memory_space<vmem>> -> memref<8x128xf32, #tpu.memory_space<vmem>>
        tpu.wait_dma2 semaphore(%arg24 : memref<!tpu.dma_semaphore, #tpu.memory_space<semaphore_mem>>) src(%dma_wait3A_1821 : memref<8x128xf32, #tpu.memory_space<vmem>>) dst(%dma_wait3A_1818 : memref<8x128xf32, #tpu.memory_space<hbm>>)
        %dma_wait3A_1822 = arith.constant 2 : i32
        %dma_wait3A_1823 = arith.constant 16 : i32
        %dma_wait3A_1824 = arith.constant 0 : i32
        %dma_wait3A_1825 = tpu.memref_slice %arg15[%dma_wait3A_1823, %dma_wait3A_1824] : memref<32x129xf32, #tpu.memory_space<vmem>> -> memref<8x128xf32, #tpu.memory_space<vmem>>
        %dma_wait3A_1826 = arith.constant 0 : i32
        %dma_wait3A_1827 = arith.constant 0 : i32
        %dma_wait3A_1828 = tpu.memref_slice %arg4[%select_n3A_1772, %dma_wait3A_1822, %add3A_1791, %dma_wait3A_1826, %dma_wait3A_1827] : memref<50x4x128x8x128xf32, #tpu.memory_space<hbm>> -> memref<1x1x1x8x128xf32, #tpu.memory_space<hbm>>
        %dma_wait3A_1829 = tpu.memref_squeeze %dma_wait3A_1828 : memref<1x1x1x8x128xf32, #tpu.memory_space<hbm>> -> memref<8x128xf32, #tpu.memory_space<hbm>>
        %dma_wait3A_1830 = arith.constant 0 : i32
        %dma_wait3A_1831 = arith.constant 0 : i32
        %dma_wait3A_1832 = tpu.memref_slice %arg4[%select_n3A_1772, %dma_wait3A_1822, %add3A_1791, %dma_wait3A_1830, %dma_wait3A_1831] : memref<50x4x128x8x128xf32, #tpu.memory_space<hbm>> -> memref<1x1x1x8x128xf32, #tpu.memory_space<hbm>>
        %dma_wait3A_1833 = tpu.memref_squeeze %dma_wait3A_1832 : memref<1x1x1x8x128xf32, #tpu.memory_space<hbm>> -> memref<8x128xf32, #tpu.memory_space<hbm>>
        %dma_wait3A_1834 = arith.constant 16 : i32
        %dma_wait3A_1835 = arith.constant 0 : i32
        %dma_wait3A_1836 = tpu.memref_slice %arg15[%dma_wait3A_1834, %dma_wait3A_1835] : memref<32x129xf32, #tpu.memory_space<vmem>> -> memref<8x128xf32, #tpu.memory_space<vmem>>
        tpu.wait_dma2 semaphore(%arg24 : memref<!tpu.dma_semaphore, #tpu.memory_space<semaphore_mem>>) src(%dma_wait3A_1836 : memref<8x128xf32, #tpu.memory_space<vmem>>) dst(%dma_wait3A_1833 : memref<8x128xf32, #tpu.memory_space<hbm>>)
        %dma_wait3A_1837 = arith.constant 3 : i32
        %dma_wait3A_1838 = arith.constant 24 : i32
        %dma_wait3A_1839 = arith.constant 0 : i32
        %dma_wait3A_1840 = tpu.memref_slice %arg15[%dma_wait3A_1838, %dma_wait3A_1839] : memref<32x129xf32, #tpu.memory_space<vmem>> -> memref<8x128xf32, #tpu.memory_space<vmem>>
        %dma_wait3A_1841 = arith.constant 0 : i32
        %dma_wait3A_1842 = arith.constant 0 : i32
        %dma_wait3A_1843 = tpu.memref_slice %arg4[%select_n3A_1772, %dma_wait3A_1837, %add3A_1791, %dma_wait3A_1841, %dma_wait3A_1842] : memref<50x4x128x8x128xf32, #tpu.memory_space<hbm>> -> memref<1x1x1x8x128xf32, #tpu.memory_space<hbm>>
        %dma_wait3A_1844 = tpu.memref_squeeze %dma_wait3A_1843 : memref<1x1x1x8x128xf32, #tpu.memory_space<hbm>> -> memref<8x128xf32, #tpu.memory_space<hbm>>
        %dma_wait3A_1845 = arith.constant 0 : i32
        %dma_wait3A_1846 = arith.constant 0 : i32
        %dma_wait3A_1847 = tpu.memref_slice %arg4[%select_n3A_1772, %dma_wait3A_1837, %add3A_1791, %dma_wait3A_1845, %dma_wait3A_1846] : memref<50x4x128x8x128xf32, #tpu.memory_space<hbm>> -> memref<1x1x1x8x128xf32, #tpu.memory_space<hbm>>
        %dma_wait3A_1848 = tpu.memref_squeeze %dma_wait3A_1847 : memref<1x1x1x8x128xf32, #tpu.memory_space<hbm>> -> memref<8x128xf32, #tpu.memory_space<hbm>>
        %dma_wait3A_1849 = arith.constant 24 : i32
        %dma_wait3A_1850 = arith.constant 0 : i32
        %dma_wait3A_1851 = tpu.memref_slice %arg15[%dma_wait3A_1849, %dma_wait3A_1850] : memref<32x129xf32, #tpu.memory_space<vmem>> -> memref<8x128xf32, #tpu.memory_space<vmem>>
        tpu.wait_dma2 semaphore(%arg24 : memref<!tpu.dma_semaphore, #tpu.memory_space<semaphore_mem>>) src(%dma_wait3A_1851 : memref<8x128xf32, #tpu.memory_space<vmem>>) dst(%dma_wait3A_1848 : memref<8x128xf32, #tpu.memory_space<hbm>>)
        %mul3A_1852 = arith.constant 4 : i32
        %mul3A_1853 = arith.muli %sub3A_1637, %mul3A_1852 : i32
        %add3A_1854 = arith.constant 2 : i32
        %add3A_1855 = arith.addi %mul3A_1853, %add3A_1854 : i32
        %jit3A_1856 = arith.constant 4 : i32
        %div3A_1857 = arith.divsi %add3A_1855, %jit3A_1856 : i32
        %sign3A_1858 = arith.constant 0 : i32
        %sign3A_1859 = arith.cmpi sgt, %add3A_1855, %sign3A_1858 : i32
        %sign3A_1860 = arith.extui %sign3A_1859 : i1 to i32
        %sign3A_1861 = arith.constant 0 : i32
        %sign3A_1862 = arith.cmpi slt, %add3A_1855, %sign3A_1861 : i32
        %sign3A_1863 = arith.extui %sign3A_1862 : i1 to i32
        %sign3A_1864 = arith.subi %sign3A_1860, %sign3A_1863 : i32
        %sign3A_1865 = arith.constant 0 : i32
        %sign3A_1866 = arith.cmpi sgt, %jit3A_1856, %sign3A_1865 : i32
        %sign3A_1867 = arith.extui %sign3A_1866 : i1 to i32
        %sign3A_1868 = arith.constant 0 : i32
        %sign3A_1869 = arith.cmpi slt, %jit3A_1856, %sign3A_1868 : i32
        %sign3A_1870 = arith.extui %sign3A_1869 : i1 to i32
        %sign3A_1871 = arith.subi %sign3A_1867, %sign3A_1870 : i32
        %ne3A_1872 = arith.cmpi ne, %sign3A_1864, %sign3A_1871 : i32
        %rem3A_1873 = arith.remsi %add3A_1855, %jit3A_1856 : i32
        %ne3A_1874 = arith.constant 0 : i32
        %ne3A_1875 = arith.cmpi ne, %rem3A_1873, %ne3A_1874 : i32
        %and3A_1876 = arith.andi %ne3A_1872, %ne3A_1875 : i1
        %sub3A_1877 = arith.constant 1 : i32
        %sub3A_1878 = arith.subi %div3A_1857, %sub3A_1877 : i32
        %select_n3A_1879 = arith.select %and3A_1876, %sub3A_1878, %div3A_1857 : i32
        %jit3A_1880 = arith.constant 4 : i32
        %eq3A_1881 = arith.constant 0 : i32
        %eq3A_1882 = arith.cmpi eq, %jit3A_1880, %eq3A_1881 : i32
        %jit3A_1883 = arith.constant 1 : i32
        %select_n3A_1884 = arith.select %eq3A_1882, %jit3A_1883, %jit3A_1880 : i32
        %rem3A_1885 = arith.remsi %add3A_1855, %select_n3A_1884 : i32
        %ne3A_1886 = arith.constant 0 : i32
        %ne3A_1887 = arith.cmpi ne, %rem3A_1885, %ne3A_1886 : i32
        %lt3A_1888 = arith.constant 0 : i32
        %lt3A_1889 = arith.cmpi slt, %rem3A_1885, %lt3A_1888 : i32
        %lt3A_1890 = arith.constant 0 : i32
        %lt3A_1891 = arith.cmpi slt, %select_n3A_1884, %lt3A_1890 : i32
        %ne3A_1892 = arith.xori %lt3A_1889, %lt3A_1891 : i1
        %and3A_1893 = arith.andi %ne3A_1892, %ne3A_1887 : i1
        %add3A_1894 = arith.addi %rem3A_1885, %select_n3A_1884 : i32
        %select_n3A_1895 = arith.select %and3A_1893, %add3A_1894, %rem3A_1885 : i32
        %mul3A_1896 = arith.constant 4 : i32
        %mul3A_1897 = arith.muli %add3A, %mul3A_1896 : i32
        %add3A_1898 = arith.addi %mul3A_1897, %select_n3A_1895 : i32
        %dma_wait3A_1899 = arith.constant 0 : i32
        %dma_wait3A_1900 = arith.constant 0 : i32
        %dma_wait3A_1901 = arith.constant 0 : i32
        %dma_wait3A_1902 = tpu.memref_slice %arg16[%dma_wait3A_1900, %dma_wait3A_1901] : memref<32x129xf32, #tpu.memory_space<vmem>> -> memref<8x128xf32, #tpu.memory_space<vmem>>
        %dma_wait3A_1903 = arith.constant 0 : i32
        %dma_wait3A_1904 = arith.constant 0 : i32
        %dma_wait3A_1905 = tpu.memref_slice %arg4[%select_n3A_1879, %dma_wait3A_1899, %add3A_1898, %dma_wait3A_1903, %dma_wait3A_1904] : memref<50x4x128x8x128xf32, #tpu.memory_space<hbm>> -> memref<1x1x1x8x128xf32, #tpu.memory_space<hbm>>
        %dma_wait3A_1906 = tpu.memref_squeeze %dma_wait3A_1905 : memref<1x1x1x8x128xf32, #tpu.memory_space<hbm>> -> memref<8x128xf32, #tpu.memory_space<hbm>>
        %dma_wait3A_1907 = arith.constant 0 : i32
        %dma_wait3A_1908 = arith.constant 0 : i32
        %dma_wait3A_1909 = tpu.memref_slice %arg4[%select_n3A_1879, %dma_wait3A_1899, %add3A_1898, %dma_wait3A_1907, %dma_wait3A_1908] : memref<50x4x128x8x128xf32, #tpu.memory_space<hbm>> -> memref<1x1x1x8x128xf32, #tpu.memory_space<hbm>>
        %dma_wait3A_1910 = tpu.memref_squeeze %dma_wait3A_1909 : memref<1x1x1x8x128xf32, #tpu.memory_space<hbm>> -> memref<8x128xf32, #tpu.memory_space<hbm>>
        %dma_wait3A_1911 = arith.constant 0 : i32
        %dma_wait3A_1912 = arith.constant 0 : i32
        %dma_wait3A_1913 = tpu.memref_slice %arg16[%dma_wait3A_1911, %dma_wait3A_1912] : memref<32x129xf32, #tpu.memory_space<vmem>> -> memref<8x128xf32, #tpu.memory_space<vmem>>
        tpu.wait_dma2 semaphore(%arg24 : memref<!tpu.dma_semaphore, #tpu.memory_space<semaphore_mem>>) src(%dma_wait3A_1913 : memref<8x128xf32, #tpu.memory_space<vmem>>) dst(%dma_wait3A_1910 : memref<8x128xf32, #tpu.memory_space<hbm>>)
        %dma_wait3A_1914 = arith.constant 1 : i32
        %dma_wait3A_1915 = arith.constant 8 : i32
        %dma_wait3A_1916 = arith.constant 0 : i32
        %dma_wait3A_1917 = tpu.memref_slice %arg16[%dma_wait3A_1915, %dma_wait3A_1916] : memref<32x129xf32, #tpu.memory_space<vmem>> -> memref<8x128xf32, #tpu.memory_space<vmem>>
        %dma_wait3A_1918 = arith.constant 0 : i32
        %dma_wait3A_1919 = arith.constant 0 : i32
        %dma_wait3A_1920 = tpu.memref_slice %arg4[%select_n3A_1879, %dma_wait3A_1914, %add3A_1898, %dma_wait3A_1918, %dma_wait3A_1919] : memref<50x4x128x8x128xf32, #tpu.memory_space<hbm>> -> memref<1x1x1x8x128xf32, #tpu.memory_space<hbm>>
        %dma_wait3A_1921 = tpu.memref_squeeze %dma_wait3A_1920 : memref<1x1x1x8x128xf32, #tpu.memory_space<hbm>> -> memref<8x128xf32, #tpu.memory_space<hbm>>
        %dma_wait3A_1922 = arith.constant 0 : i32
        %dma_wait3A_1923 = arith.constant 0 : i32
        %dma_wait3A_1924 = tpu.memref_slice %arg4[%select_n3A_1879, %dma_wait3A_1914, %add3A_1898, %dma_wait3A_1922, %dma_wait3A_1923] : memref<50x4x128x8x128xf32, #tpu.memory_space<hbm>> -> memref<1x1x1x8x128xf32, #tpu.memory_space<hbm>>
        %dma_wait3A_1925 = tpu.memref_squeeze %dma_wait3A_1924 : memref<1x1x1x8x128xf32, #tpu.memory_space<hbm>> -> memref<8x128xf32, #tpu.memory_space<hbm>>
        %dma_wait3A_1926 = arith.constant 8 : i32
        %dma_wait3A_1927 = arith.constant 0 : i32
        %dma_wait3A_1928 = tpu.memref_slice %arg16[%dma_wait3A_1926, %dma_wait3A_1927] : memref<32x129xf32, #tpu.memory_space<vmem>> -> memref<8x128xf32, #tpu.memory_space<vmem>>
        tpu.wait_dma2 semaphore(%arg24 : memref<!tpu.dma_semaphore, #tpu.memory_space<semaphore_mem>>) src(%dma_wait3A_1928 : memref<8x128xf32, #tpu.memory_space<vmem>>) dst(%dma_wait3A_1925 : memref<8x128xf32, #tpu.memory_space<hbm>>)
        %dma_wait3A_1929 = arith.constant 2 : i32
        %dma_wait3A_1930 = arith.constant 16 : i32
        %dma_wait3A_1931 = arith.constant 0 : i32
        %dma_wait3A_1932 = tpu.memref_slice %arg16[%dma_wait3A_1930, %dma_wait3A_1931] : memref<32x129xf32, #tpu.memory_space<vmem>> -> memref<8x128xf32, #tpu.memory_space<vmem>>
        %dma_wait3A_1933 = arith.constant 0 : i32
        %dma_wait3A_1934 = arith.constant 0 : i32
        %dma_wait3A_1935 = tpu.memref_slice %arg4[%select_n3A_1879, %dma_wait3A_1929, %add3A_1898, %dma_wait3A_1933, %dma_wait3A_1934] : memref<50x4x128x8x128xf32, #tpu.memory_space<hbm>> -> memref<1x1x1x8x128xf32, #tpu.memory_space<hbm>>
        %dma_wait3A_1936 = tpu.memref_squeeze %dma_wait3A_1935 : memref<1x1x1x8x128xf32, #tpu.memory_space<hbm>> -> memref<8x128xf32, #tpu.memory_space<hbm>>
        %dma_wait3A_1937 = arith.constant 0 : i32
        %dma_wait3A_1938 = arith.constant 0 : i32
        %dma_wait3A_1939 = tpu.memref_slice %arg4[%select_n3A_1879, %dma_wait3A_1929, %add3A_1898, %dma_wait3A_1937, %dma_wait3A_1938] : memref<50x4x128x8x128xf32, #tpu.memory_space<hbm>> -> memref<1x1x1x8x128xf32, #tpu.memory_space<hbm>>
        %dma_wait3A_1940 = tpu.memref_squeeze %dma_wait3A_1939 : memref<1x1x1x8x128xf32, #tpu.memory_space<hbm>> -> memref<8x128xf32, #tpu.memory_space<hbm>>
        %dma_wait3A_1941 = arith.constant 16 : i32
        %dma_wait3A_1942 = arith.constant 0 : i32
        %dma_wait3A_1943 = tpu.memref_slice %arg16[%dma_wait3A_1941, %dma_wait3A_1942] : memref<32x129xf32, #tpu.memory_space<vmem>> -> memref<8x128xf32, #tpu.memory_space<vmem>>
        tpu.wait_dma2 semaphore(%arg24 : memref<!tpu.dma_semaphore, #tpu.memory_space<semaphore_mem>>) src(%dma_wait3A_1943 : memref<8x128xf32, #tpu.memory_space<vmem>>) dst(%dma_wait3A_1940 : memref<8x128xf32, #tpu.memory_space<hbm>>)
        %dma_wait3A_1944 = arith.constant 3 : i32
        %dma_wait3A_1945 = arith.constant 24 : i32
        %dma_wait3A_1946 = arith.constant 0 : i32
        %dma_wait3A_1947 = tpu.memref_slice %arg16[%dma_wait3A_1945, %dma_wait3A_1946] : memref<32x129xf32, #tpu.memory_space<vmem>> -> memref<8x128xf32, #tpu.memory_space<vmem>>
        %dma_wait3A_1948 = arith.constant 0 : i32
        %dma_wait3A_1949 = arith.constant 0 : i32
        %dma_wait3A_1950 = tpu.memref_slice %arg4[%select_n3A_1879, %dma_wait3A_1944, %add3A_1898, %dma_wait3A_1948, %dma_wait3A_1949] : memref<50x4x128x8x128xf32, #tpu.memory_space<hbm>> -> memref<1x1x1x8x128xf32, #tpu.memory_space<hbm>>
        %dma_wait3A_1951 = tpu.memref_squeeze %dma_wait3A_1950 : memref<1x1x1x8x128xf32, #tpu.memory_space<hbm>> -> memref<8x128xf32, #tpu.memory_space<hbm>>
        %dma_wait3A_1952 = arith.constant 0 : i32
        %dma_wait3A_1953 = arith.constant 0 : i32
        %dma_wait3A_1954 = tpu.memref_slice %arg4[%select_n3A_1879, %dma_wait3A_1944, %add3A_1898, %dma_wait3A_1952, %dma_wait3A_1953] : memref<50x4x128x8x128xf32, #tpu.memory_space<hbm>> -> memref<1x1x1x8x128xf32, #tpu.memory_space<hbm>>
        %dma_wait3A_1955 = tpu.memref_squeeze %dma_wait3A_1954 : memref<1x1x1x8x128xf32, #tpu.memory_space<hbm>> -> memref<8x128xf32, #tpu.memory_space<hbm>>
        %dma_wait3A_1956 = arith.constant 24 : i32
        %dma_wait3A_1957 = arith.constant 0 : i32
        %dma_wait3A_1958 = tpu.memref_slice %arg16[%dma_wait3A_1956, %dma_wait3A_1957] : memref<32x129xf32, #tpu.memory_space<vmem>> -> memref<8x128xf32, #tpu.memory_space<vmem>>
        tpu.wait_dma2 semaphore(%arg24 : memref<!tpu.dma_semaphore, #tpu.memory_space<semaphore_mem>>) src(%dma_wait3A_1958 : memref<8x128xf32, #tpu.memory_space<vmem>>) dst(%dma_wait3A_1955 : memref<8x128xf32, #tpu.memory_space<hbm>>)
        %mul3A_1959 = arith.constant 4 : i32
        %mul3A_1960 = arith.muli %sub3A_1637, %mul3A_1959 : i32
        %add3A_1961 = arith.constant 3 : i32
        %add3A_1962 = arith.addi %mul3A_1960, %add3A_1961 : i32
        %jit3A_1963 = arith.constant 4 : i32
        %div3A_1964 = arith.divsi %add3A_1962, %jit3A_1963 : i32
        %sign3A_1965 = arith.constant 0 : i32
        %sign3A_1966 = arith.cmpi sgt, %add3A_1962, %sign3A_1965 : i32
        %sign3A_1967 = arith.extui %sign3A_1966 : i1 to i32
        %sign3A_1968 = arith.constant 0 : i32
        %sign3A_1969 = arith.cmpi slt, %add3A_1962, %sign3A_1968 : i32
        %sign3A_1970 = arith.extui %sign3A_1969 : i1 to i32
        %sign3A_1971 = arith.subi %sign3A_1967, %sign3A_1970 : i32
        %sign3A_1972 = arith.constant 0 : i32
        %sign3A_1973 = arith.cmpi sgt, %jit3A_1963, %sign3A_1972 : i32
        %sign3A_1974 = arith.extui %sign3A_1973 : i1 to i32
        %sign3A_1975 = arith.constant 0 : i32
        %sign3A_1976 = arith.cmpi slt, %jit3A_1963, %sign3A_1975 : i32
        %sign3A_1977 = arith.extui %sign3A_1976 : i1 to i32
        %sign3A_1978 = arith.subi %sign3A_1974, %sign3A_1977 : i32
        %ne3A_1979 = arith.cmpi ne, %sign3A_1971, %sign3A_1978 : i32
        %rem3A_1980 = arith.remsi %add3A_1962, %jit3A_1963 : i32
        %ne3A_1981 = arith.constant 0 : i32
        %ne3A_1982 = arith.cmpi ne, %rem3A_1980, %ne3A_1981 : i32
        %and3A_1983 = arith.andi %ne3A_1979, %ne3A_1982 : i1
        %sub3A_1984 = arith.constant 1 : i32
        %sub3A_1985 = arith.subi %div3A_1964, %sub3A_1984 : i32
        %select_n3A_1986 = arith.select %and3A_1983, %sub3A_1985, %div3A_1964 : i32
        %jit3A_1987 = arith.constant 4 : i32
        %eq3A_1988 = arith.constant 0 : i32
        %eq3A_1989 = arith.cmpi eq, %jit3A_1987, %eq3A_1988 : i32
        %jit3A_1990 = arith.constant 1 : i32
        %select_n3A_1991 = arith.select %eq3A_1989, %jit3A_1990, %jit3A_1987 : i32
        %rem3A_1992 = arith.remsi %add3A_1962, %select_n3A_1991 : i32
        %ne3A_1993 = arith.constant 0 : i32
        %ne3A_1994 = arith.cmpi ne, %rem3A_1992, %ne3A_1993 : i32
        %lt3A_1995 = arith.constant 0 : i32
        %lt3A_1996 = arith.cmpi slt, %rem3A_1992, %lt3A_1995 : i32
        %lt3A_1997 = arith.constant 0 : i32
        %lt3A_1998 = arith.cmpi slt, %select_n3A_1991, %lt3A_1997 : i32
        %ne3A_1999 = arith.xori %lt3A_1996, %lt3A_1998 : i1
        %and3A_2000 = arith.andi %ne3A_1999, %ne3A_1994 : i1
        %add3A_2001 = arith.addi %rem3A_1992, %select_n3A_1991 : i32
        %select_n3A_2002 = arith.select %and3A_2000, %add3A_2001, %rem3A_1992 : i32
        %mul3A_2003 = arith.constant 4 : i32
        %mul3A_2004 = arith.muli %add3A, %mul3A_2003 : i32
        %add3A_2005 = arith.addi %mul3A_2004, %select_n3A_2002 : i32
        %dma_wait3A_2006 = arith.constant 0 : i32
        %dma_wait3A_2007 = arith.constant 0 : i32
        %dma_wait3A_2008 = arith.constant 0 : i32
        %dma_wait3A_2009 = tpu.memref_slice %arg17[%dma_wait3A_2007, %dma_wait3A_2008] : memref<32x129xf32, #tpu.memory_space<vmem>> -> memref<8x128xf32, #tpu.memory_space<vmem>>
        %dma_wait3A_2010 = arith.constant 0 : i32
        %dma_wait3A_2011 = arith.constant 0 : i32
        %dma_wait3A_2012 = tpu.memref_slice %arg4[%select_n3A_1986, %dma_wait3A_2006, %add3A_2005, %dma_wait3A_2010, %dma_wait3A_2011] : memref<50x4x128x8x128xf32, #tpu.memory_space<hbm>> -> memref<1x1x1x8x128xf32, #tpu.memory_space<hbm>>
        %dma_wait3A_2013 = tpu.memref_squeeze %dma_wait3A_2012 : memref<1x1x1x8x128xf32, #tpu.memory_space<hbm>> -> memref<8x128xf32, #tpu.memory_space<hbm>>
        %dma_wait3A_2014 = arith.constant 0 : i32
        %dma_wait3A_2015 = arith.constant 0 : i32
        %dma_wait3A_2016 = tpu.memref_slice %arg4[%select_n3A_1986, %dma_wait3A_2006, %add3A_2005, %dma_wait3A_2014, %dma_wait3A_2015] : memref<50x4x128x8x128xf32, #tpu.memory_space<hbm>> -> memref<1x1x1x8x128xf32, #tpu.memory_space<hbm>>
        %dma_wait3A_2017 = tpu.memref_squeeze %dma_wait3A_2016 : memref<1x1x1x8x128xf32, #tpu.memory_space<hbm>> -> memref<8x128xf32, #tpu.memory_space<hbm>>
        %dma_wait3A_2018 = arith.constant 0 : i32
        %dma_wait3A_2019 = arith.constant 0 : i32
        %dma_wait3A_2020 = tpu.memref_slice %arg17[%dma_wait3A_2018, %dma_wait3A_2019] : memref<32x129xf32, #tpu.memory_space<vmem>> -> memref<8x128xf32, #tpu.memory_space<vmem>>
        tpu.wait_dma2 semaphore(%arg24 : memref<!tpu.dma_semaphore, #tpu.memory_space<semaphore_mem>>) src(%dma_wait3A_2020 : memref<8x128xf32, #tpu.memory_space<vmem>>) dst(%dma_wait3A_2017 : memref<8x128xf32, #tpu.memory_space<hbm>>)
        %dma_wait3A_2021 = arith.constant 1 : i32
        %dma_wait3A_2022 = arith.constant 8 : i32
        %dma_wait3A_2023 = arith.constant 0 : i32
        %dma_wait3A_2024 = tpu.memref_slice %arg17[%dma_wait3A_2022, %dma_wait3A_2023] : memref<32x129xf32, #tpu.memory_space<vmem>> -> memref<8x128xf32, #tpu.memory_space<vmem>>
        %dma_wait3A_2025 = arith.constant 0 : i32
        %dma_wait3A_2026 = arith.constant 0 : i32
        %dma_wait3A_2027 = tpu.memref_slice %arg4[%select_n3A_1986, %dma_wait3A_2021, %add3A_2005, %dma_wait3A_2025, %dma_wait3A_2026] : memref<50x4x128x8x128xf32, #tpu.memory_space<hbm>> -> memref<1x1x1x8x128xf32, #tpu.memory_space<hbm>>
        %dma_wait3A_2028 = tpu.memref_squeeze %dma_wait3A_2027 : memref<1x1x1x8x128xf32, #tpu.memory_space<hbm>> -> memref<8x128xf32, #tpu.memory_space<hbm>>
        %dma_wait3A_2029 = arith.constant 0 : i32
        %dma_wait3A_2030 = arith.constant 0 : i32
        %dma_wait3A_2031 = tpu.memref_slice %arg4[%select_n3A_1986, %dma_wait3A_2021, %add3A_2005, %dma_wait3A_2029, %dma_wait3A_2030] : memref<50x4x128x8x128xf32, #tpu.memory_space<hbm>> -> memref<1x1x1x8x128xf32, #tpu.memory_space<hbm>>
        %dma_wait3A_2032 = tpu.memref_squeeze %dma_wait3A_2031 : memref<1x1x1x8x128xf32, #tpu.memory_space<hbm>> -> memref<8x128xf32, #tpu.memory_space<hbm>>
        %dma_wait3A_2033 = arith.constant 8 : i32
        %dma_wait3A_2034 = arith.constant 0 : i32
        %dma_wait3A_2035 = tpu.memref_slice %arg17[%dma_wait3A_2033, %dma_wait3A_2034] : memref<32x129xf32, #tpu.memory_space<vmem>> -> memref<8x128xf32, #tpu.memory_space<vmem>>
        tpu.wait_dma2 semaphore(%arg24 : memref<!tpu.dma_semaphore, #tpu.memory_space<semaphore_mem>>) src(%dma_wait3A_2035 : memref<8x128xf32, #tpu.memory_space<vmem>>) dst(%dma_wait3A_2032 : memref<8x128xf32, #tpu.memory_space<hbm>>)
        %dma_wait3A_2036 = arith.constant 2 : i32
        %dma_wait3A_2037 = arith.constant 16 : i32
        %dma_wait3A_2038 = arith.constant 0 : i32
        %dma_wait3A_2039 = tpu.memref_slice %arg17[%dma_wait3A_2037, %dma_wait3A_2038] : memref<32x129xf32, #tpu.memory_space<vmem>> -> memref<8x128xf32, #tpu.memory_space<vmem>>
        %dma_wait3A_2040 = arith.constant 0 : i32
        %dma_wait3A_2041 = arith.constant 0 : i32
        %dma_wait3A_2042 = tpu.memref_slice %arg4[%select_n3A_1986, %dma_wait3A_2036, %add3A_2005, %dma_wait3A_2040, %dma_wait3A_2041] : memref<50x4x128x8x128xf32, #tpu.memory_space<hbm>> -> memref<1x1x1x8x128xf32, #tpu.memory_space<hbm>>
        %dma_wait3A_2043 = tpu.memref_squeeze %dma_wait3A_2042 : memref<1x1x1x8x128xf32, #tpu.memory_space<hbm>> -> memref<8x128xf32, #tpu.memory_space<hbm>>
        %dma_wait3A_2044 = arith.constant 0 : i32
        %dma_wait3A_2045 = arith.constant 0 : i32
        %dma_wait3A_2046 = tpu.memref_slice %arg4[%select_n3A_1986, %dma_wait3A_2036, %add3A_2005, %dma_wait3A_2044, %dma_wait3A_2045] : memref<50x4x128x8x128xf32, #tpu.memory_space<hbm>> -> memref<1x1x1x8x128xf32, #tpu.memory_space<hbm>>
        %dma_wait3A_2047 = tpu.memref_squeeze %dma_wait3A_2046 : memref<1x1x1x8x128xf32, #tpu.memory_space<hbm>> -> memref<8x128xf32, #tpu.memory_space<hbm>>
        %dma_wait3A_2048 = arith.constant 16 : i32
        %dma_wait3A_2049 = arith.constant 0 : i32
        %dma_wait3A_2050 = tpu.memref_slice %arg17[%dma_wait3A_2048, %dma_wait3A_2049] : memref<32x129xf32, #tpu.memory_space<vmem>> -> memref<8x128xf32, #tpu.memory_space<vmem>>
        tpu.wait_dma2 semaphore(%arg24 : memref<!tpu.dma_semaphore, #tpu.memory_space<semaphore_mem>>) src(%dma_wait3A_2050 : memref<8x128xf32, #tpu.memory_space<vmem>>) dst(%dma_wait3A_2047 : memref<8x128xf32, #tpu.memory_space<hbm>>)
        %dma_wait3A_2051 = arith.constant 3 : i32
        %dma_wait3A_2052 = arith.constant 24 : i32
        %dma_wait3A_2053 = arith.constant 0 : i32
        %dma_wait3A_2054 = tpu.memref_slice %arg17[%dma_wait3A_2052, %dma_wait3A_2053] : memref<32x129xf32, #tpu.memory_space<vmem>> -> memref<8x128xf32, #tpu.memory_space<vmem>>
        %dma_wait3A_2055 = arith.constant 0 : i32
        %dma_wait3A_2056 = arith.constant 0 : i32
        %dma_wait3A_2057 = tpu.memref_slice %arg4[%select_n3A_1986, %dma_wait3A_2051, %add3A_2005, %dma_wait3A_2055, %dma_wait3A_2056] : memref<50x4x128x8x128xf32, #tpu.memory_space<hbm>> -> memref<1x1x1x8x128xf32, #tpu.memory_space<hbm>>
        %dma_wait3A_2058 = tpu.memref_squeeze %dma_wait3A_2057 : memref<1x1x1x8x128xf32, #tpu.memory_space<hbm>> -> memref<8x128xf32, #tpu.memory_space<hbm>>
        %dma_wait3A_2059 = arith.constant 0 : i32
        %dma_wait3A_2060 = arith.constant 0 : i32
        %dma_wait3A_2061 = tpu.memref_slice %arg4[%select_n3A_1986, %dma_wait3A_2051, %add3A_2005, %dma_wait3A_2059, %dma_wait3A_2060] : memref<50x4x128x8x128xf32, #tpu.memory_space<hbm>> -> memref<1x1x1x8x128xf32, #tpu.memory_space<hbm>>
        %dma_wait3A_2062 = tpu.memref_squeeze %dma_wait3A_2061 : memref<1x1x1x8x128xf32, #tpu.memory_space<hbm>> -> memref<8x128xf32, #tpu.memory_space<hbm>>
        %dma_wait3A_2063 = arith.constant 24 : i32
        %dma_wait3A_2064 = arith.constant 0 : i32
        %dma_wait3A_2065 = tpu.memref_slice %arg17[%dma_wait3A_2063, %dma_wait3A_2064] : memref<32x129xf32, #tpu.memory_space<vmem>> -> memref<8x128xf32, #tpu.memory_space<vmem>>
        tpu.wait_dma2 semaphore(%arg24 : memref<!tpu.dma_semaphore, #tpu.memory_space<semaphore_mem>>) src(%dma_wait3A_2065 : memref<8x128xf32, #tpu.memory_space<vmem>>) dst(%dma_wait3A_2062 : memref<8x128xf32, #tpu.memory_space<hbm>>)
      } else {
      }
      %add3A_973 = arith.constant 1 : i32
      %add3A_974 = arith.addi %add3A_967, %add3A_973 : i32
      %lt3A_975 = arith.constant 50 : i32
      %lt3A_976 = arith.cmpi slt, %add3A_974, %lt3A_975 : i32
      %convert_element_type3A_977 = arith.extui %lt3A_976 : i1 to i32
      %cond3A_978 = arith.constant 0 : i32
      %cond3A_979 = arith.cmpi ne, %convert_element_type3A_977, %cond3A_978 : i32
      scf.if %cond3A_979 {
        %add3A_1636 = arith.constant 1 : i32
        %add3A_1637 = arith.addi %add3A_967, %add3A_1636 : i32
        %mul3A_1638 = arith.constant 4 : i32
        %mul3A_1639 = arith.muli %add3A_1637, %mul3A_1638 : i32
        %add3A_1640 = arith.constant 0 : i32
        %add3A_1641 = arith.addi %mul3A_1639, %add3A_1640 : i32
        %jit3A_1642 = arith.constant 4 : i32
        %div3A_1643 = arith.divsi %add3A_1641, %jit3A_1642 : i32
        %sign3A_1644 = arith.constant 0 : i32
        %sign3A_1645 = arith.cmpi sgt, %add3A_1641, %sign3A_1644 : i32
        %sign3A_1646 = arith.extui %sign3A_1645 : i1 to i32
        %sign3A_1647 = arith.constant 0 : i32
        %sign3A_1648 = arith.cmpi slt, %add3A_1641, %sign3A_1647 : i32
        %sign3A_1649 = arith.extui %sign3A_1648 : i1 to i32
        %sign3A_1650 = arith.subi %sign3A_1646, %sign3A_1649 : i32
        %sign3A_1651 = arith.constant 0 : i32
        %sign3A_1652 = arith.cmpi sgt, %jit3A_1642, %sign3A_1651 : i32
        %sign3A_1653 = arith.extui %sign3A_1652 : i1 to i32
        %sign3A_1654 = arith.constant 0 : i32
        %sign3A_1655 = arith.cmpi slt, %jit3A_1642, %sign3A_1654 : i32
        %sign3A_1656 = arith.extui %sign3A_1655 : i1 to i32
        %sign3A_1657 = arith.subi %sign3A_1653, %sign3A_1656 : i32
        %ne3A_1658 = arith.cmpi ne, %sign3A_1650, %sign3A_1657 : i32
        %rem3A_1659 = arith.remsi %add3A_1641, %jit3A_1642 : i32
        %ne3A_1660 = arith.constant 0 : i32
        %ne3A_1661 = arith.cmpi ne, %rem3A_1659, %ne3A_1660 : i32
        %and3A_1662 = arith.andi %ne3A_1658, %ne3A_1661 : i1
        %sub3A_1663 = arith.constant 1 : i32
        %sub3A_1664 = arith.subi %div3A_1643, %sub3A_1663 : i32
        %select_n3A_1665 = arith.select %and3A_1662, %sub3A_1664, %div3A_1643 : i32
        %jit3A_1666 = arith.constant 4 : i32
        %eq3A_1667 = arith.constant 0 : i32
        %eq3A_1668 = arith.cmpi eq, %jit3A_1666, %eq3A_1667 : i32
        %jit3A_1669 = arith.constant 1 : i32
        %select_n3A_1670 = arith.select %eq3A_1668, %jit3A_1669, %jit3A_1666 : i32
        %rem3A_1671 = arith.remsi %add3A_1641, %select_n3A_1670 : i32
        %ne3A_1672 = arith.constant 0 : i32
        %ne3A_1673 = arith.cmpi ne, %rem3A_1671, %ne3A_1672 : i32
        %lt3A_1674 = arith.constant 0 : i32
        %lt3A_1675 = arith.cmpi slt, %rem3A_1671, %lt3A_1674 : i32
        %lt3A_1676 = arith.constant 0 : i32
        %lt3A_1677 = arith.cmpi slt, %select_n3A_1670, %lt3A_1676 : i32
        %ne3A_1678 = arith.xori %lt3A_1675, %lt3A_1677 : i1
        %and3A_1679 = arith.andi %ne3A_1678, %ne3A_1673 : i1
        %add3A_1680 = arith.addi %rem3A_1671, %select_n3A_1670 : i32
        %select_n3A_1681 = arith.select %and3A_1679, %add3A_1680, %rem3A_1671 : i32
        %mul3A_1682 = arith.constant 128 : i32
        %mul3A_1683 = arith.muli %select_n3A_1681, %mul3A_1682 : i32
        %dma_start3A_1684 = tpu.memref_slice %arg5[%select_n3A_1665, %mul3A_1683] : memref<50x512xi32, #tpu.memory_space<vmem>> -> memref<1x128xi32, #tpu.memory_space<vmem>>
        %dma_start3A_1685 = tpu.memref_squeeze %dma_start3A_1684 : memref<1x128xi32, #tpu.memory_space<vmem>> -> memref<128xi32, #tpu.memory_space<vmem>>
        %dma_start3A_1686 = arith.constant 0 : i32
        %dma_start3A_1687 = arith.constant 0 : i32
        %dma_start3A_1688 = tpu.memref_slice %arg3[%dma_start3A_1686, %dma_start3A_1687] : memref<1000000x32xf32, #tpu.memory_space<hbm>> -> memref<1000000x32xf32, #tpu.memory_space<hbm>>
        tpu.enqueue_indirect_dma source(%dma_start3A_1688 : memref<1000000x32xf32, #tpu.memory_space<hbm>>) target(%arg6 : memref<128x32xf32, #tpu.memory_space<vmem>>) offsets(%dma_start3A_1685 : memref<128xi32, #tpu.memory_space<vmem>>) semaphore(%arg22 : memref<!tpu.dma_semaphore, #tpu.memory_space<semaphore_mem>>)
        %mul3A_1689 = arith.constant 4 : i32
        %mul3A_1690 = arith.muli %add3A_1637, %mul3A_1689 : i32
        %add3A_1691 = arith.constant 1 : i32
        %add3A_1692 = arith.addi %mul3A_1690, %add3A_1691 : i32
        %jit3A_1693 = arith.constant 4 : i32
        %div3A_1694 = arith.divsi %add3A_1692, %jit3A_1693 : i32
        %sign3A_1695 = arith.constant 0 : i32
        %sign3A_1696 = arith.cmpi sgt, %add3A_1692, %sign3A_1695 : i32
        %sign3A_1697 = arith.extui %sign3A_1696 : i1 to i32
        %sign3A_1698 = arith.constant 0 : i32
        %sign3A_1699 = arith.cmpi slt, %add3A_1692, %sign3A_1698 : i32
        %sign3A_1700 = arith.extui %sign3A_1699 : i1 to i32
        %sign3A_1701 = arith.subi %sign3A_1697, %sign3A_1700 : i32
        %sign3A_1702 = arith.constant 0 : i32
        %sign3A_1703 = arith.cmpi sgt, %jit3A_1693, %sign3A_1702 : i32
        %sign3A_1704 = arith.extui %sign3A_1703 : i1 to i32
        %sign3A_1705 = arith.constant 0 : i32
        %sign3A_1706 = arith.cmpi slt, %jit3A_1693, %sign3A_1705 : i32
        %sign3A_1707 = arith.extui %sign3A_1706 : i1 to i32
        %sign3A_1708 = arith.subi %sign3A_1704, %sign3A_1707 : i32
        %ne3A_1709 = arith.cmpi ne, %sign3A_1701, %sign3A_1708 : i32
        %rem3A_1710 = arith.remsi %add3A_1692, %jit3A_1693 : i32
        %ne3A_1711 = arith.constant 0 : i32
        %ne3A_1712 = arith.cmpi ne, %rem3A_1710, %ne3A_1711 : i32
        %and3A_1713 = arith.andi %ne3A_1709, %ne3A_1712 : i1
        %sub3A_1714 = arith.constant 1 : i32
        %sub3A_1715 = arith.subi %div3A_1694, %sub3A_1714 : i32
        %select_n3A_1716 = arith.select %and3A_1713, %sub3A_1715, %div3A_1694 : i32
        %jit3A_1717 = arith.constant 4 : i32
        %eq3A_1718 = arith.constant 0 : i32
        %eq3A_1719 = arith.cmpi eq, %jit3A_1717, %eq3A_1718 : i32
        %jit3A_1720 = arith.constant 1 : i32
        %select_n3A_1721 = arith.select %eq3A_1719, %jit3A_1720, %jit3A_1717 : i32
        %rem3A_1722 = arith.remsi %add3A_1692, %select_n3A_1721 : i32
        %ne3A_1723 = arith.constant 0 : i32
        %ne3A_1724 = arith.cmpi ne, %rem3A_1722, %ne3A_1723 : i32
        %lt3A_1725 = arith.constant 0 : i32
        %lt3A_1726 = arith.cmpi slt, %rem3A_1722, %lt3A_1725 : i32
        %lt3A_1727 = arith.constant 0 : i32
        %lt3A_1728 = arith.cmpi slt, %select_n3A_1721, %lt3A_1727 : i32
        %ne3A_1729 = arith.xori %lt3A_1726, %lt3A_1728 : i1
        %and3A_1730 = arith.andi %ne3A_1729, %ne3A_1724 : i1
        %add3A_1731 = arith.addi %rem3A_1722, %select_n3A_1721 : i32
        %select_n3A_1732 = arith.select %and3A_1730, %add3A_1731, %rem3A_1722 : i32
        %mul3A_1733 = arith.constant 128 : i32
        %mul3A_1734 = arith.muli %select_n3A_1732, %mul3A_1733 : i32
        %dma_start3A_1735 = tpu.memref_slice %arg5[%select_n3A_1716, %mul3A_1734] : memref<50x512xi32, #tpu.memory_space<vmem>> -> memref<1x128xi32, #tpu.memory_space<vmem>>
        %dma_start3A_1736 = tpu.memref_squeeze %dma_start3A_1735 : memref<1x128xi32, #tpu.memory_space<vmem>> -> memref<128xi32, #tpu.memory_space<vmem>>
        %dma_start3A_1737 = arith.constant 0 : i32
        %dma_start3A_1738 = arith.constant 0 : i32
        %dma_start3A_1739 = tpu.memref_slice %arg3[%dma_start3A_1737, %dma_start3A_1738] : memref<1000000x32xf32, #tpu.memory_space<hbm>> -> memref<1000000x32xf32, #tpu.memory_space<hbm>>
        tpu.enqueue_indirect_dma source(%dma_start3A_1739 : memref<1000000x32xf32, #tpu.memory_space<hbm>>) target(%arg7 : memref<128x32xf32, #tpu.memory_space<vmem>>) offsets(%dma_start3A_1736 : memref<128xi32, #tpu.memory_space<vmem>>) semaphore(%arg22 : memref<!tpu.dma_semaphore, #tpu.memory_space<semaphore_mem>>)
        %mul3A_1740 = arith.constant 4 : i32
        %mul3A_1741 = arith.muli %add3A_1637, %mul3A_1740 : i32
        %add3A_1742 = arith.constant 2 : i32
        %add3A_1743 = arith.addi %mul3A_1741, %add3A_1742 : i32
        %jit3A_1744 = arith.constant 4 : i32
        %div3A_1745 = arith.divsi %add3A_1743, %jit3A_1744 : i32
        %sign3A_1746 = arith.constant 0 : i32
        %sign3A_1747 = arith.cmpi sgt, %add3A_1743, %sign3A_1746 : i32
        %sign3A_1748 = arith.extui %sign3A_1747 : i1 to i32
        %sign3A_1749 = arith.constant 0 : i32
        %sign3A_1750 = arith.cmpi slt, %add3A_1743, %sign3A_1749 : i32
        %sign3A_1751 = arith.extui %sign3A_1750 : i1 to i32
        %sign3A_1752 = arith.subi %sign3A_1748, %sign3A_1751 : i32
        %sign3A_1753 = arith.constant 0 : i32
        %sign3A_1754 = arith.cmpi sgt, %jit3A_1744, %sign3A_1753 : i32
        %sign3A_1755 = arith.extui %sign3A_1754 : i1 to i32
        %sign3A_1756 = arith.constant 0 : i32
        %sign3A_1757 = arith.cmpi slt, %jit3A_1744, %sign3A_1756 : i32
        %sign3A_1758 = arith.extui %sign3A_1757 : i1 to i32
        %sign3A_1759 = arith.subi %sign3A_1755, %sign3A_1758 : i32
        %ne3A_1760 = arith.cmpi ne, %sign3A_1752, %sign3A_1759 : i32
        %rem3A_1761 = arith.remsi %add3A_1743, %jit3A_1744 : i32
        %ne3A_1762 = arith.constant 0 : i32
        %ne3A_1763 = arith.cmpi ne, %rem3A_1761, %ne3A_1762 : i32
        %and3A_1764 = arith.andi %ne3A_1760, %ne3A_1763 : i1
        %sub3A_1765 = arith.constant 1 : i32
        %sub3A_1766 = arith.subi %div3A_1745, %sub3A_1765 : i32
        %select_n3A_1767 = arith.select %and3A_1764, %sub3A_1766, %div3A_1745 : i32
        %jit3A_1768 = arith.constant 4 : i32
        %eq3A_1769 = arith.constant 0 : i32
        %eq3A_1770 = arith.cmpi eq, %jit3A_1768, %eq3A_1769 : i32
        %jit3A_1771 = arith.constant 1 : i32
        %select_n3A_1772 = arith.select %eq3A_1770, %jit3A_1771, %jit3A_1768 : i32
        %rem3A_1773 = arith.remsi %add3A_1743, %select_n3A_1772 : i32
        %ne3A_1774 = arith.constant 0 : i32
        %ne3A_1775 = arith.cmpi ne, %rem3A_1773, %ne3A_1774 : i32
        %lt3A_1776 = arith.constant 0 : i32
        %lt3A_1777 = arith.cmpi slt, %rem3A_1773, %lt3A_1776 : i32
        %lt3A_1778 = arith.constant 0 : i32
        %lt3A_1779 = arith.cmpi slt, %select_n3A_1772, %lt3A_1778 : i32
        %ne3A_1780 = arith.xori %lt3A_1777, %lt3A_1779 : i1
        %and3A_1781 = arith.andi %ne3A_1780, %ne3A_1775 : i1
        %add3A_1782 = arith.addi %rem3A_1773, %select_n3A_1772 : i32
        %select_n3A_1783 = arith.select %and3A_1781, %add3A_1782, %rem3A_1773 : i32
        %mul3A_1784 = arith.constant 128 : i32
        %mul3A_1785 = arith.muli %select_n3A_1783, %mul3A_1784 : i32
        %dma_start3A_1786 = tpu.memref_slice %arg5[%select_n3A_1767, %mul3A_1785] : memref<50x512xi32, #tpu.memory_space<vmem>> -> memref<1x128xi32, #tpu.memory_space<vmem>>
        %dma_start3A_1787 = tpu.memref_squeeze %dma_start3A_1786 : memref<1x128xi32, #tpu.memory_space<vmem>> -> memref<128xi32, #tpu.memory_space<vmem>>
        %dma_start3A_1788 = arith.constant 0 : i32
        %dma_start3A_1789 = arith.constant 0 : i32
        %dma_start3A_1790 = tpu.memref_slice %arg3[%dma_start3A_1788, %dma_start3A_1789] : memref<1000000x32xf32, #tpu.memory_space<hbm>> -> memref<1000000x32xf32, #tpu.memory_space<hbm>>
        tpu.enqueue_indirect_dma source(%dma_start3A_1790 : memref<1000000x32xf32, #tpu.memory_space<hbm>>) target(%arg8 : memref<128x32xf32, #tpu.memory_space<vmem>>) offsets(%dma_start3A_1787 : memref<128xi32, #tpu.memory_space<vmem>>) semaphore(%arg22 : memref<!tpu.dma_semaphore, #tpu.memory_space<semaphore_mem>>)
        %mul3A_1791 = arith.constant 4 : i32
        %mul3A_1792 = arith.muli %add3A_1637, %mul3A_1791 : i32
        %add3A_1793 = arith.constant 3 : i32
        %add3A_1794 = arith.addi %mul3A_1792, %add3A_1793 : i32
        %jit3A_1795 = arith.constant 4 : i32
        %div3A_1796 = arith.divsi %add3A_1794, %jit3A_1795 : i32
        %sign3A_1797 = arith.constant 0 : i32
        %sign3A_1798 = arith.cmpi sgt, %add3A_1794, %sign3A_1797 : i32
        %sign3A_1799 = arith.extui %sign3A_1798 : i1 to i32
        %sign3A_1800 = arith.constant 0 : i32
        %sign3A_1801 = arith.cmpi slt, %add3A_1794, %sign3A_1800 : i32
        %sign3A_1802 = arith.extui %sign3A_1801 : i1 to i32
        %sign3A_1803 = arith.subi %sign3A_1799, %sign3A_1802 : i32
        %sign3A_1804 = arith.constant 0 : i32
        %sign3A_1805 = arith.cmpi sgt, %jit3A_1795, %sign3A_1804 : i32
        %sign3A_1806 = arith.extui %sign3A_1805 : i1 to i32
        %sign3A_1807 = arith.constant 0 : i32
        %sign3A_1808 = arith.cmpi slt, %jit3A_1795, %sign3A_1807 : i32
        %sign3A_1809 = arith.extui %sign3A_1808 : i1 to i32
        %sign3A_1810 = arith.subi %sign3A_1806, %sign3A_1809 : i32
        %ne3A_1811 = arith.cmpi ne, %sign3A_1803, %sign3A_1810 : i32
        %rem3A_1812 = arith.remsi %add3A_1794, %jit3A_1795 : i32
        %ne3A_1813 = arith.constant 0 : i32
        %ne3A_1814 = arith.cmpi ne, %rem3A_1812, %ne3A_1813 : i32
        %and3A_1815 = arith.andi %ne3A_1811, %ne3A_1814 : i1
        %sub3A_1816 = arith.constant 1 : i32
        %sub3A_1817 = arith.subi %div3A_1796, %sub3A_1816 : i32
        %select_n3A_1818 = arith.select %and3A_1815, %sub3A_1817, %div3A_1796 : i32
        %jit3A_1819 = arith.constant 4 : i32
        %eq3A_1820 = arith.constant 0 : i32
        %eq3A_1821 = arith.cmpi eq, %jit3A_1819, %eq3A_1820 : i32
        %jit3A_1822 = arith.constant 1 : i32
        %select_n3A_1823 = arith.select %eq3A_1821, %jit3A_1822, %jit3A_1819 : i32
        %rem3A_1824 = arith.remsi %add3A_1794, %select_n3A_1823 : i32
        %ne3A_1825 = arith.constant 0 : i32
        %ne3A_1826 = arith.cmpi ne, %rem3A_1824, %ne3A_1825 : i32
        %lt3A_1827 = arith.constant 0 : i32
        %lt3A_1828 = arith.cmpi slt, %rem3A_1824, %lt3A_1827 : i32
        %lt3A_1829 = arith.constant 0 : i32
        %lt3A_1830 = arith.cmpi slt, %select_n3A_1823, %lt3A_1829 : i32
        %ne3A_1831 = arith.xori %lt3A_1828, %lt3A_1830 : i1
        %and3A_1832 = arith.andi %ne3A_1831, %ne3A_1826 : i1
        %add3A_1833 = arith.addi %rem3A_1824, %select_n3A_1823 : i32
        %select_n3A_1834 = arith.select %and3A_1832, %add3A_1833, %rem3A_1824 : i32
        %mul3A_1835 = arith.constant 128 : i32
        %mul3A_1836 = arith.muli %select_n3A_1834, %mul3A_1835 : i32
        %dma_start3A_1837 = tpu.memref_slice %arg5[%select_n3A_1818, %mul3A_1836] : memref<50x512xi32, #tpu.memory_space<vmem>> -> memref<1x128xi32, #tpu.memory_space<vmem>>
        %dma_start3A_1838 = tpu.memref_squeeze %dma_start3A_1837 : memref<1x128xi32, #tpu.memory_space<vmem>> -> memref<128xi32, #tpu.memory_space<vmem>>
        %dma_start3A_1839 = arith.constant 0 : i32
        %dma_start3A_1840 = arith.constant 0 : i32
        %dma_start3A_1841 = tpu.memref_slice %arg3[%dma_start3A_1839, %dma_start3A_1840] : memref<1000000x32xf32, #tpu.memory_space<hbm>> -> memref<1000000x32xf32, #tpu.memory_space<hbm>>
        tpu.enqueue_indirect_dma source(%dma_start3A_1841 : memref<1000000x32xf32, #tpu.memory_space<hbm>>) target(%arg9 : memref<128x32xf32, #tpu.memory_space<vmem>>) offsets(%dma_start3A_1838 : memref<128xi32, #tpu.memory_space<vmem>>) semaphore(%arg22 : memref<!tpu.dma_semaphore, #tpu.memory_space<semaphore_mem>>)
      } else {
      }
      %mul3A_980 = arith.constant 4 : i32
      %mul3A_981 = arith.muli %add3A_967, %mul3A_980 : i32
      %add3A_982 = arith.constant 0 : i32
      %add3A_983 = arith.addi %mul3A_981, %add3A_982 : i32
      %jit3A_984 = arith.constant 4 : i32
      %div3A_985 = arith.divsi %add3A_983, %jit3A_984 : i32
      %sign3A_986 = arith.constant 0 : i32
      %sign3A_987 = arith.cmpi sgt, %add3A_983, %sign3A_986 : i32
      %sign3A_988 = arith.extui %sign3A_987 : i1 to i32
      %sign3A_989 = arith.constant 0 : i32
      %sign3A_990 = arith.cmpi slt, %add3A_983, %sign3A_989 : i32
      %sign3A_991 = arith.extui %sign3A_990 : i1 to i32
      %sign3A_992 = arith.subi %sign3A_988, %sign3A_991 : i32
      %sign3A_993 = arith.constant 0 : i32
      %sign3A_994 = arith.cmpi sgt, %jit3A_984, %sign3A_993 : i32
      %sign3A_995 = arith.extui %sign3A_994 : i1 to i32
      %sign3A_996 = arith.constant 0 : i32
      %sign3A_997 = arith.cmpi slt, %jit3A_984, %sign3A_996 : i32
      %sign3A_998 = arith.extui %sign3A_997 : i1 to i32
      %sign3A_999 = arith.subi %sign3A_995, %sign3A_998 : i32
      %ne3A_1000 = arith.cmpi ne, %sign3A_992, %sign3A_999 : i32
      %rem3A_1001 = arith.remsi %add3A_983, %jit3A_984 : i32
      %ne3A_1002 = arith.constant 0 : i32
      %ne3A_1003 = arith.cmpi ne, %rem3A_1001, %ne3A_1002 : i32
      %and3A_1004 = arith.andi %ne3A_1000, %ne3A_1003 : i1
      %sub3A_1005 = arith.constant 1 : i32
      %sub3A_1006 = arith.subi %div3A_985, %sub3A_1005 : i32
      %select_n3A_1007 = arith.select %and3A_1004, %sub3A_1006, %div3A_985 : i32
      %jit3A_1008 = arith.constant 4 : i32
      %eq3A_1009 = arith.constant 0 : i32
      %eq3A_1010 = arith.cmpi eq, %jit3A_1008, %eq3A_1009 : i32
      %jit3A_1011 = arith.constant 1 : i32
      %select_n3A_1012 = arith.select %eq3A_1010, %jit3A_1011, %jit3A_1008 : i32
      %rem3A_1013 = arith.remsi %add3A_983, %select_n3A_1012 : i32
      %ne3A_1014 = arith.constant 0 : i32
      %ne3A_1015 = arith.cmpi ne, %rem3A_1013, %ne3A_1014 : i32
      %lt3A_1016 = arith.constant 0 : i32
      %lt3A_1017 = arith.cmpi slt, %rem3A_1013, %lt3A_1016 : i32
      %lt3A_1018 = arith.constant 0 : i32
      %lt3A_1019 = arith.cmpi slt, %select_n3A_1012, %lt3A_1018 : i32
      %ne3A_1020 = arith.xori %lt3A_1017, %lt3A_1019 : i1
      %and3A_1021 = arith.andi %ne3A_1020, %ne3A_1015 : i1
      %add3A_1022 = arith.addi %rem3A_1013, %select_n3A_1012 : i32
      %select_n3A_1023 = arith.select %and3A_1021, %add3A_1022, %rem3A_1013 : i32
      %mul3A_1024 = arith.constant 128 : i32
      %mul3A_1025 = arith.muli %select_n3A_1023, %mul3A_1024 : i32
      %dma_wait3A_1026 = tpu.memref_slice %arg5[%select_n3A_1007, %mul3A_1025] : memref<50x512xi32, #tpu.memory_space<vmem>> -> memref<1x128xi32, #tpu.memory_space<vmem>>
      %dma_wait3A_1027 = tpu.memref_squeeze %dma_wait3A_1026 : memref<1x128xi32, #tpu.memory_space<vmem>> -> memref<128xi32, #tpu.memory_space<vmem>>
      %dma_wait3A_1028 = arith.constant 0 : i32
      %dma_wait3A_1029 = arith.constant 0 : i32
      %dma_wait3A_1030 = tpu.memref_slice %arg3[%dma_wait3A_1028, %dma_wait3A_1029] : memref<1000000x32xf32, #tpu.memory_space<hbm>> -> memref<1000000x32xf32, #tpu.memory_space<hbm>>
      tpu.wait_indirect_dma semaphore(%arg23 : memref<!tpu.dma_semaphore, #tpu.memory_space<semaphore_mem>>) src(%dma_wait3A_1030 : memref<1000000x32xf32, #tpu.memory_space<hbm>>) dst(%arg10 : memref<128x32xf32, #tpu.memory_space<vmem>>)
      %scan3A_1031 = arith.constant 0 : i32
      %scan3A_1032 = arith.constant 0 : i32
      %scan3A_1033 = arith.constant 32 : i32
      %scan3A_1034 = arith.addi %scan3A_1032, %scan3A_1033 : i32
      %scan3A_1035 = arith.constant 1 : i32
      scf.for %scan3A_1636 = %scan3A_1032 to %scan3A_1034 step %scan3A_1035  : i32 {
        %mul3A_1637 = arith.constant 4 : i32
        %mul3A_1638 = arith.muli %scan3A_1636, %mul3A_1637 : i32
        %add3A_1639 = arith.constant 0 : i32
        %add3A_1640 = arith.addi %mul3A_1638, %add3A_1639 : i32
        %broadcast_in_dim3A = vector.broadcast %add3A_1640 : i32 to vector<16xi32>
        %get3A = arith.index_cast %add3A_1640 : i32 to index
        %get3A_1641 = arith.constant 0 : index
        %get3A_1642 = tpu.vector_load %arg10[%get3A, %get3A_1641] {strides = array<i32>} : memref<128x32xf32, #tpu.memory_space<vmem>>, vector<16xf32>,
        %add3A_1643 = arith.constant 0 : i32
        %add3A_1644 = vector.broadcast %add3A_1643 : i32 to vector<16xi32>
        %add3A_1645 = arith.addi %iota3A, %add3A_1644 : vector<16xi32>
        tpu.vector_store_idx %arg18[%add3A_1645, %broadcast_in_dim3A], %get3A_1642 : memref<32x129xf32, #tpu.memory_space<vmem>>[vector<16xi32>, vector<16xi32>], vector<16xf32>,
        %get3A_1646 = arith.index_cast %add3A_1640 : i32 to index
        %get3A_1647 = arith.constant 16 : index
        %get3A_1648 = tpu.vector_load %arg10[%get3A_1646, %get3A_1647] {strides = array<i32>} : memref<128x32xf32, #tpu.memory_space<vmem>>, vector<16xf32>,
        %add3A_1649 = arith.constant 16 : i32
        %add3A_1650 = vector.broadcast %add3A_1649 : i32 to vector<16xi32>
        %add3A_1651 = arith.addi %iota3A, %add3A_1650 : vector<16xi32>
        tpu.vector_store_idx %arg18[%add3A_1651, %broadcast_in_dim3A], %get3A_1648 : memref<32x129xf32, #tpu.memory_space<vmem>>[vector<16xi32>, vector<16xi32>], vector<16xf32>,
        %mul3A_1652 = arith.constant 4 : i32
        %mul3A_1653 = arith.muli %scan3A_1636, %mul3A_1652 : i32
        %add3A_1654 = arith.constant 1 : i32
        %add3A_1655 = arith.addi %mul3A_1653, %add3A_1654 : i32
        %broadcast_in_dim3A_1656 = vector.broadcast %add3A_1655 : i32 to vector<16xi32>
        %get3A_1657 = arith.index_cast %add3A_1655 : i32 to index
        %get3A_1658 = arith.constant 0 : index
        %get3A_1659 = tpu.vector_load %arg10[%get3A_1657, %get3A_1658] {strides = array<i32>} : memref<128x32xf32, #tpu.memory_space<vmem>>, vector<16xf32>,
        %add3A_1660 = arith.constant 0 : i32
        %add3A_1661 = vector.broadcast %add3A_1660 : i32 to vector<16xi32>
        %add3A_1662 = arith.addi %iota3A, %add3A_1661 : vector<16xi32>
        tpu.vector_store_idx %arg18[%add3A_1662, %broadcast_in_dim3A_1656], %get3A_1659 : memref<32x129xf32, #tpu.memory_space<vmem>>[vector<16xi32>, vector<16xi32>], vector<16xf32>,
        %get3A_1663 = arith.index_cast %add3A_1655 : i32 to index
        %get3A_1664 = arith.constant 16 : index
        %get3A_1665 = tpu.vector_load %arg10[%get3A_1663, %get3A_1664] {strides = array<i32>} : memref<128x32xf32, #tpu.memory_space<vmem>>, vector<16xf32>,
        %add3A_1666 = arith.constant 16 : i32
        %add3A_1667 = vector.broadcast %add3A_1666 : i32 to vector<16xi32>
        %add3A_1668 = arith.addi %iota3A, %add3A_1667 : vector<16xi32>
        tpu.vector_store_idx %arg18[%add3A_1668, %broadcast_in_dim3A_1656], %get3A_1665 : memref<32x129xf32, #tpu.memory_space<vmem>>[vector<16xi32>, vector<16xi32>], vector<16xf32>,
        %mul3A_1669 = arith.constant 4 : i32
        %mul3A_1670 = arith.muli %scan3A_1636, %mul3A_1669 : i32
        %add3A_1671 = arith.constant 2 : i32
        %add3A_1672 = arith.addi %mul3A_1670, %add3A_1671 : i32
        %broadcast_in_dim3A_1673 = vector.broadcast %add3A_1672 : i32 to vector<16xi32>
        %get3A_1674 = arith.index_cast %add3A_1672 : i32 to index
        %get3A_1675 = arith.constant 0 : index
        %get3A_1676 = tpu.vector_load %arg10[%get3A_1674, %get3A_1675] {strides = array<i32>} : memref<128x32xf32, #tpu.memory_space<vmem>>, vector<16xf32>,
        %add3A_1677 = arith.constant 0 : i32
        %add3A_1678 = vector.broadcast %add3A_1677 : i32 to vector<16xi32>
        %add3A_1679 = arith.addi %iota3A, %add3A_1678 : vector<16xi32>
        tpu.vector_store_idx %arg18[%add3A_1679, %broadcast_in_dim3A_1673], %get3A_1676 : memref<32x129xf32, #tpu.memory_space<vmem>>[vector<16xi32>, vector<16xi32>], vector<16xf32>,
        %get3A_1680 = arith.index_cast %add3A_1672 : i32 to index
        %get3A_1681 = arith.constant 16 : index
        %get3A_1682 = tpu.vector_load %arg10[%get3A_1680, %get3A_1681] {strides = array<i32>} : memref<128x32xf32, #tpu.memory_space<vmem>>, vector<16xf32>,
        %add3A_1683 = arith.constant 16 : i32
        %add3A_1684 = vector.broadcast %add3A_1683 : i32 to vector<16xi32>
        %add3A_1685 = arith.addi %iota3A, %add3A_1684 : vector<16xi32>
        tpu.vector_store_idx %arg18[%add3A_1685, %broadcast_in_dim3A_1673], %get3A_1682 : memref<32x129xf32, #tpu.memory_space<vmem>>[vector<16xi32>, vector<16xi32>], vector<16xf32>,
        %mul3A_1686 = arith.constant 4 : i32
        %mul3A_1687 = arith.muli %scan3A_1636, %mul3A_1686 : i32
        %add3A_1688 = arith.constant 3 : i32
        %add3A_1689 = arith.addi %mul3A_1687, %add3A_1688 : i32
        %broadcast_in_dim3A_1690 = vector.broadcast %add3A_1689 : i32 to vector<16xi32>
        %get3A_1691 = arith.index_cast %add3A_1689 : i32 to index
        %get3A_1692 = arith.constant 0 : index
        %get3A_1693 = tpu.vector_load %arg10[%get3A_1691, %get3A_1692] {strides = array<i32>} : memref<128x32xf32, #tpu.memory_space<vmem>>, vector<16xf32>,
        %add3A_1694 = arith.constant 0 : i32
        %add3A_1695 = vector.broadcast %add3A_1694 : i32 to vector<16xi32>
        %add3A_1696 = arith.addi %iota3A, %add3A_1695 : vector<16xi32>
        tpu.vector_store_idx %arg18[%add3A_1696, %broadcast_in_dim3A_1690], %get3A_1693 : memref<32x129xf32, #tpu.memory_space<vmem>>[vector<16xi32>, vector<16xi32>], vector<16xf32>,
        %get3A_1697 = arith.index_cast %add3A_1689 : i32 to index
        %get3A_1698 = arith.constant 16 : index
        %get3A_1699 = tpu.vector_load %arg10[%get3A_1697, %get3A_1698] {strides = array<i32>} : memref<128x32xf32, #tpu.memory_space<vmem>>, vector<16xf32>,
        %add3A_1700 = arith.constant 16 : i32
        %add3A_1701 = vector.broadcast %add3A_1700 : i32 to vector<16xi32>
        %add3A_1702 = arith.addi %iota3A, %add3A_1701 : vector<16xi32>
        tpu.vector_store_idx %arg18[%add3A_1702, %broadcast_in_dim3A_1690], %get3A_1699 : memref<32x129xf32, #tpu.memory_space<vmem>>[vector<16xi32>, vector<16xi32>], vector<16xf32>,
      }
      %scan3A_1036 = arith.constant 32 : i32
      %mul3A_1037 = arith.constant 4 : i32
      %mul3A_1038 = arith.muli %add3A_967, %mul3A_1037 : i32
      %add3A_1039 = arith.constant 0 : i32
      %add3A_1040 = arith.addi %mul3A_1038, %add3A_1039 : i32
      %jit3A_1041 = arith.constant 4 : i32
      %div3A_1042 = arith.divsi %add3A_1040, %jit3A_1041 : i32
      %sign3A_1043 = arith.constant 0 : i32
      %sign3A_1044 = arith.cmpi sgt, %add3A_1040, %sign3A_1043 : i32
      %sign3A_1045 = arith.extui %sign3A_1044 : i1 to i32
      %sign3A_1046 = arith.constant 0 : i32
      %sign3A_1047 = arith.cmpi slt, %add3A_1040, %sign3A_1046 : i32
      %sign3A_1048 = arith.extui %sign3A_1047 : i1 to i32
      %sign3A_1049 = arith.subi %sign3A_1045, %sign3A_1048 : i32
      %sign3A_1050 = arith.constant 0 : i32
      %sign3A_1051 = arith.cmpi sgt, %jit3A_1041, %sign3A_1050 : i32
      %sign3A_1052 = arith.extui %sign3A_1051 : i1 to i32
      %sign3A_1053 = arith.constant 0 : i32
      %sign3A_1054 = arith.cmpi slt, %jit3A_1041, %sign3A_1053 : i32
      %sign3A_1055 = arith.extui %sign3A_1054 : i1 to i32
      %sign3A_1056 = arith.subi %sign3A_1052, %sign3A_1055 : i32
      %ne3A_1057 = arith.cmpi ne, %sign3A_1049, %sign3A_1056 : i32
      %rem3A_1058 = arith.remsi %add3A_1040, %jit3A_1041 : i32
      %ne3A_1059 = arith.constant 0 : i32
      %ne3A_1060 = arith.cmpi ne, %rem3A_1058, %ne3A_1059 : i32
      %and3A_1061 = arith.andi %ne3A_1057, %ne3A_1060 : i1
      %sub3A_1062 = arith.constant 1 : i32
      %sub3A_1063 = arith.subi %div3A_1042, %sub3A_1062 : i32
      %select_n3A_1064 = arith.select %and3A_1061, %sub3A_1063, %div3A_1042 : i32
      %jit3A_1065 = arith.constant 4 : i32
      %eq3A_1066 = arith.constant 0 : i32
      %eq3A_1067 = arith.cmpi eq, %jit3A_1065, %eq3A_1066 : i32
      %jit3A_1068 = arith.constant 1 : i32
      %select_n3A_1069 = arith.select %eq3A_1067, %jit3A_1068, %jit3A_1065 : i32
      %rem3A_1070 = arith.remsi %add3A_1040, %select_n3A_1069 : i32
      %ne3A_1071 = arith.constant 0 : i32
      %ne3A_1072 = arith.cmpi ne, %rem3A_1070, %ne3A_1071 : i32
      %lt3A_1073 = arith.constant 0 : i32
      %lt3A_1074 = arith.cmpi slt, %rem3A_1070, %lt3A_1073 : i32
      %lt3A_1075 = arith.constant 0 : i32
      %lt3A_1076 = arith.cmpi slt, %select_n3A_1069, %lt3A_1075 : i32
      %ne3A_1077 = arith.xori %lt3A_1074, %lt3A_1076 : i1
      %and3A_1078 = arith.andi %ne3A_1077, %ne3A_1072 : i1
      %add3A_1079 = arith.addi %rem3A_1070, %select_n3A_1069 : i32
      %select_n3A_1080 = arith.select %and3A_1078, %add3A_1079, %rem3A_1070 : i32
      %mul3A_1081 = arith.constant 4 : i32
      %mul3A_1082 = arith.muli %add3A, %mul3A_1081 : i32
      %add3A_1083 = arith.addi %mul3A_1082, %select_n3A_1080 : i32
      %dma_start3A_1084 = arith.constant 0 : i32
      %dma_start3A_1085 = arith.constant 0 : i32
      %dma_start3A_1086 = arith.constant 0 : i32
      %dma_start3A_1087 = tpu.memref_slice %arg18[%dma_start3A_1085, %dma_start3A_1086] : memref<32x129xf32, #tpu.memory_space<vmem>> -> memref<8x128xf32, #tpu.memory_space<vmem>>
      %dma_start3A_1088 = arith.constant 0 : i32
      %dma_start3A_1089 = arith.constant 0 : i32
      %dma_start3A_1090 = tpu.memref_slice %arg4[%select_n3A_1064, %dma_start3A_1084, %add3A_1083, %dma_start3A_1088, %dma_start3A_1089] : memref<50x4x128x8x128xf32, #tpu.memory_space<hbm>> -> memref<1x1x1x8x128xf32, #tpu.memory_space<hbm>>
      %dma_start3A_1091 = tpu.memref_squeeze %dma_start3A_1090 : memref<1x1x1x8x128xf32, #tpu.memory_space<hbm>> -> memref<8x128xf32, #tpu.memory_space<hbm>>
      %dma_start3A_1092 = arith.constant 0 : i32
      %dma_start3A_1093 = arith.constant 0 : i32
      %dma_start3A_1094 = tpu.memref_slice %arg4[%select_n3A_1064, %dma_start3A_1084, %add3A_1083, %dma_start3A_1092, %dma_start3A_1093] : memref<50x4x128x8x128xf32, #tpu.memory_space<hbm>> -> memref<1x1x1x8x128xf32, #tpu.memory_space<hbm>>
      %dma_start3A_1095 = tpu.memref_squeeze %dma_start3A_1094 : memref<1x1x1x8x128xf32, #tpu.memory_space<hbm>> -> memref<8x128xf32, #tpu.memory_space<hbm>>
      %dma_start3A_1096 = arith.constant 0 : i32
      %dma_start3A_1097 = arith.constant 0 : i32
      %dma_start3A_1098 = tpu.memref_slice %arg18[%dma_start3A_1096, %dma_start3A_1097] : memref<32x129xf32, #tpu.memory_space<vmem>> -> memref<8x128xf32, #tpu.memory_space<vmem>>
      tpu.enqueue_dma source(%dma_start3A_1098 : memref<8x128xf32, #tpu.memory_space<vmem>>) target(%dma_start3A_1095 : memref<8x128xf32, #tpu.memory_space<hbm>>) target_semaphore(%arg25 : memref<!tpu.dma_semaphore, #tpu.memory_space<semaphore_mem>>)
      %dma_start3A_1099 = arith.constant 1 : i32
      %dma_start3A_1100 = arith.constant 8 : i32
      %dma_start3A_1101 = arith.constant 0 : i32
      %dma_start3A_1102 = tpu.memref_slice %arg18[%dma_start3A_1100, %dma_start3A_1101] : memref<32x129xf32, #tpu.memory_space<vmem>> -> memref<8x128xf32, #tpu.memory_space<vmem>>
      %dma_start3A_1103 = arith.constant 0 : i32
      %dma_start3A_1104 = arith.constant 0 : i32
      %dma_start3A_1105 = tpu.memref_slice %arg4[%select_n3A_1064, %dma_start3A_1099, %add3A_1083, %dma_start3A_1103, %dma_start3A_1104] : memref<50x4x128x8x128xf32, #tpu.memory_space<hbm>> -> memref<1x1x1x8x128xf32, #tpu.memory_space<hbm>>
      %dma_start3A_1106 = tpu.memref_squeeze %dma_start3A_1105 : memref<1x1x1x8x128xf32, #tpu.memory_space<hbm>> -> memref<8x128xf32, #tpu.memory_space<hbm>>
      %dma_start3A_1107 = arith.constant 0 : i32
      %dma_start3A_1108 = arith.constant 0 : i32
      %dma_start3A_1109 = tpu.memref_slice %arg4[%select_n3A_1064, %dma_start3A_1099, %add3A_1083, %dma_start3A_1107, %dma_start3A_1108] : memref<50x4x128x8x128xf32, #tpu.memory_space<hbm>> -> memref<1x1x1x8x128xf32, #tpu.memory_space<hbm>>
      %dma_start3A_1110 = tpu.memref_squeeze %dma_start3A_1109 : memref<1x1x1x8x128xf32, #tpu.memory_space<hbm>> -> memref<8x128xf32, #tpu.memory_space<hbm>>
      %dma_start3A_1111 = arith.constant 8 : i32
      %dma_start3A_1112 = arith.constant 0 : i32
      %dma_start3A_1113 = tpu.memref_slice %arg18[%dma_start3A_1111, %dma_start3A_1112] : memref<32x129xf32, #tpu.memory_space<vmem>> -> memref<8x128xf32, #tpu.memory_space<vmem>>
      tpu.enqueue_dma source(%dma_start3A_1113 : memref<8x128xf32, #tpu.memory_space<vmem>>) target(%dma_start3A_1110 : memref<8x128xf32, #tpu.memory_space<hbm>>) target_semaphore(%arg25 : memref<!tpu.dma_semaphore, #tpu.memory_space<semaphore_mem>>)
      %dma_start3A_1114 = arith.constant 2 : i32
      %dma_start3A_1115 = arith.constant 16 : i32
      %dma_start3A_1116 = arith.constant 0 : i32
      %dma_start3A_1117 = tpu.memref_slice %arg18[%dma_start3A_1115, %dma_start3A_1116] : memref<32x129xf32, #tpu.memory_space<vmem>> -> memref<8x128xf32, #tpu.memory_space<vmem>>
      %dma_start3A_1118 = arith.constant 0 : i32
      %dma_start3A_1119 = arith.constant 0 : i32
      %dma_start3A_1120 = tpu.memref_slice %arg4[%select_n3A_1064, %dma_start3A_1114, %add3A_1083, %dma_start3A_1118, %dma_start3A_1119] : memref<50x4x128x8x128xf32, #tpu.memory_space<hbm>> -> memref<1x1x1x8x128xf32, #tpu.memory_space<hbm>>
      %dma_start3A_1121 = tpu.memref_squeeze %dma_start3A_1120 : memref<1x1x1x8x128xf32, #tpu.memory_space<hbm>> -> memref<8x128xf32, #tpu.memory_space<hbm>>
      %dma_start3A_1122 = arith.constant 0 : i32
      %dma_start3A_1123 = arith.constant 0 : i32
      %dma_start3A_1124 = tpu.memref_slice %arg4[%select_n3A_1064, %dma_start3A_1114, %add3A_1083, %dma_start3A_1122, %dma_start3A_1123] : memref<50x4x128x8x128xf32, #tpu.memory_space<hbm>> -> memref<1x1x1x8x128xf32, #tpu.memory_space<hbm>>
      %dma_start3A_1125 = tpu.memref_squeeze %dma_start3A_1124 : memref<1x1x1x8x128xf32, #tpu.memory_space<hbm>> -> memref<8x128xf32, #tpu.memory_space<hbm>>
      %dma_start3A_1126 = arith.constant 16 : i32
      %dma_start3A_1127 = arith.constant 0 : i32
      %dma_start3A_1128 = tpu.memref_slice %arg18[%dma_start3A_1126, %dma_start3A_1127] : memref<32x129xf32, #tpu.memory_space<vmem>> -> memref<8x128xf32, #tpu.memory_space<vmem>>
      tpu.enqueue_dma source(%dma_start3A_1128 : memref<8x128xf32, #tpu.memory_space<vmem>>) target(%dma_start3A_1125 : memref<8x128xf32, #tpu.memory_space<hbm>>) target_semaphore(%arg25 : memref<!tpu.dma_semaphore, #tpu.memory_space<semaphore_mem>>)
      %dma_start3A_1129 = arith.constant 3 : i32
      %dma_start3A_1130 = arith.constant 24 : i32
      %dma_start3A_1131 = arith.constant 0 : i32
      %dma_start3A_1132 = tpu.memref_slice %arg18[%dma_start3A_1130, %dma_start3A_1131] : memref<32x129xf32, #tpu.memory_space<vmem>> -> memref<8x128xf32, #tpu.memory_space<vmem>>
      %dma_start3A_1133 = arith.constant 0 : i32
      %dma_start3A_1134 = arith.constant 0 : i32
      %dma_start3A_1135 = tpu.memref_slice %arg4[%select_n3A_1064, %dma_start3A_1129, %add3A_1083, %dma_start3A_1133, %dma_start3A_1134] : memref<50x4x128x8x128xf32, #tpu.memory_space<hbm>> -> memref<1x1x1x8x128xf32, #tpu.memory_space<hbm>>
      %dma_start3A_1136 = tpu.memref_squeeze %dma_start3A_1135 : memref<1x1x1x8x128xf32, #tpu.memory_space<hbm>> -> memref<8x128xf32, #tpu.memory_space<hbm>>
      %dma_start3A_1137 = arith.constant 0 : i32
      %dma_start3A_1138 = arith.constant 0 : i32
      %dma_start3A_1139 = tpu.memref_slice %arg4[%select_n3A_1064, %dma_start3A_1129, %add3A_1083, %dma_start3A_1137, %dma_start3A_1138] : memref<50x4x128x8x128xf32, #tpu.memory_space<hbm>> -> memref<1x1x1x8x128xf32, #tpu.memory_space<hbm>>
      %dma_start3A_1140 = tpu.memref_squeeze %dma_start3A_1139 : memref<1x1x1x8x128xf32, #tpu.memory_space<hbm>> -> memref<8x128xf32, #tpu.memory_space<hbm>>
      %dma_start3A_1141 = arith.constant 24 : i32
      %dma_start3A_1142 = arith.constant 0 : i32
      %dma_start3A_1143 = tpu.memref_slice %arg18[%dma_start3A_1141, %dma_start3A_1142] : memref<32x129xf32, #tpu.memory_space<vmem>> -> memref<8x128xf32, #tpu.memory_space<vmem>>
      tpu.enqueue_dma source(%dma_start3A_1143 : memref<8x128xf32, #tpu.memory_space<vmem>>) target(%dma_start3A_1140 : memref<8x128xf32, #tpu.memory_space<hbm>>) target_semaphore(%arg25 : memref<!tpu.dma_semaphore, #tpu.memory_space<semaphore_mem>>)
      %mul3A_1144 = arith.constant 4 : i32
      %mul3A_1145 = arith.muli %add3A_967, %mul3A_1144 : i32
      %add3A_1146 = arith.constant 1 : i32
      %add3A_1147 = arith.addi %mul3A_1145, %add3A_1146 : i32
      %jit3A_1148 = arith.constant 4 : i32
      %div3A_1149 = arith.divsi %add3A_1147, %jit3A_1148 : i32
      %sign3A_1150 = arith.constant 0 : i32
      %sign3A_1151 = arith.cmpi sgt, %add3A_1147, %sign3A_1150 : i32
      %sign3A_1152 = arith.extui %sign3A_1151 : i1 to i32
      %sign3A_1153 = arith.constant 0 : i32
      %sign3A_1154 = arith.cmpi slt, %add3A_1147, %sign3A_1153 : i32
      %sign3A_1155 = arith.extui %sign3A_1154 : i1 to i32
      %sign3A_1156 = arith.subi %sign3A_1152, %sign3A_1155 : i32
      %sign3A_1157 = arith.constant 0 : i32
      %sign3A_1158 = arith.cmpi sgt, %jit3A_1148, %sign3A_1157 : i32
      %sign3A_1159 = arith.extui %sign3A_1158 : i1 to i32
      %sign3A_1160 = arith.constant 0 : i32
      %sign3A_1161 = arith.cmpi slt, %jit3A_1148, %sign3A_1160 : i32
      %sign3A_1162 = arith.extui %sign3A_1161 : i1 to i32
      %sign3A_1163 = arith.subi %sign3A_1159, %sign3A_1162 : i32
      %ne3A_1164 = arith.cmpi ne, %sign3A_1156, %sign3A_1163 : i32
      %rem3A_1165 = arith.remsi %add3A_1147, %jit3A_1148 : i32
      %ne3A_1166 = arith.constant 0 : i32
      %ne3A_1167 = arith.cmpi ne, %rem3A_1165, %ne3A_1166 : i32
      %and3A_1168 = arith.andi %ne3A_1164, %ne3A_1167 : i1
      %sub3A_1169 = arith.constant 1 : i32
      %sub3A_1170 = arith.subi %div3A_1149, %sub3A_1169 : i32
      %select_n3A_1171 = arith.select %and3A_1168, %sub3A_1170, %div3A_1149 : i32
      %jit3A_1172 = arith.constant 4 : i32
      %eq3A_1173 = arith.constant 0 : i32
      %eq3A_1174 = arith.cmpi eq, %jit3A_1172, %eq3A_1173 : i32
      %jit3A_1175 = arith.constant 1 : i32
      %select_n3A_1176 = arith.select %eq3A_1174, %jit3A_1175, %jit3A_1172 : i32
      %rem3A_1177 = arith.remsi %add3A_1147, %select_n3A_1176 : i32
      %ne3A_1178 = arith.constant 0 : i32
      %ne3A_1179 = arith.cmpi ne, %rem3A_1177, %ne3A_1178 : i32
      %lt3A_1180 = arith.constant 0 : i32
      %lt3A_1181 = arith.cmpi slt, %rem3A_1177, %lt3A_1180 : i32
      %lt3A_1182 = arith.constant 0 : i32
      %lt3A_1183 = arith.cmpi slt, %select_n3A_1176, %lt3A_1182 : i32
      %ne3A_1184 = arith.xori %lt3A_1181, %lt3A_1183 : i1
      %and3A_1185 = arith.andi %ne3A_1184, %ne3A_1179 : i1
      %add3A_1186 = arith.addi %rem3A_1177, %select_n3A_1176 : i32
      %select_n3A_1187 = arith.select %and3A_1185, %add3A_1186, %rem3A_1177 : i32
      %mul3A_1188 = arith.constant 128 : i32
      %mul3A_1189 = arith.muli %select_n3A_1187, %mul3A_1188 : i32
      %dma_wait3A_1190 = tpu.memref_slice %arg5[%select_n3A_1171, %mul3A_1189] : memref<50x512xi32, #tpu.memory_space<vmem>> -> memref<1x128xi32, #tpu.memory_space<vmem>>
      %dma_wait3A_1191 = tpu.memref_squeeze %dma_wait3A_1190 : memref<1x128xi32, #tpu.memory_space<vmem>> -> memref<128xi32, #tpu.memory_space<vmem>>
      %dma_wait3A_1192 = arith.constant 0 : i32
      %dma_wait3A_1193 = arith.constant 0 : i32
      %dma_wait3A_1194 = tpu.memref_slice %arg3[%dma_wait3A_1192, %dma_wait3A_1193] : memref<1000000x32xf32, #tpu.memory_space<hbm>> -> memref<1000000x32xf32, #tpu.memory_space<hbm>>
      tpu.wait_indirect_dma semaphore(%arg23 : memref<!tpu.dma_semaphore, #tpu.memory_space<semaphore_mem>>) src(%dma_wait3A_1194 : memref<1000000x32xf32, #tpu.memory_space<hbm>>) dst(%arg11 : memref<128x32xf32, #tpu.memory_space<vmem>>)
      %scan3A_1195 = arith.constant 0 : i32
      %scan3A_1196 = arith.constant 0 : i32
      %scan3A_1197 = arith.constant 32 : i32
      %scan3A_1198 = arith.addi %scan3A_1196, %scan3A_1197 : i32
      %scan3A_1199 = arith.constant 1 : i32
      scf.for %scan3A_1636 = %scan3A_1196 to %scan3A_1198 step %scan3A_1199  : i32 {
        %mul3A_1637 = arith.constant 4 : i32
        %mul3A_1638 = arith.muli %scan3A_1636, %mul3A_1637 : i32
        %add3A_1639 = arith.constant 0 : i32
        %add3A_1640 = arith.addi %mul3A_1638, %add3A_1639 : i32
        %broadcast_in_dim3A = vector.broadcast %add3A_1640 : i32 to vector<16xi32>
        %get3A = arith.index_cast %add3A_1640 : i32 to index
        %get3A_1641 = arith.constant 0 : index
        %get3A_1642 = tpu.vector_load %arg11[%get3A, %get3A_1641] {strides = array<i32>} : memref<128x32xf32, #tpu.memory_space<vmem>>, vector<16xf32>,
        %add3A_1643 = arith.constant 0 : i32
        %add3A_1644 = vector.broadcast %add3A_1643 : i32 to vector<16xi32>
        %add3A_1645 = arith.addi %iota3A, %add3A_1644 : vector<16xi32>
        tpu.vector_store_idx %arg19[%add3A_1645, %broadcast_in_dim3A], %get3A_1642 : memref<32x129xf32, #tpu.memory_space<vmem>>[vector<16xi32>, vector<16xi32>], vector<16xf32>,
        %get3A_1646 = arith.index_cast %add3A_1640 : i32 to index
        %get3A_1647 = arith.constant 16 : index
        %get3A_1648 = tpu.vector_load %arg11[%get3A_1646, %get3A_1647] {strides = array<i32>} : memref<128x32xf32, #tpu.memory_space<vmem>>, vector<16xf32>,
        %add3A_1649 = arith.constant 16 : i32
        %add3A_1650 = vector.broadcast %add3A_1649 : i32 to vector<16xi32>
        %add3A_1651 = arith.addi %iota3A, %add3A_1650 : vector<16xi32>
        tpu.vector_store_idx %arg19[%add3A_1651, %broadcast_in_dim3A], %get3A_1648 : memref<32x129xf32, #tpu.memory_space<vmem>>[vector<16xi32>, vector<16xi32>], vector<16xf32>,
        %mul3A_1652 = arith.constant 4 : i32
        %mul3A_1653 = arith.muli %scan3A_1636, %mul3A_1652 : i32
        %add3A_1654 = arith.constant 1 : i32
        %add3A_1655 = arith.addi %mul3A_1653, %add3A_1654 : i32
        %broadcast_in_dim3A_1656 = vector.broadcast %add3A_1655 : i32 to vector<16xi32>
        %get3A_1657 = arith.index_cast %add3A_1655 : i32 to index
        %get3A_1658 = arith.constant 0 : index
        %get3A_1659 = tpu.vector_load %arg11[%get3A_1657, %get3A_1658] {strides = array<i32>} : memref<128x32xf32, #tpu.memory_space<vmem>>, vector<16xf32>,
        %add3A_1660 = arith.constant 0 : i32
        %add3A_1661 = vector.broadcast %add3A_1660 : i32 to vector<16xi32>
        %add3A_1662 = arith.addi %iota3A, %add3A_1661 : vector<16xi32>
        tpu.vector_store_idx %arg19[%add3A_1662, %broadcast_in_dim3A_1656], %get3A_1659 : memref<32x129xf32, #tpu.memory_space<vmem>>[vector<16xi32>, vector<16xi32>], vector<16xf32>,
        %get3A_1663 = arith.index_cast %add3A_1655 : i32 to index
        %get3A_1664 = arith.constant 16 : index
        %get3A_1665 = tpu.vector_load %arg11[%get3A_1663, %get3A_1664] {strides = array<i32>} : memref<128x32xf32, #tpu.memory_space<vmem>>, vector<16xf32>,
        %add3A_1666 = arith.constant 16 : i32
        %add3A_1667 = vector.broadcast %add3A_1666 : i32 to vector<16xi32>
        %add3A_1668 = arith.addi %iota3A, %add3A_1667 : vector<16xi32>
        tpu.vector_store_idx %arg19[%add3A_1668, %broadcast_in_dim3A_1656], %get3A_1665 : memref<32x129xf32, #tpu.memory_space<vmem>>[vector<16xi32>, vector<16xi32>], vector<16xf32>,
        %mul3A_1669 = arith.constant 4 : i32
        %mul3A_1670 = arith.muli %scan3A_1636, %mul3A_1669 : i32
        %add3A_1671 = arith.constant 2 : i32
        %add3A_1672 = arith.addi %mul3A_1670, %add3A_1671 : i32
        %broadcast_in_dim3A_1673 = vector.broadcast %add3A_1672 : i32 to vector<16xi32>
        %get3A_1674 = arith.index_cast %add3A_1672 : i32 to index
        %get3A_1675 = arith.constant 0 : index
        %get3A_1676 = tpu.vector_load %arg11[%get3A_1674, %get3A_1675] {strides = array<i32>} : memref<128x32xf32, #tpu.memory_space<vmem>>, vector<16xf32>,
        %add3A_1677 = arith.constant 0 : i32
        %add3A_1678 = vector.broadcast %add3A_1677 : i32 to vector<16xi32>
        %add3A_1679 = arith.addi %iota3A, %add3A_1678 : vector<16xi32>
        tpu.vector_store_idx %arg19[%add3A_1679, %broadcast_in_dim3A_1673], %get3A_1676 : memref<32x129xf32, #tpu.memory_space<vmem>>[vector<16xi32>, vector<16xi32>], vector<16xf32>,
        %get3A_1680 = arith.index_cast %add3A_1672 : i32 to index
        %get3A_1681 = arith.constant 16 : index
        %get3A_1682 = tpu.vector_load %arg11[%get3A_1680, %get3A_1681] {strides = array<i32>} : memref<128x32xf32, #tpu.memory_space<vmem>>, vector<16xf32>,
        %add3A_1683 = arith.constant 16 : i32
        %add3A_1684 = vector.broadcast %add3A_1683 : i32 to vector<16xi32>
        %add3A_1685 = arith.addi %iota3A, %add3A_1684 : vector<16xi32>
        tpu.vector_store_idx %arg19[%add3A_1685, %broadcast_in_dim3A_1673], %get3A_1682 : memref<32x129xf32, #tpu.memory_space<vmem>>[vector<16xi32>, vector<16xi32>], vector<16xf32>,
        %mul3A_1686 = arith.constant 4 : i32
        %mul3A_1687 = arith.muli %scan3A_1636, %mul3A_1686 : i32
        %add3A_1688 = arith.constant 3 : i32
        %add3A_1689 = arith.addi %mul3A_1687, %add3A_1688 : i32
        %broadcast_in_dim3A_1690 = vector.broadcast %add3A_1689 : i32 to vector<16xi32>
        %get3A_1691 = arith.index_cast %add3A_1689 : i32 to index
        %get3A_1692 = arith.constant 0 : index
        %get3A_1693 = tpu.vector_load %arg11[%get3A_1691, %get3A_1692] {strides = array<i32>} : memref<128x32xf32, #tpu.memory_space<vmem>>, vector<16xf32>,
        %add3A_1694 = arith.constant 0 : i32
        %add3A_1695 = vector.broadcast %add3A_1694 : i32 to vector<16xi32>
        %add3A_1696 = arith.addi %iota3A, %add3A_1695 : vector<16xi32>
        tpu.vector_store_idx %arg19[%add3A_1696, %broadcast_in_dim3A_1690], %get3A_1693 : memref<32x129xf32, #tpu.memory_space<vmem>>[vector<16xi32>, vector<16xi32>], vector<16xf32>,
        %get3A_1697 = arith.index_cast %add3A_1689 : i32 to index
        %get3A_1698 = arith.constant 16 : index
        %get3A_1699 = tpu.vector_load %arg11[%get3A_1697, %get3A_1698] {strides = array<i32>} : memref<128x32xf32, #tpu.memory_space<vmem>>, vector<16xf32>,
        %add3A_1700 = arith.constant 16 : i32
        %add3A_1701 = vector.broadcast %add3A_1700 : i32 to vector<16xi32>
        %add3A_1702 = arith.addi %iota3A, %add3A_1701 : vector<16xi32>
        tpu.vector_store_idx %arg19[%add3A_1702, %broadcast_in_dim3A_1690], %get3A_1699 : memref<32x129xf32, #tpu.memory_space<vmem>>[vector<16xi32>, vector<16xi32>], vector<16xf32>,
      }
      %scan3A_1200 = arith.constant 32 : i32
      %mul3A_1201 = arith.constant 4 : i32
      %mul3A_1202 = arith.muli %add3A_967, %mul3A_1201 : i32
      %add3A_1203 = arith.constant 1 : i32
      %add3A_1204 = arith.addi %mul3A_1202, %add3A_1203 : i32
      %jit3A_1205 = arith.constant 4 : i32
      %div3A_1206 = arith.divsi %add3A_1204, %jit3A_1205 : i32
      %sign3A_1207 = arith.constant 0 : i32
      %sign3A_1208 = arith.cmpi sgt, %add3A_1204, %sign3A_1207 : i32
      %sign3A_1209 = arith.extui %sign3A_1208 : i1 to i32
      %sign3A_1210 = arith.constant 0 : i32
      %sign3A_1211 = arith.cmpi slt, %add3A_1204, %sign3A_1210 : i32
      %sign3A_1212 = arith.extui %sign3A_1211 : i1 to i32
      %sign3A_1213 = arith.subi %sign3A_1209, %sign3A_1212 : i32
      %sign3A_1214 = arith.constant 0 : i32
      %sign3A_1215 = arith.cmpi sgt, %jit3A_1205, %sign3A_1214 : i32
      %sign3A_1216 = arith.extui %sign3A_1215 : i1 to i32
      %sign3A_1217 = arith.constant 0 : i32
      %sign3A_1218 = arith.cmpi slt, %jit3A_1205, %sign3A_1217 : i32
      %sign3A_1219 = arith.extui %sign3A_1218 : i1 to i32
      %sign3A_1220 = arith.subi %sign3A_1216, %sign3A_1219 : i32
      %ne3A_1221 = arith.cmpi ne, %sign3A_1213, %sign3A_1220 : i32
      %rem3A_1222 = arith.remsi %add3A_1204, %jit3A_1205 : i32
      %ne3A_1223 = arith.constant 0 : i32
      %ne3A_1224 = arith.cmpi ne, %rem3A_1222, %ne3A_1223 : i32
      %and3A_1225 = arith.andi %ne3A_1221, %ne3A_1224 : i1
      %sub3A_1226 = arith.constant 1 : i32
      %sub3A_1227 = arith.subi %div3A_1206, %sub3A_1226 : i32
      %select_n3A_1228 = arith.select %and3A_1225, %sub3A_1227, %div3A_1206 : i32
      %jit3A_1229 = arith.constant 4 : i32
      %eq3A_1230 = arith.constant 0 : i32
      %eq3A_1231 = arith.cmpi eq, %jit3A_1229, %eq3A_1230 : i32
      %jit3A_1232 = arith.constant 1 : i32
      %select_n3A_1233 = arith.select %eq3A_1231, %jit3A_1232, %jit3A_1229 : i32
      %rem3A_1234 = arith.remsi %add3A_1204, %select_n3A_1233 : i32
      %ne3A_1235 = arith.constant 0 : i32
      %ne3A_1236 = arith.cmpi ne, %rem3A_1234, %ne3A_1235 : i32
      %lt3A_1237 = arith.constant 0 : i32
      %lt3A_1238 = arith.cmpi slt, %rem3A_1234, %lt3A_1237 : i32
      %lt3A_1239 = arith.constant 0 : i32
      %lt3A_1240 = arith.cmpi slt, %select_n3A_1233, %lt3A_1239 : i32
      %ne3A_1241 = arith.xori %lt3A_1238, %lt3A_1240 : i1
      %and3A_1242 = arith.andi %ne3A_1241, %ne3A_1236 : i1
      %add3A_1243 = arith.addi %rem3A_1234, %select_n3A_1233 : i32
      %select_n3A_1244 = arith.select %and3A_1242, %add3A_1243, %rem3A_1234 : i32
      %mul3A_1245 = arith.constant 4 : i32
      %mul3A_1246 = arith.muli %add3A, %mul3A_1245 : i32
      %add3A_1247 = arith.addi %mul3A_1246, %select_n3A_1244 : i32
      %dma_start3A_1248 = arith.constant 0 : i32
      %dma_start3A_1249 = arith.constant 0 : i32
      %dma_start3A_1250 = arith.constant 0 : i32
      %dma_start3A_1251 = tpu.memref_slice %arg19[%dma_start3A_1249, %dma_start3A_1250] : memref<32x129xf32, #tpu.memory_space<vmem>> -> memref<8x128xf32, #tpu.memory_space<vmem>>
      %dma_start3A_1252 = arith.constant 0 : i32
      %dma_start3A_1253 = arith.constant 0 : i32
      %dma_start3A_1254 = tpu.memref_slice %arg4[%select_n3A_1228, %dma_start3A_1248, %add3A_1247, %dma_start3A_1252, %dma_start3A_1253] : memref<50x4x128x8x128xf32, #tpu.memory_space<hbm>> -> memref<1x1x1x8x128xf32, #tpu.memory_space<hbm>>
      %dma_start3A_1255 = tpu.memref_squeeze %dma_start3A_1254 : memref<1x1x1x8x128xf32, #tpu.memory_space<hbm>> -> memref<8x128xf32, #tpu.memory_space<hbm>>
      %dma_start3A_1256 = arith.constant 0 : i32
      %dma_start3A_1257 = arith.constant 0 : i32
      %dma_start3A_1258 = tpu.memref_slice %arg4[%select_n3A_1228, %dma_start3A_1248, %add3A_1247, %dma_start3A_1256, %dma_start3A_1257] : memref<50x4x128x8x128xf32, #tpu.memory_space<hbm>> -> memref<1x1x1x8x128xf32, #tpu.memory_space<hbm>>
      %dma_start3A_1259 = tpu.memref_squeeze %dma_start3A_1258 : memref<1x1x1x8x128xf32, #tpu.memory_space<hbm>> -> memref<8x128xf32, #tpu.memory_space<hbm>>
      %dma_start3A_1260 = arith.constant 0 : i32
      %dma_start3A_1261 = arith.constant 0 : i32
      %dma_start3A_1262 = tpu.memref_slice %arg19[%dma_start3A_1260, %dma_start3A_1261] : memref<32x129xf32, #tpu.memory_space<vmem>> -> memref<8x128xf32, #tpu.memory_space<vmem>>
      tpu.enqueue_dma source(%dma_start3A_1262 : memref<8x128xf32, #tpu.memory_space<vmem>>) target(%dma_start3A_1259 : memref<8x128xf32, #tpu.memory_space<hbm>>) target_semaphore(%arg25 : memref<!tpu.dma_semaphore, #tpu.memory_space<semaphore_mem>>)
      %dma_start3A_1263 = arith.constant 1 : i32
      %dma_start3A_1264 = arith.constant 8 : i32
      %dma_start3A_1265 = arith.constant 0 : i32
      %dma_start3A_1266 = tpu.memref_slice %arg19[%dma_start3A_1264, %dma_start3A_1265] : memref<32x129xf32, #tpu.memory_space<vmem>> -> memref<8x128xf32, #tpu.memory_space<vmem>>
      %dma_start3A_1267 = arith.constant 0 : i32
      %dma_start3A_1268 = arith.constant 0 : i32
      %dma_start3A_1269 = tpu.memref_slice %arg4[%select_n3A_1228, %dma_start3A_1263, %add3A_1247, %dma_start3A_1267, %dma_start3A_1268] : memref<50x4x128x8x128xf32, #tpu.memory_space<hbm>> -> memref<1x1x1x8x128xf32, #tpu.memory_space<hbm>>
      %dma_start3A_1270 = tpu.memref_squeeze %dma_start3A_1269 : memref<1x1x1x8x128xf32, #tpu.memory_space<hbm>> -> memref<8x128xf32, #tpu.memory_space<hbm>>
      %dma_start3A_1271 = arith.constant 0 : i32
      %dma_start3A_1272 = arith.constant 0 : i32
      %dma_start3A_1273 = tpu.memref_slice %arg4[%select_n3A_1228, %dma_start3A_1263, %add3A_1247, %dma_start3A_1271, %dma_start3A_1272] : memref<50x4x128x8x128xf32, #tpu.memory_space<hbm>> -> memref<1x1x1x8x128xf32, #tpu.memory_space<hbm>>
      %dma_start3A_1274 = tpu.memref_squeeze %dma_start3A_1273 : memref<1x1x1x8x128xf32, #tpu.memory_space<hbm>> -> memref<8x128xf32, #tpu.memory_space<hbm>>
      %dma_start3A_1275 = arith.constant 8 : i32
      %dma_start3A_1276 = arith.constant 0 : i32
      %dma_start3A_1277 = tpu.memref_slice %arg19[%dma_start3A_1275, %dma_start3A_1276] : memref<32x129xf32, #tpu.memory_space<vmem>> -> memref<8x128xf32, #tpu.memory_space<vmem>>
      tpu.enqueue_dma source(%dma_start3A_1277 : memref<8x128xf32, #tpu.memory_space<vmem>>) target(%dma_start3A_1274 : memref<8x128xf32, #tpu.memory_space<hbm>>) target_semaphore(%arg25 : memref<!tpu.dma_semaphore, #tpu.memory_space<semaphore_mem>>)
      %dma_start3A_1278 = arith.constant 2 : i32
      %dma_start3A_1279 = arith.constant 16 : i32
      %dma_start3A_1280 = arith.constant 0 : i32
      %dma_start3A_1281 = tpu.memref_slice %arg19[%dma_start3A_1279, %dma_start3A_1280] : memref<32x129xf32, #tpu.memory_space<vmem>> -> memref<8x128xf32, #tpu.memory_space<vmem>>
      %dma_start3A_1282 = arith.constant 0 : i32
      %dma_start3A_1283 = arith.constant 0 : i32
      %dma_start3A_1284 = tpu.memref_slice %arg4[%select_n3A_1228, %dma_start3A_1278, %add3A_1247, %dma_start3A_1282, %dma_start3A_1283] : memref<50x4x128x8x128xf32, #tpu.memory_space<hbm>> -> memref<1x1x1x8x128xf32, #tpu.memory_space<hbm>>
      %dma_start3A_1285 = tpu.memref_squeeze %dma_start3A_1284 : memref<1x1x1x8x128xf32, #tpu.memory_space<hbm>> -> memref<8x128xf32, #tpu.memory_space<hbm>>
      %dma_start3A_1286 = arith.constant 0 : i32
      %dma_start3A_1287 = arith.constant 0 : i32
      %dma_start3A_1288 = tpu.memref_slice %arg4[%select_n3A_1228, %dma_start3A_1278, %add3A_1247, %dma_start3A_1286, %dma_start3A_1287] : memref<50x4x128x8x128xf32, #tpu.memory_space<hbm>> -> memref<1x1x1x8x128xf32, #tpu.memory_space<hbm>>
      %dma_start3A_1289 = tpu.memref_squeeze %dma_start3A_1288 : memref<1x1x1x8x128xf32, #tpu.memory_space<hbm>> -> memref<8x128xf32, #tpu.memory_space<hbm>>
      %dma_start3A_1290 = arith.constant 16 : i32
      %dma_start3A_1291 = arith.constant 0 : i32
      %dma_start3A_1292 = tpu.memref_slice %arg19[%dma_start3A_1290, %dma_start3A_1291] : memref<32x129xf32, #tpu.memory_space<vmem>> -> memref<8x128xf32, #tpu.memory_space<vmem>>
      tpu.enqueue_dma source(%dma_start3A_1292 : memref<8x128xf32, #tpu.memory_space<vmem>>) target(%dma_start3A_1289 : memref<8x128xf32, #tpu.memory_space<hbm>>) target_semaphore(%arg25 : memref<!tpu.dma_semaphore, #tpu.memory_space<semaphore_mem>>)
      %dma_start3A_1293 = arith.constant 3 : i32
      %dma_start3A_1294 = arith.constant 24 : i32
      %dma_start3A_1295 = arith.constant 0 : i32
      %dma_start3A_1296 = tpu.memref_slice %arg19[%dma_start3A_1294, %dma_start3A_1295] : memref<32x129xf32, #tpu.memory_space<vmem>> -> memref<8x128xf32, #tpu.memory_space<vmem>>
      %dma_start3A_1297 = arith.constant 0 : i32
      %dma_start3A_1298 = arith.constant 0 : i32
      %dma_start3A_1299 = tpu.memref_slice %arg4[%select_n3A_1228, %dma_start3A_1293, %add3A_1247, %dma_start3A_1297, %dma_start3A_1298] : memref<50x4x128x8x128xf32, #tpu.memory_space<hbm>> -> memref<1x1x1x8x128xf32, #tpu.memory_space<hbm>>
      %dma_start3A_1300 = tpu.memref_squeeze %dma_start3A_1299 : memref<1x1x1x8x128xf32, #tpu.memory_space<hbm>> -> memref<8x128xf32, #tpu.memory_space<hbm>>
      %dma_start3A_1301 = arith.constant 0 : i32
      %dma_start3A_1302 = arith.constant 0 : i32
      %dma_start3A_1303 = tpu.memref_slice %arg4[%select_n3A_1228, %dma_start3A_1293, %add3A_1247, %dma_start3A_1301, %dma_start3A_1302] : memref<50x4x128x8x128xf32, #tpu.memory_space<hbm>> -> memref<1x1x1x8x128xf32, #tpu.memory_space<hbm>>
      %dma_start3A_1304 = tpu.memref_squeeze %dma_start3A_1303 : memref<1x1x1x8x128xf32, #tpu.memory_space<hbm>> -> memref<8x128xf32, #tpu.memory_space<hbm>>
      %dma_start3A_1305 = arith.constant 24 : i32
      %dma_start3A_1306 = arith.constant 0 : i32
      %dma_start3A_1307 = tpu.memref_slice %arg19[%dma_start3A_1305, %dma_start3A_1306] : memref<32x129xf32, #tpu.memory_space<vmem>> -> memref<8x128xf32, #tpu.memory_space<vmem>>
      tpu.enqueue_dma source(%dma_start3A_1307 : memref<8x128xf32, #tpu.memory_space<vmem>>) target(%dma_start3A_1304 : memref<8x128xf32, #tpu.memory_space<hbm>>) target_semaphore(%arg25 : memref<!tpu.dma_semaphore, #tpu.memory_space<semaphore_mem>>)
      %mul3A_1308 = arith.constant 4 : i32
      %mul3A_1309 = arith.muli %add3A_967, %mul3A_1308 : i32
      %add3A_1310 = arith.constant 2 : i32
      %add3A_1311 = arith.addi %mul3A_1309, %add3A_1310 : i32
      %jit3A_1312 = arith.constant 4 : i32
      %div3A_1313 = arith.divsi %add3A_1311, %jit3A_1312 : i32
      %sign3A_1314 = arith.constant 0 : i32
      %sign3A_1315 = arith.cmpi sgt, %add3A_1311, %sign3A_1314 : i32
      %sign3A_1316 = arith.extui %sign3A_1315 : i1 to i32
      %sign3A_1317 = arith.constant 0 : i32
      %sign3A_1318 = arith.cmpi slt, %add3A_1311, %sign3A_1317 : i32
      %sign3A_1319 = arith.extui %sign3A_1318 : i1 to i32
      %sign3A_1320 = arith.subi %sign3A_1316, %sign3A_1319 : i32
      %sign3A_1321 = arith.constant 0 : i32
      %sign3A_1322 = arith.cmpi sgt, %jit3A_1312, %sign3A_1321 : i32
      %sign3A_1323 = arith.extui %sign3A_1322 : i1 to i32
      %sign3A_1324 = arith.constant 0 : i32
      %sign3A_1325 = arith.cmpi slt, %jit3A_1312, %sign3A_1324 : i32
      %sign3A_1326 = arith.extui %sign3A_1325 : i1 to i32
      %sign3A_1327 = arith.subi %sign3A_1323, %sign3A_1326 : i32
      %ne3A_1328 = arith.cmpi ne, %sign3A_1320, %sign3A_1327 : i32
      %rem3A_1329 = arith.remsi %add3A_1311, %jit3A_1312 : i32
      %ne3A_1330 = arith.constant 0 : i32
      %ne3A_1331 = arith.cmpi ne, %rem3A_1329, %ne3A_1330 : i32
      %and3A_1332 = arith.andi %ne3A_1328, %ne3A_1331 : i1
      %sub3A_1333 = arith.constant 1 : i32
      %sub3A_1334 = arith.subi %div3A_1313, %sub3A_1333 : i32
      %select_n3A_1335 = arith.select %and3A_1332, %sub3A_1334, %div3A_1313 : i32
      %jit3A_1336 = arith.constant 4 : i32
      %eq3A_1337 = arith.constant 0 : i32
      %eq3A_1338 = arith.cmpi eq, %jit3A_1336, %eq3A_1337 : i32
      %jit3A_1339 = arith.constant 1 : i32
      %select_n3A_1340 = arith.select %eq3A_1338, %jit3A_1339, %jit3A_1336 : i32
      %rem3A_1341 = arith.remsi %add3A_1311, %select_n3A_1340 : i32
      %ne3A_1342 = arith.constant 0 : i32
      %ne3A_1343 = arith.cmpi ne, %rem3A_1341, %ne3A_1342 : i32
      %lt3A_1344 = arith.constant 0 : i32
      %lt3A_1345 = arith.cmpi slt, %rem3A_1341, %lt3A_1344 : i32
      %lt3A_1346 = arith.constant 0 : i32
      %lt3A_1347 = arith.cmpi slt, %select_n3A_1340, %lt3A_1346 : i32
      %ne3A_1348 = arith.xori %lt3A_1345, %lt3A_1347 : i1
      %and3A_1349 = arith.andi %ne3A_1348, %ne3A_1343 : i1
      %add3A_1350 = arith.addi %rem3A_1341, %select_n3A_1340 : i32
      %select_n3A_1351 = arith.select %and3A_1349, %add3A_1350, %rem3A_1341 : i32
      %mul3A_1352 = arith.constant 128 : i32
      %mul3A_1353 = arith.muli %select_n3A_1351, %mul3A_1352 : i32
      %dma_wait3A_1354 = tpu.memref_slice %arg5[%select_n3A_1335, %mul3A_1353] : memref<50x512xi32, #tpu.memory_space<vmem>> -> memref<1x128xi32, #tpu.memory_space<vmem>>
      %dma_wait3A_1355 = tpu.memref_squeeze %dma_wait3A_1354 : memref<1x128xi32, #tpu.memory_space<vmem>> -> memref<128xi32, #tpu.memory_space<vmem>>
      %dma_wait3A_1356 = arith.constant 0 : i32
      %dma_wait3A_1357 = arith.constant 0 : i32
      %dma_wait3A_1358 = tpu.memref_slice %arg3[%dma_wait3A_1356, %dma_wait3A_1357] : memref<1000000x32xf32, #tpu.memory_space<hbm>> -> memref<1000000x32xf32, #tpu.memory_space<hbm>>
      tpu.wait_indirect_dma semaphore(%arg23 : memref<!tpu.dma_semaphore, #tpu.memory_space<semaphore_mem>>) src(%dma_wait3A_1358 : memref<1000000x32xf32, #tpu.memory_space<hbm>>) dst(%arg12 : memref<128x32xf32, #tpu.memory_space<vmem>>)
      %scan3A_1359 = arith.constant 0 : i32
      %scan3A_1360 = arith.constant 0 : i32
      %scan3A_1361 = arith.constant 32 : i32
      %scan3A_1362 = arith.addi %scan3A_1360, %scan3A_1361 : i32
      %scan3A_1363 = arith.constant 1 : i32
      scf.for %scan3A_1636 = %scan3A_1360 to %scan3A_1362 step %scan3A_1363  : i32 {
        %mul3A_1637 = arith.constant 4 : i32
        %mul3A_1638 = arith.muli %scan3A_1636, %mul3A_1637 : i32
        %add3A_1639 = arith.constant 0 : i32
        %add3A_1640 = arith.addi %mul3A_1638, %add3A_1639 : i32
        %broadcast_in_dim3A = vector.broadcast %add3A_1640 : i32 to vector<16xi32>
        %get3A = arith.index_cast %add3A_1640 : i32 to index
        %get3A_1641 = arith.constant 0 : index
        %get3A_1642 = tpu.vector_load %arg12[%get3A, %get3A_1641] {strides = array<i32>} : memref<128x32xf32, #tpu.memory_space<vmem>>, vector<16xf32>,
        %add3A_1643 = arith.constant 0 : i32
        %add3A_1644 = vector.broadcast %add3A_1643 : i32 to vector<16xi32>
        %add3A_1645 = arith.addi %iota3A, %add3A_1644 : vector<16xi32>
        tpu.vector_store_idx %arg20[%add3A_1645, %broadcast_in_dim3A], %get3A_1642 : memref<32x129xf32, #tpu.memory_space<vmem>>[vector<16xi32>, vector<16xi32>], vector<16xf32>,
        %get3A_1646 = arith.index_cast %add3A_1640 : i32 to index
        %get3A_1647 = arith.constant 16 : index
        %get3A_1648 = tpu.vector_load %arg12[%get3A_1646, %get3A_1647] {strides = array<i32>} : memref<128x32xf32, #tpu.memory_space<vmem>>, vector<16xf32>,
        %add3A_1649 = arith.constant 16 : i32
        %add3A_1650 = vector.broadcast %add3A_1649 : i32 to vector<16xi32>
        %add3A_1651 = arith.addi %iota3A, %add3A_1650 : vector<16xi32>
        tpu.vector_store_idx %arg20[%add3A_1651, %broadcast_in_dim3A], %get3A_1648 : memref<32x129xf32, #tpu.memory_space<vmem>>[vector<16xi32>, vector<16xi32>], vector<16xf32>,
        %mul3A_1652 = arith.constant 4 : i32
        %mul3A_1653 = arith.muli %scan3A_1636, %mul3A_1652 : i32
        %add3A_1654 = arith.constant 1 : i32
        %add3A_1655 = arith.addi %mul3A_1653, %add3A_1654 : i32
        %broadcast_in_dim3A_1656 = vector.broadcast %add3A_1655 : i32 to vector<16xi32>
        %get3A_1657 = arith.index_cast %add3A_1655 : i32 to index
        %get3A_1658 = arith.constant 0 : index
        %get3A_1659 = tpu.vector_load %arg12[%get3A_1657, %get3A_1658] {strides = array<i32>} : memref<128x32xf32, #tpu.memory_space<vmem>>, vector<16xf32>,
        %add3A_1660 = arith.constant 0 : i32
        %add3A_1661 = vector.broadcast %add3A_1660 : i32 to vector<16xi32>
        %add3A_1662 = arith.addi %iota3A, %add3A_1661 : vector<16xi32>
        tpu.vector_store_idx %arg20[%add3A_1662, %broadcast_in_dim3A_1656], %get3A_1659 : memref<32x129xf32, #tpu.memory_space<vmem>>[vector<16xi32>, vector<16xi32>], vector<16xf32>,
        %get3A_1663 = arith.index_cast %add3A_1655 : i32 to index
        %get3A_1664 = arith.constant 16 : index
        %get3A_1665 = tpu.vector_load %arg12[%get3A_1663, %get3A_1664] {strides = array<i32>} : memref<128x32xf32, #tpu.memory_space<vmem>>, vector<16xf32>,
        %add3A_1666 = arith.constant 16 : i32
        %add3A_1667 = vector.broadcast %add3A_1666 : i32 to vector<16xi32>
        %add3A_1668 = arith.addi %iota3A, %add3A_1667 : vector<16xi32>
        tpu.vector_store_idx %arg20[%add3A_1668, %broadcast_in_dim3A_1656], %get3A_1665 : memref<32x129xf32, #tpu.memory_space<vmem>>[vector<16xi32>, vector<16xi32>], vector<16xf32>,
        %mul3A_1669 = arith.constant 4 : i32
        %mul3A_1670 = arith.muli %scan3A_1636, %mul3A_1669 : i32
        %add3A_1671 = arith.constant 2 : i32
        %add3A_1672 = arith.addi %mul3A_1670, %add3A_1671 : i32
        %broadcast_in_dim3A_1673 = vector.broadcast %add3A_1672 : i32 to vector<16xi32>
        %get3A_1674 = arith.index_cast %add3A_1672 : i32 to index
        %get3A_1675 = arith.constant 0 : index
        %get3A_1676 = tpu.vector_load %arg12[%get3A_1674, %get3A_1675] {strides = array<i32>} : memref<128x32xf32, #tpu.memory_space<vmem>>, vector<16xf32>,
        %add3A_1677 = arith.constant 0 : i32
        %add3A_1678 = vector.broadcast %add3A_1677 : i32 to vector<16xi32>
        %add3A_1679 = arith.addi %iota3A, %add3A_1678 : vector<16xi32>
        tpu.vector_store_idx %arg20[%add3A_1679, %broadcast_in_dim3A_1673], %get3A_1676 : memref<32x129xf32, #tpu.memory_space<vmem>>[vector<16xi32>, vector<16xi32>], vector<16xf32>,
        %get3A_1680 = arith.index_cast %add3A_1672 : i32 to index
        %get3A_1681 = arith.constant 16 : index
        %get3A_1682 = tpu.vector_load %arg12[%get3A_1680, %get3A_1681] {strides = array<i32>} : memref<128x32xf32, #tpu.memory_space<vmem>>, vector<16xf32>,
        %add3A_1683 = arith.constant 16 : i32
        %add3A_1684 = vector.broadcast %add3A_1683 : i32 to vector<16xi32>
        %add3A_1685 = arith.addi %iota3A, %add3A_1684 : vector<16xi32>
        tpu.vector_store_idx %arg20[%add3A_1685, %broadcast_in_dim3A_1673], %get3A_1682 : memref<32x129xf32, #tpu.memory_space<vmem>>[vector<16xi32>, vector<16xi32>], vector<16xf32>,
        %mul3A_1686 = arith.constant 4 : i32
        %mul3A_1687 = arith.muli %scan3A_1636, %mul3A_1686 : i32
        %add3A_1688 = arith.constant 3 : i32
        %add3A_1689 = arith.addi %mul3A_1687, %add3A_1688 : i32
        %broadcast_in_dim3A_1690 = vector.broadcast %add3A_1689 : i32 to vector<16xi32>
        %get3A_1691 = arith.index_cast %add3A_1689 : i32 to index
        %get3A_1692 = arith.constant 0 : index
        %get3A_1693 = tpu.vector_load %arg12[%get3A_1691, %get3A_1692] {strides = array<i32>} : memref<128x32xf32, #tpu.memory_space<vmem>>, vector<16xf32>,
        %add3A_1694 = arith.constant 0 : i32
        %add3A_1695 = vector.broadcast %add3A_1694 : i32 to vector<16xi32>
        %add3A_1696 = arith.addi %iota3A, %add3A_1695 : vector<16xi32>
        tpu.vector_store_idx %arg20[%add3A_1696, %broadcast_in_dim3A_1690], %get3A_1693 : memref<32x129xf32, #tpu.memory_space<vmem>>[vector<16xi32>, vector<16xi32>], vector<16xf32>,
        %get3A_1697 = arith.index_cast %add3A_1689 : i32 to index
        %get3A_1698 = arith.constant 16 : index
        %get3A_1699 = tpu.vector_load %arg12[%get3A_1697, %get3A_1698] {strides = array<i32>} : memref<128x32xf32, #tpu.memory_space<vmem>>, vector<16xf32>,
        %add3A_1700 = arith.constant 16 : i32
        %add3A_1701 = vector.broadcast %add3A_1700 : i32 to vector<16xi32>
        %add3A_1702 = arith.addi %iota3A, %add3A_1701 : vector<16xi32>
        tpu.vector_store_idx %arg20[%add3A_1702, %broadcast_in_dim3A_1690], %get3A_1699 : memref<32x129xf32, #tpu.memory_space<vmem>>[vector<16xi32>, vector<16xi32>], vector<16xf32>,
      }
      %scan3A_1364 = arith.constant 32 : i32
      %mul3A_1365 = arith.constant 4 : i32
      %mul3A_1366 = arith.muli %add3A_967, %mul3A_1365 : i32
      %add3A_1367 = arith.constant 2 : i32
      %add3A_1368 = arith.addi %mul3A_1366, %add3A_1367 : i32
      %jit3A_1369 = arith.constant 4 : i32
      %div3A_1370 = arith.divsi %add3A_1368, %jit3A_1369 : i32
      %sign3A_1371 = arith.constant 0 : i32
      %sign3A_1372 = arith.cmpi sgt, %add3A_1368, %sign3A_1371 : i32
      %sign3A_1373 = arith.extui %sign3A_1372 : i1 to i32
      %sign3A_1374 = arith.constant 0 : i32
      %sign3A_1375 = arith.cmpi slt, %add3A_1368, %sign3A_1374 : i32
      %sign3A_1376 = arith.extui %sign3A_1375 : i1 to i32
      %sign3A_1377 = arith.subi %sign3A_1373, %sign3A_1376 : i32
      %sign3A_1378 = arith.constant 0 : i32
      %sign3A_1379 = arith.cmpi sgt, %jit3A_1369, %sign3A_1378 : i32
      %sign3A_1380 = arith.extui %sign3A_1379 : i1 to i32
      %sign3A_1381 = arith.constant 0 : i32
      %sign3A_1382 = arith.cmpi slt, %jit3A_1369, %sign3A_1381 : i32
      %sign3A_1383 = arith.extui %sign3A_1382 : i1 to i32
      %sign3A_1384 = arith.subi %sign3A_1380, %sign3A_1383 : i32
      %ne3A_1385 = arith.cmpi ne, %sign3A_1377, %sign3A_1384 : i32
      %rem3A_1386 = arith.remsi %add3A_1368, %jit3A_1369 : i32
      %ne3A_1387 = arith.constant 0 : i32
      %ne3A_1388 = arith.cmpi ne, %rem3A_1386, %ne3A_1387 : i32
      %and3A_1389 = arith.andi %ne3A_1385, %ne3A_1388 : i1
      %sub3A_1390 = arith.constant 1 : i32
      %sub3A_1391 = arith.subi %div3A_1370, %sub3A_1390 : i32
      %select_n3A_1392 = arith.select %and3A_1389, %sub3A_1391, %div3A_1370 : i32
      %jit3A_1393 = arith.constant 4 : i32
      %eq3A_1394 = arith.constant 0 : i32
      %eq3A_1395 = arith.cmpi eq, %jit3A_1393, %eq3A_1394 : i32
      %jit3A_1396 = arith.constant 1 : i32
      %select_n3A_1397 = arith.select %eq3A_1395, %jit3A_1396, %jit3A_1393 : i32
      %rem3A_1398 = arith.remsi %add3A_1368, %select_n3A_1397 : i32
      %ne3A_1399 = arith.constant 0 : i32
      %ne3A_1400 = arith.cmpi ne, %rem3A_1398, %ne3A_1399 : i32
      %lt3A_1401 = arith.constant 0 : i32
      %lt3A_1402 = arith.cmpi slt, %rem3A_1398, %lt3A_1401 : i32
      %lt3A_1403 = arith.constant 0 : i32
      %lt3A_1404 = arith.cmpi slt, %select_n3A_1397, %lt3A_1403 : i32
      %ne3A_1405 = arith.xori %lt3A_1402, %lt3A_1404 : i1
      %and3A_1406 = arith.andi %ne3A_1405, %ne3A_1400 : i1
      %add3A_1407 = arith.addi %rem3A_1398, %select_n3A_1397 : i32
      %select_n3A_1408 = arith.select %and3A_1406, %add3A_1407, %rem3A_1398 : i32
      %mul3A_1409 = arith.constant 4 : i32
      %mul3A_1410 = arith.muli %add3A, %mul3A_1409 : i32
      %add3A_1411 = arith.addi %mul3A_1410, %select_n3A_1408 : i32
      %dma_start3A_1412 = arith.constant 0 : i32
      %dma_start3A_1413 = arith.constant 0 : i32
      %dma_start3A_1414 = arith.constant 0 : i32
      %dma_start3A_1415 = tpu.memref_slice %arg20[%dma_start3A_1413, %dma_start3A_1414] : memref<32x129xf32, #tpu.memory_space<vmem>> -> memref<8x128xf32, #tpu.memory_space<vmem>>
      %dma_start3A_1416 = arith.constant 0 : i32
      %dma_start3A_1417 = arith.constant 0 : i32
      %dma_start3A_1418 = tpu.memref_slice %arg4[%select_n3A_1392, %dma_start3A_1412, %add3A_1411, %dma_start3A_1416, %dma_start3A_1417] : memref<50x4x128x8x128xf32, #tpu.memory_space<hbm>> -> memref<1x1x1x8x128xf32, #tpu.memory_space<hbm>>
      %dma_start3A_1419 = tpu.memref_squeeze %dma_start3A_1418 : memref<1x1x1x8x128xf32, #tpu.memory_space<hbm>> -> memref<8x128xf32, #tpu.memory_space<hbm>>
      %dma_start3A_1420 = arith.constant 0 : i32
      %dma_start3A_1421 = arith.constant 0 : i32
      %dma_start3A_1422 = tpu.memref_slice %arg4[%select_n3A_1392, %dma_start3A_1412, %add3A_1411, %dma_start3A_1420, %dma_start3A_1421] : memref<50x4x128x8x128xf32, #tpu.memory_space<hbm>> -> memref<1x1x1x8x128xf32, #tpu.memory_space<hbm>>
      %dma_start3A_1423 = tpu.memref_squeeze %dma_start3A_1422 : memref<1x1x1x8x128xf32, #tpu.memory_space<hbm>> -> memref<8x128xf32, #tpu.memory_space<hbm>>
      %dma_start3A_1424 = arith.constant 0 : i32
      %dma_start3A_1425 = arith.constant 0 : i32
      %dma_start3A_1426 = tpu.memref_slice %arg20[%dma_start3A_1424, %dma_start3A_1425] : memref<32x129xf32, #tpu.memory_space<vmem>> -> memref<8x128xf32, #tpu.memory_space<vmem>>
      tpu.enqueue_dma source(%dma_start3A_1426 : memref<8x128xf32, #tpu.memory_space<vmem>>) target(%dma_start3A_1423 : memref<8x128xf32, #tpu.memory_space<hbm>>) target_semaphore(%arg25 : memref<!tpu.dma_semaphore, #tpu.memory_space<semaphore_mem>>)
      %dma_start3A_1427 = arith.constant 1 : i32
      %dma_start3A_1428 = arith.constant 8 : i32
      %dma_start3A_1429 = arith.constant 0 : i32
      %dma_start3A_1430 = tpu.memref_slice %arg20[%dma_start3A_1428, %dma_start3A_1429] : memref<32x129xf32, #tpu.memory_space<vmem>> -> memref<8x128xf32, #tpu.memory_space<vmem>>
      %dma_start3A_1431 = arith.constant 0 : i32
      %dma_start3A_1432 = arith.constant 0 : i32
      %dma_start3A_1433 = tpu.memref_slice %arg4[%select_n3A_1392, %dma_start3A_1427, %add3A_1411, %dma_start3A_1431, %dma_start3A_1432] : memref<50x4x128x8x128xf32, #tpu.memory_space<hbm>> -> memref<1x1x1x8x128xf32, #tpu.memory_space<hbm>>
      %dma_start3A_1434 = tpu.memref_squeeze %dma_start3A_1433 : memref<1x1x1x8x128xf32, #tpu.memory_space<hbm>> -> memref<8x128xf32, #tpu.memory_space<hbm>>
      %dma_start3A_1435 = arith.constant 0 : i32
      %dma_start3A_1436 = arith.constant 0 : i32
      %dma_start3A_1437 = tpu.memref_slice %arg4[%select_n3A_1392, %dma_start3A_1427, %add3A_1411, %dma_start3A_1435, %dma_start3A_1436] : memref<50x4x128x8x128xf32, #tpu.memory_space<hbm>> -> memref<1x1x1x8x128xf32, #tpu.memory_space<hbm>>
      %dma_start3A_1438 = tpu.memref_squeeze %dma_start3A_1437 : memref<1x1x1x8x128xf32, #tpu.memory_space<hbm>> -> memref<8x128xf32, #tpu.memory_space<hbm>>
      %dma_start3A_1439 = arith.constant 8 : i32
      %dma_start3A_1440 = arith.constant 0 : i32
      %dma_start3A_1441 = tpu.memref_slice %arg20[%dma_start3A_1439, %dma_start3A_1440] : memref<32x129xf32, #tpu.memory_space<vmem>> -> memref<8x128xf32, #tpu.memory_space<vmem>>
      tpu.enqueue_dma source(%dma_start3A_1441 : memref<8x128xf32, #tpu.memory_space<vmem>>) target(%dma_start3A_1438 : memref<8x128xf32, #tpu.memory_space<hbm>>) target_semaphore(%arg25 : memref<!tpu.dma_semaphore, #tpu.memory_space<semaphore_mem>>)
      %dma_start3A_1442 = arith.constant 2 : i32
      %dma_start3A_1443 = arith.constant 16 : i32
      %dma_start3A_1444 = arith.constant 0 : i32
      %dma_start3A_1445 = tpu.memref_slice %arg20[%dma_start3A_1443, %dma_start3A_1444] : memref<32x129xf32, #tpu.memory_space<vmem>> -> memref<8x128xf32, #tpu.memory_space<vmem>>
      %dma_start3A_1446 = arith.constant 0 : i32
      %dma_start3A_1447 = arith.constant 0 : i32
      %dma_start3A_1448 = tpu.memref_slice %arg4[%select_n3A_1392, %dma_start3A_1442, %add3A_1411, %dma_start3A_1446, %dma_start3A_1447] : memref<50x4x128x8x128xf32, #tpu.memory_space<hbm>> -> memref<1x1x1x8x128xf32, #tpu.memory_space<hbm>>
      %dma_start3A_1449 = tpu.memref_squeeze %dma_start3A_1448 : memref<1x1x1x8x128xf32, #tpu.memory_space<hbm>> -> memref<8x128xf32, #tpu.memory_space<hbm>>
      %dma_start3A_1450 = arith.constant 0 : i32
      %dma_start3A_1451 = arith.constant 0 : i32
      %dma_start3A_1452 = tpu.memref_slice %arg4[%select_n3A_1392, %dma_start3A_1442, %add3A_1411, %dma_start3A_1450, %dma_start3A_1451] : memref<50x4x128x8x128xf32, #tpu.memory_space<hbm>> -> memref<1x1x1x8x128xf32, #tpu.memory_space<hbm>>
      %dma_start3A_1453 = tpu.memref_squeeze %dma_start3A_1452 : memref<1x1x1x8x128xf32, #tpu.memory_space<hbm>> -> memref<8x128xf32, #tpu.memory_space<hbm>>
      %dma_start3A_1454 = arith.constant 16 : i32
      %dma_start3A_1455 = arith.constant 0 : i32
      %dma_start3A_1456 = tpu.memref_slice %arg20[%dma_start3A_1454, %dma_start3A_1455] : memref<32x129xf32, #tpu.memory_space<vmem>> -> memref<8x128xf32, #tpu.memory_space<vmem>>
      tpu.enqueue_dma source(%dma_start3A_1456 : memref<8x128xf32, #tpu.memory_space<vmem>>) target(%dma_start3A_1453 : memref<8x128xf32, #tpu.memory_space<hbm>>) target_semaphore(%arg25 : memref<!tpu.dma_semaphore, #tpu.memory_space<semaphore_mem>>)
      %dma_start3A_1457 = arith.constant 3 : i32
      %dma_start3A_1458 = arith.constant 24 : i32
      %dma_start3A_1459 = arith.constant 0 : i32
      %dma_start3A_1460 = tpu.memref_slice %arg20[%dma_start3A_1458, %dma_start3A_1459] : memref<32x129xf32, #tpu.memory_space<vmem>> -> memref<8x128xf32, #tpu.memory_space<vmem>>
      %dma_start3A_1461 = arith.constant 0 : i32
      %dma_start3A_1462 = arith.constant 0 : i32
      %dma_start3A_1463 = tpu.memref_slice %arg4[%select_n3A_1392, %dma_start3A_1457, %add3A_1411, %dma_start3A_1461, %dma_start3A_1462] : memref<50x4x128x8x128xf32, #tpu.memory_space<hbm>> -> memref<1x1x1x8x128xf32, #tpu.memory_space<hbm>>
      %dma_start3A_1464 = tpu.memref_squeeze %dma_start3A_1463 : memref<1x1x1x8x128xf32, #tpu.memory_space<hbm>> -> memref<8x128xf32, #tpu.memory_space<hbm>>
      %dma_start3A_1465 = arith.constant 0 : i32
      %dma_start3A_1466 = arith.constant 0 : i32
      %dma_start3A_1467 = tpu.memref_slice %arg4[%select_n3A_1392, %dma_start3A_1457, %add3A_1411, %dma_start3A_1465, %dma_start3A_1466] : memref<50x4x128x8x128xf32, #tpu.memory_space<hbm>> -> memref<1x1x1x8x128xf32, #tpu.memory_space<hbm>>
      %dma_start3A_1468 = tpu.memref_squeeze %dma_start3A_1467 : memref<1x1x1x8x128xf32, #tpu.memory_space<hbm>> -> memref<8x128xf32, #tpu.memory_space<hbm>>
      %dma_start3A_1469 = arith.constant 24 : i32
      %dma_start3A_1470 = arith.constant 0 : i32
      %dma_start3A_1471 = tpu.memref_slice %arg20[%dma_start3A_1469, %dma_start3A_1470] : memref<32x129xf32, #tpu.memory_space<vmem>> -> memref<8x128xf32, #tpu.memory_space<vmem>>
      tpu.enqueue_dma source(%dma_start3A_1471 : memref<8x128xf32, #tpu.memory_space<vmem>>) target(%dma_start3A_1468 : memref<8x128xf32, #tpu.memory_space<hbm>>) target_semaphore(%arg25 : memref<!tpu.dma_semaphore, #tpu.memory_space<semaphore_mem>>)
      %mul3A_1472 = arith.constant 4 : i32
      %mul3A_1473 = arith.muli %add3A_967, %mul3A_1472 : i32
      %add3A_1474 = arith.constant 3 : i32
      %add3A_1475 = arith.addi %mul3A_1473, %add3A_1474 : i32
      %jit3A_1476 = arith.constant 4 : i32
      %div3A_1477 = arith.divsi %add3A_1475, %jit3A_1476 : i32
      %sign3A_1478 = arith.constant 0 : i32
      %sign3A_1479 = arith.cmpi sgt, %add3A_1475, %sign3A_1478 : i32
      %sign3A_1480 = arith.extui %sign3A_1479 : i1 to i32
      %sign3A_1481 = arith.constant 0 : i32
      %sign3A_1482 = arith.cmpi slt, %add3A_1475, %sign3A_1481 : i32
      %sign3A_1483 = arith.extui %sign3A_1482 : i1 to i32
      %sign3A_1484 = arith.subi %sign3A_1480, %sign3A_1483 : i32
      %sign3A_1485 = arith.constant 0 : i32
      %sign3A_1486 = arith.cmpi sgt, %jit3A_1476, %sign3A_1485 : i32
      %sign3A_1487 = arith.extui %sign3A_1486 : i1 to i32
      %sign3A_1488 = arith.constant 0 : i32
      %sign3A_1489 = arith.cmpi slt, %jit3A_1476, %sign3A_1488 : i32
      %sign3A_1490 = arith.extui %sign3A_1489 : i1 to i32
      %sign3A_1491 = arith.subi %sign3A_1487, %sign3A_1490 : i32
      %ne3A_1492 = arith.cmpi ne, %sign3A_1484, %sign3A_1491 : i32
      %rem3A_1493 = arith.remsi %add3A_1475, %jit3A_1476 : i32
      %ne3A_1494 = arith.constant 0 : i32
      %ne3A_1495 = arith.cmpi ne, %rem3A_1493, %ne3A_1494 : i32
      %and3A_1496 = arith.andi %ne3A_1492, %ne3A_1495 : i1
      %sub3A_1497 = arith.constant 1 : i32
      %sub3A_1498 = arith.subi %div3A_1477, %sub3A_1497 : i32
      %select_n3A_1499 = arith.select %and3A_1496, %sub3A_1498, %div3A_1477 : i32
      %jit3A_1500 = arith.constant 4 : i32
      %eq3A_1501 = arith.constant 0 : i32
      %eq3A_1502 = arith.cmpi eq, %jit3A_1500, %eq3A_1501 : i32
      %jit3A_1503 = arith.constant 1 : i32
      %select_n3A_1504 = arith.select %eq3A_1502, %jit3A_1503, %jit3A_1500 : i32
      %rem3A_1505 = arith.remsi %add3A_1475, %select_n3A_1504 : i32
      %ne3A_1506 = arith.constant 0 : i32
      %ne3A_1507 = arith.cmpi ne, %rem3A_1505, %ne3A_1506 : i32
      %lt3A_1508 = arith.constant 0 : i32
      %lt3A_1509 = arith.cmpi slt, %rem3A_1505, %lt3A_1508 : i32
      %lt3A_1510 = arith.constant 0 : i32
      %lt3A_1511 = arith.cmpi slt, %select_n3A_1504, %lt3A_1510 : i32
      %ne3A_1512 = arith.xori %lt3A_1509, %lt3A_1511 : i1
      %and3A_1513 = arith.andi %ne3A_1512, %ne3A_1507 : i1
      %add3A_1514 = arith.addi %rem3A_1505, %select_n3A_1504 : i32
      %select_n3A_1515 = arith.select %and3A_1513, %add3A_1514, %rem3A_1505 : i32
      %mul3A_1516 = arith.constant 128 : i32
      %mul3A_1517 = arith.muli %select_n3A_1515, %mul3A_1516 : i32
      %dma_wait3A_1518 = tpu.memref_slice %arg5[%select_n3A_1499, %mul3A_1517] : memref<50x512xi32, #tpu.memory_space<vmem>> -> memref<1x128xi32, #tpu.memory_space<vmem>>
      %dma_wait3A_1519 = tpu.memref_squeeze %dma_wait3A_1518 : memref<1x128xi32, #tpu.memory_space<vmem>> -> memref<128xi32, #tpu.memory_space<vmem>>
      %dma_wait3A_1520 = arith.constant 0 : i32
      %dma_wait3A_1521 = arith.constant 0 : i32
      %dma_wait3A_1522 = tpu.memref_slice %arg3[%dma_wait3A_1520, %dma_wait3A_1521] : memref<1000000x32xf32, #tpu.memory_space<hbm>> -> memref<1000000x32xf32, #tpu.memory_space<hbm>>
      tpu.wait_indirect_dma semaphore(%arg23 : memref<!tpu.dma_semaphore, #tpu.memory_space<semaphore_mem>>) src(%dma_wait3A_1522 : memref<1000000x32xf32, #tpu.memory_space<hbm>>) dst(%arg13 : memref<128x32xf32, #tpu.memory_space<vmem>>)
      %scan3A_1523 = arith.constant 0 : i32
      %scan3A_1524 = arith.constant 0 : i32
      %scan3A_1525 = arith.constant 32 : i32
      %scan3A_1526 = arith.addi %scan3A_1524, %scan3A_1525 : i32
      %scan3A_1527 = arith.constant 1 : i32
      scf.for %scan3A_1636 = %scan3A_1524 to %scan3A_1526 step %scan3A_1527  : i32 {
        %mul3A_1637 = arith.constant 4 : i32
        %mul3A_1638 = arith.muli %scan3A_1636, %mul3A_1637 : i32
        %add3A_1639 = arith.constant 0 : i32
        %add3A_1640 = arith.addi %mul3A_1638, %add3A_1639 : i32
        %broadcast_in_dim3A = vector.broadcast %add3A_1640 : i32 to vector<16xi32>
        %get3A = arith.index_cast %add3A_1640 : i32 to index
        %get3A_1641 = arith.constant 0 : index
        %get3A_1642 = tpu.vector_load %arg13[%get3A, %get3A_1641] {strides = array<i32>} : memref<128x32xf32, #tpu.memory_space<vmem>>, vector<16xf32>,
        %add3A_1643 = arith.constant 0 : i32
        %add3A_1644 = vector.broadcast %add3A_1643 : i32 to vector<16xi32>
        %add3A_1645 = arith.addi %iota3A, %add3A_1644 : vector<16xi32>
        tpu.vector_store_idx %arg21[%add3A_1645, %broadcast_in_dim3A], %get3A_1642 : memref<32x129xf32, #tpu.memory_space<vmem>>[vector<16xi32>, vector<16xi32>], vector<16xf32>,
        %get3A_1646 = arith.index_cast %add3A_1640 : i32 to index
        %get3A_1647 = arith.constant 16 : index
        %get3A_1648 = tpu.vector_load %arg13[%get3A_1646, %get3A_1647] {strides = array<i32>} : memref<128x32xf32, #tpu.memory_space<vmem>>, vector<16xf32>,
        %add3A_1649 = arith.constant 16 : i32
        %add3A_1650 = vector.broadcast %add3A_1649 : i32 to vector<16xi32>
        %add3A_1651 = arith.addi %iota3A, %add3A_1650 : vector<16xi32>
        tpu.vector_store_idx %arg21[%add3A_1651, %broadcast_in_dim3A], %get3A_1648 : memref<32x129xf32, #tpu.memory_space<vmem>>[vector<16xi32>, vector<16xi32>], vector<16xf32>,
        %mul3A_1652 = arith.constant 4 : i32
        %mul3A_1653 = arith.muli %scan3A_1636, %mul3A_1652 : i32
        %add3A_1654 = arith.constant 1 : i32
        %add3A_1655 = arith.addi %mul3A_1653, %add3A_1654 : i32
        %broadcast_in_dim3A_1656 = vector.broadcast %add3A_1655 : i32 to vector<16xi32>
        %get3A_1657 = arith.index_cast %add3A_1655 : i32 to index
        %get3A_1658 = arith.constant 0 : index
        %get3A_1659 = tpu.vector_load %arg13[%get3A_1657, %get3A_1658] {strides = array<i32>} : memref<128x32xf32, #tpu.memory_space<vmem>>, vector<16xf32>,
        %add3A_1660 = arith.constant 0 : i32
        %add3A_1661 = vector.broadcast %add3A_1660 : i32 to vector<16xi32>
        %add3A_1662 = arith.addi %iota3A, %add3A_1661 : vector<16xi32>
        tpu.vector_store_idx %arg21[%add3A_1662, %broadcast_in_dim3A_1656], %get3A_1659 : memref<32x129xf32, #tpu.memory_space<vmem>>[vector<16xi32>, vector<16xi32>], vector<16xf32>,
        %get3A_1663 = arith.index_cast %add3A_1655 : i32 to index
        %get3A_1664 = arith.constant 16 : index
        %get3A_1665 = tpu.vector_load %arg13[%get3A_1663, %get3A_1664] {strides = array<i32>} : memref<128x32xf32, #tpu.memory_space<vmem>>, vector<16xf32>,
        %add3A_1666 = arith.constant 16 : i32
        %add3A_1667 = vector.broadcast %add3A_1666 : i32 to vector<16xi32>
        %add3A_1668 = arith.addi %iota3A, %add3A_1667 : vector<16xi32>
        tpu.vector_store_idx %arg21[%add3A_1668, %broadcast_in_dim3A_1656], %get3A_1665 : memref<32x129xf32, #tpu.memory_space<vmem>>[vector<16xi32>, vector<16xi32>], vector<16xf32>,
        %mul3A_1669 = arith.constant 4 : i32
        %mul3A_1670 = arith.muli %scan3A_1636, %mul3A_1669 : i32
        %add3A_1671 = arith.constant 2 : i32
        %add3A_1672 = arith.addi %mul3A_1670, %add3A_1671 : i32
        %broadcast_in_dim3A_1673 = vector.broadcast %add3A_1672 : i32 to vector<16xi32>
        %get3A_1674 = arith.index_cast %add3A_1672 : i32 to index
        %get3A_1675 = arith.constant 0 : index
        %get3A_1676 = tpu.vector_load %arg13[%get3A_1674, %get3A_1675] {strides = array<i32>} : memref<128x32xf32, #tpu.memory_space<vmem>>, vector<16xf32>,
        %add3A_1677 = arith.constant 0 : i32
        %add3A_1678 = vector.broadcast %add3A_1677 : i32 to vector<16xi32>
        %add3A_1679 = arith.addi %iota3A, %add3A_1678 : vector<16xi32>
        tpu.vector_store_idx %arg21[%add3A_1679, %broadcast_in_dim3A_1673], %get3A_1676 : memref<32x129xf32, #tpu.memory_space<vmem>>[vector<16xi32>, vector<16xi32>], vector<16xf32>,
        %get3A_1680 = arith.index_cast %add3A_1672 : i32 to index
        %get3A_1681 = arith.constant 16 : index
        %get3A_1682 = tpu.vector_load %arg13[%get3A_1680, %get3A_1681] {strides = array<i32>} : memref<128x32xf32, #tpu.memory_space<vmem>>, vector<16xf32>,
        %add3A_1683 = arith.constant 16 : i32
        %add3A_1684 = vector.broadcast %add3A_1683 : i32 to vector<16xi32>
        %add3A_1685 = arith.addi %iota3A, %add3A_1684 : vector<16xi32>
        tpu.vector_store_idx %arg21[%add3A_1685, %broadcast_in_dim3A_1673], %get3A_1682 : memref<32x129xf32, #tpu.memory_space<vmem>>[vector<16xi32>, vector<16xi32>], vector<16xf32>,
        %mul3A_1686 = arith.constant 4 : i32
        %mul3A_1687 = arith.muli %scan3A_1636, %mul3A_1686 : i32
        %add3A_1688 = arith.constant 3 : i32
        %add3A_1689 = arith.addi %mul3A_1687, %add3A_1688 : i32
        %broadcast_in_dim3A_1690 = vector.broadcast %add3A_1689 : i32 to vector<16xi32>
        %get3A_1691 = arith.index_cast %add3A_1689 : i32 to index
        %get3A_1692 = arith.constant 0 : index
        %get3A_1693 = tpu.vector_load %arg13[%get3A_1691, %get3A_1692] {strides = array<i32>} : memref<128x32xf32, #tpu.memory_space<vmem>>, vector<16xf32>,
        %add3A_1694 = arith.constant 0 : i32
        %add3A_1695 = vector.broadcast %add3A_1694 : i32 to vector<16xi32>
        %add3A_1696 = arith.addi %iota3A, %add3A_1695 : vector<16xi32>
        tpu.vector_store_idx %arg21[%add3A_1696, %broadcast_in_dim3A_1690], %get3A_1693 : memref<32x129xf32, #tpu.memory_space<vmem>>[vector<16xi32>, vector<16xi32>], vector<16xf32>,
        %get3A_1697 = arith.index_cast %add3A_1689 : i32 to index
        %get3A_1698 = arith.constant 16 : index
        %get3A_1699 = tpu.vector_load %arg13[%get3A_1697, %get3A_1698] {strides = array<i32>} : memref<128x32xf32, #tpu.memory_space<vmem>>, vector<16xf32>,
        %add3A_1700 = arith.constant 16 : i32
        %add3A_1701 = vector.broadcast %add3A_1700 : i32 to vector<16xi32>
        %add3A_1702 = arith.addi %iota3A, %add3A_1701 : vector<16xi32>
        tpu.vector_store_idx %arg21[%add3A_1702, %broadcast_in_dim3A_1690], %get3A_1699 : memref<32x129xf32, #tpu.memory_space<vmem>>[vector<16xi32>, vector<16xi32>], vector<16xf32>,
      }
      %scan3A_1528 = arith.constant 32 : i32
      %mul3A_1529 = arith.constant 4 : i32
      %mul3A_1530 = arith.muli %add3A_967, %mul3A_1529 : i32
      %add3A_1531 = arith.constant 3 : i32
      %add3A_1532 = arith.addi %mul3A_1530, %add3A_1531 : i32
      %jit3A_1533 = arith.constant 4 : i32
      %div3A_1534 = arith.divsi %add3A_1532, %jit3A_1533 : i32
      %sign3A_1535 = arith.constant 0 : i32
      %sign3A_1536 = arith.cmpi sgt, %add3A_1532, %sign3A_1535 : i32
      %sign3A_1537 = arith.extui %sign3A_1536 : i1 to i32
      %sign3A_1538 = arith.constant 0 : i32
      %sign3A_1539 = arith.cmpi slt, %add3A_1532, %sign3A_1538 : i32
      %sign3A_1540 = arith.extui %sign3A_1539 : i1 to i32
      %sign3A_1541 = arith.subi %sign3A_1537, %sign3A_1540 : i32
      %sign3A_1542 = arith.constant 0 : i32
      %sign3A_1543 = arith.cmpi sgt, %jit3A_1533, %sign3A_1542 : i32
      %sign3A_1544 = arith.extui %sign3A_1543 : i1 to i32
      %sign3A_1545 = arith.constant 0 : i32
      %sign3A_1546 = arith.cmpi slt, %jit3A_1533, %sign3A_1545 : i32
      %sign3A_1547 = arith.extui %sign3A_1546 : i1 to i32
      %sign3A_1548 = arith.subi %sign3A_1544, %sign3A_1547 : i32
      %ne3A_1549 = arith.cmpi ne, %sign3A_1541, %sign3A_1548 : i32
      %rem3A_1550 = arith.remsi %add3A_1532, %jit3A_1533 : i32
      %ne3A_1551 = arith.constant 0 : i32
      %ne3A_1552 = arith.cmpi ne, %rem3A_1550, %ne3A_1551 : i32
      %and3A_1553 = arith.andi %ne3A_1549, %ne3A_1552 : i1
      %sub3A_1554 = arith.constant 1 : i32
      %sub3A_1555 = arith.subi %div3A_1534, %sub3A_1554 : i32
      %select_n3A_1556 = arith.select %and3A_1553, %sub3A_1555, %div3A_1534 : i32
      %jit3A_1557 = arith.constant 4 : i32
      %eq3A_1558 = arith.constant 0 : i32
      %eq3A_1559 = arith.cmpi eq, %jit3A_1557, %eq3A_1558 : i32
      %jit3A_1560 = arith.constant 1 : i32
      %select_n3A_1561 = arith.select %eq3A_1559, %jit3A_1560, %jit3A_1557 : i32
      %rem3A_1562 = arith.remsi %add3A_1532, %select_n3A_1561 : i32
      %ne3A_1563 = arith.constant 0 : i32
      %ne3A_1564 = arith.cmpi ne, %rem3A_1562, %ne3A_1563 : i32
      %lt3A_1565 = arith.constant 0 : i32
      %lt3A_1566 = arith.cmpi slt, %rem3A_1562, %lt3A_1565 : i32
      %lt3A_1567 = arith.constant 0 : i32
      %lt3A_1568 = arith.cmpi slt, %select_n3A_1561, %lt3A_1567 : i32
      %ne3A_1569 = arith.xori %lt3A_1566, %lt3A_1568 : i1
      %and3A_1570 = arith.andi %ne3A_1569, %ne3A_1564 : i1
      %add3A_1571 = arith.addi %rem3A_1562, %select_n3A_1561 : i32
      %select_n3A_1572 = arith.select %and3A_1570, %add3A_1571, %rem3A_1562 : i32
      %mul3A_1573 = arith.constant 4 : i32
      %mul3A_1574 = arith.muli %add3A, %mul3A_1573 : i32
      %add3A_1575 = arith.addi %mul3A_1574, %select_n3A_1572 : i32
      %dma_start3A_1576 = arith.constant 0 : i32
      %dma_start3A_1577 = arith.constant 0 : i32
      %dma_start3A_1578 = arith.constant 0 : i32
      %dma_start3A_1579 = tpu.memref_slice %arg21[%dma_start3A_1577, %dma_start3A_1578] : memref<32x129xf32, #tpu.memory_space<vmem>> -> memref<8x128xf32, #tpu.memory_space<vmem>>
      %dma_start3A_1580 = arith.constant 0 : i32
      %dma_start3A_1581 = arith.constant 0 : i32
      %dma_start3A_1582 = tpu.memref_slice %arg4[%select_n3A_1556, %dma_start3A_1576, %add3A_1575, %dma_start3A_1580, %dma_start3A_1581] : memref<50x4x128x8x128xf32, #tpu.memory_space<hbm>> -> memref<1x1x1x8x128xf32, #tpu.memory_space<hbm>>
      %dma_start3A_1583 = tpu.memref_squeeze %dma_start3A_1582 : memref<1x1x1x8x128xf32, #tpu.memory_space<hbm>> -> memref<8x128xf32, #tpu.memory_space<hbm>>
      %dma_start3A_1584 = arith.constant 0 : i32
      %dma_start3A_1585 = arith.constant 0 : i32
      %dma_start3A_1586 = tpu.memref_slice %arg4[%select_n3A_1556, %dma_start3A_1576, %add3A_1575, %dma_start3A_1584, %dma_start3A_1585] : memref<50x4x128x8x128xf32, #tpu.memory_space<hbm>> -> memref<1x1x1x8x128xf32, #tpu.memory_space<hbm>>
      %dma_start3A_1587 = tpu.memref_squeeze %dma_start3A_1586 : memref<1x1x1x8x128xf32, #tpu.memory_space<hbm>> -> memref<8x128xf32, #tpu.memory_space<hbm>>
      %dma_start3A_1588 = arith.constant 0 : i32
      %dma_start3A_1589 = arith.constant 0 : i32
      %dma_start3A_1590 = tpu.memref_slice %arg21[%dma_start3A_1588, %dma_start3A_1589] : memref<32x129xf32, #tpu.memory_space<vmem>> -> memref<8x128xf32, #tpu.memory_space<vmem>>
      tpu.enqueue_dma source(%dma_start3A_1590 : memref<8x128xf32, #tpu.memory_space<vmem>>) target(%dma_start3A_1587 : memref<8x128xf32, #tpu.memory_space<hbm>>) target_semaphore(%arg25 : memref<!tpu.dma_semaphore, #tpu.memory_space<semaphore_mem>>)
      %dma_start3A_1591 = arith.constant 1 : i32
      %dma_start3A_1592 = arith.constant 8 : i32
      %dma_start3A_1593 = arith.constant 0 : i32
      %dma_start3A_1594 = tpu.memref_slice %arg21[%dma_start3A_1592, %dma_start3A_1593] : memref<32x129xf32, #tpu.memory_space<vmem>> -> memref<8x128xf32, #tpu.memory_space<vmem>>
      %dma_start3A_1595 = arith.constant 0 : i32
      %dma_start3A_1596 = arith.constant 0 : i32
      %dma_start3A_1597 = tpu.memref_slice %arg4[%select_n3A_1556, %dma_start3A_1591, %add3A_1575, %dma_start3A_1595, %dma_start3A_1596] : memref<50x4x128x8x128xf32, #tpu.memory_space<hbm>> -> memref<1x1x1x8x128xf32, #tpu.memory_space<hbm>>
      %dma_start3A_1598 = tpu.memref_squeeze %dma_start3A_1597 : memref<1x1x1x8x128xf32, #tpu.memory_space<hbm>> -> memref<8x128xf32, #tpu.memory_space<hbm>>
      %dma_start3A_1599 = arith.constant 0 : i32
      %dma_start3A_1600 = arith.constant 0 : i32
      %dma_start3A_1601 = tpu.memref_slice %arg4[%select_n3A_1556, %dma_start3A_1591, %add3A_1575, %dma_start3A_1599, %dma_start3A_1600] : memref<50x4x128x8x128xf32, #tpu.memory_space<hbm>> -> memref<1x1x1x8x128xf32, #tpu.memory_space<hbm>>
      %dma_start3A_1602 = tpu.memref_squeeze %dma_start3A_1601 : memref<1x1x1x8x128xf32, #tpu.memory_space<hbm>> -> memref<8x128xf32, #tpu.memory_space<hbm>>
      %dma_start3A_1603 = arith.constant 8 : i32
      %dma_start3A_1604 = arith.constant 0 : i32
      %dma_start3A_1605 = tpu.memref_slice %arg21[%dma_start3A_1603, %dma_start3A_1604] : memref<32x129xf32, #tpu.memory_space<vmem>> -> memref<8x128xf32, #tpu.memory_space<vmem>>
      tpu.enqueue_dma source(%dma_start3A_1605 : memref<8x128xf32, #tpu.memory_space<vmem>>) target(%dma_start3A_1602 : memref<8x128xf32, #tpu.memory_space<hbm>>) target_semaphore(%arg25 : memref<!tpu.dma_semaphore, #tpu.memory_space<semaphore_mem>>)
      %dma_start3A_1606 = arith.constant 2 : i32
      %dma_start3A_1607 = arith.constant 16 : i32
      %dma_start3A_1608 = arith.constant 0 : i32
      %dma_start3A_1609 = tpu.memref_slice %arg21[%dma_start3A_1607, %dma_start3A_1608] : memref<32x129xf32, #tpu.memory_space<vmem>> -> memref<8x128xf32, #tpu.memory_space<vmem>>
      %dma_start3A_1610 = arith.constant 0 : i32
      %dma_start3A_1611 = arith.constant 0 : i32
      %dma_start3A_1612 = tpu.memref_slice %arg4[%select_n3A_1556, %dma_start3A_1606, %add3A_1575, %dma_start3A_1610, %dma_start3A_1611] : memref<50x4x128x8x128xf32, #tpu.memory_space<hbm>> -> memref<1x1x1x8x128xf32, #tpu.memory_space<hbm>>
      %dma_start3A_1613 = tpu.memref_squeeze %dma_start3A_1612 : memref<1x1x1x8x128xf32, #tpu.memory_space<hbm>> -> memref<8x128xf32, #tpu.memory_space<hbm>>
      %dma_start3A_1614 = arith.constant 0 : i32
      %dma_start3A_1615 = arith.constant 0 : i32
      %dma_start3A_1616 = tpu.memref_slice %arg4[%select_n3A_1556, %dma_start3A_1606, %add3A_1575, %dma_start3A_1614, %dma_start3A_1615] : memref<50x4x128x8x128xf32, #tpu.memory_space<hbm>> -> memref<1x1x1x8x128xf32, #tpu.memory_space<hbm>>
      %dma_start3A_1617 = tpu.memref_squeeze %dma_start3A_1616 : memref<1x1x1x8x128xf32, #tpu.memory_space<hbm>> -> memref<8x128xf32, #tpu.memory_space<hbm>>
      %dma_start3A_1618 = arith.constant 16 : i32
      %dma_start3A_1619 = arith.constant 0 : i32
      %dma_start3A_1620 = tpu.memref_slice %arg21[%dma_start3A_1618, %dma_start3A_1619] : memref<32x129xf32, #tpu.memory_space<vmem>> -> memref<8x128xf32, #tpu.memory_space<vmem>>
      tpu.enqueue_dma source(%dma_start3A_1620 : memref<8x128xf32, #tpu.memory_space<vmem>>) target(%dma_start3A_1617 : memref<8x128xf32, #tpu.memory_space<hbm>>) target_semaphore(%arg25 : memref<!tpu.dma_semaphore, #tpu.memory_space<semaphore_mem>>)
      %dma_start3A_1621 = arith.constant 3 : i32
      %dma_start3A_1622 = arith.constant 24 : i32
      %dma_start3A_1623 = arith.constant 0 : i32
      %dma_start3A_1624 = tpu.memref_slice %arg21[%dma_start3A_1622, %dma_start3A_1623] : memref<32x129xf32, #tpu.memory_space<vmem>> -> memref<8x128xf32, #tpu.memory_space<vmem>>
      %dma_start3A_1625 = arith.constant 0 : i32
      %dma_start3A_1626 = arith.constant 0 : i32
      %dma_start3A_1627 = tpu.memref_slice %arg4[%select_n3A_1556, %dma_start3A_1621, %add3A_1575, %dma_start3A_1625, %dma_start3A_1626] : memref<50x4x128x8x128xf32, #tpu.memory_space<hbm>> -> memref<1x1x1x8x128xf32, #tpu.memory_space<hbm>>
      %dma_start3A_1628 = tpu.memref_squeeze %dma_start3A_1627 : memref<1x1x1x8x128xf32, #tpu.memory_space<hbm>> -> memref<8x128xf32, #tpu.memory_space<hbm>>
      %dma_start3A_1629 = arith.constant 0 : i32
      %dma_start3A_1630 = arith.constant 0 : i32
      %dma_start3A_1631 = tpu.memref_slice %arg4[%select_n3A_1556, %dma_start3A_1621, %add3A_1575, %dma_start3A_1629, %dma_start3A_1630] : memref<50x4x128x8x128xf32, #tpu.memory_space<hbm>> -> memref<1x1x1x8x128xf32, #tpu.memory_space<hbm>>
      %dma_start3A_1632 = tpu.memref_squeeze %dma_start3A_1631 : memref<1x1x1x8x128xf32, #tpu.memory_space<hbm>> -> memref<8x128xf32, #tpu.memory_space<hbm>>
      %dma_start3A_1633 = arith.constant 24 : i32
      %dma_start3A_1634 = arith.constant 0 : i32
      %dma_start3A_1635 = tpu.memref_slice %arg21[%dma_start3A_1633, %dma_start3A_1634] : memref<32x129xf32, #tpu.memory_space<vmem>> -> memref<8x128xf32, #tpu.memory_space<vmem>>
      tpu.enqueue_dma source(%dma_start3A_1635 : memref<8x128xf32, #tpu.memory_space<vmem>>) target(%dma_start3A_1632 : memref<8x128xf32, #tpu.memory_space<hbm>>) target_semaphore(%arg25 : memref<!tpu.dma_semaphore, #tpu.memory_space<semaphore_mem>>)
    }
    %scan3A_34 = arith.constant 25 : i32
    %mul3A_35 = arith.constant 4 : i32
    %mul3A_36 = arith.muli %add3A, %mul3A_35 : i32
    %add3A_37 = arith.constant 0 : i32
    %add3A_38 = arith.addi %mul3A_36, %add3A_37 : i32
    %dma_wait3A = arith.constant 49 : i32
    %dma_wait3A_39 = arith.constant 0 : i32
    %dma_wait3A_40 = arith.constant 0 : i32
    %dma_wait3A_41 = arith.constant 0 : i32
    %dma_wait3A_42 = tpu.memref_slice %arg18[%dma_wait3A_40, %dma_wait3A_41] : memref<32x129xf32, #tpu.memory_space<vmem>> -> memref<8x128xf32, #tpu.memory_space<vmem>>
    %dma_wait3A_43 = arith.constant 0 : i32
    %dma_wait3A_44 = arith.constant 0 : i32
    %dma_wait3A_45 = tpu.memref_slice %arg4[%dma_wait3A, %dma_wait3A_39, %add3A_38, %dma_wait3A_43, %dma_wait3A_44] : memref<50x4x128x8x128xf32, #tpu.memory_space<hbm>> -> memref<1x1x1x8x128xf32, #tpu.memory_space<hbm>>
    %dma_wait3A_46 = tpu.memref_squeeze %dma_wait3A_45 : memref<1x1x1x8x128xf32, #tpu.memory_space<hbm>> -> memref<8x128xf32, #tpu.memory_space<hbm>>
    %dma_wait3A_47 = arith.constant 0 : i32
    %dma_wait3A_48 = arith.constant 0 : i32
    %dma_wait3A_49 = tpu.memref_slice %arg4[%dma_wait3A, %dma_wait3A_39, %add3A_38, %dma_wait3A_47, %dma_wait3A_48] : memref<50x4x128x8x128xf32, #tpu.memory_space<hbm>> -> memref<1x1x1x8x128xf32, #tpu.memory_space<hbm>>
    %dma_wait3A_50 = tpu.memref_squeeze %dma_wait3A_49 : memref<1x1x1x8x128xf32, #tpu.memory_space<hbm>> -> memref<8x128xf32, #tpu.memory_space<hbm>>
    %dma_wait3A_51 = arith.constant 0 : i32
    %dma_wait3A_52 = arith.constant 0 : i32
    %dma_wait3A_53 = tpu.memref_slice %arg18[%dma_wait3A_51, %dma_wait3A_52] : memref<32x129xf32, #tpu.memory_space<vmem>> -> memref<8x128xf32, #tpu.memory_space<vmem>>
    tpu.wait_dma2 semaphore(%arg25 : memref<!tpu.dma_semaphore, #tpu.memory_space<semaphore_mem>>) src(%dma_wait3A_53 : memref<8x128xf32, #tpu.memory_space<vmem>>) dst(%dma_wait3A_50 : memref<8x128xf32, #tpu.memory_space<hbm>>)
    %dma_wait3A_54 = arith.constant 49 : i32
    %dma_wait3A_55 = arith.constant 1 : i32
    %dma_wait3A_56 = arith.constant 8 : i32
    %dma_wait3A_57 = arith.constant 0 : i32
    %dma_wait3A_58 = tpu.memref_slice %arg18[%dma_wait3A_56, %dma_wait3A_57] : memref<32x129xf32, #tpu.memory_space<vmem>> -> memref<8x128xf32, #tpu.memory_space<vmem>>
    %dma_wait3A_59 = arith.constant 0 : i32
    %dma_wait3A_60 = arith.constant 0 : i32
    %dma_wait3A_61 = tpu.memref_slice %arg4[%dma_wait3A_54, %dma_wait3A_55, %add3A_38, %dma_wait3A_59, %dma_wait3A_60] : memref<50x4x128x8x128xf32, #tpu.memory_space<hbm>> -> memref<1x1x1x8x128xf32, #tpu.memory_space<hbm>>
    %dma_wait3A_62 = tpu.memref_squeeze %dma_wait3A_61 : memref<1x1x1x8x128xf32, #tpu.memory_space<hbm>> -> memref<8x128xf32, #tpu.memory_space<hbm>>
    %dma_wait3A_63 = arith.constant 0 : i32
    %dma_wait3A_64 = arith.constant 0 : i32
    %dma_wait3A_65 = tpu.memref_slice %arg4[%dma_wait3A_54, %dma_wait3A_55, %add3A_38, %dma_wait3A_63, %dma_wait3A_64] : memref<50x4x128x8x128xf32, #tpu.memory_space<hbm>> -> memref<1x1x1x8x128xf32, #tpu.memory_space<hbm>>
    %dma_wait3A_66 = tpu.memref_squeeze %dma_wait3A_65 : memref<1x1x1x8x128xf32, #tpu.memory_space<hbm>> -> memref<8x128xf32, #tpu.memory_space<hbm>>
    %dma_wait3A_67 = arith.constant 8 : i32
    %dma_wait3A_68 = arith.constant 0 : i32
    %dma_wait3A_69 = tpu.memref_slice %arg18[%dma_wait3A_67, %dma_wait3A_68] : memref<32x129xf32, #tpu.memory_space<vmem>> -> memref<8x128xf32, #tpu.memory_space<vmem>>
    tpu.wait_dma2 semaphore(%arg25 : memref<!tpu.dma_semaphore, #tpu.memory_space<semaphore_mem>>) src(%dma_wait3A_69 : memref<8x128xf32, #tpu.memory_space<vmem>>) dst(%dma_wait3A_66 : memref<8x128xf32, #tpu.memory_space<hbm>>)
    %dma_wait3A_70 = arith.constant 49 : i32
    %dma_wait3A_71 = arith.constant 2 : i32
    %dma_wait3A_72 = arith.constant 16 : i32
    %dma_wait3A_73 = arith.constant 0 : i32
    %dma_wait3A_74 = tpu.memref_slice %arg18[%dma_wait3A_72, %dma_wait3A_73] : memref<32x129xf32, #tpu.memory_space<vmem>> -> memref<8x128xf32, #tpu.memory_space<vmem>>
    %dma_wait3A_75 = arith.constant 0 : i32
    %dma_wait3A_76 = arith.constant 0 : i32
    %dma_wait3A_77 = tpu.memref_slice %arg4[%dma_wait3A_70, %dma_wait3A_71, %add3A_38, %dma_wait3A_75, %dma_wait3A_76] : memref<50x4x128x8x128xf32, #tpu.memory_space<hbm>> -> memref<1x1x1x8x128xf32, #tpu.memory_space<hbm>>
    %dma_wait3A_78 = tpu.memref_squeeze %dma_wait3A_77 : memref<1x1x1x8x128xf32, #tpu.memory_space<hbm>> -> memref<8x128xf32, #tpu.memory_space<hbm>>
    %dma_wait3A_79 = arith.constant 0 : i32
    %dma_wait3A_80 = arith.constant 0 : i32
    %dma_wait3A_81 = tpu.memref_slice %arg4[%dma_wait3A_70, %dma_wait3A_71, %add3A_38, %dma_wait3A_79, %dma_wait3A_80] : memref<50x4x128x8x128xf32, #tpu.memory_space<hbm>> -> memref<1x1x1x8x128xf32, #tpu.memory_space<hbm>>
    %dma_wait3A_82 = tpu.memref_squeeze %dma_wait3A_81 : memref<1x1x1x8x128xf32, #tpu.memory_space<hbm>> -> memref<8x128xf32, #tpu.memory_space<hbm>>
    %dma_wait3A_83 = arith.constant 16 : i32
    %dma_wait3A_84 = arith.constant 0 : i32
    %dma_wait3A_85 = tpu.memref_slice %arg18[%dma_wait3A_83, %dma_wait3A_84] : memref<32x129xf32, #tpu.memory_space<vmem>> -> memref<8x128xf32, #tpu.memory_space<vmem>>
    tpu.wait_dma2 semaphore(%arg25 : memref<!tpu.dma_semaphore, #tpu.memory_space<semaphore_mem>>) src(%dma_wait3A_85 : memref<8x128xf32, #tpu.memory_space<vmem>>) dst(%dma_wait3A_82 : memref<8x128xf32, #tpu.memory_space<hbm>>)
    %dma_wait3A_86 = arith.constant 49 : i32
    %dma_wait3A_87 = arith.constant 3 : i32
    %dma_wait3A_88 = arith.constant 24 : i32
    %dma_wait3A_89 = arith.constant 0 : i32
    %dma_wait3A_90 = tpu.memref_slice %arg18[%dma_wait3A_88, %dma_wait3A_89] : memref<32x129xf32, #tpu.memory_space<vmem>> -> memref<8x128xf32, #tpu.memory_space<vmem>>
    %dma_wait3A_91 = arith.constant 0 : i32
    %dma_wait3A_92 = arith.constant 0 : i32
    %dma_wait3A_93 = tpu.memref_slice %arg4[%dma_wait3A_86, %dma_wait3A_87, %add3A_38, %dma_wait3A_91, %dma_wait3A_92] : memref<50x4x128x8x128xf32, #tpu.memory_space<hbm>> -> memref<1x1x1x8x128xf32, #tpu.memory_space<hbm>>
    %dma_wait3A_94 = tpu.memref_squeeze %dma_wait3A_93 : memref<1x1x1x8x128xf32, #tpu.memory_space<hbm>> -> memref<8x128xf32, #tpu.memory_space<hbm>>
    %dma_wait3A_95 = arith.constant 0 : i32
    %dma_wait3A_96 = arith.constant 0 : i32
    %dma_wait3A_97 = tpu.memref_slice %arg4[%dma_wait3A_86, %dma_wait3A_87, %add3A_38, %dma_wait3A_95, %dma_wait3A_96] : memref<50x4x128x8x128xf32, #tpu.memory_space<hbm>> -> memref<1x1x1x8x128xf32, #tpu.memory_space<hbm>>
    %dma_wait3A_98 = tpu.memref_squeeze %dma_wait3A_97 : memref<1x1x1x8x128xf32, #tpu.memory_space<hbm>> -> memref<8x128xf32, #tpu.memory_space<hbm>>
    %dma_wait3A_99 = arith.constant 24 : i32
    %dma_wait3A_100 = arith.constant 0 : i32
    %dma_wait3A_101 = tpu.memref_slice %arg18[%dma_wait3A_99, %dma_wait3A_100] : memref<32x129xf32, #tpu.memory_space<vmem>> -> memref<8x128xf32, #tpu.memory_space<vmem>>
    tpu.wait_dma2 semaphore(%arg25 : memref<!tpu.dma_semaphore, #tpu.memory_space<semaphore_mem>>) src(%dma_wait3A_101 : memref<8x128xf32, #tpu.memory_space<vmem>>) dst(%dma_wait3A_98 : memref<8x128xf32, #tpu.memory_space<hbm>>)
    %mul3A_102 = arith.constant 4 : i32
    %mul3A_103 = arith.muli %add3A, %mul3A_102 : i32
    %add3A_104 = arith.constant 1 : i32
    %add3A_105 = arith.addi %mul3A_103, %add3A_104 : i32
    %dma_wait3A_106 = arith.constant 49 : i32
    %dma_wait3A_107 = arith.constant 0 : i32
    %dma_wait3A_108 = arith.constant 0 : i32
    %dma_wait3A_109 = arith.constant 0 : i32
    %dma_wait3A_110 = tpu.memref_slice %arg19[%dma_wait3A_108, %dma_wait3A_109] : memref<32x129xf32, #tpu.memory_space<vmem>> -> memref<8x128xf32, #tpu.memory_space<vmem>>
    %dma_wait3A_111 = arith.constant 0 : i32
    %dma_wait3A_112 = arith.constant 0 : i32
    %dma_wait3A_113 = tpu.memref_slice %arg4[%dma_wait3A_106, %dma_wait3A_107, %add3A_105, %dma_wait3A_111, %dma_wait3A_112] : memref<50x4x128x8x128xf32, #tpu.memory_space<hbm>> -> memref<1x1x1x8x128xf32, #tpu.memory_space<hbm>>
    %dma_wait3A_114 = tpu.memref_squeeze %dma_wait3A_113 : memref<1x1x1x8x128xf32, #tpu.memory_space<hbm>> -> memref<8x128xf32, #tpu.memory_space<hbm>>
    %dma_wait3A_115 = arith.constant 0 : i32
    %dma_wait3A_116 = arith.constant 0 : i32
    %dma_wait3A_117 = tpu.memref_slice %arg4[%dma_wait3A_106, %dma_wait3A_107, %add3A_105, %dma_wait3A_115, %dma_wait3A_116] : memref<50x4x128x8x128xf32, #tpu.memory_space<hbm>> -> memref<1x1x1x8x128xf32, #tpu.memory_space<hbm>>
    %dma_wait3A_118 = tpu.memref_squeeze %dma_wait3A_117 : memref<1x1x1x8x128xf32, #tpu.memory_space<hbm>> -> memref<8x128xf32, #tpu.memory_space<hbm>>
    %dma_wait3A_119 = arith.constant 0 : i32
    %dma_wait3A_120 = arith.constant 0 : i32
    %dma_wait3A_121 = tpu.memref_slice %arg19[%dma_wait3A_119, %dma_wait3A_120] : memref<32x129xf32, #tpu.memory_space<vmem>> -> memref<8x128xf32, #tpu.memory_space<vmem>>
    tpu.wait_dma2 semaphore(%arg25 : memref<!tpu.dma_semaphore, #tpu.memory_space<semaphore_mem>>) src(%dma_wait3A_121 : memref<8x128xf32, #tpu.memory_space<vmem>>) dst(%dma_wait3A_118 : memref<8x128xf32, #tpu.memory_space<hbm>>)
    %dma_wait3A_122 = arith.constant 49 : i32
    %dma_wait3A_123 = arith.constant 1 : i32
    %dma_wait3A_124 = arith.constant 8 : i32
    %dma_wait3A_125 = arith.constant 0 : i32
    %dma_wait3A_126 = tpu.memref_slice %arg19[%dma_wait3A_124, %dma_wait3A_125] : memref<32x129xf32, #tpu.memory_space<vmem>> -> memref<8x128xf32, #tpu.memory_space<vmem>>
    %dma_wait3A_127 = arith.constant 0 : i32
    %dma_wait3A_128 = arith.constant 0 : i32
    %dma_wait3A_129 = tpu.memref_slice %arg4[%dma_wait3A_122, %dma_wait3A_123, %add3A_105, %dma_wait3A_127, %dma_wait3A_128] : memref<50x4x128x8x128xf32, #tpu.memory_space<hbm>> -> memref<1x1x1x8x128xf32, #tpu.memory_space<hbm>>
    %dma_wait3A_130 = tpu.memref_squeeze %dma_wait3A_129 : memref<1x1x1x8x128xf32, #tpu.memory_space<hbm>> -> memref<8x128xf32, #tpu.memory_space<hbm>>
    %dma_wait3A_131 = arith.constant 0 : i32
    %dma_wait3A_132 = arith.constant 0 : i32
    %dma_wait3A_133 = tpu.memref_slice %arg4[%dma_wait3A_122, %dma_wait3A_123, %add3A_105, %dma_wait3A_131, %dma_wait3A_132] : memref<50x4x128x8x128xf32, #tpu.memory_space<hbm>> -> memref<1x1x1x8x128xf32, #tpu.memory_space<hbm>>
    %dma_wait3A_134 = tpu.memref_squeeze %dma_wait3A_133 : memref<1x1x1x8x128xf32, #tpu.memory_space<hbm>> -> memref<8x128xf32, #tpu.memory_space<hbm>>
    %dma_wait3A_135 = arith.constant 8 : i32
    %dma_wait3A_136 = arith.constant 0 : i32
    %dma_wait3A_137 = tpu.memref_slice %arg19[%dma_wait3A_135, %dma_wait3A_136] : memref<32x129xf32, #tpu.memory_space<vmem>> -> memref<8x128xf32, #tpu.memory_space<vmem>>
    tpu.wait_dma2 semaphore(%arg25 : memref<!tpu.dma_semaphore, #tpu.memory_space<semaphore_mem>>) src(%dma_wait3A_137 : memref<8x128xf32, #tpu.memory_space<vmem>>) dst(%dma_wait3A_134 : memref<8x128xf32, #tpu.memory_space<hbm>>)
    %dma_wait3A_138 = arith.constant 49 : i32
    %dma_wait3A_139 = arith.constant 2 : i32
    %dma_wait3A_140 = arith.constant 16 : i32
    %dma_wait3A_141 = arith.constant 0 : i32
    %dma_wait3A_142 = tpu.memref_slice %arg19[%dma_wait3A_140, %dma_wait3A_141] : memref<32x129xf32, #tpu.memory_space<vmem>> -> memref<8x128xf32, #tpu.memory_space<vmem>>
    %dma_wait3A_143 = arith.constant 0 : i32
    %dma_wait3A_144 = arith.constant 0 : i32
    %dma_wait3A_145 = tpu.memref_slice %arg4[%dma_wait3A_138, %dma_wait3A_139, %add3A_105, %dma_wait3A_143, %dma_wait3A_144] : memref<50x4x128x8x128xf32, #tpu.memory_space<hbm>> -> memref<1x1x1x8x128xf32, #tpu.memory_space<hbm>>
    %dma_wait3A_146 = tpu.memref_squeeze %dma_wait3A_145 : memref<1x1x1x8x128xf32, #tpu.memory_space<hbm>> -> memref<8x128xf32, #tpu.memory_space<hbm>>
    %dma_wait3A_147 = arith.constant 0 : i32
    %dma_wait3A_148 = arith.constant 0 : i32
    %dma_wait3A_149 = tpu.memref_slice %arg4[%dma_wait3A_138, %dma_wait3A_139, %add3A_105, %dma_wait3A_147, %dma_wait3A_148] : memref<50x4x128x8x128xf32, #tpu.memory_space<hbm>> -> memref<1x1x1x8x128xf32, #tpu.memory_space<hbm>>
    %dma_wait3A_150 = tpu.memref_squeeze %dma_wait3A_149 : memref<1x1x1x8x128xf32, #tpu.memory_space<hbm>> -> memref<8x128xf32, #tpu.memory_space<hbm>>
    %dma_wait3A_151 = arith.constant 16 : i32
    %dma_wait3A_152 = arith.constant 0 : i32
    %dma_wait3A_153 = tpu.memref_slice %arg19[%dma_wait3A_151, %dma_wait3A_152] : memref<32x129xf32, #tpu.memory_space<vmem>> -> memref<8x128xf32, #tpu.memory_space<vmem>>
    tpu.wait_dma2 semaphore(%arg25 : memref<!tpu.dma_semaphore, #tpu.memory_space<semaphore_mem>>) src(%dma_wait3A_153 : memref<8x128xf32, #tpu.memory_space<vmem>>) dst(%dma_wait3A_150 : memref<8x128xf32, #tpu.memory_space<hbm>>)
    %dma_wait3A_154 = arith.constant 49 : i32
    %dma_wait3A_155 = arith.constant 3 : i32
    %dma_wait3A_156 = arith.constant 24 : i32
    %dma_wait3A_157 = arith.constant 0 : i32
    %dma_wait3A_158 = tpu.memref_slice %arg19[%dma_wait3A_156, %dma_wait3A_157] : memref<32x129xf32, #tpu.memory_space<vmem>> -> memref<8x128xf32, #tpu.memory_space<vmem>>
    %dma_wait3A_159 = arith.constant 0 : i32
    %dma_wait3A_160 = arith.constant 0 : i32
    %dma_wait3A_161 = tpu.memref_slice %arg4[%dma_wait3A_154, %dma_wait3A_155, %add3A_105, %dma_wait3A_159, %dma_wait3A_160] : memref<50x4x128x8x128xf32, #tpu.memory_space<hbm>> -> memref<1x1x1x8x128xf32, #tpu.memory_space<hbm>>
    %dma_wait3A_162 = tpu.memref_squeeze %dma_wait3A_161 : memref<1x1x1x8x128xf32, #tpu.memory_space<hbm>> -> memref<8x128xf32, #tpu.memory_space<hbm>>
    %dma_wait3A_163 = arith.constant 0 : i32
    %dma_wait3A_164 = arith.constant 0 : i32
    %dma_wait3A_165 = tpu.memref_slice %arg4[%dma_wait3A_154, %dma_wait3A_155, %add3A_105, %dma_wait3A_163, %dma_wait3A_164] : memref<50x4x128x8x128xf32, #tpu.memory_space<hbm>> -> memref<1x1x1x8x128xf32, #tpu.memory_space<hbm>>
    %dma_wait3A_166 = tpu.memref_squeeze %dma_wait3A_165 : memref<1x1x1x8x128xf32, #tpu.memory_space<hbm>> -> memref<8x128xf32, #tpu.memory_space<hbm>>
    %dma_wait3A_167 = arith.constant 24 : i32
    %dma_wait3A_168 = arith.constant 0 : i32
    %dma_wait3A_169 = tpu.memref_slice %arg19[%dma_wait3A_167, %dma_wait3A_168] : memref<32x129xf32, #tpu.memory_space<vmem>> -> memref<8x128xf32, #tpu.memory_space<vmem>>
    tpu.wait_dma2 semaphore(%arg25 : memref<!tpu.dma_semaphore, #tpu.memory_space<semaphore_mem>>) src(%dma_wait3A_169 : memref<8x128xf32, #tpu.memory_space<vmem>>) dst(%dma_wait3A_166 : memref<8x128xf32, #tpu.memory_space<hbm>>)
    %mul3A_170 = arith.constant 4 : i32
    %mul3A_171 = arith.muli %add3A, %mul3A_170 : i32
    %add3A_172 = arith.constant 2 : i32
    %add3A_173 = arith.addi %mul3A_171, %add3A_172 : i32
    %dma_wait3A_174 = arith.constant 49 : i32
    %dma_wait3A_175 = arith.constant 0 : i32
    %dma_wait3A_176 = arith.constant 0 : i32
    %dma_wait3A_177 = arith.constant 0 : i32
    %dma_wait3A_178 = tpu.memref_slice %arg20[%dma_wait3A_176, %dma_wait3A_177] : memref<32x129xf32, #tpu.memory_space<vmem>> -> memref<8x128xf32, #tpu.memory_space<vmem>>
    %dma_wait3A_179 = arith.constant 0 : i32
    %dma_wait3A_180 = arith.constant 0 : i32
    %dma_wait3A_181 = tpu.memref_slice %arg4[%dma_wait3A_174, %dma_wait3A_175, %add3A_173, %dma_wait3A_179, %dma_wait3A_180] : memref<50x4x128x8x128xf32, #tpu.memory_space<hbm>> -> memref<1x1x1x8x128xf32, #tpu.memory_space<hbm>>
    %dma_wait3A_182 = tpu.memref_squeeze %dma_wait3A_181 : memref<1x1x1x8x128xf32, #tpu.memory_space<hbm>> -> memref<8x128xf32, #tpu.memory_space<hbm>>
    %dma_wait3A_183 = arith.constant 0 : i32
    %dma_wait3A_184 = arith.constant 0 : i32
    %dma_wait3A_185 = tpu.memref_slice %arg4[%dma_wait3A_174, %dma_wait3A_175, %add3A_173, %dma_wait3A_183, %dma_wait3A_184] : memref<50x4x128x8x128xf32, #tpu.memory_space<hbm>> -> memref<1x1x1x8x128xf32, #tpu.memory_space<hbm>>
    %dma_wait3A_186 = tpu.memref_squeeze %dma_wait3A_185 : memref<1x1x1x8x128xf32, #tpu.memory_space<hbm>> -> memref<8x128xf32, #tpu.memory_space<hbm>>
    %dma_wait3A_187 = arith.constant 0 : i32
    %dma_wait3A_188 = arith.constant 0 : i32
    %dma_wait3A_189 = tpu.memref_slice %arg20[%dma_wait3A_187, %dma_wait3A_188] : memref<32x129xf32, #tpu.memory_space<vmem>> -> memref<8x128xf32, #tpu.memory_space<vmem>>
    tpu.wait_dma2 semaphore(%arg25 : memref<!tpu.dma_semaphore, #tpu.memory_space<semaphore_mem>>) src(%dma_wait3A_189 : memref<8x128xf32, #tpu.memory_space<vmem>>) dst(%dma_wait3A_186 : memref<8x128xf32, #tpu.memory_space<hbm>>)
    %dma_wait3A_190 = arith.constant 49 : i32
    %dma_wait3A_191 = arith.constant 1 : i32
    %dma_wait3A_192 = arith.constant 8 : i32
    %dma_wait3A_193 = arith.constant 0 : i32
    %dma_wait3A_194 = tpu.memref_slice %arg20[%dma_wait3A_192, %dma_wait3A_193] : memref<32x129xf32, #tpu.memory_space<vmem>> -> memref<8x128xf32, #tpu.memory_space<vmem>>
    %dma_wait3A_195 = arith.constant 0 : i32
    %dma_wait3A_196 = arith.constant 0 : i32
    %dma_wait3A_197 = tpu.memref_slice %arg4[%dma_wait3A_190, %dma_wait3A_191, %add3A_173, %dma_wait3A_195, %dma_wait3A_196] : memref<50x4x128x8x128xf32, #tpu.memory_space<hbm>> -> memref<1x1x1x8x128xf32, #tpu.memory_space<hbm>>
    %dma_wait3A_198 = tpu.memref_squeeze %dma_wait3A_197 : memref<1x1x1x8x128xf32, #tpu.memory_space<hbm>> -> memref<8x128xf32, #tpu.memory_space<hbm>>
    %dma_wait3A_199 = arith.constant 0 : i32
    %dma_wait3A_200 = arith.constant 0 : i32
    %dma_wait3A_201 = tpu.memref_slice %arg4[%dma_wait3A_190, %dma_wait3A_191, %add3A_173, %dma_wait3A_199, %dma_wait3A_200] : memref<50x4x128x8x128xf32, #tpu.memory_space<hbm>> -> memref<1x1x1x8x128xf32, #tpu.memory_space<hbm>>
    %dma_wait3A_202 = tpu.memref_squeeze %dma_wait3A_201 : memref<1x1x1x8x128xf32, #tpu.memory_space<hbm>> -> memref<8x128xf32, #tpu.memory_space<hbm>>
    %dma_wait3A_203 = arith.constant 8 : i32
    %dma_wait3A_204 = arith.constant 0 : i32
    %dma_wait3A_205 = tpu.memref_slice %arg20[%dma_wait3A_203, %dma_wait3A_204] : memref<32x129xf32, #tpu.memory_space<vmem>> -> memref<8x128xf32, #tpu.memory_space<vmem>>
    tpu.wait_dma2 semaphore(%arg25 : memref<!tpu.dma_semaphore, #tpu.memory_space<semaphore_mem>>) src(%dma_wait3A_205 : memref<8x128xf32, #tpu.memory_space<vmem>>) dst(%dma_wait3A_202 : memref<8x128xf32, #tpu.memory_space<hbm>>)
    %dma_wait3A_206 = arith.constant 49 : i32
    %dma_wait3A_207 = arith.constant 2 : i32
    %dma_wait3A_208 = arith.constant 16 : i32
    %dma_wait3A_209 = arith.constant 0 : i32
    %dma_wait3A_210 = tpu.memref_slice %arg20[%dma_wait3A_208, %dma_wait3A_209] : memref<32x129xf32, #tpu.memory_space<vmem>> -> memref<8x128xf32, #tpu.memory_space<vmem>>
    %dma_wait3A_211 = arith.constant 0 : i32
    %dma_wait3A_212 = arith.constant 0 : i32
    %dma_wait3A_213 = tpu.memref_slice %arg4[%dma_wait3A_206, %dma_wait3A_207, %add3A_173, %dma_wait3A_211, %dma_wait3A_212] : memref<50x4x128x8x128xf32, #tpu.memory_space<hbm>> -> memref<1x1x1x8x128xf32, #tpu.memory_space<hbm>>
    %dma_wait3A_214 = tpu.memref_squeeze %dma_wait3A_213 : memref<1x1x1x8x128xf32, #tpu.memory_space<hbm>> -> memref<8x128xf32, #tpu.memory_space<hbm>>
    %dma_wait3A_215 = arith.constant 0 : i32
    %dma_wait3A_216 = arith.constant 0 : i32
    %dma_wait3A_217 = tpu.memref_slice %arg4[%dma_wait3A_206, %dma_wait3A_207, %add3A_173, %dma_wait3A_215, %dma_wait3A_216] : memref<50x4x128x8x128xf32, #tpu.memory_space<hbm>> -> memref<1x1x1x8x128xf32, #tpu.memory_space<hbm>>
    %dma_wait3A_218 = tpu.memref_squeeze %dma_wait3A_217 : memref<1x1x1x8x128xf32, #tpu.memory_space<hbm>> -> memref<8x128xf32, #tpu.memory_space<hbm>>
    %dma_wait3A_219 = arith.constant 16 : i32
    %dma_wait3A_220 = arith.constant 0 : i32
    %dma_wait3A_221 = tpu.memref_slice %arg20[%dma_wait3A_219, %dma_wait3A_220] : memref<32x129xf32, #tpu.memory_space<vmem>> -> memref<8x128xf32, #tpu.memory_space<vmem>>
    tpu.wait_dma2 semaphore(%arg25 : memref<!tpu.dma_semaphore, #tpu.memory_space<semaphore_mem>>) src(%dma_wait3A_221 : memref<8x128xf32, #tpu.memory_space<vmem>>) dst(%dma_wait3A_218 : memref<8x128xf32, #tpu.memory_space<hbm>>)
    %dma_wait3A_222 = arith.constant 49 : i32
    %dma_wait3A_223 = arith.constant 3 : i32
    %dma_wait3A_224 = arith.constant 24 : i32
    %dma_wait3A_225 = arith.constant 0 : i32
    %dma_wait3A_226 = tpu.memref_slice %arg20[%dma_wait3A_224, %dma_wait3A_225] : memref<32x129xf32, #tpu.memory_space<vmem>> -> memref<8x128xf32, #tpu.memory_space<vmem>>
    %dma_wait3A_227 = arith.constant 0 : i32
    %dma_wait3A_228 = arith.constant 0 : i32
    %dma_wait3A_229 = tpu.memref_slice %arg4[%dma_wait3A_222, %dma_wait3A_223, %add3A_173, %dma_wait3A_227, %dma_wait3A_228] : memref<50x4x128x8x128xf32, #tpu.memory_space<hbm>> -> memref<1x1x1x8x128xf32, #tpu.memory_space<hbm>>
    %dma_wait3A_230 = tpu.memref_squeeze %dma_wait3A_229 : memref<1x1x1x8x128xf32, #tpu.memory_space<hbm>> -> memref<8x128xf32, #tpu.memory_space<hbm>>
    %dma_wait3A_231 = arith.constant 0 : i32
    %dma_wait3A_232 = arith.constant 0 : i32
    %dma_wait3A_233 = tpu.memref_slice %arg4[%dma_wait3A_222, %dma_wait3A_223, %add3A_173, %dma_wait3A_231, %dma_wait3A_232] : memref<50x4x128x8x128xf32, #tpu.memory_space<hbm>> -> memref<1x1x1x8x128xf32, #tpu.memory_space<hbm>>
    %dma_wait3A_234 = tpu.memref_squeeze %dma_wait3A_233 : memref<1x1x1x8x128xf32, #tpu.memory_space<hbm>> -> memref<8x128xf32, #tpu.memory_space<hbm>>
    %dma_wait3A_235 = arith.constant 24 : i32
    %dma_wait3A_236 = arith.constant 0 : i32
    %dma_wait3A_237 = tpu.memref_slice %arg20[%dma_wait3A_235, %dma_wait3A_236] : memref<32x129xf32, #tpu.memory_space<vmem>> -> memref<8x128xf32, #tpu.memory_space<vmem>>
    tpu.wait_dma2 semaphore(%arg25 : memref<!tpu.dma_semaphore, #tpu.memory_space<semaphore_mem>>) src(%dma_wait3A_237 : memref<8x128xf32, #tpu.memory_space<vmem>>) dst(%dma_wait3A_234 : memref<8x128xf32, #tpu.memory_space<hbm>>)
    %mul3A_238 = arith.constant 4 : i32
    %mul3A_239 = arith.muli %add3A, %mul3A_238 : i32
    %add3A_240 = arith.constant 3 : i32
    %add3A_241 = arith.addi %mul3A_239, %add3A_240 : i32
    %dma_wait3A_242 = arith.constant 49 : i32
    %dma_wait3A_243 = arith.constant 0 : i32
    %dma_wait3A_244 = arith.constant 0 : i32
    %dma_wait3A_245 = arith.constant 0 : i32
    %dma_wait3A_246 = tpu.memref_slice %arg21[%dma_wait3A_244, %dma_wait3A_245] : memref<32x129xf32, #tpu.memory_space<vmem>> -> memref<8x128xf32, #tpu.memory_space<vmem>>
    %dma_wait3A_247 = arith.constant 0 : i32
    %dma_wait3A_248 = arith.constant 0 : i32
    %dma_wait3A_249 = tpu.memref_slice %arg4[%dma_wait3A_242, %dma_wait3A_243, %add3A_241, %dma_wait3A_247, %dma_wait3A_248] : memref<50x4x128x8x128xf32, #tpu.memory_space<hbm>> -> memref<1x1x1x8x128xf32, #tpu.memory_space<hbm>>
    %dma_wait3A_250 = tpu.memref_squeeze %dma_wait3A_249 : memref<1x1x1x8x128xf32, #tpu.memory_space<hbm>> -> memref<8x128xf32, #tpu.memory_space<hbm>>
    %dma_wait3A_251 = arith.constant 0 : i32
    %dma_wait3A_252 = arith.constant 0 : i32
    %dma_wait3A_253 = tpu.memref_slice %arg4[%dma_wait3A_242, %dma_wait3A_243, %add3A_241, %dma_wait3A_251, %dma_wait3A_252] : memref<50x4x128x8x128xf32, #tpu.memory_space<hbm>> -> memref<1x1x1x8x128xf32, #tpu.memory_space<hbm>>
    %dma_wait3A_254 = tpu.memref_squeeze %dma_wait3A_253 : memref<1x1x1x8x128xf32, #tpu.memory_space<hbm>> -> memref<8x128xf32, #tpu.memory_space<hbm>>
    %dma_wait3A_255 = arith.constant 0 : i32
    %dma_wait3A_256 = arith.constant 0 : i32
    %dma_wait3A_257 = tpu.memref_slice %arg21[%dma_wait3A_255, %dma_wait3A_256] : memref<32x129xf32, #tpu.memory_space<vmem>> -> memref<8x128xf32, #tpu.memory_space<vmem>>
    tpu.wait_dma2 semaphore(%arg25 : memref<!tpu.dma_semaphore, #tpu.memory_space<semaphore_mem>>) src(%dma_wait3A_257 : memref<8x128xf32, #tpu.memory_space<vmem>>) dst(%dma_wait3A_254 : memref<8x128xf32, #tpu.memory_space<hbm>>)
    %dma_wait3A_258 = arith.constant 49 : i32
    %dma_wait3A_259 = arith.constant 1 : i32
    %dma_wait3A_260 = arith.constant 8 : i32
    %dma_wait3A_261 = arith.constant 0 : i32
    %dma_wait3A_262 = tpu.memref_slice %arg21[%dma_wait3A_260, %dma_wait3A_261] : memref<32x129xf32, #tpu.memory_space<vmem>> -> memref<8x128xf32, #tpu.memory_space<vmem>>
    %dma_wait3A_263 = arith.constant 0 : i32
    %dma_wait3A_264 = arith.constant 0 : i32
    %dma_wait3A_265 = tpu.memref_slice %arg4[%dma_wait3A_258, %dma_wait3A_259, %add3A_241, %dma_wait3A_263, %dma_wait3A_264] : memref<50x4x128x8x128xf32, #tpu.memory_space<hbm>> -> memref<1x1x1x8x128xf32, #tpu.memory_space<hbm>>
    %dma_wait3A_266 = tpu.memref_squeeze %dma_wait3A_265 : memref<1x1x1x8x128xf32, #tpu.memory_space<hbm>> -> memref<8x128xf32, #tpu.memory_space<hbm>>
    %dma_wait3A_267 = arith.constant 0 : i32
    %dma_wait3A_268 = arith.constant 0 : i32
    %dma_wait3A_269 = tpu.memref_slice %arg4[%dma_wait3A_258, %dma_wait3A_259, %add3A_241, %dma_wait3A_267, %dma_wait3A_268] : memref<50x4x128x8x128xf32, #tpu.memory_space<hbm>> -> memref<1x1x1x8x128xf32, #tpu.memory_space<hbm>>
    %dma_wait3A_270 = tpu.memref_squeeze %dma_wait3A_269 : memref<1x1x1x8x128xf32, #tpu.memory_space<hbm>> -> memref<8x128xf32, #tpu.memory_space<hbm>>
    %dma_wait3A_271 = arith.constant 8 : i32
    %dma_wait3A_272 = arith.constant 0 : i32
    %dma_wait3A_273 = tpu.memref_slice %arg21[%dma_wait3A_271, %dma_wait3A_272] : memref<32x129xf32, #tpu.memory_space<vmem>> -> memref<8x128xf32, #tpu.memory_space<vmem>>
    tpu.wait_dma2 semaphore(%arg25 : memref<!tpu.dma_semaphore, #tpu.memory_space<semaphore_mem>>) src(%dma_wait3A_273 : memref<8x128xf32, #tpu.memory_space<vmem>>) dst(%dma_wait3A_270 : memref<8x128xf32, #tpu.memory_space<hbm>>)
    %dma_wait3A_274 = arith.constant 49 : i32
    %dma_wait3A_275 = arith.constant 2 : i32
    %dma_wait3A_276 = arith.constant 16 : i32
    %dma_wait3A_277 = arith.constant 0 : i32
    %dma_wait3A_278 = tpu.memref_slice %arg21[%dma_wait3A_276, %dma_wait3A_277] : memref<32x129xf32, #tpu.memory_space<vmem>> -> memref<8x128xf32, #tpu.memory_space<vmem>>
    %dma_wait3A_279 = arith.constant 0 : i32
    %dma_wait3A_280 = arith.constant 0 : i32
    %dma_wait3A_281 = tpu.memref_slice %arg4[%dma_wait3A_274, %dma_wait3A_275, %add3A_241, %dma_wait3A_279, %dma_wait3A_280] : memref<50x4x128x8x128xf32, #tpu.memory_space<hbm>> -> memref<1x1x1x8x128xf32, #tpu.memory_space<hbm>>
    %dma_wait3A_282 = tpu.memref_squeeze %dma_wait3A_281 : memref<1x1x1x8x128xf32, #tpu.memory_space<hbm>> -> memref<8x128xf32, #tpu.memory_space<hbm>>
    %dma_wait3A_283 = arith.constant 0 : i32
    %dma_wait3A_284 = arith.constant 0 : i32
    %dma_wait3A_285 = tpu.memref_slice %arg4[%dma_wait3A_274, %dma_wait3A_275, %add3A_241, %dma_wait3A_283, %dma_wait3A_284] : memref<50x4x128x8x128xf32, #tpu.memory_space<hbm>> -> memref<1x1x1x8x128xf32, #tpu.memory_space<hbm>>
    %dma_wait3A_286 = tpu.memref_squeeze %dma_wait3A_285 : memref<1x1x1x8x128xf32, #tpu.memory_space<hbm>> -> memref<8x128xf32, #tpu.memory_space<hbm>>
    %dma_wait3A_287 = arith.constant 16 : i32
    %dma_wait3A_288 = arith.constant 0 : i32
    %dma_wait3A_289 = tpu.memref_slice %arg21[%dma_wait3A_287, %dma_wait3A_288] : memref<32x129xf32, #tpu.memory_space<vmem>> -> memref<8x128xf32, #tpu.memory_space<vmem>>
    tpu.wait_dma2 semaphore(%arg25 : memref<!tpu.dma_semaphore, #tpu.memory_space<semaphore_mem>>) src(%dma_wait3A_289 : memref<8x128xf32, #tpu.memory_space<vmem>>) dst(%dma_wait3A_286 : memref<8x128xf32, #tpu.memory_space<hbm>>)
    %dma_wait3A_290 = arith.constant 49 : i32
    %dma_wait3A_291 = arith.constant 3 : i32
    %dma_wait3A_292 = arith.constant 24 : i32
    %dma_wait3A_293 = arith.constant 0 : i32
    %dma_wait3A_294 = tpu.memref_slice %arg21[%dma_wait3A_292, %dma_wait3A_293] : memref<32x129xf32, #tpu.memory_space<vmem>> -> memref<8x128xf32, #tpu.memory_space<vmem>>
    %dma_wait3A_295 = arith.constant 0 : i32
    %dma_wait3A_296 = arith.constant 0 : i32
    %dma_wait3A_297 = tpu.memref_slice %arg4[%dma_wait3A_290, %dma_wait3A_291, %add3A_241, %dma_wait3A_295, %dma_wait3A_296] : memref<50x4x128x8x128xf32, #tpu.memory_space<hbm>> -> memref<1x1x1x8x128xf32, #tpu.memory_space<hbm>>
    %dma_wait3A_298 = tpu.memref_squeeze %dma_wait3A_297 : memref<1x1x1x8x128xf32, #tpu.memory_space<hbm>> -> memref<8x128xf32, #tpu.memory_space<hbm>>
    %dma_wait3A_299 = arith.constant 0 : i32
    %dma_wait3A_300 = arith.constant 0 : i32
    %dma_wait3A_301 = tpu.memref_slice %arg4[%dma_wait3A_290, %dma_wait3A_291, %add3A_241, %dma_wait3A_299, %dma_wait3A_300] : memref<50x4x128x8x128xf32, #tpu.memory_space<hbm>> -> memref<1x1x1x8x128xf32, #tpu.memory_space<hbm>>
    %dma_wait3A_302 = tpu.memref_squeeze %dma_wait3A_301 : memref<1x1x1x8x128xf32, #tpu.memory_space<hbm>> -> memref<8x128xf32, #tpu.memory_space<hbm>>
    %dma_wait3A_303 = arith.constant 24 : i32
    %dma_wait3A_304 = arith.constant 0 : i32
    %dma_wait3A_305 = tpu.memref_slice %arg21[%dma_wait3A_303, %dma_wait3A_304] : memref<32x129xf32, #tpu.memory_space<vmem>> -> memref<8x128xf32, #tpu.memory_space<vmem>>
    tpu.wait_dma2 semaphore(%arg25 : memref<!tpu.dma_semaphore, #tpu.memory_space<semaphore_mem>>) src(%dma_wait3A_305 : memref<8x128xf32, #tpu.memory_space<vmem>>) dst(%dma_wait3A_302 : memref<8x128xf32, #tpu.memory_space<hbm>>)
    return
  }
}

</mosaic_0001>

<sc_bundles>
// kernel: kernel.3.cloned.1.call-start
scs
__scs_entry_jumppad:
0x0: {  	(pc) =	sbr.rel $0x88, $3  }
0x1: {  	(tag) =	ssettag $0x0;
	lr =	simm.s32 $0x1  }
0x2: {  	[smem:$0x3F9F] =	sst lr;
	_ =	strace $0xD0000000  }
0x3: {  	_ = 	snop  }
0x4: {  	_ = 	snop  }
0x5: {  	_ = 	snop  }
0x6: {  	_ = 	snop  }
0x7: {  	_ = 	snop  }
__scs_overlays_trampoline_lowered:
0x8: {  	[smem:$0x3FAE] =	sst s0  }
0x9: {  	[smem:$0x3FAF] =	sst s1  }
0xa: {  	[smem:$0x3FB0] =	sst s2  }
0xb: {  	[smem:$0x3FB1] =	sst s3  }
0xc: {  	[smem:$0x3FB2] =	sst s4  }
0xd: {  	[smem:$0x3FB3] =	sst s5  }
0xe: {  	[smem:$0x3FB4] =	sst s6  }
0xf: {  	[smem:$0x3FB5] =	sst s7  }
0x10: {  	[smem:$0x3FB6] =	sst s8  }
0x11: {  	[smem:$0x3FB7] =	sst s9;
	s0 =	simm.s32 @!p0 $0x0  }
0x12: {  	s1 =	sld [smem:$0x3F9D];
	s0 =	simm.s32 @p0 $0x1  }
0x13: {  	[smem:$0x3FB8] =	sst s0;
	s0 =	simm.s32 @!p1 $0x0  }
0x14: {  	s2 =	sld [smem:$0x3F9C];
	s0 =	simm.s32 @p1 $0x1  }
0x15: {  	[smem:$0x3FB9] =	sst s0;
	s0 =	simm.s32 @!p2 $0x0  }
0x16: {  	s3 =	sld [smem:$0x3FDB];
	s0 =	simm.s32 @p2 $0x1  }
0x17: {  	s4 =	simm.s32 $0x1BF5;
	[smem:$0x3FBB] =	sst s0  }
0x18: {  	s0 =	sld [smem:$0x3F9E];
	_ =	swait.ge [sflag:s4], $0x0  }
0x19: {  	s7 =	sld [smem:$0x3F9F]  }
0x1a: {  	s8 =	sadd.s32 $0xFFFFE003, lr  }
0x1b: {  	s9 =	sadd.s32 $0xFFFFFEF7, lr;
	s5 =	simm.s32 $0xFFFFFFFF;
	p2 =	slt.u32 s8, $0xFFFFF086  }
0x1c: {  	p1 =	slt.u32 s9, $0xF7A;
	s5 =	simm.s32 @!p2 $0x0  }
0x1d: {  	s5 =	simm.s32 @p1 $0x1;
	p0 =	seq.s32 s7, s2  }
0x1e: {  	s7 =	smul.u32 @!p0 $0xF7A, s2;
	p2 =	seq.s32 @!p0 s5, $0x0  }
0x1f: {  	s9 =	smul.u32 $0xF7A, s1;
	s8 =	simm.s32 @!p0 $0x1BF5;
	p2 =	por !p2, p0  }
0x20: {  	[sflag:s8] =	ssyncset.s32 @!p0 $0xFFFFF086;
	s6 =	sadd.s32 @!p0 s3, s7;
	s7 =	simm.s32 @!p0 $0x108  }
0x21: {  	s3 =	sadd.s32 s3, s9;
	s6 =	sadd.s32 @!p0 $0x88, s6;
	s7 =	simm.s32 @p2 $0x1082  }
0x22: {  	[simem:s7], [sflag:s8] =	dma.local @!p0 [hbm:s6], $0xF7A  }
0x23: {  	s9 =	sor.u32 $0xD0000000, s2;
	s6 =	simm.s32 $0x108;
	_ =	swait.ge @!p0 [sflag:s8], $0x0  }
0x24: {  	s3 =	sadd.s32 $0x88, s3;
	s6 =	simm.s32 @!p1 $0x1082;
	[sflag:s4] =	ssyncset.s32 $0xFFFFF086  }
0x25: {  	[simem:s6], [sflag:s4] =	dma.local [hbm:s3], $0xF7A  }
0x26: {  	[smem:$0x3F9F] =	sst s1;
	(tag) =	ssettag s2;
	_ =	strace s9  }
0x27: {  	s1 =	sld [smem:$0x3FAF]  }
0x28: {  	s2 =	sld [smem:$0x3FB0]  }
0x29: {  	s4 =	sld [smem:$0x3FB2]  }
0x2a: {  	p0 =	seq.s32 s5, $0x0;
	s5 =	sld [smem:$0x3FB3]  }
0x2b: {  	s6 =	sld [smem:$0x3FB4]  }
0x2c: {  	s7 =	sld [smem:$0x3FB5]  }
0x2d: {  	s3 =	simm.s32 $0x108;
	s8 =	sld [smem:$0x3FB6]  }
0x2e: {  	s3 =	simm.s32 @!p0 $0x1082;
	s9 =	sld [smem:$0x3FB7]  }
0x2f: {  	lr =	sadd.s32 s0, s3;
	s0 =	sld [smem:$0x3FAE]  }
0x30: {  	s3 =	sld [smem:$0x3FB1]  }
0x31: {  	[smem:$0x3FBA] =	sst s10  }
0x32: {  	s10 =	sld [smem:$0x3FB8];
	_ =	sdelay $0x3  }
0x33: {  	p0 =	seq.s32 s10, $0x1;
	s10 =	sld [smem:$0x3FBA];
	_ =	sdelay $0x3  }
0x34: {  	[smem:$0x3FBA] =	sst s10  }
0x35: {  	s10 =	sld [smem:$0x3FB9];
	_ =	sdelay $0x3  }
0x36: {  	p1 =	seq.s32 s10, $0x1;
	s10 =	sld [smem:$0x3FBA];
	_ =	sdelay $0x3  }
0x37: {  	[smem:$0x3FBA] =	sst s10  }
0x38: {  	s10 =	sld [smem:$0x3FBB]  }
0x39: {  	_ = 	snop;
	(pc) =	sbr.ind lr, $3  }
0x3a: {  	_ = 	snop  }
0x3b: {  	_ = 	snop  }
0x3c: {  	p2 =	seq.s32 s10, $0x1;
	s10 =	sld [smem:$0x3FBA]  }
0x3d: {  	_ =	shalt  }
0x3e: {  	_ =	shalt  }
0x3f: {  	_ =	shalt  }
0x40: {  	_ =	shalt  }
0x41: {  	_ =	shalt  }
0x42: {  	_ =	shalt  }
0x43: {  	_ =	shalt  }
0x44: {  	_ =	shalt  }
0x45: {  	_ =	shalt  }
0x46: {  	_ =	shalt  }
0x47: {  	_ =	shalt  }
0x48: {  	_ =	shalt  }
0x49: {  	_ =	shalt  }
0x4a: {  	_ =	shalt  }
0x4b: {  	_ =	shalt  }
0x4c: {  	_ =	shalt  }
0x4d: {  	_ =	shalt  }
0x4e: {  	_ =	shalt  }
0x4f: {  	_ =	shalt  }
0x50: {  	_ =	shalt  }
0x51: {  	_ =	shalt  }
0x52: {  	_ =	shalt  }
0x53: {  	_ =	shalt  }
0x54: {  	_ =	shalt  }
0x55: {  	_ =	shalt  }
0x56: {  	_ =	shalt  }
0x57: {  	_ =	shalt  }
0x58: {  	_ =	shalt  }
0x59: {  	_ =	shalt  }
0x5a: {  	_ =	shalt  }
0x5b: {  	_ =	shalt  }
0x5c: {  	_ =	shalt  }
0x5d: {  	_ =	shalt  }
0x5e: {  	_ =	shalt  }
0x5f: {  	_ =	shalt  }
0x60: {  	_ =	shalt  }
0x61: {  	_ =	shalt  }
0x62: {  	_ =	shalt  }
0x63: {  	_ =	shalt  }
0x64: {  	_ =	shalt  }
0x65: {  	_ =	shalt  }
0x66: {  	_ =	shalt  }
0x67: {  	_ =	shalt  }
0x68: {  	_ =	shalt  }
0x69: {  	_ =	shalt  }
0x6a: {  	_ =	shalt  }
0x6b: {  	_ =	shalt  }
0x6c: {  	_ =	shalt  }
0x6d: {  	_ =	shalt  }
0x6e: {  	_ =	shalt  }
0x6f: {  	_ =	shalt  }
0x70: {  	_ =	shalt  }
0x71: {  	_ =	shalt  }
0x72: {  	_ =	shalt  }
0x73: {  	_ =	shalt  }
0x74: {  	_ =	shalt  }
0x75: {  	_ =	shalt  }
0x76: {  	_ =	shalt  }
0x77: {  	_ =	shalt  }
0x78: {  	_ =	shalt  }
0x79: {  	_ =	shalt  }
0x7a: {  	_ =	shalt  }
0x7b: {  	_ =	shalt  }
0x7c: {  	_ =	shalt  }
0x7d: {  	_ =	shalt  }
0x7e: {  	_ =	shalt  }
0x7f: {  	_ =	shalt  }
0x80: {  	_ =	shalt  }
0x81: {  	_ =	shalt  }
0x82: {  	_ =	shalt  }
0x83: {  	_ =	shalt  }
0x84: {  	_ =	shalt  }
0x85: {  	_ =	shalt  }
0x86: {  	_ =	shalt  }
0x87: {  	_ =	shalt  }
.Lfunc_end0:
.L_simem_size_0:
called_computation_lowered:
.L_overlay_start_0:
0x88: {  	s2 =	sld [smem:$0x3FD9]  }
0x89: {  	s3 =	sld [smem:$0x3FFE];
	_ =	sdelay $0x1  }
0x8a: {  	s1 =	srdreg.scid  }
0x8b: {  	s0 =	sand.u32 $0x1, s1  }
0x8c: {  	s17 =	sshll.u32 s0, $0xA;
	s2 =	sadd.s32 s3, s2  }
0x8d: {  	s2 =	sadd.s32 s2, s17  }
0x8e: {  	[smem:$0x3FC6] =	sst s2  }
0x8f: {  	_ = 	snop  }
0x90: {  	s2 =	sld [smem:$0x3FD0];
	(tm) =	ssettm $0x1  }
0x91: {  	s18 =	sld [smem:$0x3FFB];
	_ =	sdelay $0x3  }
0x92: {  	_ =	strace s18  }
0x93: {  	s3 =	sld [smem:$0x3FFC];
	_ =	sdelay $0x3  }
0x94: {  	_ =	strace s3  }
0x95: {  	s3 =	sld [smem:$0x3FFD];
	_ =	sdelay $0x3  }
0x96: {  	_ =	strace s3  }
0x97: {  	_ =	strace $0x8FFFFFFF  }
0x98: {  	s19 =	sld [smem:$0x3FDB];
	_ =	sdelay $0x1  }
0x99: {  	s4 =	simm.s32 $_scs_section_size  }
0x9a: {  	s5 =	simm.s32 $_size__tile_overlayer_lowered;
	s6 =	simm.s32 $_tile_overlayer_lowered  }
0x9b: {  	s22 =	simm.s32 $0x1BFF;
	s21 =	sshll.u32 s6, $0x1;
	s3 =	sadd.s32 s4, s19  }
0x9c: {  	s7 =	simm.s32 $0x0;
	s20 =	sshll.u32 s5, $0x1;
	s5 =	sadd.s32 s21, s3  }
0x9d: {  	[timem:s7], [sflag:s22] =	dma.local [hbm:s5], s20  }
0x9e: {  	_ =	swait.ge [sflag:s22], s20  }
0x9f: {  	s4 =	ssub.s32 $0x0, s20;
	[sflag:s22] =	ssyncset.done $0x0  }
0xa0: {  	[sflag:s22] =	ssyncadd.s32 s4;
	_ =	sdelay $0x1  }
0xa1: {  	s23 =	simm.s32 $0x1B8B  }
0xa2: {  	_ =	swait.ge [sflag:s23], $0x1  }
0xa3: {  	[sflag:s23] =	ssyncset.done $0x0  }
0xa4: {  	s25 =	simm.s32 $0x1B8E;
	s24 =	sld [smem:$0x3FFE];
	[sflag:s23] =	ssyncadd.s32 $0xFFFFFFFF  }
0xa5: {  	s26 =	simm.s32 $execute0_lowered;
	[smem:$0x3FD2] =	sst s25  }
0xa6: {  	s5 =	sshll.u32 s26, $0x1;
	_ =	strace $0x80000046;
	[dreg:$0x1] =	wrdreg $0xFFFFFFFF  }
0xa7: {  	s28 =	simm.s32 $_size_execute0_lowered;
	s3 =	sadd.s32 s3, s5;
	[dreg:$0x0] =	wrdreg $0x0  }
0xa8: {  	s5 =	sshll.u32 s28, $0x1;
	[dreg:$0x2] =	wrdreg s3  }
0xa9: {  	[dreg:$0x3] =	wrdreg s5  }
0xaa: {  	[dreg:$0x4] =	wrdreg $0xC0  }
0xab: {  	_ =	task [dreg:s7], $0x5FFFF  }
0xac: {  	[dreg:$0x1] =	wrdreg $0xFFFFFFFF  }
0xad: {  	[dreg:$0x0] =	wrdreg $0x60  }
0xae: {  	[dreg:$0x2] =	wrdreg s24  }
0xaf: {  	[dreg:$0x3] =	wrdreg s2  }
0xb0: {  	[dreg:$0x4] =	wrdreg $0x9  }
0xb1: {  	_ =	task.clear_ibuf [dreg:s7], $0x5FFFF;
	_ =	strace $0x90000046  }
0xb2: {  	s29 =	simm.s32 $0x9;
	_ =	strace $0x80000048  }
0xb3: {  	_ =	swait.ge [sflag:s29], $0x1  }
0xb4: {  	[sflag:s29] =	ssyncadd.s32 $0xFFFFFFFF  }
0xb5: {  	_ =	strace $0x90000048  }
0xb6: {  	_ =	sfence  }
0xb7: {  	s30 =	sld [smem:$0x0];
	_ =	sdelay $0x2  }
0xb8: {  	s31 =	sshll.u32 s1, $0xD;
	s1 =	sshrl.u32 s1, $0x2  }
0xb9: {  	s3 =	sand.u32 $0x4000, s31;
	s1 =	sadd.s32 s1, s30  }
0xba: {  	s0 =	sor.u32 s3, s0;
	s1 =	sshll.u32 s1, $0x11  }
0xbb: {  	s0 =	sor.u32 s1, s0  }
0xbc: {  	s0 =	sadd.s32 $0x8F2B, s0  }
0xbd: {  	[sflag:s0] =	ssyncadd.remote.s32 $0x1  }
0xbe: {  	_ =	sfence.sel $0xFFFF  }
0xbf: {  	[dreg:$0x0] =	wrdreg $0xFFFFFFFF;
	(pc) =	sbr.abs _section_cstart, $3  }
0xc0: {  	[dreg:$0x1] =	wrdreg $0xFFFFFFFF  }
0xc1: {  	_ =	task.clear_ibuf [dreg:s7], $0x2FFFF;
	_ =	strace $0x9FFFFFFF  }
0xc2: {  	(tm) =	ssettm $0x7FFFFFFF  }
0xc3: {  	_ =	shalt  }
tec
execute0_lowered:
.L_overlay_start_1:
0x0: {  	(tag) =	ssettag $0x1  }
0x1: {  	s0 =	rddreg [dreg:$0x0]  }
0x2: {  	s2 =	rddreg [dreg:$0x1]  }
0x3: {  	s1 =	srdreg.scid;
	s4 =	stileid.u32;
	s3 =	simm.s32 $0x0  }
0x4: {  	s17 =	simm.s32 $0x80;
	s29 =	simm.s32 $0x1;
	s30 =	simm.s32 $0xE400  }
0x5: {  	s16 =	simm.s32 $0xF500;
	s23 =	simm.s32 $0x10600;
	s22 =	simm.s32 $0x11700  }
0x6: {  	s13 =	simm.s32 $0x3;
	s24 =	simm.s32 $0x2;
	s25 =	simm.s32 $0x12800  }
0x7: {  	s18 =	simm.s32 $0x13900;
	s14 =	simm.s32 $0x14A00;
	s19 =	simm.s32 $0x15B00  }
0x8: {  	s28 =	simm.s32 $0x4;
	s1 =	sand.u32 $0x1, s1;
	s4 =	sshll.u32 s4, $0x1  }
0x9: {  	[smem:$0x7FF] =	sst s3;
	s7 =	sadd.s32 $0x4000, s2;
	s8 =	sadd.s32 $0x8000, s2  }
0xa: {  	s9 =	sadd.s32 $0xC000, s2;
	s5 =	sor.u32 s1, s4;
	s1 =	ssub.s32 $0x2, s1  }
0xb: {  	_ =	strace $0x80000047;
	s4 =	sshll.u32 s5, $0x6;
	s26 =	sshrl.u32 s1, $0x1  }
0xc: {  	v0 =	vlaneseq.u32;
	s6 =	sadd.s32 s4, s0;
	s4 =	sadd.s32 $0xF42A00, s0;
	s0 =	ssub.s32 s1, s26  }
0xd: {  	v0 =	vmul.u32 $0x88, v0;
	s1 =	simm.s32 $0x0;
	s31 =	sadd.s32 $0x600, s6;
	s6 =	sshll.u32 s5, $0xC  }
0xe: {  	s0 =	smax.u32 s0, $0x1;
	[dreg:$0x3] =	wrdreg s31;
	s10 =	sor.u32 $0x400, s6  }
0xf: {  	v1 =	vadd.s32 $0x880, v0;
	s11 =	sor.u32 $0x800, s6;
	s12 =	sor.u32 $0xC00, s6;
	[dreg:$0x4] =	wrdreg s0  }
.LBB2_1:
0x10: {  	[dreg:$0x5] =	wrdreg s1  }
0x11: {  	s0 =	rddreg [dreg:$0x3]  }
0x12: {  	s21 =	simm.s32 $0x200;
	s5 =	simm.s32 $0x4000;
	s26 =	simm.s32 $0x5  }
0x13: {  	[tilespmem:s3], [sflag:$0x5] =	stream.strided.gather [hbm4b:s0+s21], $0x6400, s5, s21, $0x38;
	[tilespmem:$0x16C00] =	vst v63  }
0x14: {  	_ =	swait.ge [sflag:s26], $0x6400  }
0x15: {  	[sflag:s26] =	ssyncset.done $0x0  }
0x16: {  	s1 =	simm.s32 $0x6400;
	[sflag:s26] =	ssyncadd.s32 $0xFFFF9C00  }
0x17: {  	[tilespmem:s1], [sflag:$0x1] =	stream.indirect.gather [hbm4b:s4+s17], $0x20, s3, s17, $0xb8;
	[tilespmem:$0x16C00] =	vst v63  }
0x18: {  	s5 =	simm.s32 $0x7400  }
0x19: {  	[tilespmem:s5], [sflag:$0x1] =	stream.indirect.gather [hbm4b:s4+s17], $0x20, s17, s17, $0xb8;
	[tilespmem:$0x16C00] =	vst v63  }
0x1a: {  	s15 =	simm.s32 $0x100;
	s20 =	simm.s32 $0x8400  }
0x1b: {  	[tilespmem:s20], [sflag:$0x1] =	stream.indirect.gather [hbm4b:s4+s17], $0x20, s15, s17, $0xb8;
	[tilespmem:$0x16C00] =	vst v63  }
0x1c: {  	s31 =	simm.s32 $0x0;
	s21 =	simm.s32 $0x180;
	s26 =	simm.s32 $0x9400  }
0x1d: {  	[tilespmem:s26], [sflag:$0x1] =	stream.indirect.gather [hbm4b:s4+s17], $0x20, s21, s17, $0xb8;
	[tilespmem:$0x16C00] =	vst v63  }
.LBB2_2:
0x1e: {  	p0 =	seq.s32 s31, $0x0  }
0x1f: {  	s1 =	simm.s32 @!p0 $0x4  }
0x20: {  	_ =	swait.ge @!p0 [sflag:s1], $0x400  }
0x21: {  	[sflag:s1] =	ssyncset.done @!p0 $0x0  }
0x22: {  	[sflag:s1] =	ssyncadd.s32 @!p0 $0xFFFFFC00  }
0x23: {  	_ =	swait.ge @!p0 [sflag:s1], $0x400  }
0x24: {  	[sflag:s1] =	ssyncset.done @!p0 $0x0  }
0x25: {  	[sflag:s1] =	ssyncadd.s32 @!p0 $0xFFFFFC00  }
0x26: {  	_ =	swait.ge @!p0 [sflag:s1], $0x400  }
0x27: {  	[sflag:s1] =	ssyncset.done @!p0 $0x0  }
0x28: {  	[sflag:s1] =	ssyncadd.s32 @!p0 $0xFFFFFC00  }
0x29: {  	_ =	swait.ge @!p0 [sflag:s1], $0x400  }
0x2a: {  	[sflag:s1] =	ssyncset.done @!p0 $0x0  }
0x2b: {  	[sflag:s1] =	ssyncadd.s32 @!p0 $0xFFFFFC00  }
0x2c: {  	_ =	swait.ge @!p0 [sflag:s1], $0x400  }
0x2d: {  	[sflag:s1] =	ssyncset.done @!p0 $0x0  }
0x2e: {  	[sflag:s1] =	ssyncadd.s32 @!p0 $0xFFFFFC00  }
0x2f: {  	_ =	swait.ge @!p0 [sflag:s1], $0x400  }
0x30: {  	[sflag:s1] =	ssyncset.done @!p0 $0x0  }
0x31: {  	[sflag:s1] =	ssyncadd.s32 @!p0 $0xFFFFFC00  }
0x32: {  	_ =	swait.ge @!p0 [sflag:s1], $0x400  }
0x33: {  	[sflag:s1] =	ssyncset.done @!p0 $0x0  }
0x34: {  	[sflag:s1] =	ssyncadd.s32 @!p0 $0xFFFFFC00  }
0x35: {  	_ =	swait.ge @!p0 [sflag:s1], $0x400  }
0x36: {  	[sflag:s1] =	ssyncset.done @!p0 $0x0  }
0x37: {  	[sflag:s1] =	ssyncadd.s32 @!p0 $0xFFFFFC00  }
0x38: {  	_ =	swait.ge @!p0 [sflag:s1], $0x400  }
0x39: {  	[sflag:s1] =	ssyncset.done @!p0 $0x0  }
0x3a: {  	[sflag:s1] =	ssyncadd.s32 @!p0 $0xFFFFFC00  }
0x3b: {  	_ =	swait.ge @!p0 [sflag:s1], $0x400  }
0x3c: {  	[sflag:s1] =	ssyncset.done @!p0 $0x0  }
0x3d: {  	[sflag:s1] =	ssyncadd.s32 @!p0 $0xFFFFFC00  }
0x3e: {  	_ =	swait.ge @!p0 [sflag:s1], $0x400  }
0x3f: {  	[sflag:s1] =	ssyncset.done @!p0 $0x0  }
0x40: {  	[sflag:s1] =	ssyncadd.s32 @!p0 $0xFFFFFC00  }
0x41: {  	_ =	swait.ge @!p0 [sflag:s1], $0x400  }
0x42: {  	[sflag:s1] =	ssyncset.done @!p0 $0x0  }
0x43: {  	[sflag:s1] =	ssyncadd.s32 @!p0 $0xFFFFFC00  }
0x44: {  	_ =	swait.ge @!p0 [sflag:s1], $0x400  }
0x45: {  	[sflag:s1] =	ssyncset.done @!p0 $0x0  }
0x46: {  	[sflag:s1] =	ssyncadd.s32 @!p0 $0xFFFFFC00  }
0x47: {  	_ =	swait.ge @!p0 [sflag:s1], $0x400  }
0x48: {  	[sflag:s1] =	ssyncset.done @!p0 $0x0  }
0x49: {  	[sflag:s1] =	ssyncadd.s32 @!p0 $0xFFFFFC00  }
0x4a: {  	_ =	swait.ge @!p0 [sflag:s1], $0x400  }
0x4b: {  	[sflag:s1] =	ssyncset.done @!p0 $0x0  }
0x4c: {  	s0 =	sshll.u32 s31, $0x1;
	[sflag:s1] =	ssyncadd.s32 @!p0 $0xFFFFFC00  }
0x4d: {  	s0 =	sor.u32 $0x1, s0;
	_ =	swait.ge @!p0 [sflag:s1], $0x400  }
0x4e: {  	s15 =	sshll.u32 s0, $0x9;
	[sflag:s1] =	ssyncset.done @!p0 $0x0  }
0x4f: {  	s5 =	simm.s32 $0xA400;
	[sflag:s1] =	ssyncadd.s32 @!p0 $0xFFFFFC00;
	s1 =	sand.u32 $0x3FFFFE00, s15  }
0x50: {  	[tilespmem:s5], [sflag:$0x2] =	stream.indirect.gather [hbm4b:s4+s17], $0x20, s1, s17, $0xb8;
	[tilespmem:$0x16C00] =	vst v63  }
0x51: {  	s26 =	simm.s32 $0xB400;
	s15 =	sor.u32 $0x80, s1  }
0x52: {  	[tilespmem:s26], [sflag:$0x2] =	stream.indirect.gather [hbm4b:s4+s17], $0x20, s15, s17, $0xb8;
	[tilespmem:$0x16C00] =	vst v63  }
0x53: {  	s21 =	simm.s32 $0xC400;
	s20 =	sor.u32 $0x100, s1  }
0x54: {  	[tilespmem:s21], [sflag:$0x2] =	stream.indirect.gather [hbm4b:s4+s17], $0x20, s20, s17, $0xb8;
	[tilespmem:$0x16C00] =	vst v63  }
0x55: {  	s1 =	sor.u32 $0x180, s1;
	s26 =	simm.s32 $0xD400  }
0x56: {  	[tilespmem:s26], [sflag:$0x2] =	stream.indirect.gather [hbm4b:s4+s17], $0x20, s1, s17, $0xb8;
	[tilespmem:$0x16C00] =	vst v63  }
0x57: {  	s15 =	simm.s32 $0x0;
	_ =	swait.ge [sflag:s29], $0x1000  }
0x58: {  	v2 =	vmov s15;
	[sflag:s29] =	ssyncset.done $0x0  }
0x59: {  	v2 =	vand.u32 $0x7C, v2;
	s1 =	simm.s32 $0x6440;
	[sflag:s29] =	ssyncadd.s32 $0xFFFFF000  }
0x5a: {  	v4 =	vadd.s32 v0, v2;
	v3 =	vld [tilespmem:s1+$0xFFFFFFC0];
	_ =	sdelay $0x4  }
0x5b: {  	[tilespmem:v4+s30+$0x0] =	vst.idx.msk $0xffff, v3  }
0x5c: {  	v2 =	vadd.s32 v1, v2;
	v3 =	vld [tilespmem:s1+$0xFFFFFFD0];
	_ =	sdelay $0x2  }
0x5d: {  	s20 =	simm.s32 $0x1  }
0x5e: {  	v4 =	vmov s20  }
0x5f: {  	[tilespmem:v2+s30+$0x0] =	vst.idx.msk $0xffff, v3;
	v2 =	vand.u32 $0x7D, v4  }
0x60: {  	v3 =	vld [tilespmem:s1+$0xFFFFFFE0];
	v4 =	vadd.s32 v0, v2;
	_ =	sdelay $0x4  }
0x61: {  	[tilespmem:v4+s30+$0x0] =	vst.idx.msk $0xffff, v3  }
0x62: {  	v2 =	vadd.s32 v1, v2;
	v3 =	vld [tilespmem:s1+$0xFFFFFFF0];
	_ =	sdelay $0x2  }
0x63: {  	s21 =	simm.s32 $0x2  }
0x64: {  	v4 =	vmov s21  }
0x65: {  	[tilespmem:v2+s30+$0x0] =	vst.idx.msk $0xffff, v3;
	v2 =	vand.u32 $0x7E, v4  }
0x66: {  	v3 =	vld [tilespmem:s1+$0x0];
	v4 =	vadd.s32 v0, v2;
	_ =	sdelay $0x4  }
0x67: {  	[tilespmem:v4+s30+$0x0] =	vst.idx.msk $0xffff, v3  }
0x68: {  	v2 =	vadd.s32 v1, v2;
	v3 =	vld [tilespmem:s1+$0x10];
	_ =	sdelay $0x2  }
0x69: {  	s26 =	simm.s32 $0x3  }
0x6a: {  	v4 =	vmov s26  }
0x6b: {  	[tilespmem:v2+s30+$0x0] =	vst.idx.msk $0xffff, v3;
	v3 =	vand.u32 $0x7F, v4  }
0x6c: {  	v2 =	vld [tilespmem:s1+$0x20];
	v4 =	vadd.s32 v0, v3;
	_ =	sdelay $0x4  }
0x6d: {  	[tilespmem:v4+s30+$0x0] =	vst.idx.msk $0xffff, v2  }
0x6e: {  	v3 =	vadd.s32 v1, v3;
	v2 =	vld [tilespmem:s1+$0x30];
	_ =	sdelay $0x2  }
0x6f: {  	s15 =	simm.s32 $0x4  }
0x70: {  	s20 =	simm.s32 $0x8;
	v4 =	vmov s15  }
.LBB2_3:
0x71: {  	p0 =	sne.s32 s20, $0x7C;
	v4 =	vand.u32 $0x7C, v4;
	[tilespmem:v3+s30+$0x0] =	vst.idx.msk $0xffff, v2;
	s1 =	sadd.s32 $0x80, s1  }
0x72: {  	v2 =	vld [tilespmem:s1+$0xFFFFFFC0];
	v3 =	vadd.s32 v0, v4;
	_ =	sdelay $0x4  }
0x73: {  	[tilespmem:v3+s30+$0x0] =	vst.idx.msk $0xffff, v2  }
0x74: {  	v3 =	vadd.s32 v1, v4;
	v2 =	vld [tilespmem:s1+$0xFFFFFFD0];
	_ =	sdelay $0x2  }
0x75: {  	s21 =	sadd.s32 $0x1, s15  }
0x76: {  	v4 =	vmov s21  }
0x77: {  	[tilespmem:v3+s30+$0x0] =	vst.idx.msk $0xffff, v2;
	v2 =	vand.u32 $0x7D, v4  }
0x78: {  	v3 =	vld [tilespmem:s1+$0xFFFFFFE0];
	v4 =	vadd.s32 v0, v2;
	_ =	sdelay $0x4  }
0x79: {  	[tilespmem:v4+s30+$0x0] =	vst.idx.msk $0xffff, v3  }
0x7a: {  	v2 =	vadd.s32 v1, v2;
	v3 =	vld [tilespmem:s1+$0xFFFFFFF0];
	_ =	sdelay $0x2  }
0x7b: {  	s21 =	sadd.s32 $0x2, s15  }
0x7c: {  	v4 =	vmov s21  }
0x7d: {  	[tilespmem:v2+s30+$0x0] =	vst.idx.msk $0xffff, v3;
	v2 =	vand.u32 $0x7E, v4  }
0x7e: {  	v3 =	vld [tilespmem:s1+$0x0];
	v4 =	vadd.s32 v0, v2;
	_ =	sdelay $0x4  }
0x7f: {  	[tilespmem:v4+s30+$0x0] =	vst.idx.msk $0xffff, v3  }
0x80: {  	v2 =	vadd.s32 v1, v2;
	v3 =	vld [tilespmem:s1+$0x10];
	_ =	sdelay $0x2  }
0x81: {  	s21 =	sadd.s32 $0x3, s15;
	s15 =	smov.u32 s20  }
0x82: {  	v4 =	vmov s21  }
0x83: {  	[tilespmem:v2+s30+$0x0] =	vst.idx.msk $0xffff, v3;
	v3 =	vand.u32 $0x7F, v4  }
0x84: {  	v2 =	vld [tilespmem:s1+$0x20];
	v4 =	vadd.s32 v0, v3;
	_ =	sdelay $0x4  }
0x85: {  	[tilespmem:v4+s30+$0x0] =	vst.idx.msk $0xffff, v2  }
.Ltmp0:
0x86: {  	v3 =	vadd.s32 v1, v3;
	v2 =	vld [tilespmem:s1+$0x30];
	(pc) =	sbr.rel @p0 .LBB2_3-.Ltmp0, $2  }
0x87: {  	_ =	sdelay $0x2  }
0x88: {  	s20 =	sadd.s32 $0x4, s20;
	v4 =	vmov s15  }
0x89: {  	_ =	sdelay $0x3  }
0x8a: {  	v4 =	vand.u32 $0x7C, v4;
	[tilespmem:v3+s30+$0x0] =	vst.idx.msk $0xffff, v2;
	s1 =	sadd.s32 $0x80, s1  }
0x8b: {  	v2 =	vld [tilespmem:s1+$0xFFFFFFC0];
	v3 =	vadd.s32 v0, v4;
	_ =	sdelay $0x4  }
0x8c: {  	[tilespmem:v3+s30+$0x0] =	vst.idx.msk $0xffff, v2  }
0x8d: {  	v3 =	vadd.s32 v1, v4;
	v2 =	vld [tilespmem:s1+$0xFFFFFFD0];
	_ =	sdelay $0x2  }
0x8e: {  	s20 =	sadd.s32 $0x1, s15  }
0x8f: {  	v4 =	vmov s20  }
0x90: {  	[tilespmem:v3+s30+$0x0] =	vst.idx.msk $0xffff, v2;
	v2 =	vand.u32 $0x7D, v4  }
0x91: {  	v3 =	vld [tilespmem:s1+$0xFFFFFFE0];
	v4 =	vadd.s32 v0, v2;
	_ =	sdelay $0x4  }
0x92: {  	[tilespmem:v4+s30+$0x0] =	vst.idx.msk $0xffff, v3  }
0x93: {  	v2 =	vadd.s32 v1, v2;
	v3 =	vld [tilespmem:s1+$0xFFFFFFF0];
	_ =	sdelay $0x2  }
0x94: {  	s26 =	sadd.s32 $0x2, s15  }
0x95: {  	v4 =	vmov s26  }
0x96: {  	[tilespmem:v2+s30+$0x0] =	vst.idx.msk $0xffff, v3;
	v2 =	vand.u32 $0x7E, v4  }
0x97: {  	v3 =	vld [tilespmem:s1+$0x0];
	v4 =	vadd.s32 v0, v2;
	_ =	sdelay $0x4  }
0x98: {  	[tilespmem:v4+s30+$0x0] =	vst.idx.msk $0xffff, v3  }
0x99: {  	v2 =	vadd.s32 v1, v2;
	v3 =	vld [tilespmem:s1+$0x10];
	_ =	sdelay $0x2  }
0x9a: {  	s5 =	sadd.s32 $0x3, s15  }
0x9b: {  	v4 =	vmov s5  }
0x9c: {  	[tilespmem:v2+s30+$0x0] =	vst.idx.msk $0xffff, v3;
	v2 =	vand.u32 $0x7F, v4  }
0x9d: {  	v3 =	vld [tilespmem:s1+$0x20];
	v4 =	vadd.s32 v0, v2;
	_ =	sdelay $0x4  }
0x9e: {  	[tilespmem:v4+s30+$0x0] =	vst.idx.msk $0xffff, v3  }
0x9f: {  	v2 =	vadd.s32 v1, v2;
	v3 =	vld [tilespmem:s1+$0x30];
	_ =	sdelay $0x1  }
0xa0: {  	s1 =	sshll.u32 s31, $0x14  }
0xa1: {  	s20 =	sor.u32 s6, s1  }
0xa2: {  	s20 =	sshrl.u32 s20, $0x3  }
0xa3: {  	s15 =	simm.s32 $0x0;
	s21 =	sadd.s32 s2, s20;
	[tilespmem:v2+s30+$0x0] =	vst.idx.msk $0xffff, v3  }
0xa4: {  	[hbm4b:s21+s15] =	stream.linear.scatter [tilespmem:s30], [sflag:$0x3], $0x80, $0x38;
	[tilespmem:$0x16C00] =	vst v63  }
0xa5: {  	s26 =	simm.s32 $0xE488;
	s5 =	sadd.s32 $0x10, s21  }
0xa6: {  	[hbm4b:s5+s15] =	stream.linear.scatter [tilespmem:s26], [sflag:$0x3], $0x80, $0x38;
	[tilespmem:$0x16C00] =	vst v63  }
0xa7: {  	s5 =	sadd.s32 $0x20, s21;
	s26 =	simm.s32 $0xE510  }
0xa8: {  	[hbm4b:s5+s15] =	stream.linear.scatter [tilespmem:s26], [sflag:$0x3], $0x80, $0x38;
	[tilespmem:$0x16C00] =	vst v63  }
0xa9: {  	s5 =	sadd.s32 $0x30, s21;
	s26 =	simm.s32 $0xE598  }
0xaa: {  	[hbm4b:s5+s15] =	stream.linear.scatter [tilespmem:s26], [sflag:$0x3], $0x80, $0x38;
	[tilespmem:$0x16C00] =	vst v63  }
0xab: {  	s5 =	sadd.s32 $0x40, s21;
	s26 =	simm.s32 $0xE620  }
0xac: {  	[hbm4b:s5+s15] =	stream.linear.scatter [tilespmem:s26], [sflag:$0x3], $0x80, $0x38;
	[tilespmem:$0x16C00] =	vst v63  }
0xad: {  	s5 =	sadd.s32 $0x50, s21;
	s26 =	simm.s32 $0xE6A8  }
0xae: {  	[hbm4b:s5+s15] =	stream.linear.scatter [tilespmem:s26], [sflag:$0x3], $0x80, $0x38;
	[tilespmem:$0x16C00] =	vst v63  }
0xaf: {  	s5 =	sadd.s32 $0x60, s21;
	s26 =	simm.s32 $0xE730  }
0xb0: {  	[hbm4b:s5+s15] =	stream.linear.scatter [tilespmem:s26], [sflag:$0x3], $0x80, $0x38;
	[tilespmem:$0x16C00] =	vst v63  }
0xb1: {  	s21 =	sadd.s32 $0x70, s21;
	s26 =	simm.s32 $0xE7B8  }
0xb2: {  	[hbm4b:s21+s15] =	stream.linear.scatter [tilespmem:s26], [sflag:$0x3], $0x80, $0x38;
	[tilespmem:$0x16C00] =	vst v63  }
0xb3: {  	s5 =	sadd.s32 s20, s7;
	s26 =	simm.s32 $0xE840  }
0xb4: {  	[hbm4b:s5+s15] =	stream.linear.scatter [tilespmem:s26], [sflag:$0x3], $0x80, $0x38;
	[tilespmem:$0x16C00] =	vst v63  }
0xb5: {  	s21 =	sadd.s32 $0x10, s5;
	s26 =	simm.s32 $0xE8C8  }
0xb6: {  	[hbm4b:s21+s15] =	stream.linear.scatter [tilespmem:s26], [sflag:$0x3], $0x80, $0x38;
	[tilespmem:$0x16C00] =	vst v63  }
0xb7: {  	s21 =	sadd.s32 $0x20, s5;
	s26 =	simm.s32 $0xE950  }
0xb8: {  	[hbm4b:s21+s15] =	stream.linear.scatter [tilespmem:s26], [sflag:$0x3], $0x80, $0x38;
	[tilespmem:$0x16C00] =	vst v63  }
0xb9: {  	s21 =	sadd.s32 $0x30, s5;
	s26 =	simm.s32 $0xE9D8  }
0xba: {  	[hbm4b:s21+s15] =	stream.linear.scatter [tilespmem:s26], [sflag:$0x3], $0x80, $0x38;
	[tilespmem:$0x16C00] =	vst v63  }
0xbb: {  	s21 =	sadd.s32 $0x40, s5;
	s26 =	simm.s32 $0xEA60  }
0xbc: {  	[hbm4b:s21+s15] =	stream.linear.scatter [tilespmem:s26], [sflag:$0x3], $0x80, $0x38;
	[tilespmem:$0x16C00] =	vst v63  }
0xbd: {  	s21 =	sadd.s32 $0x50, s5;
	s26 =	simm.s32 $0xEAE8  }
0xbe: {  	[hbm4b:s21+s15] =	stream.linear.scatter [tilespmem:s26], [sflag:$0x3], $0x80, $0x38;
	[tilespmem:$0x16C00] =	vst v63  }
0xbf: {  	s21 =	sadd.s32 $0x60, s5;
	s26 =	simm.s32 $0xEB70  }
0xc0: {  	[hbm4b:s21+s15] =	stream.linear.scatter [tilespmem:s26], [sflag:$0x3], $0x80, $0x38;
	[tilespmem:$0x16C00] =	vst v63  }
0xc1: {  	s5 =	sadd.s32 $0x70, s5;
	s26 =	simm.s32 $0xEBF8  }
0xc2: {  	[hbm4b:s5+s15] =	stream.linear.scatter [tilespmem:s26], [sflag:$0x3], $0x80, $0x38;
	[tilespmem:$0x16C00] =	vst v63  }
0xc3: {  	s5 =	sadd.s32 s20, s8;
	s26 =	simm.s32 $0xEC80  }
0xc4: {  	[hbm4b:s5+s15] =	stream.linear.scatter [tilespmem:s26], [sflag:$0x3], $0x80, $0x38;
	[tilespmem:$0x16C00] =	vst v63  }
0xc5: {  	s21 =	sadd.s32 $0x10, s5;
	s26 =	simm.s32 $0xED08  }
0xc6: {  	[hbm4b:s21+s15] =	stream.linear.scatter [tilespmem:s26], [sflag:$0x3], $0x80, $0x38;
	[tilespmem:$0x16C00] =	vst v63  }
0xc7: {  	s21 =	sadd.s32 $0x20, s5;
	s26 =	simm.s32 $0xED90  }
0xc8: {  	[hbm4b:s21+s15] =	stream.linear.scatter [tilespmem:s26], [sflag:$0x3], $0x80, $0x38;
	[tilespmem:$0x16C00] =	vst v63  }
0xc9: {  	s21 =	sadd.s32 $0x30, s5;
	s26 =	simm.s32 $0xEE18  }
0xca: {  	[hbm4b:s21+s15] =	stream.linear.scatter [tilespmem:s26], [sflag:$0x3], $0x80, $0x38;
	[tilespmem:$0x16C00] =	vst v63  }
0xcb: {  	s21 =	sadd.s32 $0x40, s5;
	s26 =	simm.s32 $0xEEA0  }
0xcc: {  	[hbm4b:s21+s15] =	stream.linear.scatter [tilespmem:s26], [sflag:$0x3], $0x80, $0x38;
	[tilespmem:$0x16C00] =	vst v63  }
0xcd: {  	s21 =	sadd.s32 $0x50, s5;
	s26 =	simm.s32 $0xEF28  }
0xce: {  	[hbm4b:s21+s15] =	stream.linear.scatter [tilespmem:s26], [sflag:$0x3], $0x80, $0x38;
	[tilespmem:$0x16C00] =	vst v63  }
0xcf: {  	s21 =	sadd.s32 $0x60, s5;
	s26 =	simm.s32 $0xEFB0  }
0xd0: {  	[hbm4b:s21+s15] =	stream.linear.scatter [tilespmem:s26], [sflag:$0x3], $0x80, $0x38;
	[tilespmem:$0x16C00] =	vst v63  }
0xd1: {  	s5 =	sadd.s32 $0x70, s5;
	s26 =	simm.s32 $0xF038  }
0xd2: {  	[hbm4b:s5+s15] =	stream.linear.scatter [tilespmem:s26], [sflag:$0x3], $0x80, $0x38;
	[tilespmem:$0x16C00] =	vst v63  }
0xd3: {  	s5 =	sadd.s32 s20, s9;
	s26 =	simm.s32 $0xF0C0  }
0xd4: {  	[hbm4b:s5+s15] =	stream.linear.scatter [tilespmem:s26], [sflag:$0x3], $0x80, $0x38;
	[tilespmem:$0x16C00] =	vst v63  }
0xd5: {  	s21 =	sadd.s32 $0x10, s5;
	s26 =	simm.s32 $0xF148  }
0xd6: {  	[hbm4b:s21+s15] =	stream.linear.scatter [tilespmem:s26], [sflag:$0x3], $0x80, $0x38;
	[tilespmem:$0x16C00] =	vst v63  }
0xd7: {  	s21 =	sadd.s32 $0x20, s5;
	s26 =	simm.s32 $0xF1D0  }
0xd8: {  	[hbm4b:s21+s15] =	stream.linear.scatter [tilespmem:s26], [sflag:$0x3], $0x80, $0x38;
	[tilespmem:$0x16C00] =	vst v63  }
0xd9: {  	s21 =	sadd.s32 $0x30, s5;
	s26 =	simm.s32 $0xF258  }
0xda: {  	[hbm4b:s21+s15] =	stream.linear.scatter [tilespmem:s26], [sflag:$0x3], $0x80, $0x38;
	[tilespmem:$0x16C00] =	vst v63  }
0xdb: {  	s21 =	sadd.s32 $0x40, s5;
	s26 =	simm.s32 $0xF2E0  }
0xdc: {  	[hbm4b:s21+s15] =	stream.linear.scatter [tilespmem:s26], [sflag:$0x3], $0x80, $0x38;
	[tilespmem:$0x16C00] =	vst v63  }
0xdd: {  	s21 =	sadd.s32 $0x50, s5;
	s26 =	simm.s32 $0xF368  }
0xde: {  	[hbm4b:s21+s15] =	stream.linear.scatter [tilespmem:s26], [sflag:$0x3], $0x80, $0x38;
	[tilespmem:$0x16C00] =	vst v63  }
0xdf: {  	s21 =	sadd.s32 $0x60, s5;
	s26 =	simm.s32 $0xF3F0  }
0xe0: {  	[hbm4b:s21+s15] =	stream.linear.scatter [tilespmem:s26], [sflag:$0x3], $0x80, $0x38;
	[tilespmem:$0x16C00] =	vst v63  }
0xe1: {  	s5 =	sadd.s32 $0x70, s5;
	s26 =	simm.s32 $0xF478  }
0xe2: {  	[hbm4b:s5+s15] =	stream.linear.scatter [tilespmem:s26], [sflag:$0x3], $0x80, $0x38;
	[tilespmem:$0x16C00] =	vst v63  }
0xe3: {  	_ =	swait.ge [sflag:s29], $0x1000  }
0xe4: {  	v2 =	vmov s15;
	[sflag:s29] =	ssyncset.done $0x0  }
0xe5: {  	v2 =	vand.u32 $0x7C, v2;
	s15 =	simm.s32 $0x7440;
	[sflag:s29] =	ssyncadd.s32 $0xFFFFF000  }
0xe6: {  	v4 =	vadd.s32 v0, v2;
	v3 =	vld [tilespmem:s15+$0xFFFFFFC0];
	_ =	sdelay $0x4  }
0xe7: {  	[tilespmem:v4+s16+$0x0] =	vst.idx.msk $0xffff, v3  }
0xe8: {  	v2 =	vadd.s32 v1, v2;
	v3 =	vld [tilespmem:s15+$0xFFFFFFD0];
	_ =	sdelay $0x2  }
0xe9: {  	s20 =	simm.s32 $0x1  }
0xea: {  	v4 =	vmov s20  }
0xeb: {  	[tilespmem:v2+s16+$0x0] =	vst.idx.msk $0xffff, v3;
	v2 =	vand.u32 $0x7D, v4  }
0xec: {  	v3 =	vld [tilespmem:s15+$0xFFFFFFE0];
	v4 =	vadd.s32 v0, v2;
	_ =	sdelay $0x4  }
0xed: {  	[tilespmem:v4+s16+$0x0] =	vst.idx.msk $0xffff, v3  }
0xee: {  	v2 =	vadd.s32 v1, v2;
	v3 =	vld [tilespmem:s15+$0xFFFFFFF0];
	_ =	sdelay $0x2  }
0xef: {  	s21 =	simm.s32 $0x2  }
0xf0: {  	v4 =	vmov s21  }
0xf1: {  	[tilespmem:v2+s16+$0x0] =	vst.idx.msk $0xffff, v3;
	v2 =	vand.u32 $0x7E, v4  }
0xf2: {  	v3 =	vld [tilespmem:s15+$0x0];
	v4 =	vadd.s32 v0, v2;
	_ =	sdelay $0x4  }
0xf3: {  	[tilespmem:v4+s16+$0x0] =	vst.idx.msk $0xffff, v3  }
0xf4: {  	v2 =	vadd.s32 v1, v2;
	v3 =	vld [tilespmem:s15+$0x10];
	_ =	sdelay $0x2  }
0xf5: {  	s26 =	simm.s32 $0x3  }
0xf6: {  	v4 =	vmov s26  }
0xf7: {  	[tilespmem:v2+s16+$0x0] =	vst.idx.msk $0xffff, v3;
	v3 =	vand.u32 $0x7F, v4  }
0xf8: {  	v2 =	vld [tilespmem:s15+$0x20];
	v4 =	vadd.s32 v0, v3;
	_ =	sdelay $0x4  }
0xf9: {  	[tilespmem:v4+s16+$0x0] =	vst.idx.msk $0xffff, v2  }
0xfa: {  	v3 =	vadd.s32 v1, v3;
	v2 =	vld [tilespmem:s15+$0x30];
	_ =	sdelay $0x2  }
0xfb: {  	s20 =	simm.s32 $0x4  }
0xfc: {  	s21 =	simm.s32 $0x8;
	v4 =	vmov s20  }
.LBB2_5:
0xfd: {  	p0 =	sne.s32 s21, $0x7C;
	v4 =	vand.u32 $0x7C, v4;
	[tilespmem:v3+s16+$0x0] =	vst.idx.msk $0xffff, v2;
	s15 =	sadd.s32 $0x80, s15  }
0xfe: {  	v2 =	vld [tilespmem:s15+$0xFFFFFFC0];
	v3 =	vadd.s32 v0, v4;
	_ =	sdelay $0x4  }
0xff: {  	[tilespmem:v3+s16+$0x0] =	vst.idx.msk $0xffff, v2  }
0x100: {  	v3 =	vadd.s32 v1, v4;
	v2 =	vld [tilespmem:s15+$0xFFFFFFD0];
	_ =	sdelay $0x2  }
0x101: {  	s5 =	sadd.s32 $0x1, s20  }
0x102: {  	v4 =	vmov s5  }
0x103: {  	[tilespmem:v3+s16+$0x0] =	vst.idx.msk $0xffff, v2;
	v2 =	vand.u32 $0x7D, v4  }
0x104: {  	v3 =	vld [tilespmem:s15+$0xFFFFFFE0];
	v4 =	vadd.s32 v0, v2;
	_ =	sdelay $0x4  }
0x105: {  	[tilespmem:v4+s16+$0x0] =	vst.idx.msk $0xffff, v3  }
0x106: {  	v2 =	vadd.s32 v1, v2;
	v3 =	vld [tilespmem:s15+$0xFFFFFFF0];
	_ =	sdelay $0x2  }
0x107: {  	s5 =	sadd.s32 $0x2, s20  }
0x108: {  	v4 =	vmov s5  }
0x109: {  	[tilespmem:v2+s16+$0x0] =	vst.idx.msk $0xffff, v3;
	v2 =	vand.u32 $0x7E, v4  }
0x10a: {  	v3 =	vld [tilespmem:s15+$0x0];
	v4 =	vadd.s32 v0, v2;
	_ =	sdelay $0x4  }
0x10b: {  	[tilespmem:v4+s16+$0x0] =	vst.idx.msk $0xffff, v3  }
0x10c: {  	v2 =	vadd.s32 v1, v2;
	v3 =	vld [tilespmem:s15+$0x10];
	_ =	sdelay $0x2  }
0x10d: {  	s5 =	sadd.s32 $0x3, s20;
	s20 =	smov.u32 s21  }
0x10e: {  	v4 =	vmov s5  }
0x10f: {  	[tilespmem:v2+s16+$0x0] =	vst.idx.msk $0xffff, v3;
	v3 =	vand.u32 $0x7F, v4  }
0x110: {  	v2 =	vld [tilespmem:s15+$0x20];
	v4 =	vadd.s32 v0, v3;
	_ =	sdelay $0x4  }
0x111: {  	[tilespmem:v4+s16+$0x0] =	vst.idx.msk $0xffff, v2  }
.Ltmp1:
0x112: {  	v3 =	vadd.s32 v1, v3;
	v2 =	vld [tilespmem:s15+$0x30];
	(pc) =	sbr.rel @p0 .LBB2_5-.Ltmp1, $2  }
0x113: {  	_ =	sdelay $0x2  }
0x114: {  	s21 =	sadd.s32 $0x4, s21;
	v4 =	vmov s20  }
0x115: {  	_ =	sdelay $0x3  }
0x116: {  	v4 =	vand.u32 $0x7C, v4;
	[tilespmem:v3+s16+$0x0] =	vst.idx.msk $0xffff, v2;
	s5 =	sadd.s32 $0x80, s15  }
0x117: {  	v2 =	vld [tilespmem:s5+$0xFFFFFFC0];
	v3 =	vadd.s32 v0, v4;
	_ =	sdelay $0x4  }
0x118: {  	[tilespmem:v3+s16+$0x0] =	vst.idx.msk $0xffff, v2  }
0x119: {  	v3 =	vadd.s32 v1, v4;
	v2 =	vld [tilespmem:s5+$0xFFFFFFD0];
	_ =	sdelay $0x2  }
0x11a: {  	s21 =	sadd.s32 $0x1, s20  }
0x11b: {  	v4 =	vmov s21  }
0x11c: {  	[tilespmem:v3+s16+$0x0] =	vst.idx.msk $0xffff, v2;
	v2 =	vand.u32 $0x7D, v4  }
0x11d: {  	v3 =	vld [tilespmem:s5+$0xFFFFFFE0];
	v4 =	vadd.s32 v0, v2;
	_ =	sdelay $0x4  }
0x11e: {  	[tilespmem:v4+s16+$0x0] =	vst.idx.msk $0xffff, v3  }
0x11f: {  	v2 =	vadd.s32 v1, v2;
	v3 =	vld [tilespmem:s5+$0xFFFFFFF0];
	_ =	sdelay $0x2  }
0x120: {  	s26 =	sadd.s32 $0x2, s20  }
0x121: {  	v4 =	vmov s26  }
0x122: {  	[tilespmem:v2+s16+$0x0] =	vst.idx.msk $0xffff, v3;
	v2 =	vand.u32 $0x7E, v4  }
0x123: {  	v3 =	vld [tilespmem:s5+$0x0];
	v4 =	vadd.s32 v0, v2;
	_ =	sdelay $0x4  }
0x124: {  	[tilespmem:v4+s16+$0x0] =	vst.idx.msk $0xffff, v3  }
0x125: {  	v2 =	vadd.s32 v1, v2;
	v3 =	vld [tilespmem:s5+$0x10];
	_ =	sdelay $0x2  }
0x126: {  	s20 =	sadd.s32 $0x3, s20  }
0x127: {  	v4 =	vmov s20  }
0x128: {  	[tilespmem:v2+s16+$0x0] =	vst.idx.msk $0xffff, v3;
	v2 =	vand.u32 $0x7F, v4  }
0x129: {  	v3 =	vld [tilespmem:s5+$0x20];
	v4 =	vadd.s32 v0, v2;
	_ =	sdelay $0x4  }
0x12a: {  	[tilespmem:v4+s16+$0x0] =	vst.idx.msk $0xffff, v3  }
0x12b: {  	v2 =	vadd.s32 v1, v2;
	v3 =	vld [tilespmem:s5+$0x30];
	_ =	sdelay $0x2  }
0x12c: {  	s21 =	sor.u32 s10, s1  }
0x12d: {  	s5 =	sshrl.u32 s21, $0x3  }
0x12e: {  	s15 =	simm.s32 $0x0;
	s20 =	sadd.s32 s2, s5;
	[tilespmem:v2+s16+$0x0] =	vst.idx.msk $0xffff, v3  }
0x12f: {  	[hbm4b:s20+s15] =	stream.linear.scatter [tilespmem:s16], [sflag:$0x3], $0x80, $0x38;
	[tilespmem:$0x16C00] =	vst v63  }
0x130: {  	s26 =	simm.s32 $0xF588;
	s21 =	sadd.s32 $0x10, s20  }
0x131: {  	[hbm4b:s21+s15] =	stream.linear.scatter [tilespmem:s26], [sflag:$0x3], $0x80, $0x38;
	[tilespmem:$0x16C00] =	vst v63  }
0x132: {  	s21 =	sadd.s32 $0x20, s20;
	s26 =	simm.s32 $0xF610  }
0x133: {  	[hbm4b:s21+s15] =	stream.linear.scatter [tilespmem:s26], [sflag:$0x3], $0x80, $0x38;
	[tilespmem:$0x16C00] =	vst v63  }
0x134: {  	s21 =	sadd.s32 $0x30, s20;
	s26 =	simm.s32 $0xF698  }
0x135: {  	[hbm4b:s21+s15] =	stream.linear.scatter [tilespmem:s26], [sflag:$0x3], $0x80, $0x38;
	[tilespmem:$0x16C00] =	vst v63  }
0x136: {  	s21 =	sadd.s32 $0x40, s20;
	s26 =	simm.s32 $0xF720  }
0x137: {  	[hbm4b:s21+s15] =	stream.linear.scatter [tilespmem:s26], [sflag:$0x3], $0x80, $0x38;
	[tilespmem:$0x16C00] =	vst v63  }
0x138: {  	s21 =	sadd.s32 $0x50, s20;
	s26 =	simm.s32 $0xF7A8  }
0x139: {  	[hbm4b:s21+s15] =	stream.linear.scatter [tilespmem:s26], [sflag:$0x3], $0x80, $0x38;
	[tilespmem:$0x16C00] =	vst v63  }
0x13a: {  	s21 =	sadd.s32 $0x60, s20;
	s26 =	simm.s32 $0xF830  }
0x13b: {  	[hbm4b:s21+s15] =	stream.linear.scatter [tilespmem:s26], [sflag:$0x3], $0x80, $0x38;
	[tilespmem:$0x16C00] =	vst v63  }
0x13c: {  	s20 =	sadd.s32 $0x70, s20;
	s26 =	simm.s32 $0xF8B8;
	s21 =	sor.u32 $0x4000, s5  }
0x13d: {  	[hbm4b:s20+s15] =	stream.linear.scatter [tilespmem:s26], [sflag:$0x3], $0x80, $0x38;
	[tilespmem:$0x16C00] =	vst v63  }
0x13e: {  	s20 =	sadd.s32 s2, s21;
	s26 =	simm.s32 $0xF940  }
0x13f: {  	[hbm4b:s20+s15] =	stream.linear.scatter [tilespmem:s26], [sflag:$0x3], $0x80, $0x38;
	[tilespmem:$0x16C00] =	vst v63  }
0x140: {  	s21 =	sadd.s32 $0x10, s20;
	s26 =	simm.s32 $0xF9C8  }
0x141: {  	[hbm4b:s21+s15] =	stream.linear.scatter [tilespmem:s26], [sflag:$0x3], $0x80, $0x38;
	[tilespmem:$0x16C00] =	vst v63  }
0x142: {  	s21 =	sadd.s32 $0x20, s20;
	s26 =	simm.s32 $0xFA50  }
0x143: {  	[hbm4b:s21+s15] =	stream.linear.scatter [tilespmem:s26], [sflag:$0x3], $0x80, $0x38;
	[tilespmem:$0x16C00] =	vst v63  }
0x144: {  	s21 =	sadd.s32 $0x30, s20;
	s26 =	simm.s32 $0xFAD8  }
0x145: {  	[hbm4b:s21+s15] =	stream.linear.scatter [tilespmem:s26], [sflag:$0x3], $0x80, $0x38;
	[tilespmem:$0x16C00] =	vst v63  }
0x146: {  	s21 =	sadd.s32 $0x40, s20;
	s26 =	simm.s32 $0xFB60  }
0x147: {  	[hbm4b:s21+s15] =	stream.linear.scatter [tilespmem:s26], [sflag:$0x3], $0x80, $0x38;
	[tilespmem:$0x16C00] =	vst v63  }
0x148: {  	s21 =	sadd.s32 $0x50, s20;
	s26 =	simm.s32 $0xFBE8  }
0x149: {  	[hbm4b:s21+s15] =	stream.linear.scatter [tilespmem:s26], [sflag:$0x3], $0x80, $0x38;
	[tilespmem:$0x16C00] =	vst v63  }
0x14a: {  	s21 =	sadd.s32 $0x60, s20;
	s26 =	simm.s32 $0xFC70  }
0x14b: {  	[hbm4b:s21+s15] =	stream.linear.scatter [tilespmem:s26], [sflag:$0x3], $0x80, $0x38;
	[tilespmem:$0x16C00] =	vst v63  }
0x14c: {  	s20 =	sadd.s32 $0x70, s20;
	s26 =	simm.s32 $0xFCF8;
	s21 =	sor.u32 $0x8000, s5  }
0x14d: {  	[hbm4b:s20+s15] =	stream.linear.scatter [tilespmem:s26], [sflag:$0x3], $0x80, $0x38;
	[tilespmem:$0x16C00] =	vst v63  }
0x14e: {  	s20 =	sadd.s32 s2, s21;
	s26 =	simm.s32 $0xFD80  }
0x14f: {  	[hbm4b:s20+s15] =	stream.linear.scatter [tilespmem:s26], [sflag:$0x3], $0x80, $0x38;
	[tilespmem:$0x16C00] =	vst v63  }
0x150: {  	s21 =	sadd.s32 $0x10, s20;
	s26 =	simm.s32 $0xFE08  }
0x151: {  	[hbm4b:s21+s15] =	stream.linear.scatter [tilespmem:s26], [sflag:$0x3], $0x80, $0x38;
	[tilespmem:$0x16C00] =	vst v63  }
0x152: {  	s21 =	sadd.s32 $0x20, s20;
	s26 =	simm.s32 $0xFE90  }
0x153: {  	[hbm4b:s21+s15] =	stream.linear.scatter [tilespmem:s26], [sflag:$0x3], $0x80, $0x38;
	[tilespmem:$0x16C00] =	vst v63  }
0x154: {  	s21 =	sadd.s32 $0x30, s20;
	s26 =	simm.s32 $0xFF18  }
0x155: {  	[hbm4b:s21+s15] =	stream.linear.scatter [tilespmem:s26], [sflag:$0x3], $0x80, $0x38;
	[tilespmem:$0x16C00] =	vst v63  }
0x156: {  	s21 =	sadd.s32 $0x40, s20;
	s26 =	simm.s32 $0xFFA0  }
0x157: {  	[hbm4b:s21+s15] =	stream.linear.scatter [tilespmem:s26], [sflag:$0x3], $0x80, $0x38;
	[tilespmem:$0x16C00] =	vst v63  }
0x158: {  	s21 =	sadd.s32 $0x50, s20;
	s26 =	simm.s32 $0x10028  }
0x159: {  	[hbm4b:s21+s15] =	stream.linear.scatter [tilespmem:s26], [sflag:$0x3], $0x80, $0x38;
	[tilespmem:$0x16C00] =	vst v63  }
0x15a: {  	s21 =	sadd.s32 $0x60, s20;
	s26 =	simm.s32 $0x100B0  }
0x15b: {  	[hbm4b:s21+s15] =	stream.linear.scatter [tilespmem:s26], [sflag:$0x3], $0x80, $0x38;
	[tilespmem:$0x16C00] =	vst v63  }
0x15c: {  	s5 =	sor.u32 $0xC000, s5;
	s20 =	sadd.s32 $0x70, s20;
	s26 =	simm.s32 $0x10138  }
0x15d: {  	[hbm4b:s20+s15] =	stream.linear.scatter [tilespmem:s26], [sflag:$0x3], $0x80, $0x38;
	[tilespmem:$0x16C00] =	vst v63  }
0x15e: {  	s5 =	sadd.s32 s2, s5;
	s26 =	simm.s32 $0x101C0  }
0x15f: {  	[hbm4b:s5+s15] =	stream.linear.scatter [tilespmem:s26], [sflag:$0x3], $0x80, $0x38;
	[tilespmem:$0x16C00] =	vst v63  }
0x160: {  	s21 =	sadd.s32 $0x10, s5;
	s26 =	simm.s32 $0x10248  }
0x161: {  	[hbm4b:s21+s15] =	stream.linear.scatter [tilespmem:s26], [sflag:$0x3], $0x80, $0x38;
	[tilespmem:$0x16C00] =	vst v63  }
0x162: {  	s21 =	sadd.s32 $0x20, s5;
	s26 =	simm.s32 $0x102D0  }
0x163: {  	[hbm4b:s21+s15] =	stream.linear.scatter [tilespmem:s26], [sflag:$0x3], $0x80, $0x38;
	[tilespmem:$0x16C00] =	vst v63  }
0x164: {  	s21 =	sadd.s32 $0x30, s5;
	s26 =	simm.s32 $0x10358  }
0x165: {  	[hbm4b:s21+s15] =	stream.linear.scatter [tilespmem:s26], [sflag:$0x3], $0x80, $0x38;
	[tilespmem:$0x16C00] =	vst v63  }
0x166: {  	s21 =	sadd.s32 $0x40, s5;
	s26 =	simm.s32 $0x103E0  }
0x167: {  	[hbm4b:s21+s15] =	stream.linear.scatter [tilespmem:s26], [sflag:$0x3], $0x80, $0x38;
	[tilespmem:$0x16C00] =	vst v63  }
0x168: {  	s21 =	sadd.s32 $0x50, s5;
	s26 =	simm.s32 $0x10468  }
0x169: {  	[hbm4b:s21+s15] =	stream.linear.scatter [tilespmem:s26], [sflag:$0x3], $0x80, $0x38;
	[tilespmem:$0x16C00] =	vst v63  }
0x16a: {  	s21 =	sadd.s32 $0x60, s5;
	s26 =	simm.s32 $0x104F0  }
0x16b: {  	[hbm4b:s21+s15] =	stream.linear.scatter [tilespmem:s26], [sflag:$0x3], $0x80, $0x38;
	[tilespmem:$0x16C00] =	vst v63  }
0x16c: {  	s5 =	sadd.s32 $0x70, s5;
	s26 =	simm.s32 $0x10578  }
0x16d: {  	[hbm4b:s5+s15] =	stream.linear.scatter [tilespmem:s26], [sflag:$0x3], $0x80, $0x38;
	[tilespmem:$0x16C00] =	vst v63  }
0x16e: {  	_ =	swait.ge [sflag:s29], $0x1000  }
0x16f: {  	v2 =	vmov s15;
	[sflag:s29] =	ssyncset.done $0x0  }
0x170: {  	v2 =	vand.u32 $0x7C, v2;
	s15 =	simm.s32 $0x8440;
	[sflag:s29] =	ssyncadd.s32 $0xFFFFF000  }
0x171: {  	v4 =	vadd.s32 v0, v2;
	v3 =	vld [tilespmem:s15+$0xFFFFFFC0];
	_ =	sdelay $0x4  }
0x172: {  	[tilespmem:v4+s23+$0x0] =	vst.idx.msk $0xffff, v3  }
0x173: {  	v2 =	vadd.s32 v1, v2;
	v3 =	vld [tilespmem:s15+$0xFFFFFFD0];
	_ =	sdelay $0x2  }
0x174: {  	s20 =	simm.s32 $0x1  }
0x175: {  	v4 =	vmov s20  }
0x176: {  	[tilespmem:v2+s23+$0x0] =	vst.idx.msk $0xffff, v3;
	v2 =	vand.u32 $0x7D, v4  }
0x177: {  	v3 =	vld [tilespmem:s15+$0xFFFFFFE0];
	v4 =	vadd.s32 v0, v2;
	_ =	sdelay $0x4  }
0x178: {  	[tilespmem:v4+s23+$0x0] =	vst.idx.msk $0xffff, v3  }
0x179: {  	v2 =	vadd.s32 v1, v2;
	v3 =	vld [tilespmem:s15+$0xFFFFFFF0];
	_ =	sdelay $0x2  }
0x17a: {  	s21 =	simm.s32 $0x2  }
0x17b: {  	v4 =	vmov s21  }
0x17c: {  	[tilespmem:v2+s23+$0x0] =	vst.idx.msk $0xffff, v3;
	v2 =	vand.u32 $0x7E, v4  }
0x17d: {  	v3 =	vld [tilespmem:s15+$0x0];
	v4 =	vadd.s32 v0, v2;
	_ =	sdelay $0x4  }
0x17e: {  	[tilespmem:v4+s23+$0x0] =	vst.idx.msk $0xffff, v3  }
0x17f: {  	v2 =	vadd.s32 v1, v2;
	v3 =	vld [tilespmem:s15+$0x10];
	_ =	sdelay $0x2  }
0x180: {  	s26 =	simm.s32 $0x3  }
0x181: {  	v4 =	vmov s26  }
0x182: {  	[tilespmem:v2+s23+$0x0] =	vst.idx.msk $0xffff, v3;
	v3 =	vand.u32 $0x7F, v4  }
0x183: {  	v2 =	vld [tilespmem:s15+$0x20];
	v4 =	vadd.s32 v0, v3;
	_ =	sdelay $0x4  }
0x184: {  	[tilespmem:v4+s23+$0x0] =	vst.idx.msk $0xffff, v2  }
0x185: {  	v3 =	vadd.s32 v1, v3;
	v2 =	vld [tilespmem:s15+$0x30];
	_ =	sdelay $0x2  }
0x186: {  	s20 =	simm.s32 $0x4  }
0x187: {  	s21 =	simm.s32 $0x8;
	v4 =	vmov s20  }
.LBB2_7:
0x188: {  	p0 =	sne.s32 s21, $0x7C;
	v4 =	vand.u32 $0x7C, v4;
	[tilespmem:v3+s23+$0x0] =	vst.idx.msk $0xffff, v2;
	s15 =	sadd.s32 $0x80, s15  }
0x189: {  	v2 =	vld [tilespmem:s15+$0xFFFFFFC0];
	v3 =	vadd.s32 v0, v4;
	_ =	sdelay $0x4  }
0x18a: {  	[tilespmem:v3+s23+$0x0] =	vst.idx.msk $0xffff, v2  }
0x18b: {  	v3 =	vadd.s32 v1, v4;
	v2 =	vld [tilespmem:s15+$0xFFFFFFD0];
	_ =	sdelay $0x2  }
0x18c: {  	s5 =	sadd.s32 $0x1, s20  }
0x18d: {  	v4 =	vmov s5  }
0x18e: {  	[tilespmem:v3+s23+$0x0] =	vst.idx.msk $0xffff, v2;
	v2 =	vand.u32 $0x7D, v4  }
0x18f: {  	v3 =	vld [tilespmem:s15+$0xFFFFFFE0];
	v4 =	vadd.s32 v0, v2;
	_ =	sdelay $0x4  }
0x190: {  	[tilespmem:v4+s23+$0x0] =	vst.idx.msk $0xffff, v3  }
0x191: {  	v2 =	vadd.s32 v1, v2;
	v3 =	vld [tilespmem:s15+$0xFFFFFFF0];
	_ =	sdelay $0x2  }
0x192: {  	s5 =	sadd.s32 $0x2, s20  }
0x193: {  	v4 =	vmov s5  }
0x194: {  	[tilespmem:v2+s23+$0x0] =	vst.idx.msk $0xffff, v3;
	v2 =	vand.u32 $0x7E, v4  }
0x195: {  	v3 =	vld [tilespmem:s15+$0x0];
	v4 =	vadd.s32 v0, v2;
	_ =	sdelay $0x4  }
0x196: {  	[tilespmem:v4+s23+$0x0] =	vst.idx.msk $0xffff, v3  }
0x197: {  	v2 =	vadd.s32 v1, v2;
	v3 =	vld [tilespmem:s15+$0x10];
	_ =	sdelay $0x2  }
0x198: {  	s5 =	sadd.s32 $0x3, s20;
	s20 =	smov.u32 s21  }
0x199: {  	v4 =	vmov s5  }
0x19a: {  	[tilespmem:v2+s23+$0x0] =	vst.idx.msk $0xffff, v3;
	v3 =	vand.u32 $0x7F, v4  }
0x19b: {  	v2 =	vld [tilespmem:s15+$0x20];
	v4 =	vadd.s32 v0, v3;
	_ =	sdelay $0x4  }
0x19c: {  	[tilespmem:v4+s23+$0x0] =	vst.idx.msk $0xffff, v2  }
.Ltmp2:
0x19d: {  	v3 =	vadd.s32 v1, v3;
	v2 =	vld [tilespmem:s15+$0x30];
	(pc) =	sbr.rel @p0 .LBB2_7-.Ltmp2, $2  }
0x19e: {  	_ =	sdelay $0x2  }
0x19f: {  	s21 =	sadd.s32 $0x4, s21;
	v4 =	vmov s20  }
0x1a0: {  	_ =	sdelay $0x3  }
0x1a1: {  	v4 =	vand.u32 $0x7C, v4;
	[tilespmem:v3+s23+$0x0] =	vst.idx.msk $0xffff, v2;
	s5 =	sadd.s32 $0x80, s15  }
0x1a2: {  	v2 =	vld [tilespmem:s5+$0xFFFFFFC0];
	v3 =	vadd.s32 v0, v4;
	_ =	sdelay $0x4  }
0x1a3: {  	[tilespmem:v3+s23+$0x0] =	vst.idx.msk $0xffff, v2  }
0x1a4: {  	v3 =	vadd.s32 v1, v4;
	v2 =	vld [tilespmem:s5+$0xFFFFFFD0];
	_ =	sdelay $0x2  }
0x1a5: {  	s21 =	sadd.s32 $0x1, s20  }
0x1a6: {  	v4 =	vmov s21  }
0x1a7: {  	[tilespmem:v3+s23+$0x0] =	vst.idx.msk $0xffff, v2;
	v2 =	vand.u32 $0x7D, v4  }
0x1a8: {  	v3 =	vld [tilespmem:s5+$0xFFFFFFE0];
	v4 =	vadd.s32 v0, v2;
	_ =	sdelay $0x4  }
0x1a9: {  	[tilespmem:v4+s23+$0x0] =	vst.idx.msk $0xffff, v3  }
0x1aa: {  	v2 =	vadd.s32 v1, v2;
	v3 =	vld [tilespmem:s5+$0xFFFFFFF0];
	_ =	sdelay $0x2  }
0x1ab: {  	s26 =	sadd.s32 $0x2, s20  }
0x1ac: {  	v4 =	vmov s26  }
0x1ad: {  	[tilespmem:v2+s23+$0x0] =	vst.idx.msk $0xffff, v3;
	v2 =	vand.u32 $0x7E, v4  }
0x1ae: {  	v3 =	vld [tilespmem:s5+$0x0];
	v4 =	vadd.s32 v0, v2;
	_ =	sdelay $0x4  }
0x1af: {  	[tilespmem:v4+s23+$0x0] =	vst.idx.msk $0xffff, v3  }
0x1b0: {  	v2 =	vadd.s32 v1, v2;
	v3 =	vld [tilespmem:s5+$0x10];
	_ =	sdelay $0x2  }
0x1b1: {  	s20 =	sadd.s32 $0x3, s20  }
0x1b2: {  	v4 =	vmov s20  }
0x1b3: {  	[tilespmem:v2+s23+$0x0] =	vst.idx.msk $0xffff, v3;
	v2 =	vand.u32 $0x7F, v4  }
0x1b4: {  	v3 =	vld [tilespmem:s5+$0x20];
	v4 =	vadd.s32 v0, v2;
	_ =	sdelay $0x4  }
0x1b5: {  	[tilespmem:v4+s23+$0x0] =	vst.idx.msk $0xffff, v3  }
0x1b6: {  	v2 =	vadd.s32 v1, v2;
	v3 =	vld [tilespmem:s5+$0x30];
	_ =	sdelay $0x2  }
0x1b7: {  	s21 =	sor.u32 s11, s1  }
0x1b8: {  	s5 =	sshrl.u32 s21, $0x3  }
0x1b9: {  	s15 =	simm.s32 $0x0;
	s20 =	sadd.s32 s2, s5;
	[tilespmem:v2+s23+$0x0] =	vst.idx.msk $0xffff, v3  }
0x1ba: {  	[hbm4b:s20+s15] =	stream.linear.scatter [tilespmem:s23], [sflag:$0x3], $0x80, $0x38;
	[tilespmem:$0x16C00] =	vst v63  }
0x1bb: {  	s26 =	simm.s32 $0x10688;
	s21 =	sadd.s32 $0x10, s20  }
0x1bc: {  	[hbm4b:s21+s15] =	stream.linear.scatter [tilespmem:s26], [sflag:$0x3], $0x80, $0x38;
	[tilespmem:$0x16C00] =	vst v63  }
0x1bd: {  	s21 =	sadd.s32 $0x20, s20;
	s26 =	simm.s32 $0x10710  }
0x1be: {  	[hbm4b:s21+s15] =	stream.linear.scatter [tilespmem:s26], [sflag:$0x3], $0x80, $0x38;
	[tilespmem:$0x16C00] =	vst v63  }
0x1bf: {  	s21 =	sadd.s32 $0x30, s20;
	s26 =	simm.s32 $0x10798  }
0x1c0: {  	[hbm4b:s21+s15] =	stream.linear.scatter [tilespmem:s26], [sflag:$0x3], $0x80, $0x38;
	[tilespmem:$0x16C00] =	vst v63  }
0x1c1: {  	s21 =	sadd.s32 $0x40, s20;
	s26 =	simm.s32 $0x10820  }
0x1c2: {  	[hbm4b:s21+s15] =	stream.linear.scatter [tilespmem:s26], [sflag:$0x3], $0x80, $0x38;
	[tilespmem:$0x16C00] =	vst v63  }
0x1c3: {  	s21 =	sadd.s32 $0x50, s20;
	s26 =	simm.s32 $0x108A8  }
0x1c4: {  	[hbm4b:s21+s15] =	stream.linear.scatter [tilespmem:s26], [sflag:$0x3], $0x80, $0x38;
	[tilespmem:$0x16C00] =	vst v63  }
0x1c5: {  	s21 =	sadd.s32 $0x60, s20;
	s26 =	simm.s32 $0x10930  }
0x1c6: {  	[hbm4b:s21+s15] =	stream.linear.scatter [tilespmem:s26], [sflag:$0x3], $0x80, $0x38;
	[tilespmem:$0x16C00] =	vst v63  }
0x1c7: {  	s20 =	sadd.s32 $0x70, s20;
	s26 =	simm.s32 $0x109B8;
	s21 =	sor.u32 $0x4000, s5  }
0x1c8: {  	[hbm4b:s20+s15] =	stream.linear.scatter [tilespmem:s26], [sflag:$0x3], $0x80, $0x38;
	[tilespmem:$0x16C00] =	vst v63  }
0x1c9: {  	s20 =	sadd.s32 s2, s21;
	s26 =	simm.s32 $0x10A40  }
0x1ca: {  	[hbm4b:s20+s15] =	stream.linear.scatter [tilespmem:s26], [sflag:$0x3], $0x80, $0x38;
	[tilespmem:$0x16C00] =	vst v63  }
0x1cb: {  	s21 =	sadd.s32 $0x10, s20;
	s26 =	simm.s32 $0x10AC8  }
0x1cc: {  	[hbm4b:s21+s15] =	stream.linear.scatter [tilespmem:s26], [sflag:$0x3], $0x80, $0x38;
	[tilespmem:$0x16C00] =	vst v63  }
0x1cd: {  	s21 =	sadd.s32 $0x20, s20;
	s26 =	simm.s32 $0x10B50  }
0x1ce: {  	[hbm4b:s21+s15] =	stream.linear.scatter [tilespmem:s26], [sflag:$0x3], $0x80, $0x38;
	[tilespmem:$0x16C00] =	vst v63  }
0x1cf: {  	s21 =	sadd.s32 $0x30, s20;
	s26 =	simm.s32 $0x10BD8  }
0x1d0: {  	[hbm4b:s21+s15] =	stream.linear.scatter [tilespmem:s26], [sflag:$0x3], $0x80, $0x38;
	[tilespmem:$0x16C00] =	vst v63  }
0x1d1: {  	s21 =	sadd.s32 $0x40, s20;
	s26 =	simm.s32 $0x10C60  }
0x1d2: {  	[hbm4b:s21+s15] =	stream.linear.scatter [tilespmem:s26], [sflag:$0x3], $0x80, $0x38;
	[tilespmem:$0x16C00] =	vst v63  }
0x1d3: {  	s21 =	sadd.s32 $0x50, s20;
	s26 =	simm.s32 $0x10CE8  }
0x1d4: {  	[hbm4b:s21+s15] =	stream.linear.scatter [tilespmem:s26], [sflag:$0x3], $0x80, $0x38;
	[tilespmem:$0x16C00] =	vst v63  }
0x1d5: {  	s21 =	sadd.s32 $0x60, s20;
	s26 =	simm.s32 $0x10D70  }
0x1d6: {  	[hbm4b:s21+s15] =	stream.linear.scatter [tilespmem:s26], [sflag:$0x3], $0x80, $0x38;
	[tilespmem:$0x16C00] =	vst v63  }
0x1d7: {  	s20 =	sadd.s32 $0x70, s20;
	s26 =	simm.s32 $0x10DF8;
	s21 =	sor.u32 $0x8000, s5  }
0x1d8: {  	[hbm4b:s20+s15] =	stream.linear.scatter [tilespmem:s26], [sflag:$0x3], $0x80, $0x38;
	[tilespmem:$0x16C00] =	vst v63  }
0x1d9: {  	s20 =	sadd.s32 s2, s21;
	s26 =	simm.s32 $0x10E80  }
0x1da: {  	[hbm4b:s20+s15] =	stream.linear.scatter [tilespmem:s26], [sflag:$0x3], $0x80, $0x38;
	[tilespmem:$0x16C00] =	vst v63  }
0x1db: {  	s21 =	sadd.s32 $0x10, s20;
	s26 =	simm.s32 $0x10F08  }
0x1dc: {  	[hbm4b:s21+s15] =	stream.linear.scatter [tilespmem:s26], [sflag:$0x3], $0x80, $0x38;
	[tilespmem:$0x16C00] =	vst v63  }
0x1dd: {  	s21 =	sadd.s32 $0x20, s20;
	s26 =	simm.s32 $0x10F90  }
0x1de: {  	[hbm4b:s21+s15] =	stream.linear.scatter [tilespmem:s26], [sflag:$0x3], $0x80, $0x38;
	[tilespmem:$0x16C00] =	vst v63  }
0x1df: {  	s21 =	sadd.s32 $0x30, s20;
	s26 =	simm.s32 $0x11018  }
0x1e0: {  	[hbm4b:s21+s15] =	stream.linear.scatter [tilespmem:s26], [sflag:$0x3], $0x80, $0x38;
	[tilespmem:$0x16C00] =	vst v63  }
0x1e1: {  	s21 =	sadd.s32 $0x40, s20;
	s26 =	simm.s32 $0x110A0  }
0x1e2: {  	[hbm4b:s21+s15] =	stream.linear.scatter [tilespmem:s26], [sflag:$0x3], $0x80, $0x38;
	[tilespmem:$0x16C00] =	vst v63  }
0x1e3: {  	s21 =	sadd.s32 $0x50, s20;
	s26 =	simm.s32 $0x11128  }
0x1e4: {  	[hbm4b:s21+s15] =	stream.linear.scatter [tilespmem:s26], [sflag:$0x3], $0x80, $0x38;
	[tilespmem:$0x16C00] =	vst v63  }
0x1e5: {  	s21 =	sadd.s32 $0x60, s20;
	s26 =	simm.s32 $0x111B0  }
0x1e6: {  	[hbm4b:s21+s15] =	stream.linear.scatter [tilespmem:s26], [sflag:$0x3], $0x80, $0x38;
	[tilespmem:$0x16C00] =	vst v63  }
0x1e7: {  	s5 =	sor.u32 $0xC000, s5;
	s20 =	sadd.s32 $0x70, s20;
	s26 =	simm.s32 $0x11238  }
0x1e8: {  	[hbm4b:s20+s15] =	stream.linear.scatter [tilespmem:s26], [sflag:$0x3], $0x80, $0x38;
	[tilespmem:$0x16C00] =	vst v63  }
0x1e9: {  	s5 =	sadd.s32 s2, s5;
	s26 =	simm.s32 $0x112C0  }
0x1ea: {  	[hbm4b:s5+s15] =	stream.linear.scatter [tilespmem:s26], [sflag:$0x3], $0x80, $0x38;
	[tilespmem:$0x16C00] =	vst v63  }
0x1eb: {  	s21 =	sadd.s32 $0x10, s5;
	s26 =	simm.s32 $0x11348  }
0x1ec: {  	[hbm4b:s21+s15] =	stream.linear.scatter [tilespmem:s26], [sflag:$0x3], $0x80, $0x38;
	[tilespmem:$0x16C00] =	vst v63  }
0x1ed: {  	s21 =	sadd.s32 $0x20, s5;
	s26 =	simm.s32 $0x113D0  }
0x1ee: {  	[hbm4b:s21+s15] =	stream.linear.scatter [tilespmem:s26], [sflag:$0x3], $0x80, $0x38;
	[tilespmem:$0x16C00] =	vst v63  }
0x1ef: {  	s21 =	sadd.s32 $0x30, s5;
	s26 =	simm.s32 $0x11458  }
0x1f0: {  	[hbm4b:s21+s15] =	stream.linear.scatter [tilespmem:s26], [sflag:$0x3], $0x80, $0x38;
	[tilespmem:$0x16C00] =	vst v63  }
0x1f1: {  	s21 =	sadd.s32 $0x40, s5;
	s26 =	simm.s32 $0x114E0  }
0x1f2: {  	[hbm4b:s21+s15] =	stream.linear.scatter [tilespmem:s26], [sflag:$0x3], $0x80, $0x38;
	[tilespmem:$0x16C00] =	vst v63  }
0x1f3: {  	s21 =	sadd.s32 $0x50, s5;
	s26 =	simm.s32 $0x11568  }
0x1f4: {  	[hbm4b:s21+s15] =	stream.linear.scatter [tilespmem:s26], [sflag:$0x3], $0x80, $0x38;
	[tilespmem:$0x16C00] =	vst v63  }
0x1f5: {  	s21 =	sadd.s32 $0x60, s5;
	s26 =	simm.s32 $0x115F0  }
0x1f6: {  	[hbm4b:s21+s15] =	stream.linear.scatter [tilespmem:s26], [sflag:$0x3], $0x80, $0x38;
	[tilespmem:$0x16C00] =	vst v63  }
0x1f7: {  	s5 =	sadd.s32 $0x70, s5;
	s26 =	simm.s32 $0x11678  }
0x1f8: {  	[hbm4b:s5+s15] =	stream.linear.scatter [tilespmem:s26], [sflag:$0x3], $0x80, $0x38;
	[tilespmem:$0x16C00] =	vst v63  }
0x1f9: {  	_ =	swait.ge [sflag:s29], $0x1000  }
0x1fa: {  	v2 =	vmov s15;
	[sflag:s29] =	ssyncset.done $0x0  }
0x1fb: {  	v2 =	vand.u32 $0x7C, v2;
	s15 =	simm.s32 $0x9440;
	[sflag:s29] =	ssyncadd.s32 $0xFFFFF000  }
0x1fc: {  	v4 =	vadd.s32 v0, v2;
	v3 =	vld [tilespmem:s15+$0xFFFFFFC0];
	_ =	sdelay $0x4  }
0x1fd: {  	[tilespmem:v4+s22+$0x0] =	vst.idx.msk $0xffff, v3  }
0x1fe: {  	v2 =	vadd.s32 v1, v2;
	v3 =	vld [tilespmem:s15+$0xFFFFFFD0];
	_ =	sdelay $0x2  }
0x1ff: {  	s20 =	simm.s32 $0x1  }
0x200: {  	v4 =	vmov s20  }
0x201: {  	[tilespmem:v2+s22+$0x0] =	vst.idx.msk $0xffff, v3;
	v2 =	vand.u32 $0x7D, v4  }
0x202: {  	v3 =	vld [tilespmem:s15+$0xFFFFFFE0];
	v4 =	vadd.s32 v0, v2;
	_ =	sdelay $0x4  }
0x203: {  	[tilespmem:v4+s22+$0x0] =	vst.idx.msk $0xffff, v3  }
0x204: {  	v2 =	vadd.s32 v1, v2;
	v3 =	vld [tilespmem:s15+$0xFFFFFFF0];
	_ =	sdelay $0x2  }
0x205: {  	s21 =	simm.s32 $0x2  }
0x206: {  	v4 =	vmov s21  }
0x207: {  	[tilespmem:v2+s22+$0x0] =	vst.idx.msk $0xffff, v3;
	v2 =	vand.u32 $0x7E, v4  }
0x208: {  	v3 =	vld [tilespmem:s15+$0x0];
	v4 =	vadd.s32 v0, v2;
	_ =	sdelay $0x4  }
0x209: {  	[tilespmem:v4+s22+$0x0] =	vst.idx.msk $0xffff, v3  }
0x20a: {  	v2 =	vadd.s32 v1, v2;
	v3 =	vld [tilespmem:s15+$0x10];
	_ =	sdelay $0x2  }
0x20b: {  	s26 =	simm.s32 $0x3  }
0x20c: {  	v4 =	vmov s26  }
0x20d: {  	[tilespmem:v2+s22+$0x0] =	vst.idx.msk $0xffff, v3;
	v3 =	vand.u32 $0x7F, v4  }
0x20e: {  	v2 =	vld [tilespmem:s15+$0x20];
	v4 =	vadd.s32 v0, v3;
	_ =	sdelay $0x4  }
0x20f: {  	[tilespmem:v4+s22+$0x0] =	vst.idx.msk $0xffff, v2  }
0x210: {  	v3 =	vadd.s32 v1, v3;
	v2 =	vld [tilespmem:s15+$0x30];
	_ =	sdelay $0x2  }
0x211: {  	s20 =	simm.s32 $0x4  }
0x212: {  	s21 =	simm.s32 $0x8;
	v4 =	vmov s20  }
.LBB2_9:
0x213: {  	p0 =	sne.s32 s21, $0x7C;
	v4 =	vand.u32 $0x7C, v4;
	[tilespmem:v3+s22+$0x0] =	vst.idx.msk $0xffff, v2;
	s15 =	sadd.s32 $0x80, s15  }
0x214: {  	v2 =	vld [tilespmem:s15+$0xFFFFFFC0];
	v3 =	vadd.s32 v0, v4;
	_ =	sdelay $0x4  }
0x215: {  	[tilespmem:v3+s22+$0x0] =	vst.idx.msk $0xffff, v2  }
0x216: {  	v3 =	vadd.s32 v1, v4;
	v2 =	vld [tilespmem:s15+$0xFFFFFFD0];
	_ =	sdelay $0x2  }
0x217: {  	s5 =	sadd.s32 $0x1, s20  }
0x218: {  	v4 =	vmov s5  }
0x219: {  	[tilespmem:v3+s22+$0x0] =	vst.idx.msk $0xffff, v2;
	v2 =	vand.u32 $0x7D, v4  }
0x21a: {  	v3 =	vld [tilespmem:s15+$0xFFFFFFE0];
	v4 =	vadd.s32 v0, v2;
	_ =	sdelay $0x4  }
0x21b: {  	[tilespmem:v4+s22+$0x0] =	vst.idx.msk $0xffff, v3  }
0x21c: {  	v2 =	vadd.s32 v1, v2;
	v3 =	vld [tilespmem:s15+$0xFFFFFFF0];
	_ =	sdelay $0x2  }
0x21d: {  	s5 =	sadd.s32 $0x2, s20  }
0x21e: {  	v4 =	vmov s5  }
0x21f: {  	[tilespmem:v2+s22+$0x0] =	vst.idx.msk $0xffff, v3;
	v2 =	vand.u32 $0x7E, v4  }
0x220: {  	v3 =	vld [tilespmem:s15+$0x0];
	v4 =	vadd.s32 v0, v2;
	_ =	sdelay $0x4  }
0x221: {  	[tilespmem:v4+s22+$0x0] =	vst.idx.msk $0xffff, v3  }
0x222: {  	v2 =	vadd.s32 v1, v2;
	v3 =	vld [tilespmem:s15+$0x10];
	_ =	sdelay $0x2  }
0x223: {  	s5 =	sadd.s32 $0x3, s20;
	s20 =	smov.u32 s21  }
0x224: {  	v4 =	vmov s5  }
0x225: {  	[tilespmem:v2+s22+$0x0] =	vst.idx.msk $0xffff, v3;
	v3 =	vand.u32 $0x7F, v4  }
0x226: {  	v2 =	vld [tilespmem:s15+$0x20];
	v4 =	vadd.s32 v0, v3;
	_ =	sdelay $0x4  }
0x227: {  	[tilespmem:v4+s22+$0x0] =	vst.idx.msk $0xffff, v2  }
.Ltmp3:
0x228: {  	v3 =	vadd.s32 v1, v3;
	v2 =	vld [tilespmem:s15+$0x30];
	(pc) =	sbr.rel @p0 .LBB2_9-.Ltmp3, $2  }
0x229: {  	_ =	sdelay $0x2  }
0x22a: {  	s21 =	sadd.s32 $0x4, s21;
	v4 =	vmov s20  }
0x22b: {  	_ =	sdelay $0x3  }
0x22c: {  	v4 =	vand.u32 $0x7C, v4;
	[tilespmem:v3+s22+$0x0] =	vst.idx.msk $0xffff, v2;
	s5 =	sadd.s32 $0x80, s15  }
0x22d: {  	v2 =	vld [tilespmem:s5+$0xFFFFFFC0];
	v3 =	vadd.s32 v0, v4;
	_ =	sdelay $0x4  }
0x22e: {  	[tilespmem:v3+s22+$0x0] =	vst.idx.msk $0xffff, v2  }
0x22f: {  	v3 =	vadd.s32 v1, v4;
	v2 =	vld [tilespmem:s5+$0xFFFFFFD0];
	_ =	sdelay $0x2  }
0x230: {  	s21 =	sadd.s32 $0x1, s20  }
0x231: {  	v4 =	vmov s21  }
0x232: {  	[tilespmem:v3+s22+$0x0] =	vst.idx.msk $0xffff, v2;
	v2 =	vand.u32 $0x7D, v4  }
0x233: {  	v3 =	vld [tilespmem:s5+$0xFFFFFFE0];
	v4 =	vadd.s32 v0, v2;
	_ =	sdelay $0x4  }
0x234: {  	[tilespmem:v4+s22+$0x0] =	vst.idx.msk $0xffff, v3  }
0x235: {  	v2 =	vadd.s32 v1, v2;
	v3 =	vld [tilespmem:s5+$0xFFFFFFF0];
	_ =	sdelay $0x2  }
0x236: {  	s26 =	sadd.s32 $0x2, s20  }
0x237: {  	v4 =	vmov s26  }
0x238: {  	[tilespmem:v2+s22+$0x0] =	vst.idx.msk $0xffff, v3;
	v2 =	vand.u32 $0x7E, v4  }
0x239: {  	v3 =	vld [tilespmem:s5+$0x0];
	v4 =	vadd.s32 v0, v2;
	_ =	sdelay $0x4  }
0x23a: {  	[tilespmem:v4+s22+$0x0] =	vst.idx.msk $0xffff, v3  }
0x23b: {  	v2 =	vadd.s32 v1, v2;
	v3 =	vld [tilespmem:s5+$0x10];
	_ =	sdelay $0x2  }
0x23c: {  	s20 =	sadd.s32 $0x3, s20  }
0x23d: {  	v4 =	vmov s20  }
0x23e: {  	[tilespmem:v2+s22+$0x0] =	vst.idx.msk $0xffff, v3;
	v2 =	vand.u32 $0x7F, v4  }
0x23f: {  	v3 =	vld [tilespmem:s5+$0x20];
	v4 =	vadd.s32 v0, v2;
	_ =	sdelay $0x4  }
0x240: {  	[tilespmem:v4+s22+$0x0] =	vst.idx.msk $0xffff, v3  }
0x241: {  	v2 =	vadd.s32 v1, v2;
	v3 =	vld [tilespmem:s5+$0x30];
	_ =	sdelay $0x2  }
0x242: {  	s1 =	sor.u32 s12, s1  }
0x243: {  	s1 =	sshrl.u32 s1, $0x3  }
0x244: {  	s5 =	sadd.s32 s2, s1;
	[tilespmem:v2+s22+$0x0] =	vst.idx.msk $0xffff, v3  }
0x245: {  	[hbm4b:s5+s3] =	stream.linear.scatter [tilespmem:s22], [sflag:$0x3], $0x80, $0x38;
	[tilespmem:$0x16C00] =	vst v63  }
0x246: {  	s26 =	simm.s32 $0x11788;
	s21 =	sadd.s32 $0x10, s5  }
0x247: {  	[hbm4b:s21+s3] =	stream.linear.scatter [tilespmem:s26], [sflag:$0x3], $0x80, $0x38;
	[tilespmem:$0x16C00] =	vst v63  }
0x248: {  	s21 =	sadd.s32 $0x20, s5;
	s26 =	simm.s32 $0x11810  }
0x249: {  	[hbm4b:s21+s3] =	stream.linear.scatter [tilespmem:s26], [sflag:$0x3], $0x80, $0x38;
	[tilespmem:$0x16C00] =	vst v63  }
0x24a: {  	s21 =	sadd.s32 $0x30, s5;
	s26 =	simm.s32 $0x11898  }
0x24b: {  	[hbm4b:s21+s3] =	stream.linear.scatter [tilespmem:s26], [sflag:$0x3], $0x80, $0x38;
	[tilespmem:$0x16C00] =	vst v63  }
0x24c: {  	s21 =	sadd.s32 $0x40, s5;
	s26 =	simm.s32 $0x11920  }
0x24d: {  	[hbm4b:s21+s3] =	stream.linear.scatter [tilespmem:s26], [sflag:$0x3], $0x80, $0x38;
	[tilespmem:$0x16C00] =	vst v63  }
0x24e: {  	s21 =	sadd.s32 $0x50, s5;
	s26 =	simm.s32 $0x119A8  }
0x24f: {  	[hbm4b:s21+s3] =	stream.linear.scatter [tilespmem:s26], [sflag:$0x3], $0x80, $0x38;
	[tilespmem:$0x16C00] =	vst v63  }
0x250: {  	s20 =	sadd.s32 $0x60, s5;
	s21 =	simm.s32 $0x11A30  }
0x251: {  	[hbm4b:s20+s3] =	stream.linear.scatter [tilespmem:s21], [sflag:$0x3], $0x80, $0x38;
	[tilespmem:$0x16C00] =	vst v63  }
0x252: {  	s15 =	sor.u32 $0x4000, s1;
	s5 =	sadd.s32 $0x70, s5;
	s26 =	simm.s32 $0x11AB8  }
0x253: {  	[hbm4b:s5+s3] =	stream.linear.scatter [tilespmem:s26], [sflag:$0x3], $0x80, $0x38;
	[tilespmem:$0x16C00] =	vst v63  }
0x254: {  	s20 =	simm.s32 $0x11B40;
	s5 =	sadd.s32 s2, s15  }
0x255: {  	[hbm4b:s5+s3] =	stream.linear.scatter [tilespmem:s20], [sflag:$0x3], $0x80, $0x38;
	[tilespmem:$0x16C00] =	vst v63  }
0x256: {  	s26 =	simm.s32 $0x11BC8;
	s21 =	sadd.s32 $0x10, s5  }
0x257: {  	[hbm4b:s21+s3] =	stream.linear.scatter [tilespmem:s26], [sflag:$0x3], $0x80, $0x38;
	[tilespmem:$0x16C00] =	vst v63  }
0x258: {  	s21 =	sadd.s32 $0x20, s5;
	s26 =	simm.s32 $0x11C50  }
0x259: {  	[hbm4b:s21+s3] =	stream.linear.scatter [tilespmem:s26], [sflag:$0x3], $0x80, $0x38;
	[tilespmem:$0x16C00] =	vst v63  }
0x25a: {  	s21 =	sadd.s32 $0x30, s5;
	s26 =	simm.s32 $0x11CD8  }
0x25b: {  	[hbm4b:s21+s3] =	stream.linear.scatter [tilespmem:s26], [sflag:$0x3], $0x80, $0x38;
	[tilespmem:$0x16C00] =	vst v63  }
0x25c: {  	s21 =	sadd.s32 $0x40, s5;
	s26 =	simm.s32 $0x11D60  }
0x25d: {  	[hbm4b:s21+s3] =	stream.linear.scatter [tilespmem:s26], [sflag:$0x3], $0x80, $0x38;
	[tilespmem:$0x16C00] =	vst v63  }
0x25e: {  	s21 =	sadd.s32 $0x50, s5;
	s26 =	simm.s32 $0x11DE8  }
0x25f: {  	[hbm4b:s21+s3] =	stream.linear.scatter [tilespmem:s26], [sflag:$0x3], $0x80, $0x38;
	[tilespmem:$0x16C00] =	vst v63  }
0x260: {  	s20 =	sadd.s32 $0x60, s5;
	s21 =	simm.s32 $0x11E70  }
0x261: {  	[hbm4b:s20+s3] =	stream.linear.scatter [tilespmem:s21], [sflag:$0x3], $0x80, $0x38;
	[tilespmem:$0x16C00] =	vst v63  }
0x262: {  	s15 =	sor.u32 $0x8000, s1;
	s5 =	sadd.s32 $0x70, s5;
	s26 =	simm.s32 $0x11EF8  }
0x263: {  	[hbm4b:s5+s3] =	stream.linear.scatter [tilespmem:s26], [sflag:$0x3], $0x80, $0x38;
	[tilespmem:$0x16C00] =	vst v63  }
0x264: {  	s20 =	simm.s32 $0x11F80;
	s5 =	sadd.s32 s2, s15  }
0x265: {  	[hbm4b:s5+s3] =	stream.linear.scatter [tilespmem:s20], [sflag:$0x3], $0x80, $0x38;
	[tilespmem:$0x16C00] =	vst v63  }
0x266: {  	s26 =	simm.s32 $0x12008;
	s21 =	sadd.s32 $0x10, s5  }
0x267: {  	[hbm4b:s21+s3] =	stream.linear.scatter [tilespmem:s26], [sflag:$0x3], $0x80, $0x38;
	[tilespmem:$0x16C00] =	vst v63  }
0x268: {  	s21 =	sadd.s32 $0x20, s5;
	s26 =	simm.s32 $0x12090  }
0x269: {  	[hbm4b:s21+s3] =	stream.linear.scatter [tilespmem:s26], [sflag:$0x3], $0x80, $0x38;
	[tilespmem:$0x16C00] =	vst v63  }
0x26a: {  	s21 =	sadd.s32 $0x30, s5;
	s26 =	simm.s32 $0x12118  }
0x26b: {  	[hbm4b:s21+s3] =	stream.linear.scatter [tilespmem:s26], [sflag:$0x3], $0x80, $0x38;
	[tilespmem:$0x16C00] =	vst v63  }
0x26c: {  	s21 =	sadd.s32 $0x40, s5;
	s26 =	simm.s32 $0x121A0  }
0x26d: {  	[hbm4b:s21+s3] =	stream.linear.scatter [tilespmem:s26], [sflag:$0x3], $0x80, $0x38;
	[tilespmem:$0x16C00] =	vst v63  }
0x26e: {  	s21 =	sadd.s32 $0x50, s5;
	s26 =	simm.s32 $0x12228  }
0x26f: {  	[hbm4b:s21+s3] =	stream.linear.scatter [tilespmem:s26], [sflag:$0x3], $0x80, $0x38;
	[tilespmem:$0x16C00] =	vst v63  }
0x270: {  	s20 =	sadd.s32 $0x60, s5;
	s21 =	simm.s32 $0x122B0  }
0x271: {  	[hbm4b:s20+s3] =	stream.linear.scatter [tilespmem:s21], [sflag:$0x3], $0x80, $0x38;
	[tilespmem:$0x16C00] =	vst v63  }
0x272: {  	s1 =	sor.u32 $0xC000, s1;
	s5 =	sadd.s32 $0x70, s5;
	s26 =	simm.s32 $0x12338  }
0x273: {  	[hbm4b:s5+s3] =	stream.linear.scatter [tilespmem:s26], [sflag:$0x3], $0x80, $0x38;
	[tilespmem:$0x16C00] =	vst v63  }
0x274: {  	s1 =	sadd.s32 s2, s1;
	s20 =	simm.s32 $0x123C0  }
0x275: {  	[hbm4b:s1+s3] =	stream.linear.scatter [tilespmem:s20], [sflag:$0x3], $0x80, $0x38;
	[tilespmem:$0x16C00] =	vst v63  }
0x276: {  	s21 =	sadd.s32 $0x10, s1;
	s26 =	simm.s32 $0x12448  }
0x277: {  	[hbm4b:s21+s3] =	stream.linear.scatter [tilespmem:s26], [sflag:$0x3], $0x80, $0x38;
	[tilespmem:$0x16C00] =	vst v63  }
0x278: {  	s15 =	sadd.s32 $0x20, s1;
	s20 =	simm.s32 $0x124D0  }
0x279: {  	[hbm4b:s15+s3] =	stream.linear.scatter [tilespmem:s20], [sflag:$0x3], $0x80, $0x38;
	[tilespmem:$0x16C00] =	vst v63  }
0x27a: {  	s21 =	sadd.s32 $0x30, s1;
	s26 =	simm.s32 $0x12558  }
0x27b: {  	[hbm4b:s21+s3] =	stream.linear.scatter [tilespmem:s26], [sflag:$0x3], $0x80, $0x38;
	[tilespmem:$0x16C00] =	vst v63  }
0x27c: {  	s15 =	sadd.s32 $0x40, s1;
	s20 =	simm.s32 $0x125E0  }
0x27d: {  	[hbm4b:s15+s3] =	stream.linear.scatter [tilespmem:s20], [sflag:$0x3], $0x80, $0x38;
	[tilespmem:$0x16C00] =	vst v63  }
0x27e: {  	s21 =	sadd.s32 $0x50, s1;
	s26 =	simm.s32 $0x12668  }
0x27f: {  	[hbm4b:s21+s3] =	stream.linear.scatter [tilespmem:s26], [sflag:$0x3], $0x80, $0x38;
	[tilespmem:$0x16C00] =	vst v63  }
0x280: {  	s20 =	sadd.s32 $0x60, s1;
	s21 =	simm.s32 $0x126F0  }
0x281: {  	[hbm4b:s20+s3] =	stream.linear.scatter [tilespmem:s21], [sflag:$0x3], $0x80, $0x38;
	[tilespmem:$0x16C00] =	vst v63  }
0x282: {  	s1 =	sadd.s32 $0x70, s1;
	s26 =	simm.s32 $0x12778  }
0x283: {  	[hbm4b:s1+s3] =	stream.linear.scatter [tilespmem:s26], [sflag:$0x3], $0x80, $0x38;
	[tilespmem:$0x16C00] =	vst v63  }
0x284: {  	_ =	swait.ge [sflag:s13], $0x400  }
0x285: {  	[sflag:s13] =	ssyncset.done $0x0  }
0x286: {  	[sflag:s13] =	ssyncadd.s32 $0xFFFFFC00  }
0x287: {  	_ =	swait.ge [sflag:s13], $0x400  }
0x288: {  	[sflag:s13] =	ssyncset.done $0x0  }
0x289: {  	[sflag:s13] =	ssyncadd.s32 $0xFFFFFC00  }
0x28a: {  	_ =	swait.ge [sflag:s13], $0x400  }
0x28b: {  	[sflag:s13] =	ssyncset.done $0x0  }
0x28c: {  	[sflag:s13] =	ssyncadd.s32 $0xFFFFFC00  }
0x28d: {  	_ =	swait.ge [sflag:s13], $0x400  }
0x28e: {  	[sflag:s13] =	ssyncset.done $0x0  }
0x28f: {  	[sflag:s13] =	ssyncadd.s32 $0xFFFFFC00  }
0x290: {  	_ =	swait.ge [sflag:s13], $0x400  }
0x291: {  	[sflag:s13] =	ssyncset.done $0x0  }
0x292: {  	[sflag:s13] =	ssyncadd.s32 $0xFFFFFC00  }
0x293: {  	_ =	swait.ge [sflag:s13], $0x400  }
0x294: {  	[sflag:s13] =	ssyncset.done $0x0  }
0x295: {  	[sflag:s13] =	ssyncadd.s32 $0xFFFFFC00  }
0x296: {  	_ =	swait.ge [sflag:s13], $0x400  }
0x297: {  	[sflag:s13] =	ssyncset.done $0x0  }
0x298: {  	[sflag:s13] =	ssyncadd.s32 $0xFFFFFC00  }
0x299: {  	_ =	swait.ge [sflag:s13], $0x400  }
0x29a: {  	[sflag:s13] =	ssyncset.done $0x0  }
0x29b: {  	[sflag:s13] =	ssyncadd.s32 $0xFFFFFC00  }
0x29c: {  	_ =	swait.ge [sflag:s13], $0x400  }
0x29d: {  	[sflag:s13] =	ssyncset.done $0x0  }
0x29e: {  	[sflag:s13] =	ssyncadd.s32 $0xFFFFFC00  }
0x29f: {  	_ =	swait.ge [sflag:s13], $0x400  }
0x2a0: {  	[sflag:s13] =	ssyncset.done $0x0  }
0x2a1: {  	[sflag:s13] =	ssyncadd.s32 $0xFFFFFC00  }
0x2a2: {  	_ =	swait.ge [sflag:s13], $0x400  }
0x2a3: {  	[sflag:s13] =	ssyncset.done $0x0  }
0x2a4: {  	[sflag:s13] =	ssyncadd.s32 $0xFFFFFC00  }
0x2a5: {  	_ =	swait.ge [sflag:s13], $0x400  }
0x2a6: {  	[sflag:s13] =	ssyncset.done $0x0  }
0x2a7: {  	[sflag:s13] =	ssyncadd.s32 $0xFFFFFC00  }
0x2a8: {  	_ =	swait.ge [sflag:s13], $0x400  }
0x2a9: {  	[sflag:s13] =	ssyncset.done $0x0  }
0x2aa: {  	[sflag:s13] =	ssyncadd.s32 $0xFFFFFC00  }
0x2ab: {  	_ =	swait.ge [sflag:s13], $0x400  }
0x2ac: {  	[sflag:s13] =	ssyncset.done $0x0  }
0x2ad: {  	[sflag:s13] =	ssyncadd.s32 $0xFFFFFC00  }
0x2ae: {  	_ =	swait.ge [sflag:s13], $0x400  }
0x2af: {  	[sflag:s13] =	ssyncset.done $0x0  }
0x2b0: {  	p0 =	seq.s32 s31, $0x18;
	[sflag:s13] =	ssyncadd.s32 $0xFFFFFC00  }
0x2b1: {  	s1 =	sshll.u32 @!p0 s31, $0xA;
	_ =	swait.ge [sflag:s13], $0x400  }
0x2b2: {  	s15 =	simm.s32 @!p0 $0x80;
	s1 =	sand.u32 @!p0 $0x3FFFFC00, s1;
	[sflag:s13] =	ssyncset.done $0x0  }
0x2b3: {  	s20 =	simm.s32 @!p0 $0x6400;
	s5 =	sadd.s32 @!p0 $0x400, s1;
	[sflag:s13] =	ssyncadd.s32 $0xFFFFFC00  }
0x2b4: {  	[tilespmem:s20], [sflag:$0x1] =	stream.indirect.gather @!p0 [hbm4b:s4+s15], $0x20, s5, s15, $0xb8;
	[tilespmem:$0x16C00] =	vst v63  }
0x2b5: {  	s5 =	sadd.s32 @!p0 $0x480, s1;
	s20 =	simm.s32 @!p0 $0x7400  }
0x2b6: {  	[tilespmem:s20], [sflag:$0x1] =	stream.indirect.gather @!p0 [hbm4b:s4+s15], $0x20, s5, s15, $0xb8;
	[tilespmem:$0x16C00] =	vst v63  }
0x2b7: {  	s5 =	sadd.s32 @!p0 $0x500, s1;
	s20 =	simm.s32 @!p0 $0x8400  }
0x2b8: {  	[tilespmem:s20], [sflag:$0x1] =	stream.indirect.gather @!p0 [hbm4b:s4+s15], $0x20, s5, s15, $0xb8;
	[tilespmem:$0x16C00] =	vst v63  }
0x2b9: {  	s1 =	sadd.s32 @!p0 $0x580, s1;
	s5 =	simm.s32 @!p0 $0x9400  }
0x2ba: {  	[tilespmem:s5], [sflag:$0x1] =	stream.indirect.gather @!p0 [hbm4b:s4+s15], $0x20, s1, s15, $0xb8;
	[tilespmem:$0x16C00] =	vst v63  }
0x2bb: {  	s15 =	simm.s32 $0x0;
	_ =	swait.ge [sflag:s24], $0x1000  }
0x2bc: {  	v2 =	vmov s15;
	[sflag:s24] =	ssyncset.done $0x0  }
0x2bd: {  	s1 =	simm.s32 $0xA440;
	v2 =	vand.u32 $0x7C, v2;
	[sflag:s24] =	ssyncadd.s32 $0xFFFFF000  }
0x2be: {  	v4 =	vadd.s32 v0, v2;
	v3 =	vld [tilespmem:s1+$0xFFFFFFC0];
	_ =	sdelay $0x4  }
0x2bf: {  	[tilespmem:v4+s25+$0x0] =	vst.idx.msk $0xffff, v3  }
0x2c0: {  	v2 =	vadd.s32 v1, v2;
	v3 =	vld [tilespmem:s1+$0xFFFFFFD0];
	_ =	sdelay $0x2  }
0x2c1: {  	s20 =	simm.s32 $0x1  }
0x2c2: {  	v4 =	vmov s20  }
0x2c3: {  	[tilespmem:v2+s25+$0x0] =	vst.idx.msk $0xffff, v3;
	v2 =	vand.u32 $0x7D, v4  }
0x2c4: {  	v3 =	vld [tilespmem:s1+$0xFFFFFFE0];
	v4 =	vadd.s32 v0, v2;
	_ =	sdelay $0x4  }
0x2c5: {  	[tilespmem:v4+s25+$0x0] =	vst.idx.msk $0xffff, v3  }
0x2c6: {  	v2 =	vadd.s32 v1, v2;
	v3 =	vld [tilespmem:s1+$0xFFFFFFF0];
	_ =	sdelay $0x2  }
0x2c7: {  	s21 =	simm.s32 $0x2  }
0x2c8: {  	v4 =	vmov s21  }
0x2c9: {  	[tilespmem:v2+s25+$0x0] =	vst.idx.msk $0xffff, v3;
	v2 =	vand.u32 $0x7E, v4  }
0x2ca: {  	v3 =	vld [tilespmem:s1+$0x0];
	v4 =	vadd.s32 v0, v2;
	_ =	sdelay $0x4  }
0x2cb: {  	[tilespmem:v4+s25+$0x0] =	vst.idx.msk $0xffff, v3  }
0x2cc: {  	v2 =	vadd.s32 v1, v2;
	v3 =	vld [tilespmem:s1+$0x10];
	_ =	sdelay $0x2  }
0x2cd: {  	s26 =	simm.s32 $0x3  }
0x2ce: {  	v4 =	vmov s26  }
0x2cf: {  	[tilespmem:v2+s25+$0x0] =	vst.idx.msk $0xffff, v3;
	v3 =	vand.u32 $0x7F, v4  }
0x2d0: {  	v2 =	vld [tilespmem:s1+$0x20];
	v4 =	vadd.s32 v0, v3;
	_ =	sdelay $0x4  }
0x2d1: {  	[tilespmem:v4+s25+$0x0] =	vst.idx.msk $0xffff, v2  }
0x2d2: {  	v3 =	vadd.s32 v1, v3;
	v2 =	vld [tilespmem:s1+$0x30];
	_ =	sdelay $0x2  }
0x2d3: {  	s15 =	simm.s32 $0x4  }
0x2d4: {  	s20 =	simm.s32 $0x8;
	v4 =	vmov s15  }
.LBB2_11:
0x2d5: {  	p0 =	sne.s32 s20, $0x7C;
	v4 =	vand.u32 $0x7C, v4;
	[tilespmem:v3+s25+$0x0] =	vst.idx.msk $0xffff, v2;
	s1 =	sadd.s32 $0x80, s1  }
0x2d6: {  	v2 =	vld [tilespmem:s1+$0xFFFFFFC0];
	v3 =	vadd.s32 v0, v4;
	_ =	sdelay $0x4  }
0x2d7: {  	[tilespmem:v3+s25+$0x0] =	vst.idx.msk $0xffff, v2  }
0x2d8: {  	v3 =	vadd.s32 v1, v4;
	v2 =	vld [tilespmem:s1+$0xFFFFFFD0];
	_ =	sdelay $0x2  }
0x2d9: {  	s5 =	sadd.s32 $0x1, s15  }
0x2da: {  	v4 =	vmov s5  }
0x2db: {  	[tilespmem:v3+s25+$0x0] =	vst.idx.msk $0xffff, v2;
	v2 =	vand.u32 $0x7D, v4  }
0x2dc: {  	v3 =	vld [tilespmem:s1+$0xFFFFFFE0];
	v4 =	vadd.s32 v0, v2;
	_ =	sdelay $0x4  }
0x2dd: {  	[tilespmem:v4+s25+$0x0] =	vst.idx.msk $0xffff, v3  }
0x2de: {  	v2 =	vadd.s32 v1, v2;
	v3 =	vld [tilespmem:s1+$0xFFFFFFF0];
	_ =	sdelay $0x2  }
0x2df: {  	s5 =	sadd.s32 $0x2, s15  }
0x2e0: {  	v4 =	vmov s5  }
0x2e1: {  	[tilespmem:v2+s25+$0x0] =	vst.idx.msk $0xffff, v3;
	v2 =	vand.u32 $0x7E, v4  }
0x2e2: {  	v3 =	vld [tilespmem:s1+$0x0];
	v4 =	vadd.s32 v0, v2;
	_ =	sdelay $0x4  }
0x2e3: {  	[tilespmem:v4+s25+$0x0] =	vst.idx.msk $0xffff, v3  }
0x2e4: {  	v2 =	vadd.s32 v1, v2;
	v3 =	vld [tilespmem:s1+$0x10];
	_ =	sdelay $0x2  }
0x2e5: {  	s5 =	sadd.s32 $0x3, s15;
	s15 =	smov.u32 s20  }
0x2e6: {  	v4 =	vmov s5  }
0x2e7: {  	[tilespmem:v2+s25+$0x0] =	vst.idx.msk $0xffff, v3;
	v3 =	vand.u32 $0x7F, v4  }
0x2e8: {  	v2 =	vld [tilespmem:s1+$0x20];
	v4 =	vadd.s32 v0, v3;
	_ =	sdelay $0x4  }
0x2e9: {  	[tilespmem:v4+s25+$0x0] =	vst.idx.msk $0xffff, v2  }
.Ltmp4:
0x2ea: {  	v3 =	vadd.s32 v1, v3;
	v2 =	vld [tilespmem:s1+$0x30];
	(pc) =	sbr.rel @p0 .LBB2_11-.Ltmp4, $2  }
0x2eb: {  	_ =	sdelay $0x2  }
0x2ec: {  	s20 =	sadd.s32 $0x4, s20;
	v4 =	vmov s15  }
0x2ed: {  	_ =	sdelay $0x3  }
0x2ee: {  	v4 =	vand.u32 $0x7C, v4;
	[tilespmem:v3+s25+$0x0] =	vst.idx.msk $0xffff, v2;
	s1 =	sadd.s32 $0x80, s1  }
0x2ef: {  	v2 =	vld [tilespmem:s1+$0xFFFFFFC0];
	v3 =	vadd.s32 v0, v4;
	_ =	sdelay $0x4  }
0x2f0: {  	[tilespmem:v3+s25+$0x0] =	vst.idx.msk $0xffff, v2  }
0x2f1: {  	v3 =	vadd.s32 v1, v4;
	v2 =	vld [tilespmem:s1+$0xFFFFFFD0];
	_ =	sdelay $0x2  }
0x2f2: {  	s5 =	sadd.s32 $0x1, s15  }
0x2f3: {  	v4 =	vmov s5  }
0x2f4: {  	[tilespmem:v3+s25+$0x0] =	vst.idx.msk $0xffff, v2;
	v2 =	vand.u32 $0x7D, v4  }
0x2f5: {  	v3 =	vld [tilespmem:s1+$0xFFFFFFE0];
	v4 =	vadd.s32 v0, v2;
	_ =	sdelay $0x4  }
0x2f6: {  	[tilespmem:v4+s25+$0x0] =	vst.idx.msk $0xffff, v3  }
0x2f7: {  	v2 =	vadd.s32 v1, v2;
	v3 =	vld [tilespmem:s1+$0xFFFFFFF0];
	_ =	sdelay $0x2  }
0x2f8: {  	s26 =	sadd.s32 $0x2, s15  }
0x2f9: {  	v4 =	vmov s26  }
0x2fa: {  	[tilespmem:v2+s25+$0x0] =	vst.idx.msk $0xffff, v3;
	v2 =	vand.u32 $0x7E, v4  }
0x2fb: {  	v3 =	vld [tilespmem:s1+$0x0];
	v4 =	vadd.s32 v0, v2;
	_ =	sdelay $0x4  }
0x2fc: {  	[tilespmem:v4+s25+$0x0] =	vst.idx.msk $0xffff, v3  }
0x2fd: {  	v2 =	vadd.s32 v1, v2;
	v3 =	vld [tilespmem:s1+$0x10];
	_ =	sdelay $0x2  }
0x2fe: {  	s15 =	sadd.s32 $0x3, s15  }
0x2ff: {  	v4 =	vmov s15  }
0x300: {  	[tilespmem:v2+s25+$0x0] =	vst.idx.msk $0xffff, v3;
	v2 =	vand.u32 $0x7F, v4  }
0x301: {  	v3 =	vld [tilespmem:s1+$0x20];
	v4 =	vadd.s32 v0, v2;
	_ =	sdelay $0x4  }
0x302: {  	[tilespmem:v4+s25+$0x0] =	vst.idx.msk $0xffff, v3  }
0x303: {  	v2 =	vadd.s32 v1, v2;
	v3 =	vld [tilespmem:s1+$0x30];
	_ =	sdelay $0x1  }
0x304: {  	s0 =	sshll.u32 s0, $0x13  }
0x305: {  	s20 =	sor.u32 s6, s0  }
0x306: {  	s5 =	sshrl.u32 s20, $0x3  }
0x307: {  	s15 =	sadd.s32 s2, s5;
	s1 =	simm.s32 $0x0;
	[tilespmem:v2+s25+$0x0] =	vst.idx.msk $0xffff, v3  }
0x308: {  	[hbm4b:s15+s1] =	stream.linear.scatter [tilespmem:s25], [sflag:$0x4], $0x80, $0x38;
	[tilespmem:$0x16C00] =	vst v63  }
0x309: {  	s21 =	simm.s32 $0x12888;
	s20 =	sadd.s32 $0x10, s15  }
0x30a: {  	[hbm4b:s20+s1] =	stream.linear.scatter [tilespmem:s21], [sflag:$0x4], $0x80, $0x38;
	[tilespmem:$0x16C00] =	vst v63  }
0x30b: {  	s26 =	simm.s32 $0x12910;
	s21 =	sadd.s32 $0x20, s15  }
0x30c: {  	[hbm4b:s21+s1] =	stream.linear.scatter [tilespmem:s26], [sflag:$0x4], $0x80, $0x38;
	[tilespmem:$0x16C00] =	vst v63  }
0x30d: {  	s21 =	sadd.s32 $0x30, s15;
	s26 =	simm.s32 $0x12998  }
0x30e: {  	[hbm4b:s21+s1] =	stream.linear.scatter [tilespmem:s26], [sflag:$0x4], $0x80, $0x38;
	[tilespmem:$0x16C00] =	vst v63  }
0x30f: {  	s21 =	sadd.s32 $0x40, s15;
	s26 =	simm.s32 $0x12A20  }
0x310: {  	[hbm4b:s21+s1] =	stream.linear.scatter [tilespmem:s26], [sflag:$0x4], $0x80, $0x38;
	[tilespmem:$0x16C00] =	vst v63  }
0x311: {  	s21 =	sadd.s32 $0x50, s15;
	s26 =	simm.s32 $0x12AA8  }
0x312: {  	[hbm4b:s21+s1] =	stream.linear.scatter [tilespmem:s26], [sflag:$0x4], $0x80, $0x38;
	[tilespmem:$0x16C00] =	vst v63  }
0x313: {  	s21 =	sadd.s32 $0x60, s15;
	s26 =	simm.s32 $0x12B30  }
0x314: {  	[hbm4b:s21+s1] =	stream.linear.scatter [tilespmem:s26], [sflag:$0x4], $0x80, $0x38;
	[tilespmem:$0x16C00] =	vst v63  }
0x315: {  	s15 =	sadd.s32 $0x70, s15;
	s21 =	simm.s32 $0x12BB8  }
0x316: {  	[hbm4b:s15+s1] =	stream.linear.scatter [tilespmem:s21], [sflag:$0x4], $0x80, $0x38;
	[tilespmem:$0x16C00] =	vst v63  }
0x317: {  	s26 =	simm.s32 $0x12C40;
	s15 =	sadd.s32 s5, s7  }
0x318: {  	[hbm4b:s15+s1] =	stream.linear.scatter [tilespmem:s26], [sflag:$0x4], $0x80, $0x38;
	[tilespmem:$0x16C00] =	vst v63  }
0x319: {  	s21 =	sadd.s32 $0x10, s15;
	s26 =	simm.s32 $0x12CC8  }
0x31a: {  	[hbm4b:s21+s1] =	stream.linear.scatter [tilespmem:s26], [sflag:$0x4], $0x80, $0x38;
	[tilespmem:$0x16C00] =	vst v63  }
0x31b: {  	s21 =	sadd.s32 $0x20, s15;
	s26 =	simm.s32 $0x12D50  }
0x31c: {  	[hbm4b:s21+s1] =	stream.linear.scatter [tilespmem:s26], [sflag:$0x4], $0x80, $0x38;
	[tilespmem:$0x16C00] =	vst v63  }
0x31d: {  	s21 =	sadd.s32 $0x30, s15;
	s26 =	simm.s32 $0x12DD8  }
0x31e: {  	[hbm4b:s21+s1] =	stream.linear.scatter [tilespmem:s26], [sflag:$0x4], $0x80, $0x38;
	[tilespmem:$0x16C00] =	vst v63  }
0x31f: {  	s21 =	sadd.s32 $0x40, s15;
	s26 =	simm.s32 $0x12E60  }
0x320: {  	[hbm4b:s21+s1] =	stream.linear.scatter [tilespmem:s26], [sflag:$0x4], $0x80, $0x38;
	[tilespmem:$0x16C00] =	vst v63  }
0x321: {  	s21 =	sadd.s32 $0x50, s15;
	s26 =	simm.s32 $0x12EE8  }
0x322: {  	[hbm4b:s21+s1] =	stream.linear.scatter [tilespmem:s26], [sflag:$0x4], $0x80, $0x38;
	[tilespmem:$0x16C00] =	vst v63  }
0x323: {  	s21 =	sadd.s32 $0x60, s15;
	s26 =	simm.s32 $0x12F70  }
0x324: {  	[hbm4b:s21+s1] =	stream.linear.scatter [tilespmem:s26], [sflag:$0x4], $0x80, $0x38;
	[tilespmem:$0x16C00] =	vst v63  }
0x325: {  	s15 =	sadd.s32 $0x70, s15;
	s21 =	simm.s32 $0x12FF8  }
0x326: {  	[hbm4b:s15+s1] =	stream.linear.scatter [tilespmem:s21], [sflag:$0x4], $0x80, $0x38;
	[tilespmem:$0x16C00] =	vst v63  }
0x327: {  	s26 =	simm.s32 $0x13080;
	s15 =	sadd.s32 s5, s8  }
0x328: {  	[hbm4b:s15+s1] =	stream.linear.scatter [tilespmem:s26], [sflag:$0x4], $0x80, $0x38;
	[tilespmem:$0x16C00] =	vst v63  }
0x329: {  	s21 =	sadd.s32 $0x10, s15;
	s26 =	simm.s32 $0x13108  }
0x32a: {  	[hbm4b:s21+s1] =	stream.linear.scatter [tilespmem:s26], [sflag:$0x4], $0x80, $0x38;
	[tilespmem:$0x16C00] =	vst v63  }
0x32b: {  	s21 =	sadd.s32 $0x20, s15;
	s26 =	simm.s32 $0x13190  }
0x32c: {  	[hbm4b:s21+s1] =	stream.linear.scatter [tilespmem:s26], [sflag:$0x4], $0x80, $0x38;
	[tilespmem:$0x16C00] =	vst v63  }
0x32d: {  	s21 =	sadd.s32 $0x30, s15;
	s26 =	simm.s32 $0x13218  }
0x32e: {  	[hbm4b:s21+s1] =	stream.linear.scatter [tilespmem:s26], [sflag:$0x4], $0x80, $0x38;
	[tilespmem:$0x16C00] =	vst v63  }
0x32f: {  	s21 =	sadd.s32 $0x40, s15;
	s26 =	simm.s32 $0x132A0  }
0x330: {  	[hbm4b:s21+s1] =	stream.linear.scatter [tilespmem:s26], [sflag:$0x4], $0x80, $0x38;
	[tilespmem:$0x16C00] =	vst v63  }
0x331: {  	s21 =	sadd.s32 $0x50, s15;
	s26 =	simm.s32 $0x13328  }
0x332: {  	[hbm4b:s21+s1] =	stream.linear.scatter [tilespmem:s26], [sflag:$0x4], $0x80, $0x38;
	[tilespmem:$0x16C00] =	vst v63  }
0x333: {  	s21 =	sadd.s32 $0x60, s15;
	s26 =	simm.s32 $0x133B0  }
0x334: {  	[hbm4b:s21+s1] =	stream.linear.scatter [tilespmem:s26], [sflag:$0x4], $0x80, $0x38;
	[tilespmem:$0x16C00] =	vst v63  }
0x335: {  	s15 =	sadd.s32 $0x70, s15;
	s26 =	simm.s32 $0x13438  }
0x336: {  	[hbm4b:s15+s1] =	stream.linear.scatter [tilespmem:s26], [sflag:$0x4], $0x80, $0x38;
	[tilespmem:$0x16C00] =	vst v63  }
0x337: {  	s20 =	simm.s32 $0x134C0;
	s5 =	sadd.s32 s5, s9  }
0x338: {  	[hbm4b:s5+s1] =	stream.linear.scatter [tilespmem:s20], [sflag:$0x4], $0x80, $0x38;
	[tilespmem:$0x16C00] =	vst v63  }
0x339: {  	s21 =	sadd.s32 $0x10, s5;
	s26 =	simm.s32 $0x13548  }
0x33a: {  	[hbm4b:s21+s1] =	stream.linear.scatter [tilespmem:s26], [sflag:$0x4], $0x80, $0x38;
	[tilespmem:$0x16C00] =	vst v63  }
0x33b: {  	s21 =	sadd.s32 $0x20, s5;
	s26 =	simm.s32 $0x135D0  }
0x33c: {  	[hbm4b:s21+s1] =	stream.linear.scatter [tilespmem:s26], [sflag:$0x4], $0x80, $0x38;
	[tilespmem:$0x16C00] =	vst v63  }
0x33d: {  	s21 =	sadd.s32 $0x30, s5;
	s26 =	simm.s32 $0x13658  }
0x33e: {  	[hbm4b:s21+s1] =	stream.linear.scatter [tilespmem:s26], [sflag:$0x4], $0x80, $0x38;
	[tilespmem:$0x16C00] =	vst v63  }
0x33f: {  	s21 =	sadd.s32 $0x40, s5;
	s26 =	simm.s32 $0x136E0  }
0x340: {  	[hbm4b:s21+s1] =	stream.linear.scatter [tilespmem:s26], [sflag:$0x4], $0x80, $0x38;
	[tilespmem:$0x16C00] =	vst v63  }
0x341: {  	s21 =	sadd.s32 $0x50, s5;
	s26 =	simm.s32 $0x13768  }
0x342: {  	[hbm4b:s21+s1] =	stream.linear.scatter [tilespmem:s26], [sflag:$0x4], $0x80, $0x38;
	[tilespmem:$0x16C00] =	vst v63  }
0x343: {  	s20 =	sadd.s32 $0x60, s5;
	s21 =	simm.s32 $0x137F0  }
0x344: {  	[hbm4b:s20+s1] =	stream.linear.scatter [tilespmem:s21], [sflag:$0x4], $0x80, $0x38;
	[tilespmem:$0x16C00] =	vst v63  }
0x345: {  	s5 =	sadd.s32 $0x70, s5;
	s26 =	simm.s32 $0x13878  }
0x346: {  	[hbm4b:s5+s1] =	stream.linear.scatter [tilespmem:s26], [sflag:$0x4], $0x80, $0x38;
	[tilespmem:$0x16C00] =	vst v63  }
0x347: {  	_ =	swait.ge [sflag:s24], $0x1000  }
0x348: {  	v2 =	vmov s1;
	[sflag:s24] =	ssyncset.done $0x0  }
0x349: {  	v2 =	vand.u32 $0x7C, v2;
	s1 =	simm.s32 $0xB440;
	[sflag:s24] =	ssyncadd.s32 $0xFFFFF000  }
0x34a: {  	v4 =	vadd.s32 v0, v2;
	v3 =	vld [tilespmem:s1+$0xFFFFFFC0];
	_ =	sdelay $0x4  }
0x34b: {  	[tilespmem:v4+s18+$0x0] =	vst.idx.msk $0xffff, v3  }
0x34c: {  	v2 =	vadd.s32 v1, v2;
	v3 =	vld [tilespmem:s1+$0xFFFFFFD0];
	_ =	sdelay $0x2  }
0x34d: {  	s20 =	simm.s32 $0x1  }
0x34e: {  	v4 =	vmov s20  }
0x34f: {  	[tilespmem:v2+s18+$0x0] =	vst.idx.msk $0xffff, v3;
	v2 =	vand.u32 $0x7D, v4  }
0x350: {  	v3 =	vld [tilespmem:s1+$0xFFFFFFE0];
	v4 =	vadd.s32 v0, v2;
	_ =	sdelay $0x4  }
0x351: {  	[tilespmem:v4+s18+$0x0] =	vst.idx.msk $0xffff, v3  }
0x352: {  	v2 =	vadd.s32 v1, v2;
	v3 =	vld [tilespmem:s1+$0xFFFFFFF0];
	_ =	sdelay $0x2  }
0x353: {  	s21 =	simm.s32 $0x2  }
0x354: {  	v4 =	vmov s21  }
0x355: {  	[tilespmem:v2+s18+$0x0] =	vst.idx.msk $0xffff, v3;
	v2 =	vand.u32 $0x7E, v4  }
0x356: {  	v3 =	vld [tilespmem:s1+$0x0];
	v4 =	vadd.s32 v0, v2;
	_ =	sdelay $0x4  }
0x357: {  	[tilespmem:v4+s18+$0x0] =	vst.idx.msk $0xffff, v3  }
0x358: {  	v2 =	vadd.s32 v1, v2;
	v3 =	vld [tilespmem:s1+$0x10];
	_ =	sdelay $0x2  }
0x359: {  	s26 =	simm.s32 $0x3  }
0x35a: {  	v4 =	vmov s26  }
0x35b: {  	[tilespmem:v2+s18+$0x0] =	vst.idx.msk $0xffff, v3;
	v3 =	vand.u32 $0x7F, v4  }
0x35c: {  	v2 =	vld [tilespmem:s1+$0x20];
	v4 =	vadd.s32 v0, v3;
	_ =	sdelay $0x4  }
0x35d: {  	[tilespmem:v4+s18+$0x0] =	vst.idx.msk $0xffff, v2  }
0x35e: {  	v3 =	vadd.s32 v1, v3;
	v2 =	vld [tilespmem:s1+$0x30];
	_ =	sdelay $0x2  }
0x35f: {  	s15 =	simm.s32 $0x4  }
0x360: {  	s20 =	simm.s32 $0x8;
	v4 =	vmov s15  }
.LBB2_13:
0x361: {  	p0 =	sne.s32 s20, $0x7C;
	v4 =	vand.u32 $0x7C, v4;
	[tilespmem:v3+s18+$0x0] =	vst.idx.msk $0xffff, v2;
	s1 =	sadd.s32 $0x80, s1  }
0x362: {  	v2 =	vld [tilespmem:s1+$0xFFFFFFC0];
	v3 =	vadd.s32 v0, v4;
	_ =	sdelay $0x4  }
0x363: {  	[tilespmem:v3+s18+$0x0] =	vst.idx.msk $0xffff, v2  }
0x364: {  	v3 =	vadd.s32 v1, v4;
	v2 =	vld [tilespmem:s1+$0xFFFFFFD0];
	_ =	sdelay $0x2  }
0x365: {  	s5 =	sadd.s32 $0x1, s15  }
0x366: {  	v4 =	vmov s5  }
0x367: {  	[tilespmem:v3+s18+$0x0] =	vst.idx.msk $0xffff, v2;
	v2 =	vand.u32 $0x7D, v4  }
0x368: {  	v3 =	vld [tilespmem:s1+$0xFFFFFFE0];
	v4 =	vadd.s32 v0, v2;
	_ =	sdelay $0x4  }
0x369: {  	[tilespmem:v4+s18+$0x0] =	vst.idx.msk $0xffff, v3  }
0x36a: {  	v2 =	vadd.s32 v1, v2;
	v3 =	vld [tilespmem:s1+$0xFFFFFFF0];
	_ =	sdelay $0x2  }
0x36b: {  	s5 =	sadd.s32 $0x2, s15  }
0x36c: {  	v4 =	vmov s5  }
0x36d: {  	[tilespmem:v2+s18+$0x0] =	vst.idx.msk $0xffff, v3;
	v2 =	vand.u32 $0x7E, v4  }
0x36e: {  	v3 =	vld [tilespmem:s1+$0x0];
	v4 =	vadd.s32 v0, v2;
	_ =	sdelay $0x4  }
0x36f: {  	[tilespmem:v4+s18+$0x0] =	vst.idx.msk $0xffff, v3  }
0x370: {  	v2 =	vadd.s32 v1, v2;
	v3 =	vld [tilespmem:s1+$0x10];
	_ =	sdelay $0x2  }
0x371: {  	s5 =	sadd.s32 $0x3, s15;
	s15 =	smov.u32 s20  }
0x372: {  	v4 =	vmov s5  }
0x373: {  	[tilespmem:v2+s18+$0x0] =	vst.idx.msk $0xffff, v3;
	v3 =	vand.u32 $0x7F, v4  }
0x374: {  	v2 =	vld [tilespmem:s1+$0x20];
	v4 =	vadd.s32 v0, v3;
	_ =	sdelay $0x4  }
0x375: {  	[tilespmem:v4+s18+$0x0] =	vst.idx.msk $0xffff, v2  }
.Ltmp5:
0x376: {  	v3 =	vadd.s32 v1, v3;
	v2 =	vld [tilespmem:s1+$0x30];
	(pc) =	sbr.rel @p0 .LBB2_13-.Ltmp5, $2  }
0x377: {  	_ =	sdelay $0x2  }
0x378: {  	s20 =	sadd.s32 $0x4, s20;
	v4 =	vmov s15  }
0x379: {  	_ =	sdelay $0x3  }
0x37a: {  	v4 =	vand.u32 $0x7C, v4;
	[tilespmem:v3+s18+$0x0] =	vst.idx.msk $0xffff, v2;
	s1 =	sadd.s32 $0x80, s1  }
0x37b: {  	v2 =	vld [tilespmem:s1+$0xFFFFFFC0];
	v3 =	vadd.s32 v0, v4;
	_ =	sdelay $0x4  }
0x37c: {  	[tilespmem:v3+s18+$0x0] =	vst.idx.msk $0xffff, v2  }
0x37d: {  	v3 =	vadd.s32 v1, v4;
	v2 =	vld [tilespmem:s1+$0xFFFFFFD0];
	_ =	sdelay $0x2  }
0x37e: {  	s5 =	sadd.s32 $0x1, s15  }
0x37f: {  	v4 =	vmov s5  }
0x380: {  	[tilespmem:v3+s18+$0x0] =	vst.idx.msk $0xffff, v2;
	v2 =	vand.u32 $0x7D, v4  }
0x381: {  	v3 =	vld [tilespmem:s1+$0xFFFFFFE0];
	v4 =	vadd.s32 v0, v2;
	_ =	sdelay $0x4  }
0x382: {  	[tilespmem:v4+s18+$0x0] =	vst.idx.msk $0xffff, v3  }
0x383: {  	v2 =	vadd.s32 v1, v2;
	v3 =	vld [tilespmem:s1+$0xFFFFFFF0];
	_ =	sdelay $0x2  }
0x384: {  	s26 =	sadd.s32 $0x2, s15  }
0x385: {  	v4 =	vmov s26  }
0x386: {  	[tilespmem:v2+s18+$0x0] =	vst.idx.msk $0xffff, v3;
	v2 =	vand.u32 $0x7E, v4  }
0x387: {  	v3 =	vld [tilespmem:s1+$0x0];
	v4 =	vadd.s32 v0, v2;
	_ =	sdelay $0x4  }
0x388: {  	[tilespmem:v4+s18+$0x0] =	vst.idx.msk $0xffff, v3  }
0x389: {  	v2 =	vadd.s32 v1, v2;
	v3 =	vld [tilespmem:s1+$0x10];
	_ =	sdelay $0x2  }
0x38a: {  	s15 =	sadd.s32 $0x3, s15  }
0x38b: {  	v4 =	vmov s15  }
0x38c: {  	[tilespmem:v2+s18+$0x0] =	vst.idx.msk $0xffff, v3;
	v2 =	vand.u32 $0x7F, v4  }
0x38d: {  	v3 =	vld [tilespmem:s1+$0x20];
	v4 =	vadd.s32 v0, v2;
	_ =	sdelay $0x4  }
0x38e: {  	[tilespmem:v4+s18+$0x0] =	vst.idx.msk $0xffff, v3  }
0x38f: {  	v2 =	vadd.s32 v1, v2;
	v3 =	vld [tilespmem:s1+$0x30];
	_ =	sdelay $0x2  }
0x390: {  	s20 =	sor.u32 s10, s0  }
0x391: {  	s5 =	sshrl.u32 s20, $0x3  }
0x392: {  	s15 =	sadd.s32 s2, s5;
	s1 =	simm.s32 $0x0;
	[tilespmem:v2+s18+$0x0] =	vst.idx.msk $0xffff, v3  }
0x393: {  	[hbm4b:s15+s1] =	stream.linear.scatter [tilespmem:s18], [sflag:$0x4], $0x80, $0x38;
	[tilespmem:$0x16C00] =	vst v63  }
0x394: {  	s21 =	simm.s32 $0x13988;
	s20 =	sadd.s32 $0x10, s15  }
0x395: {  	[hbm4b:s20+s1] =	stream.linear.scatter [tilespmem:s21], [sflag:$0x4], $0x80, $0x38;
	[tilespmem:$0x16C00] =	vst v63  }
0x396: {  	s26 =	simm.s32 $0x13A10;
	s21 =	sadd.s32 $0x20, s15  }
0x397: {  	[hbm4b:s21+s1] =	stream.linear.scatter [tilespmem:s26], [sflag:$0x4], $0x80, $0x38;
	[tilespmem:$0x16C00] =	vst v63  }
0x398: {  	s21 =	sadd.s32 $0x30, s15;
	s26 =	simm.s32 $0x13A98  }
0x399: {  	[hbm4b:s21+s1] =	stream.linear.scatter [tilespmem:s26], [sflag:$0x4], $0x80, $0x38;
	[tilespmem:$0x16C00] =	vst v63  }
0x39a: {  	s21 =	sadd.s32 $0x40, s15;
	s26 =	simm.s32 $0x13B20  }
0x39b: {  	[hbm4b:s21+s1] =	stream.linear.scatter [tilespmem:s26], [sflag:$0x4], $0x80, $0x38;
	[tilespmem:$0x16C00] =	vst v63  }
0x39c: {  	s21 =	sadd.s32 $0x50, s15;
	s26 =	simm.s32 $0x13BA8  }
0x39d: {  	[hbm4b:s21+s1] =	stream.linear.scatter [tilespmem:s26], [sflag:$0x4], $0x80, $0x38;
	[tilespmem:$0x16C00] =	vst v63  }
0x39e: {  	s21 =	sadd.s32 $0x60, s15;
	s26 =	simm.s32 $0x13C30  }
0x39f: {  	[hbm4b:s21+s1] =	stream.linear.scatter [tilespmem:s26], [sflag:$0x4], $0x80, $0x38;
	[tilespmem:$0x16C00] =	vst v63  }
0x3a0: {  	s15 =	sadd.s32 $0x70, s15;
	s26 =	simm.s32 $0x13CB8;
	s21 =	sor.u32 $0x4000, s5  }
0x3a1: {  	[hbm4b:s15+s1] =	stream.linear.scatter [tilespmem:s26], [sflag:$0x4], $0x80, $0x38;
	[tilespmem:$0x16C00] =	vst v63  }
0x3a2: {  	s15 =	sadd.s32 s2, s21;
	s26 =	simm.s32 $0x13D40  }
0x3a3: {  	[hbm4b:s15+s1] =	stream.linear.scatter [tilespmem:s26], [sflag:$0x4], $0x80, $0x38;
	[tilespmem:$0x16C00] =	vst v63  }
0x3a4: {  	s21 =	sadd.s32 $0x10, s15;
	s26 =	simm.s32 $0x13DC8  }
0x3a5: {  	[hbm4b:s21+s1] =	stream.linear.scatter [tilespmem:s26], [sflag:$0x4], $0x80, $0x38;
	[tilespmem:$0x16C00] =	vst v63  }
0x3a6: {  	s21 =	sadd.s32 $0x20, s15;
	s26 =	simm.s32 $0x13E50  }
0x3a7: {  	[hbm4b:s21+s1] =	stream.linear.scatter [tilespmem:s26], [sflag:$0x4], $0x80, $0x38;
	[tilespmem:$0x16C00] =	vst v63  }
0x3a8: {  	s21 =	sadd.s32 $0x30, s15;
	s26 =	simm.s32 $0x13ED8  }
0x3a9: {  	[hbm4b:s21+s1] =	stream.linear.scatter [tilespmem:s26], [sflag:$0x4], $0x80, $0x38;
	[tilespmem:$0x16C00] =	vst v63  }
0x3aa: {  	s21 =	sadd.s32 $0x40, s15;
	s26 =	simm.s32 $0x13F60  }
0x3ab: {  	[hbm4b:s21+s1] =	stream.linear.scatter [tilespmem:s26], [sflag:$0x4], $0x80, $0x38;
	[tilespmem:$0x16C00] =	vst v63  }
0x3ac: {  	s21 =	sadd.s32 $0x50, s15;
	s26 =	simm.s32 $0x13FE8  }
0x3ad: {  	[hbm4b:s21+s1] =	stream.linear.scatter [tilespmem:s26], [sflag:$0x4], $0x80, $0x38;
	[tilespmem:$0x16C00] =	vst v63  }
0x3ae: {  	s21 =	sadd.s32 $0x60, s15;
	s26 =	simm.s32 $0x14070  }
0x3af: {  	[hbm4b:s21+s1] =	stream.linear.scatter [tilespmem:s26], [sflag:$0x4], $0x80, $0x38;
	[tilespmem:$0x16C00] =	vst v63  }
0x3b0: {  	s15 =	sadd.s32 $0x70, s15;
	s26 =	simm.s32 $0x140F8;
	s21 =	sor.u32 $0x8000, s5  }
0x3b1: {  	[hbm4b:s15+s1] =	stream.linear.scatter [tilespmem:s26], [sflag:$0x4], $0x80, $0x38;
	[tilespmem:$0x16C00] =	vst v63  }
0x3b2: {  	s15 =	sadd.s32 s2, s21;
	s26 =	simm.s32 $0x14180  }
0x3b3: {  	[hbm4b:s15+s1] =	stream.linear.scatter [tilespmem:s26], [sflag:$0x4], $0x80, $0x38;
	[tilespmem:$0x16C00] =	vst v63  }
0x3b4: {  	s21 =	sadd.s32 $0x10, s15;
	s26 =	simm.s32 $0x14208  }
0x3b5: {  	[hbm4b:s21+s1] =	stream.linear.scatter [tilespmem:s26], [sflag:$0x4], $0x80, $0x38;
	[tilespmem:$0x16C00] =	vst v63  }
0x3b6: {  	s21 =	sadd.s32 $0x20, s15;
	s26 =	simm.s32 $0x14290  }
0x3b7: {  	[hbm4b:s21+s1] =	stream.linear.scatter [tilespmem:s26], [sflag:$0x4], $0x80, $0x38;
	[tilespmem:$0x16C00] =	vst v63  }
0x3b8: {  	s21 =	sadd.s32 $0x30, s15;
	s26 =	simm.s32 $0x14318  }
0x3b9: {  	[hbm4b:s21+s1] =	stream.linear.scatter [tilespmem:s26], [sflag:$0x4], $0x80, $0x38;
	[tilespmem:$0x16C00] =	vst v63  }
0x3ba: {  	s21 =	sadd.s32 $0x40, s15;
	s26 =	simm.s32 $0x143A0  }
0x3bb: {  	[hbm4b:s21+s1] =	stream.linear.scatter [tilespmem:s26], [sflag:$0x4], $0x80, $0x38;
	[tilespmem:$0x16C00] =	vst v63  }
0x3bc: {  	s21 =	sadd.s32 $0x50, s15;
	s26 =	simm.s32 $0x14428  }
0x3bd: {  	[hbm4b:s21+s1] =	stream.linear.scatter [tilespmem:s26], [sflag:$0x4], $0x80, $0x38;
	[tilespmem:$0x16C00] =	vst v63  }
0x3be: {  	s21 =	sadd.s32 $0x60, s15;
	s26 =	simm.s32 $0x144B0  }
0x3bf: {  	[hbm4b:s21+s1] =	stream.linear.scatter [tilespmem:s26], [sflag:$0x4], $0x80, $0x38;
	[tilespmem:$0x16C00] =	vst v63  }
0x3c0: {  	s5 =	sor.u32 $0xC000, s5;
	s15 =	sadd.s32 $0x70, s15;
	s26 =	simm.s32 $0x14538  }
0x3c1: {  	[hbm4b:s15+s1] =	stream.linear.scatter [tilespmem:s26], [sflag:$0x4], $0x80, $0x38;
	[tilespmem:$0x16C00] =	vst v63  }
0x3c2: {  	s20 =	simm.s32 $0x145C0;
	s5 =	sadd.s32 s2, s5  }
0x3c3: {  	[hbm4b:s5+s1] =	stream.linear.scatter [tilespmem:s20], [sflag:$0x4], $0x80, $0x38;
	[tilespmem:$0x16C00] =	vst v63  }
0x3c4: {  	s21 =	sadd.s32 $0x10, s5;
	s26 =	simm.s32 $0x14648  }
0x3c5: {  	[hbm4b:s21+s1] =	stream.linear.scatter [tilespmem:s26], [sflag:$0x4], $0x80, $0x38;
	[tilespmem:$0x16C00] =	vst v63  }
0x3c6: {  	s21 =	sadd.s32 $0x20, s5;
	s26 =	simm.s32 $0x146D0  }
0x3c7: {  	[hbm4b:s21+s1] =	stream.linear.scatter [tilespmem:s26], [sflag:$0x4], $0x80, $0x38;
	[tilespmem:$0x16C00] =	vst v63  }
0x3c8: {  	s21 =	sadd.s32 $0x30, s5;
	s26 =	simm.s32 $0x14758  }
0x3c9: {  	[hbm4b:s21+s1] =	stream.linear.scatter [tilespmem:s26], [sflag:$0x4], $0x80, $0x38;
	[tilespmem:$0x16C00] =	vst v63  }
0x3ca: {  	s21 =	sadd.s32 $0x40, s5;
	s26 =	simm.s32 $0x147E0  }
0x3cb: {  	[hbm4b:s21+s1] =	stream.linear.scatter [tilespmem:s26], [sflag:$0x4], $0x80, $0x38;
	[tilespmem:$0x16C00] =	vst v63  }
0x3cc: {  	s21 =	sadd.s32 $0x50, s5;
	s26 =	simm.s32 $0x14868  }
0x3cd: {  	[hbm4b:s21+s1] =	stream.linear.scatter [tilespmem:s26], [sflag:$0x4], $0x80, $0x38;
	[tilespmem:$0x16C00] =	vst v63  }
0x3ce: {  	s20 =	sadd.s32 $0x60, s5;
	s21 =	simm.s32 $0x148F0  }
0x3cf: {  	[hbm4b:s20+s1] =	stream.linear.scatter [tilespmem:s21], [sflag:$0x4], $0x80, $0x38;
	[tilespmem:$0x16C00] =	vst v63  }
0x3d0: {  	s5 =	sadd.s32 $0x70, s5;
	s26 =	simm.s32 $0x14978  }
0x3d1: {  	[hbm4b:s5+s1] =	stream.linear.scatter [tilespmem:s26], [sflag:$0x4], $0x80, $0x38;
	[tilespmem:$0x16C00] =	vst v63  }
0x3d2: {  	_ =	swait.ge [sflag:s24], $0x1000  }
0x3d3: {  	v2 =	vmov s1;
	[sflag:s24] =	ssyncset.done $0x0  }
0x3d4: {  	v2 =	vand.u32 $0x7C, v2;
	s1 =	simm.s32 $0xC440;
	[sflag:s24] =	ssyncadd.s32 $0xFFFFF000  }
0x3d5: {  	v4 =	vadd.s32 v0, v2;
	v3 =	vld [tilespmem:s1+$0xFFFFFFC0];
	_ =	sdelay $0x4  }
0x3d6: {  	[tilespmem:v4+s14+$0x0] =	vst.idx.msk $0xffff, v3  }
0x3d7: {  	v2 =	vadd.s32 v1, v2;
	v3 =	vld [tilespmem:s1+$0xFFFFFFD0];
	_ =	sdelay $0x2  }
0x3d8: {  	s20 =	simm.s32 $0x1  }
0x3d9: {  	v4 =	vmov s20  }
0x3da: {  	[tilespmem:v2+s14+$0x0] =	vst.idx.msk $0xffff, v3;
	v2 =	vand.u32 $0x7D, v4  }
0x3db: {  	v3 =	vld [tilespmem:s1+$0xFFFFFFE0];
	v4 =	vadd.s32 v0, v2;
	_ =	sdelay $0x4  }
0x3dc: {  	[tilespmem:v4+s14+$0x0] =	vst.idx.msk $0xffff, v3  }
0x3dd: {  	v2 =	vadd.s32 v1, v2;
	v3 =	vld [tilespmem:s1+$0xFFFFFFF0];
	_ =	sdelay $0x2  }
0x3de: {  	s21 =	simm.s32 $0x2  }
0x3df: {  	v4 =	vmov s21  }
0x3e0: {  	[tilespmem:v2+s14+$0x0] =	vst.idx.msk $0xffff, v3;
	v2 =	vand.u32 $0x7E, v4  }
0x3e1: {  	v3 =	vld [tilespmem:s1+$0x0];
	v4 =	vadd.s32 v0, v2;
	_ =	sdelay $0x4  }
0x3e2: {  	[tilespmem:v4+s14+$0x0] =	vst.idx.msk $0xffff, v3  }
0x3e3: {  	v2 =	vadd.s32 v1, v2;
	v3 =	vld [tilespmem:s1+$0x10];
	_ =	sdelay $0x2  }
0x3e4: {  	s26 =	simm.s32 $0x3  }
0x3e5: {  	v4 =	vmov s26  }
0x3e6: {  	[tilespmem:v2+s14+$0x0] =	vst.idx.msk $0xffff, v3;
	v3 =	vand.u32 $0x7F, v4  }
0x3e7: {  	v2 =	vld [tilespmem:s1+$0x20];
	v4 =	vadd.s32 v0, v3;
	_ =	sdelay $0x4  }
0x3e8: {  	[tilespmem:v4+s14+$0x0] =	vst.idx.msk $0xffff, v2  }
0x3e9: {  	v3 =	vadd.s32 v1, v3;
	v2 =	vld [tilespmem:s1+$0x30];
	_ =	sdelay $0x2  }
0x3ea: {  	s15 =	simm.s32 $0x4  }
0x3eb: {  	s20 =	simm.s32 $0x8;
	v4 =	vmov s15  }
.LBB2_15:
0x3ec: {  	p0 =	sne.s32 s20, $0x7C;
	v4 =	vand.u32 $0x7C, v4;
	[tilespmem:v3+s14+$0x0] =	vst.idx.msk $0xffff, v2;
	s1 =	sadd.s32 $0x80, s1  }
0x3ed: {  	v2 =	vld [tilespmem:s1+$0xFFFFFFC0];
	v3 =	vadd.s32 v0, v4;
	_ =	sdelay $0x4  }
0x3ee: {  	[tilespmem:v3+s14+$0x0] =	vst.idx.msk $0xffff, v2  }
0x3ef: {  	v3 =	vadd.s32 v1, v4;
	v2 =	vld [tilespmem:s1+$0xFFFFFFD0];
	_ =	sdelay $0x2  }
0x3f0: {  	s5 =	sadd.s32 $0x1, s15  }
0x3f1: {  	v4 =	vmov s5  }
0x3f2: {  	[tilespmem:v3+s14+$0x0] =	vst.idx.msk $0xffff, v2;
	v2 =	vand.u32 $0x7D, v4  }
0x3f3: {  	v3 =	vld [tilespmem:s1+$0xFFFFFFE0];
	v4 =	vadd.s32 v0, v2;
	_ =	sdelay $0x4  }
0x3f4: {  	[tilespmem:v4+s14+$0x0] =	vst.idx.msk $0xffff, v3  }
0x3f5: {  	v2 =	vadd.s32 v1, v2;
	v3 =	vld [tilespmem:s1+$0xFFFFFFF0];
	_ =	sdelay $0x2  }
0x3f6: {  	s5 =	sadd.s32 $0x2, s15  }
0x3f7: {  	v4 =	vmov s5  }
0x3f8: {  	[tilespmem:v2+s14+$0x0] =	vst.idx.msk $0xffff, v3;
	v2 =	vand.u32 $0x7E, v4  }
0x3f9: {  	v3 =	vld [tilespmem:s1+$0x0];
	v4 =	vadd.s32 v0, v2;
	_ =	sdelay $0x4  }
0x3fa: {  	[tilespmem:v4+s14+$0x0] =	vst.idx.msk $0xffff, v3  }
0x3fb: {  	v2 =	vadd.s32 v1, v2;
	v3 =	vld [tilespmem:s1+$0x10];
	_ =	sdelay $0x2  }
0x3fc: {  	s5 =	sadd.s32 $0x3, s15;
	s15 =	smov.u32 s20  }
0x3fd: {  	v4 =	vmov s5  }
0x3fe: {  	[tilespmem:v2+s14+$0x0] =	vst.idx.msk $0xffff, v3;
	v3 =	vand.u32 $0x7F, v4  }
0x3ff: {  	v2 =	vld [tilespmem:s1+$0x20];
	v4 =	vadd.s32 v0, v3;
	_ =	sdelay $0x4  }
0x400: {  	[tilespmem:v4+s14+$0x0] =	vst.idx.msk $0xffff, v2  }
.Ltmp6:
0x401: {  	v3 =	vadd.s32 v1, v3;
	v2 =	vld [tilespmem:s1+$0x30];
	(pc) =	sbr.rel @p0 .LBB2_15-.Ltmp6, $2  }
0x402: {  	_ =	sdelay $0x2  }
0x403: {  	s20 =	sadd.s32 $0x4, s20;
	v4 =	vmov s15  }
0x404: {  	_ =	sdelay $0x3  }
0x405: {  	v4 =	vand.u32 $0x7C, v4;
	[tilespmem:v3+s14+$0x0] =	vst.idx.msk $0xffff, v2;
	s1 =	sadd.s32 $0x80, s1  }
0x406: {  	v2 =	vld [tilespmem:s1+$0xFFFFFFC0];
	v3 =	vadd.s32 v0, v4;
	_ =	sdelay $0x4  }
0x407: {  	[tilespmem:v3+s14+$0x0] =	vst.idx.msk $0xffff, v2  }
0x408: {  	v3 =	vadd.s32 v1, v4;
	v2 =	vld [tilespmem:s1+$0xFFFFFFD0];
	_ =	sdelay $0x2  }
0x409: {  	s5 =	sadd.s32 $0x1, s15  }
0x40a: {  	v4 =	vmov s5  }
0x40b: {  	[tilespmem:v3+s14+$0x0] =	vst.idx.msk $0xffff, v2;
	v2 =	vand.u32 $0x7D, v4  }
0x40c: {  	v3 =	vld [tilespmem:s1+$0xFFFFFFE0];
	v4 =	vadd.s32 v0, v2;
	_ =	sdelay $0x4  }
0x40d: {  	[tilespmem:v4+s14+$0x0] =	vst.idx.msk $0xffff, v3  }
0x40e: {  	v2 =	vadd.s32 v1, v2;
	v3 =	vld [tilespmem:s1+$0xFFFFFFF0];
	_ =	sdelay $0x2  }
0x40f: {  	s26 =	sadd.s32 $0x2, s15  }
0x410: {  	v4 =	vmov s26  }
0x411: {  	[tilespmem:v2+s14+$0x0] =	vst.idx.msk $0xffff, v3;
	v2 =	vand.u32 $0x7E, v4  }
0x412: {  	v3 =	vld [tilespmem:s1+$0x0];
	v4 =	vadd.s32 v0, v2;
	_ =	sdelay $0x4  }
0x413: {  	[tilespmem:v4+s14+$0x0] =	vst.idx.msk $0xffff, v3  }
0x414: {  	v2 =	vadd.s32 v1, v2;
	v3 =	vld [tilespmem:s1+$0x10];
	_ =	sdelay $0x2  }
0x415: {  	s15 =	sadd.s32 $0x3, s15  }
0x416: {  	v4 =	vmov s15  }
0x417: {  	[tilespmem:v2+s14+$0x0] =	vst.idx.msk $0xffff, v3;
	v2 =	vand.u32 $0x7F, v4  }
0x418: {  	v3 =	vld [tilespmem:s1+$0x20];
	v4 =	vadd.s32 v0, v2;
	_ =	sdelay $0x4  }
0x419: {  	[tilespmem:v4+s14+$0x0] =	vst.idx.msk $0xffff, v3  }
0x41a: {  	v2 =	vadd.s32 v1, v2;
	v3 =	vld [tilespmem:s1+$0x30];
	_ =	sdelay $0x2  }
0x41b: {  	s20 =	sor.u32 s11, s0  }
0x41c: {  	s5 =	sshrl.u32 s20, $0x3  }
0x41d: {  	s15 =	sadd.s32 s2, s5;
	s1 =	simm.s32 $0x0;
	[tilespmem:v2+s14+$0x0] =	vst.idx.msk $0xffff, v3  }
0x41e: {  	[hbm4b:s15+s1] =	stream.linear.scatter [tilespmem:s14], [sflag:$0x4], $0x80, $0x38;
	[tilespmem:$0x16C00] =	vst v63  }
0x41f: {  	s21 =	simm.s32 $0x14A88;
	s20 =	sadd.s32 $0x10, s15  }
0x420: {  	[hbm4b:s20+s1] =	stream.linear.scatter [tilespmem:s21], [sflag:$0x4], $0x80, $0x38;
	[tilespmem:$0x16C00] =	vst v63  }
0x421: {  	s26 =	simm.s32 $0x14B10;
	s21 =	sadd.s32 $0x20, s15  }
0x422: {  	[hbm4b:s21+s1] =	stream.linear.scatter [tilespmem:s26], [sflag:$0x4], $0x80, $0x38;
	[tilespmem:$0x16C00] =	vst v63  }
0x423: {  	s21 =	sadd.s32 $0x30, s15;
	s26 =	simm.s32 $0x14B98  }
0x424: {  	[hbm4b:s21+s1] =	stream.linear.scatter [tilespmem:s26], [sflag:$0x4], $0x80, $0x38;
	[tilespmem:$0x16C00] =	vst v63  }
0x425: {  	s21 =	sadd.s32 $0x40, s15;
	s26 =	simm.s32 $0x14C20  }
0x426: {  	[hbm4b:s21+s1] =	stream.linear.scatter [tilespmem:s26], [sflag:$0x4], $0x80, $0x38;
	[tilespmem:$0x16C00] =	vst v63  }
0x427: {  	s21 =	sadd.s32 $0x50, s15;
	s26 =	simm.s32 $0x14CA8  }
0x428: {  	[hbm4b:s21+s1] =	stream.linear.scatter [tilespmem:s26], [sflag:$0x4], $0x80, $0x38;
	[tilespmem:$0x16C00] =	vst v63  }
0x429: {  	s21 =	sadd.s32 $0x60, s15;
	s26 =	simm.s32 $0x14D30  }
0x42a: {  	[hbm4b:s21+s1] =	stream.linear.scatter [tilespmem:s26], [sflag:$0x4], $0x80, $0x38;
	[tilespmem:$0x16C00] =	vst v63  }
0x42b: {  	s15 =	sadd.s32 $0x70, s15;
	s26 =	simm.s32 $0x14DB8;
	s21 =	sor.u32 $0x4000, s5  }
0x42c: {  	[hbm4b:s15+s1] =	stream.linear.scatter [tilespmem:s26], [sflag:$0x4], $0x80, $0x38;
	[tilespmem:$0x16C00] =	vst v63  }
0x42d: {  	s15 =	sadd.s32 s2, s21;
	s26 =	simm.s32 $0x14E40  }
0x42e: {  	[hbm4b:s15+s1] =	stream.linear.scatter [tilespmem:s26], [sflag:$0x4], $0x80, $0x38;
	[tilespmem:$0x16C00] =	vst v63  }
0x42f: {  	s21 =	sadd.s32 $0x10, s15;
	s26 =	simm.s32 $0x14EC8  }
0x430: {  	[hbm4b:s21+s1] =	stream.linear.scatter [tilespmem:s26], [sflag:$0x4], $0x80, $0x38;
	[tilespmem:$0x16C00] =	vst v63  }
0x431: {  	s21 =	sadd.s32 $0x20, s15;
	s26 =	simm.s32 $0x14F50  }
0x432: {  	[hbm4b:s21+s1] =	stream.linear.scatter [tilespmem:s26], [sflag:$0x4], $0x80, $0x38;
	[tilespmem:$0x16C00] =	vst v63  }
0x433: {  	s21 =	sadd.s32 $0x30, s15;
	s26 =	simm.s32 $0x14FD8  }
0x434: {  	[hbm4b:s21+s1] =	stream.linear.scatter [tilespmem:s26], [sflag:$0x4], $0x80, $0x38;
	[tilespmem:$0x16C00] =	vst v63  }
0x435: {  	s21 =	sadd.s32 $0x40, s15;
	s26 =	simm.s32 $0x15060  }
0x436: {  	[hbm4b:s21+s1] =	stream.linear.scatter [tilespmem:s26], [sflag:$0x4], $0x80, $0x38;
	[tilespmem:$0x16C00] =	vst v63  }
0x437: {  	s21 =	sadd.s32 $0x50, s15;
	s26 =	simm.s32 $0x150E8  }
0x438: {  	[hbm4b:s21+s1] =	stream.linear.scatter [tilespmem:s26], [sflag:$0x4], $0x80, $0x38;
	[tilespmem:$0x16C00] =	vst v63  }
0x439: {  	s21 =	sadd.s32 $0x60, s15;
	s26 =	simm.s32 $0x15170  }
0x43a: {  	[hbm4b:s21+s1] =	stream.linear.scatter [tilespmem:s26], [sflag:$0x4], $0x80, $0x38;
	[tilespmem:$0x16C00] =	vst v63  }
0x43b: {  	s15 =	sadd.s32 $0x70, s15;
	s26 =	simm.s32 $0x151F8;
	s21 =	sor.u32 $0x8000, s5  }
0x43c: {  	[hbm4b:s15+s1] =	stream.linear.scatter [tilespmem:s26], [sflag:$0x4], $0x80, $0x38;
	[tilespmem:$0x16C00] =	vst v63  }
0x43d: {  	s15 =	sadd.s32 s2, s21;
	s26 =	simm.s32 $0x15280  }
0x43e: {  	[hbm4b:s15+s1] =	stream.linear.scatter [tilespmem:s26], [sflag:$0x4], $0x80, $0x38;
	[tilespmem:$0x16C00] =	vst v63  }
0x43f: {  	s21 =	sadd.s32 $0x10, s15;
	s26 =	simm.s32 $0x15308  }
0x440: {  	[hbm4b:s21+s1] =	stream.linear.scatter [tilespmem:s26], [sflag:$0x4], $0x80, $0x38;
	[tilespmem:$0x16C00] =	vst v63  }
0x441: {  	s21 =	sadd.s32 $0x20, s15;
	s26 =	simm.s32 $0x15390  }
0x442: {  	[hbm4b:s21+s1] =	stream.linear.scatter [tilespmem:s26], [sflag:$0x4], $0x80, $0x38;
	[tilespmem:$0x16C00] =	vst v63  }
0x443: {  	s21 =	sadd.s32 $0x30, s15;
	s26 =	simm.s32 $0x15418  }
0x444: {  	[hbm4b:s21+s1] =	stream.linear.scatter [tilespmem:s26], [sflag:$0x4], $0x80, $0x38;
	[tilespmem:$0x16C00] =	vst v63  }
0x445: {  	s21 =	sadd.s32 $0x40, s15;
	s26 =	simm.s32 $0x154A0  }
0x446: {  	[hbm4b:s21+s1] =	stream.linear.scatter [tilespmem:s26], [sflag:$0x4], $0x80, $0x38;
	[tilespmem:$0x16C00] =	vst v63  }
0x447: {  	s21 =	sadd.s32 $0x50, s15;
	s26 =	simm.s32 $0x15528  }
0x448: {  	[hbm4b:s21+s1] =	stream.linear.scatter [tilespmem:s26], [sflag:$0x4], $0x80, $0x38;
	[tilespmem:$0x16C00] =	vst v63  }
0x449: {  	s21 =	sadd.s32 $0x60, s15;
	s26 =	simm.s32 $0x155B0  }
0x44a: {  	[hbm4b:s21+s1] =	stream.linear.scatter [tilespmem:s26], [sflag:$0x4], $0x80, $0x38;
	[tilespmem:$0x16C00] =	vst v63  }
0x44b: {  	s5 =	sor.u32 $0xC000, s5;
	s15 =	sadd.s32 $0x70, s15;
	s26 =	simm.s32 $0x15638  }
0x44c: {  	[hbm4b:s15+s1] =	stream.linear.scatter [tilespmem:s26], [sflag:$0x4], $0x80, $0x38;
	[tilespmem:$0x16C00] =	vst v63  }
0x44d: {  	s20 =	simm.s32 $0x156C0;
	s5 =	sadd.s32 s2, s5  }
0x44e: {  	[hbm4b:s5+s1] =	stream.linear.scatter [tilespmem:s20], [sflag:$0x4], $0x80, $0x38;
	[tilespmem:$0x16C00] =	vst v63  }
0x44f: {  	s21 =	sadd.s32 $0x10, s5;
	s26 =	simm.s32 $0x15748  }
0x450: {  	[hbm4b:s21+s1] =	stream.linear.scatter [tilespmem:s26], [sflag:$0x4], $0x80, $0x38;
	[tilespmem:$0x16C00] =	vst v63  }
0x451: {  	s21 =	sadd.s32 $0x20, s5;
	s26 =	simm.s32 $0x157D0  }
0x452: {  	[hbm4b:s21+s1] =	stream.linear.scatter [tilespmem:s26], [sflag:$0x4], $0x80, $0x38;
	[tilespmem:$0x16C00] =	vst v63  }
0x453: {  	s21 =	sadd.s32 $0x30, s5;
	s26 =	simm.s32 $0x15858  }
0x454: {  	[hbm4b:s21+s1] =	stream.linear.scatter [tilespmem:s26], [sflag:$0x4], $0x80, $0x38;
	[tilespmem:$0x16C00] =	vst v63  }
0x455: {  	s21 =	sadd.s32 $0x40, s5;
	s26 =	simm.s32 $0x158E0  }
0x456: {  	[hbm4b:s21+s1] =	stream.linear.scatter [tilespmem:s26], [sflag:$0x4], $0x80, $0x38;
	[tilespmem:$0x16C00] =	vst v63  }
0x457: {  	s21 =	sadd.s32 $0x50, s5;
	s26 =	simm.s32 $0x15968  }
0x458: {  	[hbm4b:s21+s1] =	stream.linear.scatter [tilespmem:s26], [sflag:$0x4], $0x80, $0x38;
	[tilespmem:$0x16C00] =	vst v63  }
0x459: {  	s20 =	sadd.s32 $0x60, s5;
	s21 =	simm.s32 $0x159F0  }
0x45a: {  	[hbm4b:s20+s1] =	stream.linear.scatter [tilespmem:s21], [sflag:$0x4], $0x80, $0x38;
	[tilespmem:$0x16C00] =	vst v63  }
0x45b: {  	s5 =	sadd.s32 $0x70, s5;
	s26 =	simm.s32 $0x15A78  }
0x45c: {  	[hbm4b:s5+s1] =	stream.linear.scatter [tilespmem:s26], [sflag:$0x4], $0x80, $0x38;
	[tilespmem:$0x16C00] =	vst v63  }
0x45d: {  	_ =	swait.ge [sflag:s24], $0x1000  }
0x45e: {  	v2 =	vmov s1;
	[sflag:s24] =	ssyncset.done $0x0  }
0x45f: {  	v2 =	vand.u32 $0x7C, v2;
	s1 =	simm.s32 $0xD440;
	[sflag:s24] =	ssyncadd.s32 $0xFFFFF000  }
0x460: {  	v4 =	vadd.s32 v0, v2;
	v3 =	vld [tilespmem:s1+$0xFFFFFFC0];
	_ =	sdelay $0x4  }
0x461: {  	[tilespmem:v4+s19+$0x0] =	vst.idx.msk $0xffff, v3  }
0x462: {  	v2 =	vadd.s32 v1, v2;
	v3 =	vld [tilespmem:s1+$0xFFFFFFD0];
	_ =	sdelay $0x2  }
0x463: {  	s20 =	simm.s32 $0x1  }
0x464: {  	v4 =	vmov s20  }
0x465: {  	[tilespmem:v2+s19+$0x0] =	vst.idx.msk $0xffff, v3;
	v2 =	vand.u32 $0x7D, v4  }
0x466: {  	v3 =	vld [tilespmem:s1+$0xFFFFFFE0];
	v4 =	vadd.s32 v0, v2;
	_ =	sdelay $0x4  }
0x467: {  	[tilespmem:v4+s19+$0x0] =	vst.idx.msk $0xffff, v3  }
0x468: {  	v2 =	vadd.s32 v1, v2;
	v3 =	vld [tilespmem:s1+$0xFFFFFFF0];
	_ =	sdelay $0x2  }
0x469: {  	s21 =	simm.s32 $0x2  }
0x46a: {  	v4 =	vmov s21  }
0x46b: {  	[tilespmem:v2+s19+$0x0] =	vst.idx.msk $0xffff, v3;
	v2 =	vand.u32 $0x7E, v4  }
0x46c: {  	v3 =	vld [tilespmem:s1+$0x0];
	v4 =	vadd.s32 v0, v2;
	_ =	sdelay $0x4  }
0x46d: {  	[tilespmem:v4+s19+$0x0] =	vst.idx.msk $0xffff, v3  }
0x46e: {  	v2 =	vadd.s32 v1, v2;
	v3 =	vld [tilespmem:s1+$0x10];
	_ =	sdelay $0x2  }
0x46f: {  	s26 =	simm.s32 $0x3  }
0x470: {  	v4 =	vmov s26  }
0x471: {  	[tilespmem:v2+s19+$0x0] =	vst.idx.msk $0xffff, v3;
	v3 =	vand.u32 $0x7F, v4  }
0x472: {  	v2 =	vld [tilespmem:s1+$0x20];
	v4 =	vadd.s32 v0, v3;
	_ =	sdelay $0x4  }
0x473: {  	[tilespmem:v4+s19+$0x0] =	vst.idx.msk $0xffff, v2  }
0x474: {  	v3 =	vadd.s32 v1, v3;
	v2 =	vld [tilespmem:s1+$0x30];
	_ =	sdelay $0x2  }
0x475: {  	s15 =	simm.s32 $0x4  }
0x476: {  	s20 =	simm.s32 $0x8;
	v4 =	vmov s15  }
.LBB2_17:
0x477: {  	p0 =	sne.s32 s20, $0x7C;
	v4 =	vand.u32 $0x7C, v4;
	[tilespmem:v3+s19+$0x0] =	vst.idx.msk $0xffff, v2;
	s1 =	sadd.s32 $0x80, s1  }
0x478: {  	v2 =	vld [tilespmem:s1+$0xFFFFFFC0];
	v3 =	vadd.s32 v0, v4;
	_ =	sdelay $0x4  }
0x479: {  	[tilespmem:v3+s19+$0x0] =	vst.idx.msk $0xffff, v2  }
0x47a: {  	v3 =	vadd.s32 v1, v4;
	v2 =	vld [tilespmem:s1+$0xFFFFFFD0];
	_ =	sdelay $0x2  }
0x47b: {  	s5 =	sadd.s32 $0x1, s15  }
0x47c: {  	v4 =	vmov s5  }
0x47d: {  	[tilespmem:v3+s19+$0x0] =	vst.idx.msk $0xffff, v2;
	v2 =	vand.u32 $0x7D, v4  }
0x47e: {  	v3 =	vld [tilespmem:s1+$0xFFFFFFE0];
	v4 =	vadd.s32 v0, v2;
	_ =	sdelay $0x4  }
0x47f: {  	[tilespmem:v4+s19+$0x0] =	vst.idx.msk $0xffff, v3  }
0x480: {  	v2 =	vadd.s32 v1, v2;
	v3 =	vld [tilespmem:s1+$0xFFFFFFF0];
	_ =	sdelay $0x2  }
0x481: {  	s5 =	sadd.s32 $0x2, s15  }
0x482: {  	v4 =	vmov s5  }
0x483: {  	[tilespmem:v2+s19+$0x0] =	vst.idx.msk $0xffff, v3;
	v2 =	vand.u32 $0x7E, v4  }
0x484: {  	v3 =	vld [tilespmem:s1+$0x0];
	v4 =	vadd.s32 v0, v2;
	_ =	sdelay $0x4  }
0x485: {  	[tilespmem:v4+s19+$0x0] =	vst.idx.msk $0xffff, v3  }
0x486: {  	v2 =	vadd.s32 v1, v2;
	v3 =	vld [tilespmem:s1+$0x10];
	_ =	sdelay $0x2  }
0x487: {  	s5 =	sadd.s32 $0x3, s15;
	s15 =	smov.u32 s20  }
0x488: {  	v4 =	vmov s5  }
0x489: {  	[tilespmem:v2+s19+$0x0] =	vst.idx.msk $0xffff, v3;
	v3 =	vand.u32 $0x7F, v4  }
0x48a: {  	v2 =	vld [tilespmem:s1+$0x20];
	v4 =	vadd.s32 v0, v3;
	_ =	sdelay $0x4  }
0x48b: {  	[tilespmem:v4+s19+$0x0] =	vst.idx.msk $0xffff, v2  }
.Ltmp7:
0x48c: {  	v3 =	vadd.s32 v1, v3;
	v2 =	vld [tilespmem:s1+$0x30];
	(pc) =	sbr.rel @p0 .LBB2_17-.Ltmp7, $2  }
0x48d: {  	_ =	sdelay $0x2  }
0x48e: {  	s20 =	sadd.s32 $0x4, s20;
	v4 =	vmov s15  }
0x48f: {  	_ =	sdelay $0x3  }
0x490: {  	v4 =	vand.u32 $0x7C, v4;
	[tilespmem:v3+s19+$0x0] =	vst.idx.msk $0xffff, v2;
	s1 =	sadd.s32 $0x80, s1  }
0x491: {  	v2 =	vld [tilespmem:s1+$0xFFFFFFC0];
	v3 =	vadd.s32 v0, v4;
	_ =	sdelay $0x4  }
0x492: {  	[tilespmem:v3+s19+$0x0] =	vst.idx.msk $0xffff, v2  }
0x493: {  	v3 =	vadd.s32 v1, v4;
	v2 =	vld [tilespmem:s1+$0xFFFFFFD0];
	_ =	sdelay $0x2  }
0x494: {  	s5 =	sadd.s32 $0x1, s15  }
0x495: {  	v61 =	vmov s5  }
0x496: {  	[tilespmem:v3+s19+$0x0] =	vst.idx.msk $0xffff, v2;
	v2 =	vand.u32 $0x7D, v61  }
0x497: {  	v3 =	vld [tilespmem:s1+$0xFFFFFFE0];
	v4 =	vadd.s32 v0, v2;
	_ =	sdelay $0x4  }
0x498: {  	[tilespmem:v4+s19+$0x0] =	vst.idx.msk $0xffff, v3  }
0x499: {  	v2 =	vadd.s32 v1, v2;
	v3 =	vld [tilespmem:s1+$0xFFFFFFF0];
	_ =	sdelay $0x2  }
0x49a: {  	s26 =	sadd.s32 $0x2, s15  }
0x49b: {  	v62 =	vmov s26  }
0x49c: {  	[tilespmem:v2+s19+$0x0] =	vst.idx.msk $0xffff, v3;
	v2 =	vand.u32 $0x7E, v62  }
0x49d: {  	v3 =	vld [tilespmem:s1+$0x0];
	v4 =	vadd.s32 v0, v2;
	_ =	sdelay $0x4  }
0x49e: {  	[tilespmem:v4+s19+$0x0] =	vst.idx.msk $0xffff, v3  }
0x49f: {  	v2 =	vadd.s32 v1, v2;
	v3 =	vld [tilespmem:s1+$0x10];
	_ =	sdelay $0x2  }
0x4a0: {  	s20 =	sadd.s32 $0x3, s15  }
0x4a1: {  	v63 =	vmov s20  }
0x4a2: {  	[tilespmem:v2+s19+$0x0] =	vst.idx.msk $0xffff, v3;
	v2 =	vand.u32 $0x7F, v63  }
0x4a3: {  	v3 =	vld [tilespmem:s1+$0x20];
	v4 =	vadd.s32 v0, v2;
	_ =	sdelay $0x4  }
0x4a4: {  	[tilespmem:v4+s19+$0x0] =	vst.idx.msk $0xffff, v3  }
0x4a5: {  	v2 =	vadd.s32 v1, v2;
	v3 =	vld [tilespmem:s1+$0x30];
	_ =	sdelay $0x2  }
0x4a6: {  	s0 =	sor.u32 s12, s0  }
0x4a7: {  	s0 =	sshrl.u32 s0, $0x3  }
0x4a8: {  	s1 =	sadd.s32 s2, s0;
	[tilespmem:v2+s19+$0x0] =	vst.idx.msk $0xffff, v3  }
0x4a9: {  	[hbm4b:s1+s3] =	stream.linear.scatter [tilespmem:s19], [sflag:$0x4], $0x80, $0x38;
	[tilespmem:$0x16C00] =	vst v63  }
0x4aa: {  	s26 =	simm.s32 $0x15B88;
	s21 =	sadd.s32 $0x10, s1  }
0x4ab: {  	[hbm4b:s21+s3] =	stream.linear.scatter [tilespmem:s26], [sflag:$0x4], $0x80, $0x38;
	[tilespmem:$0x16C00] =	vst v63  }
0x4ac: {  	s20 =	simm.s32 $0x15C10;
	s15 =	sadd.s32 $0x20, s1  }
0x4ad: {  	[hbm4b:s15+s3] =	stream.linear.scatter [tilespmem:s20], [sflag:$0x4], $0x80, $0x38;
	[tilespmem:$0x16C00] =	vst v63  }
0x4ae: {  	s21 =	sadd.s32 $0x30, s1;
	s26 =	simm.s32 $0x15C98  }
0x4af: {  	[hbm4b:s21+s3] =	stream.linear.scatter [tilespmem:s26], [sflag:$0x4], $0x80, $0x38;
	[tilespmem:$0x16C00] =	vst v63  }
0x4b0: {  	s15 =	sadd.s32 $0x40, s1;
	s20 =	simm.s32 $0x15D20  }
0x4b1: {  	[hbm4b:s15+s3] =	stream.linear.scatter [tilespmem:s20], [sflag:$0x4], $0x80, $0x38;
	[tilespmem:$0x16C00] =	vst v63  }
0x4b2: {  	s21 =	sadd.s32 $0x50, s1;
	s26 =	simm.s32 $0x15DA8  }
0x4b3: {  	[hbm4b:s21+s3] =	stream.linear.scatter [tilespmem:s26], [sflag:$0x4], $0x80, $0x38;
	[tilespmem:$0x16C00] =	vst v63  }
0x4b4: {  	s20 =	sadd.s32 $0x60, s1;
	s21 =	simm.s32 $0x15E30  }
0x4b5: {  	[hbm4b:s20+s3] =	stream.linear.scatter [tilespmem:s21], [sflag:$0x4], $0x80, $0x38;
	[tilespmem:$0x16C00] =	vst v63  }
0x4b6: {  	s1 =	sadd.s32 $0x70, s1;
	s15 =	sor.u32 $0x4000, s0;
	s26 =	simm.s32 $0x15EB8  }
0x4b7: {  	[hbm4b:s1+s3] =	stream.linear.scatter [tilespmem:s26], [sflag:$0x4], $0x80, $0x38;
	[tilespmem:$0x16C00] =	vst v63  }
0x4b8: {  	s20 =	simm.s32 $0x15F40;
	s1 =	sadd.s32 s2, s15  }
0x4b9: {  	[hbm4b:s1+s3] =	stream.linear.scatter [tilespmem:s20], [sflag:$0x4], $0x80, $0x38;
	[tilespmem:$0x16C00] =	vst v63  }
0x4ba: {  	s26 =	simm.s32 $0x15FC8;
	s21 =	sadd.s32 $0x10, s1  }
0x4bb: {  	[hbm4b:s21+s3] =	stream.linear.scatter [tilespmem:s26], [sflag:$0x4], $0x80, $0x38;
	[tilespmem:$0x16C00] =	vst v63  }
0x4bc: {  	s15 =	sadd.s32 $0x20, s1;
	s20 =	simm.s32 $0x16050  }
0x4bd: {  	[hbm4b:s15+s3] =	stream.linear.scatter [tilespmem:s20], [sflag:$0x4], $0x80, $0x38;
	[tilespmem:$0x16C00] =	vst v63  }
0x4be: {  	s21 =	sadd.s32 $0x30, s1;
	s26 =	simm.s32 $0x160D8  }
0x4bf: {  	[hbm4b:s21+s3] =	stream.linear.scatter [tilespmem:s26], [sflag:$0x4], $0x80, $0x38;
	[tilespmem:$0x16C00] =	vst v63  }
0x4c0: {  	s15 =	sadd.s32 $0x40, s1;
	s20 =	simm.s32 $0x16160  }
0x4c1: {  	[hbm4b:s15+s3] =	stream.linear.scatter [tilespmem:s20], [sflag:$0x4], $0x80, $0x38;
	[tilespmem:$0x16C00] =	vst v63  }
0x4c2: {  	s21 =	sadd.s32 $0x50, s1;
	s26 =	simm.s32 $0x161E8  }
0x4c3: {  	[hbm4b:s21+s3] =	stream.linear.scatter [tilespmem:s26], [sflag:$0x4], $0x80, $0x38;
	[tilespmem:$0x16C00] =	vst v63  }
0x4c4: {  	s20 =	sadd.s32 $0x60, s1;
	s21 =	simm.s32 $0x16270  }
0x4c5: {  	[hbm4b:s20+s3] =	stream.linear.scatter [tilespmem:s21], [sflag:$0x4], $0x80, $0x38;
	[tilespmem:$0x16C00] =	vst v63  }
0x4c6: {  	s1 =	sadd.s32 $0x70, s1;
	s15 =	sor.u32 $0x8000, s0;
	s26 =	simm.s32 $0x162F8  }
0x4c7: {  	[hbm4b:s1+s3] =	stream.linear.scatter [tilespmem:s26], [sflag:$0x4], $0x80, $0x38;
	[tilespmem:$0x16C00] =	vst v63  }
0x4c8: {  	s20 =	simm.s32 $0x16380;
	s1 =	sadd.s32 s2, s15  }
0x4c9: {  	[hbm4b:s1+s3] =	stream.linear.scatter [tilespmem:s20], [sflag:$0x4], $0x80, $0x38;
	[tilespmem:$0x16C00] =	vst v63  }
0x4ca: {  	s26 =	simm.s32 $0x16408;
	s21 =	sadd.s32 $0x10, s1  }
0x4cb: {  	[hbm4b:s21+s3] =	stream.linear.scatter [tilespmem:s26], [sflag:$0x4], $0x80, $0x38;
	[tilespmem:$0x16C00] =	vst v63  }
0x4cc: {  	s15 =	sadd.s32 $0x20, s1;
	s20 =	simm.s32 $0x16490  }
0x4cd: {  	[hbm4b:s15+s3] =	stream.linear.scatter [tilespmem:s20], [sflag:$0x4], $0x80, $0x38;
	[tilespmem:$0x16C00] =	vst v63  }
0x4ce: {  	s21 =	sadd.s32 $0x30, s1;
	s26 =	simm.s32 $0x16518  }
0x4cf: {  	[hbm4b:s21+s3] =	stream.linear.scatter [tilespmem:s26], [sflag:$0x4], $0x80, $0x38;
	[tilespmem:$0x16C00] =	vst v63  }
0x4d0: {  	s15 =	sadd.s32 $0x40, s1;
	s20 =	simm.s32 $0x165A0  }
0x4d1: {  	[hbm4b:s15+s3] =	stream.linear.scatter [tilespmem:s20], [sflag:$0x4], $0x80, $0x38;
	[tilespmem:$0x16C00] =	vst v63  }
0x4d2: {  	s21 =	sadd.s32 $0x50, s1;
	s26 =	simm.s32 $0x16628  }
0x4d3: {  	[hbm4b:s21+s3] =	stream.linear.scatter [tilespmem:s26], [sflag:$0x4], $0x80, $0x38;
	[tilespmem:$0x16C00] =	vst v63  }
0x4d4: {  	s20 =	sadd.s32 $0x60, s1;
	s21 =	simm.s32 $0x166B0  }
0x4d5: {  	[hbm4b:s20+s3] =	stream.linear.scatter [tilespmem:s21], [sflag:$0x4], $0x80, $0x38;
	[tilespmem:$0x16C00] =	vst v63  }
0x4d6: {  	s0 =	sor.u32 $0xC000, s0;
	s1 =	sadd.s32 $0x70, s1;
	s26 =	simm.s32 $0x16738  }
0x4d7: {  	[hbm4b:s1+s3] =	stream.linear.scatter [tilespmem:s26], [sflag:$0x4], $0x80, $0x38;
	[tilespmem:$0x16C00] =	vst v63  }
0x4d8: {  	s5 =	simm.s32 $0x167C0;
	s0 =	sadd.s32 s2, s0  }
0x4d9: {  	[hbm4b:s0+s3] =	stream.linear.scatter [tilespmem:s5], [sflag:$0x4], $0x80, $0x38;
	[tilespmem:$0x16C00] =	vst v63  }
0x4da: {  	s15 =	sadd.s32 $0x10, s0;
	s20 =	simm.s32 $0x16848  }
0x4db: {  	[hbm4b:s15+s3] =	stream.linear.scatter [tilespmem:s20], [sflag:$0x4], $0x80, $0x38;
	[tilespmem:$0x16C00] =	vst v63  }
0x4dc: {  	s21 =	sadd.s32 $0x20, s0;
	s26 =	simm.s32 $0x168D0  }
0x4dd: {  	[hbm4b:s21+s3] =	stream.linear.scatter [tilespmem:s26], [sflag:$0x4], $0x80, $0x38;
	[tilespmem:$0x16C00] =	vst v63  }
0x4de: {  	s15 =	sadd.s32 $0x30, s0;
	s20 =	simm.s32 $0x16958  }
0x4df: {  	[hbm4b:s15+s3] =	stream.linear.scatter [tilespmem:s20], [sflag:$0x4], $0x80, $0x38;
	[tilespmem:$0x16C00] =	vst v63  }
0x4e0: {  	s31 =	sadd.s32 $0x1, s31;
	s21 =	sadd.s32 $0x40, s0;
	s26 =	simm.s32 $0x169E0  }
0x4e1: {  	[hbm4b:s21+s3] =	stream.linear.scatter [tilespmem:s26], [sflag:$0x4], $0x80, $0x38;
	[tilespmem:$0x16C00] =	vst v63  }
0x4e2: {  	p0 =	sne.s32 s31, $0x19;
	s5 =	sadd.s32 $0x50, s0;
	s15 =	simm.s32 $0x16A68  }
0x4e3: {  	[hbm4b:s5+s3] =	stream.linear.scatter [tilespmem:s15], [sflag:$0x4], $0x80, $0x38;
	[tilespmem:$0x16C00] =	vst v63  }
.Ltmp8:
0x4e4: {  	_ = 	snop;
	(pc) =	sbr.rel @p0 .LBB2_2-.Ltmp8, $4  }
0x4e5: {  	s20 =	sadd.s32 $0x60, s0;
	s21 =	simm.s32 $0x16AF0  }
0x4e6: {  	[hbm4b:s20+s3] =	stream.linear.scatter [tilespmem:s21], [sflag:$0x4], $0x80, $0x38;
	[tilespmem:$0x16C00] =	vst v63  }
0x4e7: {  	s0 =	sadd.s32 $0x70, s0;
	s26 =	simm.s32 $0x16B78  }
0x4e8: {  	[hbm4b:s0+s3] =	stream.linear.scatter [tilespmem:s26], [sflag:$0x4], $0x80, $0x38;
	[tilespmem:$0x16C00] =	vst v63  }
0x4e9: {  	_ =	swait.ge [sflag:s28], $0x400  }
0x4ea: {  	[sflag:s28] =	ssyncset.done $0x0  }
0x4eb: {  	[sflag:s28] =	ssyncadd.s32 $0xFFFFFC00  }
0x4ec: {  	_ =	swait.ge [sflag:s28], $0x400  }
0x4ed: {  	[sflag:s28] =	ssyncset.done $0x0  }
0x4ee: {  	[sflag:s28] =	ssyncadd.s32 $0xFFFFFC00  }
0x4ef: {  	_ =	swait.ge [sflag:s28], $0x400  }
0x4f0: {  	[sflag:s28] =	ssyncset.done $0x0  }
0x4f1: {  	[sflag:s28] =	ssyncadd.s32 $0xFFFFFC00  }
0x4f2: {  	_ =	swait.ge [sflag:s28], $0x400  }
0x4f3: {  	[sflag:s28] =	ssyncset.done $0x0  }
0x4f4: {  	[sflag:s28] =	ssyncadd.s32 $0xFFFFFC00  }
0x4f5: {  	_ =	swait.ge [sflag:s28], $0x400  }
0x4f6: {  	[sflag:s28] =	ssyncset.done $0x0  }
0x4f7: {  	[sflag:s28] =	ssyncadd.s32 $0xFFFFFC00  }
0x4f8: {  	_ =	swait.ge [sflag:s28], $0x400  }
0x4f9: {  	[sflag:s28] =	ssyncset.done $0x0  }
0x4fa: {  	[sflag:s28] =	ssyncadd.s32 $0xFFFFFC00  }
0x4fb: {  	_ =	swait.ge [sflag:s28], $0x400  }
0x4fc: {  	[sflag:s28] =	ssyncset.done $0x0  }
0x4fd: {  	[sflag:s28] =	ssyncadd.s32 $0xFFFFFC00  }
0x4fe: {  	_ =	swait.ge [sflag:s28], $0x400  }
0x4ff: {  	[sflag:s28] =	ssyncset.done $0x0  }
0x500: {  	[sflag:s28] =	ssyncadd.s32 $0xFFFFFC00  }
0x501: {  	_ =	swait.ge [sflag:s28], $0x400  }
0x502: {  	[sflag:s28] =	ssyncset.done $0x0  }
0x503: {  	[sflag:s28] =	ssyncadd.s32 $0xFFFFFC00  }
0x504: {  	_ =	swait.ge [sflag:s28], $0x400  }
0x505: {  	[sflag:s28] =	ssyncset.done $0x0  }
0x506: {  	[sflag:s28] =	ssyncadd.s32 $0xFFFFFC00  }
0x507: {  	_ =	swait.ge [sflag:s28], $0x400  }
0x508: {  	[sflag:s28] =	ssyncset.done $0x0  }
0x509: {  	[sflag:s28] =	ssyncadd.s32 $0xFFFFFC00  }
0x50a: {  	_ =	swait.ge [sflag:s28], $0x400  }
0x50b: {  	[sflag:s28] =	ssyncset.done $0x0  }
0x50c: {  	[sflag:s28] =	ssyncadd.s32 $0xFFFFFC00  }
0x50d: {  	_ =	swait.ge [sflag:s28], $0x400  }
0x50e: {  	[sflag:s28] =	ssyncset.done $0x0  }
0x50f: {  	[sflag:s28] =	ssyncadd.s32 $0xFFFFFC00  }
0x510: {  	_ =	swait.ge [sflag:s28], $0x400  }
0x511: {  	[sflag:s28] =	ssyncset.done $0x0  }
0x512: {  	[sflag:s28] =	ssyncadd.s32 $0xFFFFFC00  }
0x513: {  	_ =	swait.ge [sflag:s28], $0x400  }
0x514: {  	[sflag:s28] =	ssyncset.done $0x0  }
0x515: {  	[sflag:s28] =	ssyncadd.s32 $0xFFFFFC00  }
0x516: {  	_ =	swait.ge [sflag:s28], $0x400  }
0x517: {  	s1 =	rddreg [dreg:$0x5]  }
0x518: {  	s0 =	rddreg [dreg:$0x4];
	s1 =	sadd.s32 $0x1, s1  }
0x519: {  	p0 =	sne.s32 s1, s0  }
.Ltmp9:
0x51a: {  	_ = 	snop;
	(pc) =	sbr.rel @p0 .LBB2_1-.Ltmp9, $3  }
0x51b: {  	_ =	sdelay $0x1  }
0x51c: {  	[sflag:s28] =	ssyncset.done $0x0  }
0x51d: {  	[sflag:s28] =	ssyncadd.s32 $0xFFFFFC00  }
0x51e: {  	_ =	sfence.sel $0x180000  }
0x51f: {  	[bflag:$0x0] =	sbarrier.arrive $0xFFFF  }
0x520: {  	_ =	strace $0x90000047  }
0x521: {  	s0 =	stileid.u32;
	[bflag:$0x2] =	sbarrier.arrive $0xFFFF  }
0x522: {  	p0 =	sne.s32 s0, $0x0;
	s0 =	rddreg [dreg:$0x2]  }
0x523: {  	s0 =	sadd.s32 @!p0 $0x100000, s0  }
0x524: {  	[sflag:s0] =	ssyncadd.tile.s32 @!p0 $0x1;
	_ =	shalt  }
.Lfunc_end2:
_tile_overlayer_lowered:
.L_overlay_start_2:
0x525: {  	(tag) =	ssettag $0x2  }
0x526: {  	s0 =	rddreg [dreg:$0x0];
	s2 =	stileid.u32  }
0x527: {  	s1 =	rddreg [dreg:$0x1];
	p0 =	sne.s32 s2, $0x0  }
0x528: {  	s3 =	rddreg [dreg:$0x2];
	[bflag:$0x3] =	sbarrier.arrive $0xFFFF;
	s2 =	simm.s32 @!p0 $0x1C05  }
0x529: {  	[timem:s3], [sflag:s2] =	dma.local @!p0 [hbm:s0], s1  }
0x52a: {  	s0 =	simm.s32 @!p0 $0x5  }
0x52b: {  	_ =	swait.ge @!p0 [sflag:s0], s1  }
0x52c: {  	s1 =	ssub.s32 @!p0 $0x0, s1;
	[sflag:s0] =	ssyncset.done @!p0 $0x0  }
0x52d: {  	[sflag:s0] =	ssyncadd.s32 @!p0 s1  }
0x52e: {  	[bflag:$0x3] =	sbarrier.arrive $0xFFFF  }
0x52f: {  	_ =	shalt  }

</sc_bundles>
